<compile_context>
chip_gen: v7x
topology: tpu7x:2x2x1
jax: 0.10.2.dev20260603
libtpu: 0.0.44.dev20260713+nightly
codegen_flags: <defaults>
</compile_context>

<pallas_src>
import functools

import jax
import jax.numpy as jnp
from jax import lax
from jax.experimental import pallas as pl
from jax.experimental.pallas import tpu as pltpu
from jax.experimental.pallas import tpu_sc as plsc

N = 10000
E = 320000
H = 128
U = 512

NC = 2
NS = 16
NW = NC * NS

N_PAD = 10240
RPT = N_PAD // NS

CHUNK = 128
E_PAD = 327680
EROWS = E_PAD // CHUNK
CPT = EROWS // NW
DROWS = EROWS // NS

_f32 = jnp.float32
_i32 = jnp.int32


def _full16(v, dtype=_i32):
    return jnp.full((16,), v, dtype=dtype)


def _rsqrt16(x):
    xb = plsc.bitcast(x, _i32)
    y = plsc.bitcast(jnp.int32(0x5F3759DF) - (xb >> 1), _f32)
    for _ in range(3):
        y = y * (1.5 - 0.5 * x * y * y)
    return jnp.where(x > 0.0, y, 0.0)


def _norm_body(col2d, w2d, row2d, norm_out,
               colb, wb, deg_local, sumbuf, tbuf, dinv_local,
               rowb, colb2, wb2, normb, spmem_all, spmem_dinv):
    c = lax.axis_index("c")
    s = lax.axis_index("s")
    wid = c * NS + s
    seg = N_PAD // NS

    def zero_body(i, _):
        deg_local[pl.ds(i * 16, 16)] = jnp.zeros((16,), _f32)
        return 0
    lax.fori_loop(0, N_PAD // 16, zero_body, 0)

    pltpu.sync_copy(col2d.at[pl.ds(s * DROWS, DROWS)], colb)
    pltpu.sync_copy(w2d.at[pl.ds(s * DROWS, DROWS)], wb)

    def deg_body(g, _):
        for j in range(8):
            c16 = colb[g, pl.ds(j * 16, 16)]
            w16 = wb[g, pl.ds(j * 16, 16)]
            plsc.addupdate_scatter(deg_local, [c16], w16)
        return 0
    lax.fori_loop(0, DROWS, deg_body, 0)

    pltpu.sync_copy(deg_local, spmem_all.at[pl.ds(s * N_PAD, N_PAD)])
    plsc.subcore_barrier()

    pltpu.sync_copy(spmem_all.at[pl.ds(s * seg, seg)], sumbuf)
    for t in range(1, NS):
        pltpu.sync_copy(spmem_all.at[pl.ds(t * N_PAD + s * seg, seg)], tbuf)

        def add_body(i, _):
            sumbuf[pl.ds(i * 16, 16)] = (sumbuf[pl.ds(i * 16, 16)]
                                         + tbuf[pl.ds(i * 16, 16)])
            return 0
        lax.fori_loop(0, seg // 16, add_body, 0)

    def dinv_body(i, _):
        x = sumbuf[pl.ds(i * 16, 16)]
        sumbuf[pl.ds(i * 16, 16)] = _rsqrt16(x)
        return 0
    lax.fori_loop(0, seg // 16, dinv_body, 0)

    pltpu.sync_copy(sumbuf, spmem_dinv.at[pl.ds(s * seg, seg)])
    plsc.subcore_barrier()
    pltpu.sync_copy(spmem_dinv, dinv_local)

    base = wid * CPT
    pltpu.sync_copy(row2d.at[pl.ds(base, CPT)], rowb)
    pltpu.sync_copy(col2d.at[pl.ds(base, CPT)], colb2)
    pltpu.sync_copy(w2d.at[pl.ds(base, CPT)], wb2)

    def norm_body(g, _):
        for j in range(8):
            r16 = rowb[g, pl.ds(j * 16, 16)]
            c16 = colb2[g, pl.ds(j * 16, 16)]
            w16 = wb2[g, pl.ds(j * 16, 16)]
            dr = plsc.load_gather(dinv_local, [r16])
            dc = plsc.load_gather(dinv_local, [c16])
            normb[g, pl.ds(j * 16, 16)] = dr * w16 * dc
        return 0
    lax.fori_loop(0, CPT, norm_body, 0)

    pltpu.sync_copy(normb, norm_out.at[pl.ds(base, CPT)])


def _make_norm_kernel():
    mesh = plsc.VectorSubcoreMesh(core_axis_name="c", subcore_axis_name="s")
    return pl.kernel(
        _norm_body,
        out_type=jax.ShapeDtypeStruct((EROWS, CHUNK), _f32),
        mesh=mesh,
        scratch_types=[
            pltpu.VMEM((DROWS, CHUNK), _i32),
            pltpu.VMEM((DROWS, CHUNK), _f32),
            pltpu.VMEM((N_PAD,), _f32),
            pltpu.VMEM((N_PAD // NS,), _f32),
            pltpu.VMEM((N_PAD // NS,), _f32),
            pltpu.VMEM((N_PAD,), _f32),
            pltpu.VMEM((CPT, CHUNK), _i32),
            pltpu.VMEM((CPT, CHUNK), _i32),
            pltpu.VMEM((CPT, CHUNK), _f32),
            pltpu.VMEM((CPT, CHUNK), _f32),
            pltpu.VMEM_SHARED((NS * N_PAD,), _f32),
            pltpu.VMEM_SHARED((N_PAD,), _f32),
        ],
        compiler_params=pltpu.CompilerParams(needs_layout_passes=False),
    )


def _msg_body(h_hbm, row2d, col2d, norm2d, out_hbm,
              idxrow, idxcol, normb, rowbuf, acc, sem):
    c = lax.axis_index("c")
    s = lax.axis_index("s")
    wid = c * NS + s

    def zrow(i, _):
        for j in range(8):
            rowbuf[i, pl.ds(j * 16, 16)] = jnp.zeros((16,), _f32)
        return 0
    lax.fori_loop(0, CHUNK, zrow, 0)
    for k in range(RPT // CHUNK):
        pltpu.sync_copy(rowbuf, acc.at[pl.ds(s * RPT + k * CHUNK, CHUNK)])

    base = wid * CPT
    pltpu.sync_copy(row2d.at[pl.ds(base, CPT)], idxrow)
    pltpu.sync_copy(col2d.at[pl.ds(base, CPT)], idxcol)
    pltpu.sync_copy(norm2d.at[pl.ds(base, CPT)], normb)

    plsc.subcore_barrier()

    def chunk_body(g, _):
        pltpu.async_copy(h_hbm.at[idxrow.at[g]], rowbuf, sem).wait()

        def scale_body(j, _):
            for l in range(16):
                e = j * 16 + l
                splat = plsc.load_gather(normb, [_full16(g), _full16(e)])
                for k in range(8):
                    rowbuf[e, pl.ds(k * 16, 16)] = (
                        rowbuf[e, pl.ds(k * 16, 16)] * splat)
            return 0
        lax.fori_loop(0, 8, scale_body, 0)

        pltpu.sync_copy(rowbuf, acc.at[idxcol.at[g]], add=True)
        return 0
    lax.fori_loop(0, CPT, chunk_body, 0)

    plsc.subcore_barrier()
    pltpu.sync_copy(acc.at[pl.ds(s * RPT, RPT)],
                    out_hbm.at[c].at[pl.ds(s * RPT, RPT)])


def _make_msg_kernel():
    mesh = plsc.VectorSubcoreMesh(core_axis_name="c", subcore_axis_name="s")
    return pl.kernel(
        _msg_body,
        out_type=jax.ShapeDtypeStruct((NC, N_PAD, H), _f32),
        mesh=mesh,
        scratch_types=[
            pltpu.VMEM((CPT, CHUNK), _i32),
            pltpu.VMEM((CPT, CHUNK), _i32),
            pltpu.VMEM((CPT, CHUNK), _f32),
            pltpu.VMEM((CHUNK, H), _f32),
            pltpu.VMEM_SHARED((N_PAD, H), _f32),
            pltpu.SemaphoreType.DMA,
        ],
        compiler_params=pltpu.CompilerParams(needs_layout_passes=False),
    )


def _mm_kernel(x_ref, w_ref, o_ref):
    o_ref[...] = jnp.dot(x_ref[...], w_ref[...],
                         preferred_element_type=_f32)


def _mm(x, w):
    m, k = x.shape
    n = w.shape[1]
    return pl.pallas_call(
        _mm_kernel,
        grid=(m // 128,),
        in_specs=[
            pl.BlockSpec((128, k), lambda i: (i, 0)),
            pl.BlockSpec((k, n), lambda i: (0, 0)),
        ],
        out_specs=pl.BlockSpec((128, n), lambda i: (i, 0)),
        out_shape=jax.ShapeDtypeStruct((m, n), _f32),
    )(x, w)


def _mm2_kernel(p0_ref, p1_ref, b_ref, w_ref, o_ref):
    x = p0_ref[...] + p1_ref[...] + b_ref[...]
    o_ref[...] = jnp.dot(x, w_ref[...], preferred_element_type=_f32)


def _mm2(p0, p1, b, w):
    m, k = p0.shape
    n = w.shape[1]
    return pl.pallas_call(
        _mm2_kernel,
        grid=(m // 128,),
        in_specs=[
            pl.BlockSpec((128, k), lambda i: (i, 0)),
            pl.BlockSpec((128, k), lambda i: (i, 0)),
            pl.BlockSpec((1, k), lambda i: (0, 0)),
            pl.BlockSpec((k, n), lambda i: (0, 0)),
        ],
        out_specs=pl.BlockSpec((128, n), lambda i: (i, 0)),
        out_shape=jax.ShapeDtypeStruct((m, n), _f32),
    )(p0, p1, b.reshape(1, k), w)


def _mm3_kernel(p0_ref, p1_ref, b_ref, w_ref, bp_ref, o_ref):
    x = p0_ref[...] + p1_ref[...] + b_ref[...]
    o_ref[...] = jnp.dot(x, w_ref[...],
                         preferred_element_type=_f32) + bp_ref[...]


def _mm3(p0, p1, b, w, bp):
    m, k = p0.shape
    n = w.shape[1]
    return pl.pallas_call(
        _mm3_kernel,
        grid=(m // 128,),
        in_specs=[
            pl.BlockSpec((128, k), lambda i: (i, 0)),
            pl.BlockSpec((128, k), lambda i: (i, 0)),
            pl.BlockSpec((1, k), lambda i: (0, 0)),
            pl.BlockSpec((k, n), lambda i: (0, 0)),
            pl.BlockSpec((1, n), lambda i: (0, 0)),
        ],
        out_specs=pl.BlockSpec((128, n), lambda i: (i, 0)),
        out_shape=jax.ShapeDtypeStruct((m, n), _f32),
    )(p0, p1, b.reshape(1, k), w, bp.reshape(1, n))


@jax.jit
def kernel(edge_index, edge_weight, emb, W1, b1, W2, b2, Wp, bp):
    pad = E_PAD - E
    row = jnp.concatenate([edge_index[0], jnp.zeros((pad,), _i32)])
    col = jnp.concatenate([edge_index[1], jnp.zeros((pad,), _i32)])
    w = jnp.concatenate([edge_weight, jnp.zeros((pad,), _f32)])
    row2d = row.reshape(EROWS, CHUNK)
    col2d = col.reshape(EROWS, CHUNK)
    w2d = w.reshape(EROWS, CHUNK)

    emb_pad = jnp.concatenate(
        [emb, jnp.zeros((N_PAD - N, H), _f32)], axis=0)

    norm2d = _make_norm_kernel()(col2d, w2d, row2d)

    h1 = _mm(emb_pad, W1)
    s1 = _make_msg_kernel()(h1, row2d, col2d, norm2d)
    h2 = _mm2(s1[0], s1[1], b1, W2)
    s2 = _make_msg_kernel()(h2, row2d, col2d, norm2d)
    preds = _mm3(s2[0], s2[1], b2, Wp, bp)
    return preds[:N]

# --- scband reference (transcript-rebuilt; emitter-appended) ---
"""Pipeline reference for scband-global-tul-46986942218300 (READ-ONLY COPY).

The authoritative reference and input builder live on the scoring server;
editing this copy changes nothing except your own understanding.
"""

import jax, jax.numpy as jnp
import numpy as np

N = 10000   # n_all_trajs (nodes)
E = 320000  # edges
H = 128     # hidden_size
U = 512     # n_users


def setup_inputs(seed: int = 0) -> dict:
    key = jax.random.key(seed)
    ks = jax.random.split(key, 10)
    edge_index = jax.random.randint(ks[0], (2, E), 0, N, dtype=jnp.int32)
    edge_weight = jax.random.uniform(ks[1], (E,), dtype=jnp.float32)
    emb = jax.random.normal(ks[2], (N, H), dtype=jnp.float32) * 0.05
    W1 = jax.random.normal(ks[3], (H, H), dtype=jnp.float32) * (1.0 / np.sqrt(H))
    b1 = jnp.zeros((H,), dtype=jnp.float32)
    W2 = jax.random.normal(ks[4], (H, H), dtype=jnp.float32) * (1.0 / np.sqrt(H))
    b2 = jnp.zeros((H,), dtype=jnp.float32)
    Wp = jax.random.normal(ks[5], (H, U), dtype=jnp.float32) * (1.0 / np.sqrt(H))
    bp = jnp.zeros((U,), dtype=jnp.float32)
    return {"edge_index": edge_index, "edge_weight": edge_weight, "emb": emb,
            "W1": W1, "b1": b1, "W2": W2, "b2": b2, "Wp": Wp, "bp": bp}


def _gcn_conv(x, W, b, edge_index, edge_weight):
    # PyG GCNConv with add_self_loops=False, normalize=True, bias after aggregation.
    row = edge_index[0]
    col = edge_index[1]
    deg = jnp.zeros((N,), dtype=x.dtype).at[col].add(edge_weight)
    deg_safe = jnp.where(deg > 0, deg, 1.0)
    deg_inv_sqrt = jnp.where(deg > 0, 1.0 / jnp.sqrt(deg_safe), 0.0)
    norm = deg_inv_sqrt[row] * edge_weight * deg_inv_sqrt[col]
    h = x @ W                          # linear transform (no bias in lin)
    msgs = norm[:, None] * h[row]      # gather source features, scale
    out = jnp.zeros((N, W.shape[1]), dtype=h.dtype).at[col].add(msgs)  # scatter-add to dst
    return out + b


def reference(edge_index, edge_weight, emb, W1, b1, W2, b2, Wp, bp):
    # Traj_emb_zero = embedding_layer.weight (full table)
    h1 = _gcn_conv(emb, W1, b1, edge_index, edge_weight)
    # dropout is identity in eval mode
    h2 = _gcn_conv(h1, W2, b2, edge_index, edge_weight)
    predictions = h2 @ Wp + bp
    return predictions

if __name__ == "__main__":
    import jax
    _d = setup_inputs()
    print(jax.jit(kernel)(*tuple(_d.values())))

</pallas_src>

<mosaic_0001>
#map = affine_map<(d0, d1) -> (0, 0)>
module attributes {stable_mosaic.version = 14 : i64} {
  func.func @_norm_body(%arg0: i32, %arg1: i32, %arg2: memref<2560x128xi32, #tpu.memory_space<hbm>>, %arg3: memref<2560x128xf32, #tpu.memory_space<hbm>>, %arg4: memref<2560x128xi32, #tpu.memory_space<hbm>>, %arg5: memref<2560x128xf32, #tpu.memory_space<hbm>>, %arg6: memref<160x128xi32, #tpu.memory_space<vmem>>, %arg7: memref<160x128xf32, #tpu.memory_space<vmem>>, %arg8: memref<10240xf32, #tpu.memory_space<vmem>>, %arg9: memref<640xf32, #tpu.memory_space<vmem>>, %arg10: memref<640xf32, #tpu.memory_space<vmem>>, %arg11: memref<10240xf32, #tpu.memory_space<vmem>>, %arg12: memref<80x128xi32, #tpu.memory_space<vmem>>, %arg13: memref<80x128xi32, #tpu.memory_space<vmem>>, %arg14: memref<80x128xf32, #tpu.memory_space<vmem>>, %arg15: memref<80x128xf32, #tpu.memory_space<vmem>>, %arg16: memref<163840xf32, #tpu.memory_space<vmem_shared>>, %arg17: memref<10240xf32, #tpu.memory_space<vmem_shared>>) attributes {dimension_semantics = [#tpu.dimension_semantics<core_parallel>, #tpu.dimension_semantics<subcore_parallel>], iteration_bounds = array<i64: 2, 16>, scalar_prefetch = 0 : i64, scratch_operands = 12 : i64, tpu.core_type = #tpu.core_type<sc_vector_subcore>, window_params = [{transform_indices = #map}, {transform_indices = #map}, {transform_indices = #map}, {transform_indices = #map}]} {
    %mul3A = arith.constant 16 : i32
    %mul3A_0 = arith.muli %arg0, %mul3A : i32
    %add3A = arith.addi %mul3A_0, %arg1 : i32
    %scan3A = arith.constant 0 : i32
    %scan3A_1 = arith.constant 0 : i32
    %scan3A_2 = arith.constant 640 : i32
    %scan3A_3 = arith.addi %scan3A_1, %scan3A_2 : i32
    %scan3A_4 = arith.constant 1 : i32
    %scan3A_5 = scf.for %scan3A_206 = %scan3A_1 to %scan3A_3 step %scan3A_4 iter_args(%scan3A_207 = %scan3A) -> (i32)  : i32 {
      %broadcast_in_dim3A = arith.constant 0.000000e+00 : f32
      %broadcast_in_dim3A_208 = vector.broadcast %broadcast_in_dim3A : f32 to vector<16xf32>
      %mul3A_209 = arith.constant 16 : i32
      %mul3A_210 = arith.muli %scan3A_206, %mul3A_209 : i32
      %swap3A = arith.index_cast %mul3A_210 : i32 to index
      %swap3A_211 = tpu.vector_load %arg8[%swap3A] {strides = array<i32>} : memref<10240xf32, #tpu.memory_space<vmem>>, vector<16xf32>,
      tpu.vector_store %arg8[%swap3A], %broadcast_in_dim3A_208 {strides = array<i32>} : memref<10240xf32, #tpu.memory_space<vmem>>, vector<16xf32>,
      %scan3A_212 = arith.constant 0 : i32
      scf.yield %scan3A_212 : i32
    }
    %scan3A_6 = arith.constant 640 : i32
    %mul3A_7 = arith.constant 160 : i32
    %mul3A_8 = arith.muli %arg1, %mul3A_7 : i32
    "tpu.region"() ({
      %run_scoped3A = tpu.sem_alloc : memref<!tpu.dma_semaphore, #tpu.memory_space<semaphore_mem>>
      %dma_start3A = arith.constant 0 : i32
      %dma_start3A_206 = tpu.memref_slice %arg2[%mul3A_8, %dma_start3A] : memref<2560x128xi32, #tpu.memory_space<hbm>> -> memref<160x128xi32, #tpu.memory_space<hbm>>
      %dma_start3A_207 = arith.constant 0 : i32
      %dma_start3A_208 = tpu.memref_slice %arg2[%mul3A_8, %dma_start3A_207] : memref<2560x128xi32, #tpu.memory_space<hbm>> -> memref<160x128xi32, #tpu.memory_space<hbm>>
      tpu.enqueue_dma source(%dma_start3A_208 : memref<160x128xi32, #tpu.memory_space<hbm>>) target(%arg6 : memref<160x128xi32, #tpu.memory_space<vmem>>) target_semaphore(%run_scoped3A : memref<!tpu.dma_semaphore, #tpu.memory_space<semaphore_mem>>)
      %dma_wait3A = arith.constant 0 : i32
      %dma_wait3A_209 = tpu.memref_slice %arg2[%mul3A_8, %dma_wait3A] : memref<2560x128xi32, #tpu.memory_space<hbm>> -> memref<160x128xi32, #tpu.memory_space<hbm>>
      %dma_wait3A_210 = arith.constant 0 : i32
      %dma_wait3A_211 = tpu.memref_slice %arg2[%mul3A_8, %dma_wait3A_210] : memref<2560x128xi32, #tpu.memory_space<hbm>> -> memref<160x128xi32, #tpu.memory_space<hbm>>
      tpu.wait_dma2 semaphore(%run_scoped3A : memref<!tpu.dma_semaphore, #tpu.memory_space<semaphore_mem>>) src(%dma_wait3A_211 : memref<160x128xi32, #tpu.memory_space<hbm>>) dst(%arg6 : memref<160x128xi32, #tpu.memory_space<vmem>>)
      tpu.yield
    }) : () -> ()
    %mul3A_9 = arith.constant 160 : i32
    %mul3A_10 = arith.muli %arg1, %mul3A_9 : i32
    "tpu.region"() ({
      %run_scoped3A = tpu.sem_alloc : memref<!tpu.dma_semaphore, #tpu.memory_space<semaphore_mem>>
      %dma_start3A = arith.constant 0 : i32
      %dma_start3A_206 = tpu.memref_slice %arg3[%mul3A_10, %dma_start3A] : memref<2560x128xf32, #tpu.memory_space<hbm>> -> memref<160x128xf32, #tpu.memory_space<hbm>>
      %dma_start3A_207 = arith.constant 0 : i32
      %dma_start3A_208 = tpu.memref_slice %arg3[%mul3A_10, %dma_start3A_207] : memref<2560x128xf32, #tpu.memory_space<hbm>> -> memref<160x128xf32, #tpu.memory_space<hbm>>
      tpu.enqueue_dma source(%dma_start3A_208 : memref<160x128xf32, #tpu.memory_space<hbm>>) target(%arg7 : memref<160x128xf32, #tpu.memory_space<vmem>>) target_semaphore(%run_scoped3A : memref<!tpu.dma_semaphore, #tpu.memory_space<semaphore_mem>>)
      %dma_wait3A = arith.constant 0 : i32
      %dma_wait3A_209 = tpu.memref_slice %arg3[%mul3A_10, %dma_wait3A] : memref<2560x128xf32, #tpu.memory_space<hbm>> -> memref<160x128xf32, #tpu.memory_space<hbm>>
      %dma_wait3A_210 = arith.constant 0 : i32
      %dma_wait3A_211 = tpu.memref_slice %arg3[%mul3A_10, %dma_wait3A_210] : memref<2560x128xf32, #tpu.memory_space<hbm>> -> memref<160x128xf32, #tpu.memory_space<hbm>>
      tpu.wait_dma2 semaphore(%run_scoped3A : memref<!tpu.dma_semaphore, #tpu.memory_space<semaphore_mem>>) src(%dma_wait3A_211 : memref<160x128xf32, #tpu.memory_space<hbm>>) dst(%arg7 : memref<160x128xf32, #tpu.memory_space<vmem>>)
      tpu.yield
    }) : () -> ()
    %scan3A_11 = arith.constant 0 : i32
    %scan3A_12 = arith.constant 0 : i32
    %scan3A_13 = arith.constant 160 : i32
    %scan3A_14 = arith.addi %scan3A_12, %scan3A_13 : i32
    %scan3A_15 = arith.constant 1 : i32
    %scan3A_16 = scf.for %scan3A_206 = %scan3A_12 to %scan3A_14 step %scan3A_15 iter_args(%scan3A_207 = %scan3A_11) -> (i32)  : i32 {
      %get3A = arith.index_cast %scan3A_206 : i32 to index
      %get3A_208 = arith.constant 0 : index
      %get3A_209 = tpu.vector_load %arg6[%get3A, %get3A_208] {strides = array<i32>} : memref<160x128xi32, #tpu.memory_space<vmem>>, vector<16xi32>,
      %get3A_210 = arith.index_cast %scan3A_206 : i32 to index
      %get3A_211 = arith.constant 0 : index
      %get3A_212 = tpu.vector_load %arg7[%get3A_210, %get3A_211] {strides = array<i32>} : memref<160x128xf32, #tpu.memory_space<vmem>>, vector<16xf32>,
      tpu.vector_store_idx %arg8[%get3A_209], %get3A_212 {add = true} : memref<10240xf32, #tpu.memory_space<vmem>>[vector<16xi32>], vector<16xf32>,
      %get3A_213 = arith.index_cast %scan3A_206 : i32 to index
      %get3A_214 = arith.constant 16 : index
      %get3A_215 = tpu.vector_load %arg6[%get3A_213, %get3A_214] {strides = array<i32>} : memref<160x128xi32, #tpu.memory_space<vmem>>, vector<16xi32>,
      %get3A_216 = arith.index_cast %scan3A_206 : i32 to index
      %get3A_217 = arith.constant 16 : index
      %get3A_218 = tpu.vector_load %arg7[%get3A_216, %get3A_217] {strides = array<i32>} : memref<160x128xf32, #tpu.memory_space<vmem>>, vector<16xf32>,
      tpu.vector_store_idx %arg8[%get3A_215], %get3A_218 {add = true} : memref<10240xf32, #tpu.memory_space<vmem>>[vector<16xi32>], vector<16xf32>,
      %get3A_219 = arith.index_cast %scan3A_206 : i32 to index
      %get3A_220 = arith.constant 32 : index
      %get3A_221 = tpu.vector_load %arg6[%get3A_219, %get3A_220] {strides = array<i32>} : memref<160x128xi32, #tpu.memory_space<vmem>>, vector<16xi32>,
      %get3A_222 = arith.index_cast %scan3A_206 : i32 to index
      %get3A_223 = arith.constant 32 : index
      %get3A_224 = tpu.vector_load %arg7[%get3A_222, %get3A_223] {strides = array<i32>} : memref<160x128xf32, #tpu.memory_space<vmem>>, vector<16xf32>,
      tpu.vector_store_idx %arg8[%get3A_221], %get3A_224 {add = true} : memref<10240xf32, #tpu.memory_space<vmem>>[vector<16xi32>], vector<16xf32>,
      %get3A_225 = arith.index_cast %scan3A_206 : i32 to index
      %get3A_226 = arith.constant 48 : index
      %get3A_227 = tpu.vector_load %arg6[%get3A_225, %get3A_226] {strides = array<i32>} : memref<160x128xi32, #tpu.memory_space<vmem>>, vector<16xi32>,
      %get3A_228 = arith.index_cast %scan3A_206 : i32 to index
      %get3A_229 = arith.constant 48 : index
      %get3A_230 = tpu.vector_load %arg7[%get3A_228, %get3A_229] {strides = array<i32>} : memref<160x128xf32, #tpu.memory_space<vmem>>, vector<16xf32>,
      tpu.vector_store_idx %arg8[%get3A_227], %get3A_230 {add = true} : memref<10240xf32, #tpu.memory_space<vmem>>[vector<16xi32>], vector<16xf32>,
      %get3A_231 = arith.index_cast %scan3A_206 : i32 to index
      %get3A_232 = arith.constant 64 : index
      %get3A_233 = tpu.vector_load %arg6[%get3A_231, %get3A_232] {strides = array<i32>} : memref<160x128xi32, #tpu.memory_space<vmem>>, vector<16xi32>,
      %get3A_234 = arith.index_cast %scan3A_206 : i32 to index
      %get3A_235 = arith.constant 64 : index
      %get3A_236 = tpu.vector_load %arg7[%get3A_234, %get3A_235] {strides = array<i32>} : memref<160x128xf32, #tpu.memory_space<vmem>>, vector<16xf32>,
      tpu.vector_store_idx %arg8[%get3A_233], %get3A_236 {add = true} : memref<10240xf32, #tpu.memory_space<vmem>>[vector<16xi32>], vector<16xf32>,
      %get3A_237 = arith.index_cast %scan3A_206 : i32 to index
      %get3A_238 = arith.constant 80 : index
      %get3A_239 = tpu.vector_load %arg6[%get3A_237, %get3A_238] {strides = array<i32>} : memref<160x128xi32, #tpu.memory_space<vmem>>, vector<16xi32>,
      %get3A_240 = arith.index_cast %scan3A_206 : i32 to index
      %get3A_241 = arith.constant 80 : index
      %get3A_242 = tpu.vector_load %arg7[%get3A_240, %get3A_241] {strides = array<i32>} : memref<160x128xf32, #tpu.memory_space<vmem>>, vector<16xf32>,
      tpu.vector_store_idx %arg8[%get3A_239], %get3A_242 {add = true} : memref<10240xf32, #tpu.memory_space<vmem>>[vector<16xi32>], vector<16xf32>,
      %get3A_243 = arith.index_cast %scan3A_206 : i32 to index
      %get3A_244 = arith.constant 96 : index
      %get3A_245 = tpu.vector_load %arg6[%get3A_243, %get3A_244] {strides = array<i32>} : memref<160x128xi32, #tpu.memory_space<vmem>>, vector<16xi32>,
      %get3A_246 = arith.index_cast %scan3A_206 : i32 to index
      %get3A_247 = arith.constant 96 : index
      %get3A_248 = tpu.vector_load %arg7[%get3A_246, %get3A_247] {strides = array<i32>} : memref<160x128xf32, #tpu.memory_space<vmem>>, vector<16xf32>,
      tpu.vector_store_idx %arg8[%get3A_245], %get3A_248 {add = true} : memref<10240xf32, #tpu.memory_space<vmem>>[vector<16xi32>], vector<16xf32>,
      %get3A_249 = arith.index_cast %scan3A_206 : i32 to index
      %get3A_250 = arith.constant 112 : index
      %get3A_251 = tpu.vector_load %arg6[%get3A_249, %get3A_250] {strides = array<i32>} : memref<160x128xi32, #tpu.memory_space<vmem>>, vector<16xi32>,
      %get3A_252 = arith.index_cast %scan3A_206 : i32 to index
      %get3A_253 = arith.constant 112 : index
      %get3A_254 = tpu.vector_load %arg7[%get3A_252, %get3A_253] {strides = array<i32>} : memref<160x128xf32, #tpu.memory_space<vmem>>, vector<16xf32>,
      tpu.vector_store_idx %arg8[%get3A_251], %get3A_254 {add = true} : memref<10240xf32, #tpu.memory_space<vmem>>[vector<16xi32>], vector<16xf32>,
      %scan3A_255 = arith.constant 0 : i32
      scf.yield %scan3A_255 : i32
    }
    %scan3A_17 = arith.constant 160 : i32
    %mul3A_18 = arith.constant 10240 : i32
    %mul3A_19 = arith.muli %arg1, %mul3A_18 : i32
    "tpu.region"() ({
      %run_scoped3A = tpu.sem_alloc : memref<!tpu.dma_semaphore, #tpu.memory_space<semaphore_mem>>
      %dma_start3A = tpu.memref_slice %arg16[%mul3A_19] : memref<163840xf32, #tpu.memory_space<vmem_shared>> -> memref<10240xf32, #tpu.memory_space<vmem_shared>>
      %dma_start3A_206 = tpu.memref_slice %arg16[%mul3A_19] : memref<163840xf32, #tpu.memory_space<vmem_shared>> -> memref<10240xf32, #tpu.memory_space<vmem_shared>>
      tpu.enqueue_dma source(%arg8 : memref<10240xf32, #tpu.memory_space<vmem>>) target(%dma_start3A_206 : memref<10240xf32, #tpu.memory_space<vmem_shared>>) target_semaphore(%run_scoped3A : memref<!tpu.dma_semaphore, #tpu.memory_space<semaphore_mem>>)
      %dma_wait3A = tpu.memref_slice %arg16[%mul3A_19] : memref<163840xf32, #tpu.memory_space<vmem_shared>> -> memref<10240xf32, #tpu.memory_space<vmem_shared>>
      %dma_wait3A_207 = tpu.memref_slice %arg16[%mul3A_19] : memref<163840xf32, #tpu.memory_space<vmem_shared>> -> memref<10240xf32, #tpu.memory_space<vmem_shared>>
      tpu.wait_dma2 semaphore(%run_scoped3A : memref<!tpu.dma_semaphore, #tpu.memory_space<semaphore_mem>>) src(%arg8 : memref<10240xf32, #tpu.memory_space<vmem>>) dst(%dma_wait3A_207 : memref<10240xf32, #tpu.memory_space<vmem_shared>>)
      tpu.yield
    }) : () -> ()
    %barrier3A = arith.constant 0 : index
    tpu.barrier barrier_id(%barrier3A)
    %mul3A_20 = arith.constant 640 : i32
    %mul3A_21 = arith.muli %arg1, %mul3A_20 : i32
    "tpu.region"() ({
      %run_scoped3A = tpu.sem_alloc : memref<!tpu.dma_semaphore, #tpu.memory_space<semaphore_mem>>
      %dma_start3A = tpu.memref_slice %arg16[%mul3A_21] : memref<163840xf32, #tpu.memory_space<vmem_shared>> -> memref<640xf32, #tpu.memory_space<vmem_shared>>
      %dma_start3A_206 = tpu.memref_slice %arg16[%mul3A_21] : memref<163840xf32, #tpu.memory_space<vmem_shared>> -> memref<640xf32, #tpu.memory_space<vmem_shared>>
      tpu.enqueue_dma source(%dma_start3A_206 : memref<640xf32, #tpu.memory_space<vmem_shared>>) target(%arg9 : memref<640xf32, #tpu.memory_space<vmem>>) target_semaphore(%run_scoped3A : memref<!tpu.dma_semaphore, #tpu.memory_space<semaphore_mem>>)
      %dma_wait3A = tpu.memref_slice %arg16[%mul3A_21] : memref<163840xf32, #tpu.memory_space<vmem_shared>> -> memref<640xf32, #tpu.memory_space<vmem_shared>>
      %dma_wait3A_207 = tpu.memref_slice %arg16[%mul3A_21] : memref<163840xf32, #tpu.memory_space<vmem_shared>> -> memref<640xf32, #tpu.memory_space<vmem_shared>>
      tpu.wait_dma2 semaphore(%run_scoped3A : memref<!tpu.dma_semaphore, #tpu.memory_space<semaphore_mem>>) src(%dma_wait3A_207 : memref<640xf32, #tpu.memory_space<vmem_shared>>) dst(%arg9 : memref<640xf32, #tpu.memory_space<vmem>>)
      tpu.yield
    }) : () -> ()
    %mul3A_22 = arith.constant 640 : i32
    %mul3A_23 = arith.muli %arg1, %mul3A_22 : i32
    %add3A_24 = arith.constant 10240 : i32
    %add3A_25 = arith.addi %add3A_24, %mul3A_23 : i32
    "tpu.region"() ({
      %run_scoped3A = tpu.sem_alloc : memref<!tpu.dma_semaphore, #tpu.memory_space<semaphore_mem>>
      %dma_start3A = tpu.memref_slice %arg16[%add3A_25] : memref<163840xf32, #tpu.memory_space<vmem_shared>> -> memref<640xf32, #tpu.memory_space<vmem_shared>>
      %dma_start3A_206 = tpu.memref_slice %arg16[%add3A_25] : memref<163840xf32, #tpu.memory_space<vmem_shared>> -> memref<640xf32, #tpu.memory_space<vmem_shared>>
      tpu.enqueue_dma source(%dma_start3A_206 : memref<640xf32, #tpu.memory_space<vmem_shared>>) target(%arg10 : memref<640xf32, #tpu.memory_space<vmem>>) target_semaphore(%run_scoped3A : memref<!tpu.dma_semaphore, #tpu.memory_space<semaphore_mem>>)
      %dma_wait3A = tpu.memref_slice %arg16[%add3A_25] : memref<163840xf32, #tpu.memory_space<vmem_shared>> -> memref<640xf32, #tpu.memory_space<vmem_shared>>
      %dma_wait3A_207 = tpu.memref_slice %arg16[%add3A_25] : memref<163840xf32, #tpu.memory_space<vmem_shared>> -> memref<640xf32, #tpu.memory_space<vmem_shared>>
      tpu.wait_dma2 semaphore(%run_scoped3A : memref<!tpu.dma_semaphore, #tpu.memory_space<semaphore_mem>>) src(%dma_wait3A_207 : memref<640xf32, #tpu.memory_space<vmem_shared>>) dst(%arg10 : memref<640xf32, #tpu.memory_space<vmem>>)
      tpu.yield
    }) : () -> ()
    %scan3A_26 = arith.constant 0 : i32
    %scan3A_27 = arith.constant 0 : i32
    %scan3A_28 = arith.constant 40 : i32
    %scan3A_29 = arith.addi %scan3A_27, %scan3A_28 : i32
    %scan3A_30 = arith.constant 1 : i32
    %scan3A_31 = scf.for %scan3A_206 = %scan3A_27 to %scan3A_29 step %scan3A_30 iter_args(%scan3A_207 = %scan3A_26) -> (i32)  : i32 {
      %mul3A_208 = arith.constant 16 : i32
      %mul3A_209 = arith.muli %scan3A_206, %mul3A_208 : i32
      %get3A = arith.index_cast %mul3A_209 : i32 to index
      %get3A_210 = tpu.vector_load %arg9[%get3A] {strides = array<i32>} : memref<640xf32, #tpu.memory_space<vmem>>, vector<16xf32>,
      %mul3A_211 = arith.constant 16 : i32
      %mul3A_212 = arith.muli %scan3A_206, %mul3A_211 : i32
      %get3A_213 = arith.index_cast %mul3A_212 : i32 to index
      %get3A_214 = tpu.vector_load %arg10[%get3A_213] {strides = array<i32>} : memref<640xf32, #tpu.memory_space<vmem>>, vector<16xf32>,
      %add3A_215 = arith.addf %get3A_210, %get3A_214 : vector<16xf32>
      %mul3A_216 = arith.constant 16 : i32
      %mul3A_217 = arith.muli %scan3A_206, %mul3A_216 : i32
      %swap3A = arith.index_cast %mul3A_217 : i32 to index
      %swap3A_218 = tpu.vector_load %arg9[%swap3A] {strides = array<i32>} : memref<640xf32, #tpu.memory_space<vmem>>, vector<16xf32>,
      tpu.vector_store %arg9[%swap3A], %add3A_215 {strides = array<i32>} : memref<640xf32, #tpu.memory_space<vmem>>, vector<16xf32>,
      %scan3A_219 = arith.constant 0 : i32
      scf.yield %scan3A_219 : i32
    }
    %scan3A_32 = arith.constant 40 : i32
    %mul3A_33 = arith.constant 640 : i32
    %mul3A_34 = arith.muli %arg1, %mul3A_33 : i32
    %add3A_35 = arith.constant 20480 : i32
    %add3A_36 = arith.addi %add3A_35, %mul3A_34 : i32
    "tpu.region"() ({
      %run_scoped3A = tpu.sem_alloc : memref<!tpu.dma_semaphore, #tpu.memory_space<semaphore_mem>>
      %dma_start3A = tpu.memref_slice %arg16[%add3A_36] : memref<163840xf32, #tpu.memory_space<vmem_shared>> -> memref<640xf32, #tpu.memory_space<vmem_shared>>
      %dma_start3A_206 = tpu.memref_slice %arg16[%add3A_36] : memref<163840xf32, #tpu.memory_space<vmem_shared>> -> memref<640xf32, #tpu.memory_space<vmem_shared>>
      tpu.enqueue_dma source(%dma_start3A_206 : memref<640xf32, #tpu.memory_space<vmem_shared>>) target(%arg10 : memref<640xf32, #tpu.memory_space<vmem>>) target_semaphore(%run_scoped3A : memref<!tpu.dma_semaphore, #tpu.memory_space<semaphore_mem>>)
      %dma_wait3A = tpu.memref_slice %arg16[%add3A_36] : memref<163840xf32, #tpu.memory_space<vmem_shared>> -> memref<640xf32, #tpu.memory_space<vmem_shared>>
      %dma_wait3A_207 = tpu.memref_slice %arg16[%add3A_36] : memref<163840xf32, #tpu.memory_space<vmem_shared>> -> memref<640xf32, #tpu.memory_space<vmem_shared>>
      tpu.wait_dma2 semaphore(%run_scoped3A : memref<!tpu.dma_semaphore, #tpu.memory_space<semaphore_mem>>) src(%dma_wait3A_207 : memref<640xf32, #tpu.memory_space<vmem_shared>>) dst(%arg10 : memref<640xf32, #tpu.memory_space<vmem>>)
      tpu.yield
    }) : () -> ()
    %scan3A_37 = arith.constant 0 : i32
    %scan3A_38 = arith.constant 0 : i32
    %scan3A_39 = arith.constant 40 : i32
    %scan3A_40 = arith.addi %scan3A_38, %scan3A_39 : i32
    %scan3A_41 = arith.constant 1 : i32
    %scan3A_42 = scf.for %scan3A_206 = %scan3A_38 to %scan3A_40 step %scan3A_41 iter_args(%scan3A_207 = %scan3A_37) -> (i32)  : i32 {
      %mul3A_208 = arith.constant 16 : i32
      %mul3A_209 = arith.muli %scan3A_206, %mul3A_208 : i32
      %get3A = arith.index_cast %mul3A_209 : i32 to index
      %get3A_210 = tpu.vector_load %arg9[%get3A] {strides = array<i32>} : memref<640xf32, #tpu.memory_space<vmem>>, vector<16xf32>,
      %mul3A_211 = arith.constant 16 : i32
      %mul3A_212 = arith.muli %scan3A_206, %mul3A_211 : i32
      %get3A_213 = arith.index_cast %mul3A_212 : i32 to index
      %get3A_214 = tpu.vector_load %arg10[%get3A_213] {strides = array<i32>} : memref<640xf32, #tpu.memory_space<vmem>>, vector<16xf32>,
      %add3A_215 = arith.addf %get3A_210, %get3A_214 : vector<16xf32>
      %mul3A_216 = arith.constant 16 : i32
      %mul3A_217 = arith.muli %scan3A_206, %mul3A_216 : i32
      %swap3A = arith.index_cast %mul3A_217 : i32 to index
      %swap3A_218 = tpu.vector_load %arg9[%swap3A] {strides = array<i32>} : memref<640xf32, #tpu.memory_space<vmem>>, vector<16xf32>,
      tpu.vector_store %arg9[%swap3A], %add3A_215 {strides = array<i32>} : memref<640xf32, #tpu.memory_space<vmem>>, vector<16xf32>,
      %scan3A_219 = arith.constant 0 : i32
      scf.yield %scan3A_219 : i32
    }
    %scan3A_43 = arith.constant 40 : i32
    %mul3A_44 = arith.constant 640 : i32
    %mul3A_45 = arith.muli %arg1, %mul3A_44 : i32
    %add3A_46 = arith.constant 30720 : i32
    %add3A_47 = arith.addi %add3A_46, %mul3A_45 : i32
    "tpu.region"() ({
      %run_scoped3A = tpu.sem_alloc : memref<!tpu.dma_semaphore, #tpu.memory_space<semaphore_mem>>
      %dma_start3A = tpu.memref_slice %arg16[%add3A_47] : memref<163840xf32, #tpu.memory_space<vmem_shared>> -> memref<640xf32, #tpu.memory_space<vmem_shared>>
      %dma_start3A_206 = tpu.memref_slice %arg16[%add3A_47] : memref<163840xf32, #tpu.memory_space<vmem_shared>> -> memref<640xf32, #tpu.memory_space<vmem_shared>>
      tpu.enqueue_dma source(%dma_start3A_206 : memref<640xf32, #tpu.memory_space<vmem_shared>>) target(%arg10 : memref<640xf32, #tpu.memory_space<vmem>>) target_semaphore(%run_scoped3A : memref<!tpu.dma_semaphore, #tpu.memory_space<semaphore_mem>>)
      %dma_wait3A = tpu.memref_slice %arg16[%add3A_47] : memref<163840xf32, #tpu.memory_space<vmem_shared>> -> memref<640xf32, #tpu.memory_space<vmem_shared>>
      %dma_wait3A_207 = tpu.memref_slice %arg16[%add3A_47] : memref<163840xf32, #tpu.memory_space<vmem_shared>> -> memref<640xf32, #tpu.memory_space<vmem_shared>>
      tpu.wait_dma2 semaphore(%run_scoped3A : memref<!tpu.dma_semaphore, #tpu.memory_space<semaphore_mem>>) src(%dma_wait3A_207 : memref<640xf32, #tpu.memory_space<vmem_shared>>) dst(%arg10 : memref<640xf32, #tpu.memory_space<vmem>>)
      tpu.yield
    }) : () -> ()
    %scan3A_48 = arith.constant 0 : i32
    %scan3A_49 = arith.constant 0 : i32
    %scan3A_50 = arith.constant 40 : i32
    %scan3A_51 = arith.addi %scan3A_49, %scan3A_50 : i32
    %scan3A_52 = arith.constant 1 : i32
    %scan3A_53 = scf.for %scan3A_206 = %scan3A_49 to %scan3A_51 step %scan3A_52 iter_args(%scan3A_207 = %scan3A_48) -> (i32)  : i32 {
      %mul3A_208 = arith.constant 16 : i32
      %mul3A_209 = arith.muli %scan3A_206, %mul3A_208 : i32
      %get3A = arith.index_cast %mul3A_209 : i32 to index
      %get3A_210 = tpu.vector_load %arg9[%get3A] {strides = array<i32>} : memref<640xf32, #tpu.memory_space<vmem>>, vector<16xf32>,
      %mul3A_211 = arith.constant 16 : i32
      %mul3A_212 = arith.muli %scan3A_206, %mul3A_211 : i32
      %get3A_213 = arith.index_cast %mul3A_212 : i32 to index
      %get3A_214 = tpu.vector_load %arg10[%get3A_213] {strides = array<i32>} : memref<640xf32, #tpu.memory_space<vmem>>, vector<16xf32>,
      %add3A_215 = arith.addf %get3A_210, %get3A_214 : vector<16xf32>
      %mul3A_216 = arith.constant 16 : i32
      %mul3A_217 = arith.muli %scan3A_206, %mul3A_216 : i32
      %swap3A = arith.index_cast %mul3A_217 : i32 to index
      %swap3A_218 = tpu.vector_load %arg9[%swap3A] {strides = array<i32>} : memref<640xf32, #tpu.memory_space<vmem>>, vector<16xf32>,
      tpu.vector_store %arg9[%swap3A], %add3A_215 {strides = array<i32>} : memref<640xf32, #tpu.memory_space<vmem>>, vector<16xf32>,
      %scan3A_219 = arith.constant 0 : i32
      scf.yield %scan3A_219 : i32
    }
    %scan3A_54 = arith.constant 40 : i32
    %mul3A_55 = arith.constant 640 : i32
    %mul3A_56 = arith.muli %arg1, %mul3A_55 : i32
    %add3A_57 = arith.constant 40960 : i32
    %add3A_58 = arith.addi %add3A_57, %mul3A_56 : i32
    "tpu.region"() ({
      %run_scoped3A = tpu.sem_alloc : memref<!tpu.dma_semaphore, #tpu.memory_space<semaphore_mem>>
      %dma_start3A = tpu.memref_slice %arg16[%add3A_58] : memref<163840xf32, #tpu.memory_space<vmem_shared>> -> memref<640xf32, #tpu.memory_space<vmem_shared>>
      %dma_start3A_206 = tpu.memref_slice %arg16[%add3A_58] : memref<163840xf32, #tpu.memory_space<vmem_shared>> -> memref<640xf32, #tpu.memory_space<vmem_shared>>
      tpu.enqueue_dma source(%dma_start3A_206 : memref<640xf32, #tpu.memory_space<vmem_shared>>) target(%arg10 : memref<640xf32, #tpu.memory_space<vmem>>) target_semaphore(%run_scoped3A : memref<!tpu.dma_semaphore, #tpu.memory_space<semaphore_mem>>)
      %dma_wait3A = tpu.memref_slice %arg16[%add3A_58] : memref<163840xf32, #tpu.memory_space<vmem_shared>> -> memref<640xf32, #tpu.memory_space<vmem_shared>>
      %dma_wait3A_207 = tpu.memref_slice %arg16[%add3A_58] : memref<163840xf32, #tpu.memory_space<vmem_shared>> -> memref<640xf32, #tpu.memory_space<vmem_shared>>
      tpu.wait_dma2 semaphore(%run_scoped3A : memref<!tpu.dma_semaphore, #tpu.memory_space<semaphore_mem>>) src(%dma_wait3A_207 : memref<640xf32, #tpu.memory_space<vmem_shared>>) dst(%arg10 : memref<640xf32, #tpu.memory_space<vmem>>)
      tpu.yield
    }) : () -> ()
    %scan3A_59 = arith.constant 0 : i32
    %scan3A_60 = arith.constant 0 : i32
    %scan3A_61 = arith.constant 40 : i32
    %scan3A_62 = arith.addi %scan3A_60, %scan3A_61 : i32
    %scan3A_63 = arith.constant 1 : i32
    %scan3A_64 = scf.for %scan3A_206 = %scan3A_60 to %scan3A_62 step %scan3A_63 iter_args(%scan3A_207 = %scan3A_59) -> (i32)  : i32 {
      %mul3A_208 = arith.constant 16 : i32
      %mul3A_209 = arith.muli %scan3A_206, %mul3A_208 : i32
      %get3A = arith.index_cast %mul3A_209 : i32 to index
      %get3A_210 = tpu.vector_load %arg9[%get3A] {strides = array<i32>} : memref<640xf32, #tpu.memory_space<vmem>>, vector<16xf32>,
      %mul3A_211 = arith.constant 16 : i32
      %mul3A_212 = arith.muli %scan3A_206, %mul3A_211 : i32
      %get3A_213 = arith.index_cast %mul3A_212 : i32 to index
      %get3A_214 = tpu.vector_load %arg10[%get3A_213] {strides = array<i32>} : memref<640xf32, #tpu.memory_space<vmem>>, vector<16xf32>,
      %add3A_215 = arith.addf %get3A_210, %get3A_214 : vector<16xf32>
      %mul3A_216 = arith.constant 16 : i32
      %mul3A_217 = arith.muli %scan3A_206, %mul3A_216 : i32
      %swap3A = arith.index_cast %mul3A_217 : i32 to index
      %swap3A_218 = tpu.vector_load %arg9[%swap3A] {strides = array<i32>} : memref<640xf32, #tpu.memory_space<vmem>>, vector<16xf32>,
      tpu.vector_store %arg9[%swap3A], %add3A_215 {strides = array<i32>} : memref<640xf32, #tpu.memory_space<vmem>>, vector<16xf32>,
      %scan3A_219 = arith.constant 0 : i32
      scf.yield %scan3A_219 : i32
    }
    %scan3A_65 = arith.constant 40 : i32
    %mul3A_66 = arith.constant 640 : i32
    %mul3A_67 = arith.muli %arg1, %mul3A_66 : i32
    %add3A_68 = arith.constant 51200 : i32
    %add3A_69 = arith.addi %add3A_68, %mul3A_67 : i32
    "tpu.region"() ({
      %run_scoped3A = tpu.sem_alloc : memref<!tpu.dma_semaphore, #tpu.memory_space<semaphore_mem>>
      %dma_start3A = tpu.memref_slice %arg16[%add3A_69] : memref<163840xf32, #tpu.memory_space<vmem_shared>> -> memref<640xf32, #tpu.memory_space<vmem_shared>>
      %dma_start3A_206 = tpu.memref_slice %arg16[%add3A_69] : memref<163840xf32, #tpu.memory_space<vmem_shared>> -> memref<640xf32, #tpu.memory_space<vmem_shared>>
      tpu.enqueue_dma source(%dma_start3A_206 : memref<640xf32, #tpu.memory_space<vmem_shared>>) target(%arg10 : memref<640xf32, #tpu.memory_space<vmem>>) target_semaphore(%run_scoped3A : memref<!tpu.dma_semaphore, #tpu.memory_space<semaphore_mem>>)
      %dma_wait3A = tpu.memref_slice %arg16[%add3A_69] : memref<163840xf32, #tpu.memory_space<vmem_shared>> -> memref<640xf32, #tpu.memory_space<vmem_shared>>
      %dma_wait3A_207 = tpu.memref_slice %arg16[%add3A_69] : memref<163840xf32, #tpu.memory_space<vmem_shared>> -> memref<640xf32, #tpu.memory_space<vmem_shared>>
      tpu.wait_dma2 semaphore(%run_scoped3A : memref<!tpu.dma_semaphore, #tpu.memory_space<semaphore_mem>>) src(%dma_wait3A_207 : memref<640xf32, #tpu.memory_space<vmem_shared>>) dst(%arg10 : memref<640xf32, #tpu.memory_space<vmem>>)
      tpu.yield
    }) : () -> ()
    %scan3A_70 = arith.constant 0 : i32
    %scan3A_71 = arith.constant 0 : i32
    %scan3A_72 = arith.constant 40 : i32
    %scan3A_73 = arith.addi %scan3A_71, %scan3A_72 : i32
    %scan3A_74 = arith.constant 1 : i32
    %scan3A_75 = scf.for %scan3A_206 = %scan3A_71 to %scan3A_73 step %scan3A_74 iter_args(%scan3A_207 = %scan3A_70) -> (i32)  : i32 {
      %mul3A_208 = arith.constant 16 : i32
      %mul3A_209 = arith.muli %scan3A_206, %mul3A_208 : i32
      %get3A = arith.index_cast %mul3A_209 : i32 to index
      %get3A_210 = tpu.vector_load %arg9[%get3A] {strides = array<i32>} : memref<640xf32, #tpu.memory_space<vmem>>, vector<16xf32>,
      %mul3A_211 = arith.constant 16 : i32
      %mul3A_212 = arith.muli %scan3A_206, %mul3A_211 : i32
      %get3A_213 = arith.index_cast %mul3A_212 : i32 to index
      %get3A_214 = tpu.vector_load %arg10[%get3A_213] {strides = array<i32>} : memref<640xf32, #tpu.memory_space<vmem>>, vector<16xf32>,
      %add3A_215 = arith.addf %get3A_210, %get3A_214 : vector<16xf32>
      %mul3A_216 = arith.constant 16 : i32
      %mul3A_217 = arith.muli %scan3A_206, %mul3A_216 : i32
      %swap3A = arith.index_cast %mul3A_217 : i32 to index
      %swap3A_218 = tpu.vector_load %arg9[%swap3A] {strides = array<i32>} : memref<640xf32, #tpu.memory_space<vmem>>, vector<16xf32>,
      tpu.vector_store %arg9[%swap3A], %add3A_215 {strides = array<i32>} : memref<640xf32, #tpu.memory_space<vmem>>, vector<16xf32>,
      %scan3A_219 = arith.constant 0 : i32
      scf.yield %scan3A_219 : i32
    }
    %scan3A_76 = arith.constant 40 : i32
    %mul3A_77 = arith.constant 640 : i32
    %mul3A_78 = arith.muli %arg1, %mul3A_77 : i32
    %add3A_79 = arith.constant 61440 : i32
    %add3A_80 = arith.addi %add3A_79, %mul3A_78 : i32
    "tpu.region"() ({
      %run_scoped3A = tpu.sem_alloc : memref<!tpu.dma_semaphore, #tpu.memory_space<semaphore_mem>>
      %dma_start3A = tpu.memref_slice %arg16[%add3A_80] : memref<163840xf32, #tpu.memory_space<vmem_shared>> -> memref<640xf32, #tpu.memory_space<vmem_shared>>
      %dma_start3A_206 = tpu.memref_slice %arg16[%add3A_80] : memref<163840xf32, #tpu.memory_space<vmem_shared>> -> memref<640xf32, #tpu.memory_space<vmem_shared>>
      tpu.enqueue_dma source(%dma_start3A_206 : memref<640xf32, #tpu.memory_space<vmem_shared>>) target(%arg10 : memref<640xf32, #tpu.memory_space<vmem>>) target_semaphore(%run_scoped3A : memref<!tpu.dma_semaphore, #tpu.memory_space<semaphore_mem>>)
      %dma_wait3A = tpu.memref_slice %arg16[%add3A_80] : memref<163840xf32, #tpu.memory_space<vmem_shared>> -> memref<640xf32, #tpu.memory_space<vmem_shared>>
      %dma_wait3A_207 = tpu.memref_slice %arg16[%add3A_80] : memref<163840xf32, #tpu.memory_space<vmem_shared>> -> memref<640xf32, #tpu.memory_space<vmem_shared>>
      tpu.wait_dma2 semaphore(%run_scoped3A : memref<!tpu.dma_semaphore, #tpu.memory_space<semaphore_mem>>) src(%dma_wait3A_207 : memref<640xf32, #tpu.memory_space<vmem_shared>>) dst(%arg10 : memref<640xf32, #tpu.memory_space<vmem>>)
      tpu.yield
    }) : () -> ()
    %scan3A_81 = arith.constant 0 : i32
    %scan3A_82 = arith.constant 0 : i32
    %scan3A_83 = arith.constant 40 : i32
    %scan3A_84 = arith.addi %scan3A_82, %scan3A_83 : i32
    %scan3A_85 = arith.constant 1 : i32
    %scan3A_86 = scf.for %scan3A_206 = %scan3A_82 to %scan3A_84 step %scan3A_85 iter_args(%scan3A_207 = %scan3A_81) -> (i32)  : i32 {
      %mul3A_208 = arith.constant 16 : i32
      %mul3A_209 = arith.muli %scan3A_206, %mul3A_208 : i32
      %get3A = arith.index_cast %mul3A_209 : i32 to index
      %get3A_210 = tpu.vector_load %arg9[%get3A] {strides = array<i32>} : memref<640xf32, #tpu.memory_space<vmem>>, vector<16xf32>,
      %mul3A_211 = arith.constant 16 : i32
      %mul3A_212 = arith.muli %scan3A_206, %mul3A_211 : i32
      %get3A_213 = arith.index_cast %mul3A_212 : i32 to index
      %get3A_214 = tpu.vector_load %arg10[%get3A_213] {strides = array<i32>} : memref<640xf32, #tpu.memory_space<vmem>>, vector<16xf32>,
      %add3A_215 = arith.addf %get3A_210, %get3A_214 : vector<16xf32>
      %mul3A_216 = arith.constant 16 : i32
      %mul3A_217 = arith.muli %scan3A_206, %mul3A_216 : i32
      %swap3A = arith.index_cast %mul3A_217 : i32 to index
      %swap3A_218 = tpu.vector_load %arg9[%swap3A] {strides = array<i32>} : memref<640xf32, #tpu.memory_space<vmem>>, vector<16xf32>,
      tpu.vector_store %arg9[%swap3A], %add3A_215 {strides = array<i32>} : memref<640xf32, #tpu.memory_space<vmem>>, vector<16xf32>,
      %scan3A_219 = arith.constant 0 : i32
      scf.yield %scan3A_219 : i32
    }
    %scan3A_87 = arith.constant 40 : i32
    %mul3A_88 = arith.constant 640 : i32
    %mul3A_89 = arith.muli %arg1, %mul3A_88 : i32
    %add3A_90 = arith.constant 71680 : i32
    %add3A_91 = arith.addi %add3A_90, %mul3A_89 : i32
    "tpu.region"() ({
      %run_scoped3A = tpu.sem_alloc : memref<!tpu.dma_semaphore, #tpu.memory_space<semaphore_mem>>
      %dma_start3A = tpu.memref_slice %arg16[%add3A_91] : memref<163840xf32, #tpu.memory_space<vmem_shared>> -> memref<640xf32, #tpu.memory_space<vmem_shared>>
      %dma_start3A_206 = tpu.memref_slice %arg16[%add3A_91] : memref<163840xf32, #tpu.memory_space<vmem_shared>> -> memref<640xf32, #tpu.memory_space<vmem_shared>>
      tpu.enqueue_dma source(%dma_start3A_206 : memref<640xf32, #tpu.memory_space<vmem_shared>>) target(%arg10 : memref<640xf32, #tpu.memory_space<vmem>>) target_semaphore(%run_scoped3A : memref<!tpu.dma_semaphore, #tpu.memory_space<semaphore_mem>>)
      %dma_wait3A = tpu.memref_slice %arg16[%add3A_91] : memref<163840xf32, #tpu.memory_space<vmem_shared>> -> memref<640xf32, #tpu.memory_space<vmem_shared>>
      %dma_wait3A_207 = tpu.memref_slice %arg16[%add3A_91] : memref<163840xf32, #tpu.memory_space<vmem_shared>> -> memref<640xf32, #tpu.memory_space<vmem_shared>>
      tpu.wait_dma2 semaphore(%run_scoped3A : memref<!tpu.dma_semaphore, #tpu.memory_space<semaphore_mem>>) src(%dma_wait3A_207 : memref<640xf32, #tpu.memory_space<vmem_shared>>) dst(%arg10 : memref<640xf32, #tpu.memory_space<vmem>>)
      tpu.yield
    }) : () -> ()
    %scan3A_92 = arith.constant 0 : i32
    %scan3A_93 = arith.constant 0 : i32
    %scan3A_94 = arith.constant 40 : i32
    %scan3A_95 = arith.addi %scan3A_93, %scan3A_94 : i32
    %scan3A_96 = arith.constant 1 : i32
    %scan3A_97 = scf.for %scan3A_206 = %scan3A_93 to %scan3A_95 step %scan3A_96 iter_args(%scan3A_207 = %scan3A_92) -> (i32)  : i32 {
      %mul3A_208 = arith.constant 16 : i32
      %mul3A_209 = arith.muli %scan3A_206, %mul3A_208 : i32
      %get3A = arith.index_cast %mul3A_209 : i32 to index
      %get3A_210 = tpu.vector_load %arg9[%get3A] {strides = array<i32>} : memref<640xf32, #tpu.memory_space<vmem>>, vector<16xf32>,
      %mul3A_211 = arith.constant 16 : i32
      %mul3A_212 = arith.muli %scan3A_206, %mul3A_211 : i32
      %get3A_213 = arith.index_cast %mul3A_212 : i32 to index
      %get3A_214 = tpu.vector_load %arg10[%get3A_213] {strides = array<i32>} : memref<640xf32, #tpu.memory_space<vmem>>, vector<16xf32>,
      %add3A_215 = arith.addf %get3A_210, %get3A_214 : vector<16xf32>
      %mul3A_216 = arith.constant 16 : i32
      %mul3A_217 = arith.muli %scan3A_206, %mul3A_216 : i32
      %swap3A = arith.index_cast %mul3A_217 : i32 to index
      %swap3A_218 = tpu.vector_load %arg9[%swap3A] {strides = array<i32>} : memref<640xf32, #tpu.memory_space<vmem>>, vector<16xf32>,
      tpu.vector_store %arg9[%swap3A], %add3A_215 {strides = array<i32>} : memref<640xf32, #tpu.memory_space<vmem>>, vector<16xf32>,
      %scan3A_219 = arith.constant 0 : i32
      scf.yield %scan3A_219 : i32
    }
    %scan3A_98 = arith.constant 40 : i32
    %mul3A_99 = arith.constant 640 : i32
    %mul3A_100 = arith.muli %arg1, %mul3A_99 : i32
    %add3A_101 = arith.constant 81920 : i32
    %add3A_102 = arith.addi %add3A_101, %mul3A_100 : i32
    "tpu.region"() ({
      %run_scoped3A = tpu.sem_alloc : memref<!tpu.dma_semaphore, #tpu.memory_space<semaphore_mem>>
      %dma_start3A = tpu.memref_slice %arg16[%add3A_102] : memref<163840xf32, #tpu.memory_space<vmem_shared>> -> memref<640xf32, #tpu.memory_space<vmem_shared>>
      %dma_start3A_206 = tpu.memref_slice %arg16[%add3A_102] : memref<163840xf32, #tpu.memory_space<vmem_shared>> -> memref<640xf32, #tpu.memory_space<vmem_shared>>
      tpu.enqueue_dma source(%dma_start3A_206 : memref<640xf32, #tpu.memory_space<vmem_shared>>) target(%arg10 : memref<640xf32, #tpu.memory_space<vmem>>) target_semaphore(%run_scoped3A : memref<!tpu.dma_semaphore, #tpu.memory_space<semaphore_mem>>)
      %dma_wait3A = tpu.memref_slice %arg16[%add3A_102] : memref<163840xf32, #tpu.memory_space<vmem_shared>> -> memref<640xf32, #tpu.memory_space<vmem_shared>>
      %dma_wait3A_207 = tpu.memref_slice %arg16[%add3A_102] : memref<163840xf32, #tpu.memory_space<vmem_shared>> -> memref<640xf32, #tpu.memory_space<vmem_shared>>
      tpu.wait_dma2 semaphore(%run_scoped3A : memref<!tpu.dma_semaphore, #tpu.memory_space<semaphore_mem>>) src(%dma_wait3A_207 : memref<640xf32, #tpu.memory_space<vmem_shared>>) dst(%arg10 : memref<640xf32, #tpu.memory_space<vmem>>)
      tpu.yield
    }) : () -> ()
    %scan3A_103 = arith.constant 0 : i32
    %scan3A_104 = arith.constant 0 : i32
    %scan3A_105 = arith.constant 40 : i32
    %scan3A_106 = arith.addi %scan3A_104, %scan3A_105 : i32
    %scan3A_107 = arith.constant 1 : i32
    %scan3A_108 = scf.for %scan3A_206 = %scan3A_104 to %scan3A_106 step %scan3A_107 iter_args(%scan3A_207 = %scan3A_103) -> (i32)  : i32 {
      %mul3A_208 = arith.constant 16 : i32
      %mul3A_209 = arith.muli %scan3A_206, %mul3A_208 : i32
      %get3A = arith.index_cast %mul3A_209 : i32 to index
      %get3A_210 = tpu.vector_load %arg9[%get3A] {strides = array<i32>} : memref<640xf32, #tpu.memory_space<vmem>>, vector<16xf32>,
      %mul3A_211 = arith.constant 16 : i32
      %mul3A_212 = arith.muli %scan3A_206, %mul3A_211 : i32
      %get3A_213 = arith.index_cast %mul3A_212 : i32 to index
      %get3A_214 = tpu.vector_load %arg10[%get3A_213] {strides = array<i32>} : memref<640xf32, #tpu.memory_space<vmem>>, vector<16xf32>,
      %add3A_215 = arith.addf %get3A_210, %get3A_214 : vector<16xf32>
      %mul3A_216 = arith.constant 16 : i32
      %mul3A_217 = arith.muli %scan3A_206, %mul3A_216 : i32
      %swap3A = arith.index_cast %mul3A_217 : i32 to index
      %swap3A_218 = tpu.vector_load %arg9[%swap3A] {strides = array<i32>} : memref<640xf32, #tpu.memory_space<vmem>>, vector<16xf32>,
      tpu.vector_store %arg9[%swap3A], %add3A_215 {strides = array<i32>} : memref<640xf32, #tpu.memory_space<vmem>>, vector<16xf32>,
      %scan3A_219 = arith.constant 0 : i32
      scf.yield %scan3A_219 : i32
    }
    %scan3A_109 = arith.constant 40 : i32
    %mul3A_110 = arith.constant 640 : i32
    %mul3A_111 = arith.muli %arg1, %mul3A_110 : i32
    %add3A_112 = arith.constant 92160 : i32
    %add3A_113 = arith.addi %add3A_112, %mul3A_111 : i32
    "tpu.region"() ({
      %run_scoped3A = tpu.sem_alloc : memref<!tpu.dma_semaphore, #tpu.memory_space<semaphore_mem>>
      %dma_start3A = tpu.memref_slice %arg16[%add3A_113] : memref<163840xf32, #tpu.memory_space<vmem_shared>> -> memref<640xf32, #tpu.memory_space<vmem_shared>>
      %dma_start3A_206 = tpu.memref_slice %arg16[%add3A_113] : memref<163840xf32, #tpu.memory_space<vmem_shared>> -> memref<640xf32, #tpu.memory_space<vmem_shared>>
      tpu.enqueue_dma source(%dma_start3A_206 : memref<640xf32, #tpu.memory_space<vmem_shared>>) target(%arg10 : memref<640xf32, #tpu.memory_space<vmem>>) target_semaphore(%run_scoped3A : memref<!tpu.dma_semaphore, #tpu.memory_space<semaphore_mem>>)
      %dma_wait3A = tpu.memref_slice %arg16[%add3A_113] : memref<163840xf32, #tpu.memory_space<vmem_shared>> -> memref<640xf32, #tpu.memory_space<vmem_shared>>
      %dma_wait3A_207 = tpu.memref_slice %arg16[%add3A_113] : memref<163840xf32, #tpu.memory_space<vmem_shared>> -> memref<640xf32, #tpu.memory_space<vmem_shared>>
      tpu.wait_dma2 semaphore(%run_scoped3A : memref<!tpu.dma_semaphore, #tpu.memory_space<semaphore_mem>>) src(%dma_wait3A_207 : memref<640xf32, #tpu.memory_space<vmem_shared>>) dst(%arg10 : memref<640xf32, #tpu.memory_space<vmem>>)
      tpu.yield
    }) : () -> ()
    %scan3A_114 = arith.constant 0 : i32
    %scan3A_115 = arith.constant 0 : i32
    %scan3A_116 = arith.constant 40 : i32
    %scan3A_117 = arith.addi %scan3A_115, %scan3A_116 : i32
    %scan3A_118 = arith.constant 1 : i32
    %scan3A_119 = scf.for %scan3A_206 = %scan3A_115 to %scan3A_117 step %scan3A_118 iter_args(%scan3A_207 = %scan3A_114) -> (i32)  : i32 {
      %mul3A_208 = arith.constant 16 : i32
      %mul3A_209 = arith.muli %scan3A_206, %mul3A_208 : i32
      %get3A = arith.index_cast %mul3A_209 : i32 to index
      %get3A_210 = tpu.vector_load %arg9[%get3A] {strides = array<i32>} : memref<640xf32, #tpu.memory_space<vmem>>, vector<16xf32>,
      %mul3A_211 = arith.constant 16 : i32
      %mul3A_212 = arith.muli %scan3A_206, %mul3A_211 : i32
      %get3A_213 = arith.index_cast %mul3A_212 : i32 to index
      %get3A_214 = tpu.vector_load %arg10[%get3A_213] {strides = array<i32>} : memref<640xf32, #tpu.memory_space<vmem>>, vector<16xf32>,
      %add3A_215 = arith.addf %get3A_210, %get3A_214 : vector<16xf32>
      %mul3A_216 = arith.constant 16 : i32
      %mul3A_217 = arith.muli %scan3A_206, %mul3A_216 : i32
      %swap3A = arith.index_cast %mul3A_217 : i32 to index
      %swap3A_218 = tpu.vector_load %arg9[%swap3A] {strides = array<i32>} : memref<640xf32, #tpu.memory_space<vmem>>, vector<16xf32>,
      tpu.vector_store %arg9[%swap3A], %add3A_215 {strides = array<i32>} : memref<640xf32, #tpu.memory_space<vmem>>, vector<16xf32>,
      %scan3A_219 = arith.constant 0 : i32
      scf.yield %scan3A_219 : i32
    }
    %scan3A_120 = arith.constant 40 : i32
    %mul3A_121 = arith.constant 640 : i32
    %mul3A_122 = arith.muli %arg1, %mul3A_121 : i32
    %add3A_123 = arith.constant 102400 : i32
    %add3A_124 = arith.addi %add3A_123, %mul3A_122 : i32
    "tpu.region"() ({
      %run_scoped3A = tpu.sem_alloc : memref<!tpu.dma_semaphore, #tpu.memory_space<semaphore_mem>>
      %dma_start3A = tpu.memref_slice %arg16[%add3A_124] : memref<163840xf32, #tpu.memory_space<vmem_shared>> -> memref<640xf32, #tpu.memory_space<vmem_shared>>
      %dma_start3A_206 = tpu.memref_slice %arg16[%add3A_124] : memref<163840xf32, #tpu.memory_space<vmem_shared>> -> memref<640xf32, #tpu.memory_space<vmem_shared>>
      tpu.enqueue_dma source(%dma_start3A_206 : memref<640xf32, #tpu.memory_space<vmem_shared>>) target(%arg10 : memref<640xf32, #tpu.memory_space<vmem>>) target_semaphore(%run_scoped3A : memref<!tpu.dma_semaphore, #tpu.memory_space<semaphore_mem>>)
      %dma_wait3A = tpu.memref_slice %arg16[%add3A_124] : memref<163840xf32, #tpu.memory_space<vmem_shared>> -> memref<640xf32, #tpu.memory_space<vmem_shared>>
      %dma_wait3A_207 = tpu.memref_slice %arg16[%add3A_124] : memref<163840xf32, #tpu.memory_space<vmem_shared>> -> memref<640xf32, #tpu.memory_space<vmem_shared>>
      tpu.wait_dma2 semaphore(%run_scoped3A : memref<!tpu.dma_semaphore, #tpu.memory_space<semaphore_mem>>) src(%dma_wait3A_207 : memref<640xf32, #tpu.memory_space<vmem_shared>>) dst(%arg10 : memref<640xf32, #tpu.memory_space<vmem>>)
      tpu.yield
    }) : () -> ()
    %scan3A_125 = arith.constant 0 : i32
    %scan3A_126 = arith.constant 0 : i32
    %scan3A_127 = arith.constant 40 : i32
    %scan3A_128 = arith.addi %scan3A_126, %scan3A_127 : i32
    %scan3A_129 = arith.constant 1 : i32
    %scan3A_130 = scf.for %scan3A_206 = %scan3A_126 to %scan3A_128 step %scan3A_129 iter_args(%scan3A_207 = %scan3A_125) -> (i32)  : i32 {
      %mul3A_208 = arith.constant 16 : i32
      %mul3A_209 = arith.muli %scan3A_206, %mul3A_208 : i32
      %get3A = arith.index_cast %mul3A_209 : i32 to index
      %get3A_210 = tpu.vector_load %arg9[%get3A] {strides = array<i32>} : memref<640xf32, #tpu.memory_space<vmem>>, vector<16xf32>,
      %mul3A_211 = arith.constant 16 : i32
      %mul3A_212 = arith.muli %scan3A_206, %mul3A_211 : i32
      %get3A_213 = arith.index_cast %mul3A_212 : i32 to index
      %get3A_214 = tpu.vector_load %arg10[%get3A_213] {strides = array<i32>} : memref<640xf32, #tpu.memory_space<vmem>>, vector<16xf32>,
      %add3A_215 = arith.addf %get3A_210, %get3A_214 : vector<16xf32>
      %mul3A_216 = arith.constant 16 : i32
      %mul3A_217 = arith.muli %scan3A_206, %mul3A_216 : i32
      %swap3A = arith.index_cast %mul3A_217 : i32 to index
      %swap3A_218 = tpu.vector_load %arg9[%swap3A] {strides = array<i32>} : memref<640xf32, #tpu.memory_space<vmem>>, vector<16xf32>,
      tpu.vector_store %arg9[%swap3A], %add3A_215 {strides = array<i32>} : memref<640xf32, #tpu.memory_space<vmem>>, vector<16xf32>,
      %scan3A_219 = arith.constant 0 : i32
      scf.yield %scan3A_219 : i32
    }
    %scan3A_131 = arith.constant 40 : i32
    %mul3A_132 = arith.constant 640 : i32
    %mul3A_133 = arith.muli %arg1, %mul3A_132 : i32
    %add3A_134 = arith.constant 112640 : i32
    %add3A_135 = arith.addi %add3A_134, %mul3A_133 : i32
    "tpu.region"() ({
      %run_scoped3A = tpu.sem_alloc : memref<!tpu.dma_semaphore, #tpu.memory_space<semaphore_mem>>
      %dma_start3A = tpu.memref_slice %arg16[%add3A_135] : memref<163840xf32, #tpu.memory_space<vmem_shared>> -> memref<640xf32, #tpu.memory_space<vmem_shared>>
      %dma_start3A_206 = tpu.memref_slice %arg16[%add3A_135] : memref<163840xf32, #tpu.memory_space<vmem_shared>> -> memref<640xf32, #tpu.memory_space<vmem_shared>>
      tpu.enqueue_dma source(%dma_start3A_206 : memref<640xf32, #tpu.memory_space<vmem_shared>>) target(%arg10 : memref<640xf32, #tpu.memory_space<vmem>>) target_semaphore(%run_scoped3A : memref<!tpu.dma_semaphore, #tpu.memory_space<semaphore_mem>>)
      %dma_wait3A = tpu.memref_slice %arg16[%add3A_135] : memref<163840xf32, #tpu.memory_space<vmem_shared>> -> memref<640xf32, #tpu.memory_space<vmem_shared>>
      %dma_wait3A_207 = tpu.memref_slice %arg16[%add3A_135] : memref<163840xf32, #tpu.memory_space<vmem_shared>> -> memref<640xf32, #tpu.memory_space<vmem_shared>>
      tpu.wait_dma2 semaphore(%run_scoped3A : memref<!tpu.dma_semaphore, #tpu.memory_space<semaphore_mem>>) src(%dma_wait3A_207 : memref<640xf32, #tpu.memory_space<vmem_shared>>) dst(%arg10 : memref<640xf32, #tpu.memory_space<vmem>>)
      tpu.yield
    }) : () -> ()
    %scan3A_136 = arith.constant 0 : i32
    %scan3A_137 = arith.constant 0 : i32
    %scan3A_138 = arith.constant 40 : i32
    %scan3A_139 = arith.addi %scan3A_137, %scan3A_138 : i32
    %scan3A_140 = arith.constant 1 : i32
    %scan3A_141 = scf.for %scan3A_206 = %scan3A_137 to %scan3A_139 step %scan3A_140 iter_args(%scan3A_207 = %scan3A_136) -> (i32)  : i32 {
      %mul3A_208 = arith.constant 16 : i32
      %mul3A_209 = arith.muli %scan3A_206, %mul3A_208 : i32
      %get3A = arith.index_cast %mul3A_209 : i32 to index
      %get3A_210 = tpu.vector_load %arg9[%get3A] {strides = array<i32>} : memref<640xf32, #tpu.memory_space<vmem>>, vector<16xf32>,
      %mul3A_211 = arith.constant 16 : i32
      %mul3A_212 = arith.muli %scan3A_206, %mul3A_211 : i32
      %get3A_213 = arith.index_cast %mul3A_212 : i32 to index
      %get3A_214 = tpu.vector_load %arg10[%get3A_213] {strides = array<i32>} : memref<640xf32, #tpu.memory_space<vmem>>, vector<16xf32>,
      %add3A_215 = arith.addf %get3A_210, %get3A_214 : vector<16xf32>
      %mul3A_216 = arith.constant 16 : i32
      %mul3A_217 = arith.muli %scan3A_206, %mul3A_216 : i32
      %swap3A = arith.index_cast %mul3A_217 : i32 to index
      %swap3A_218 = tpu.vector_load %arg9[%swap3A] {strides = array<i32>} : memref<640xf32, #tpu.memory_space<vmem>>, vector<16xf32>,
      tpu.vector_store %arg9[%swap3A], %add3A_215 {strides = array<i32>} : memref<640xf32, #tpu.memory_space<vmem>>, vector<16xf32>,
      %scan3A_219 = arith.constant 0 : i32
      scf.yield %scan3A_219 : i32
    }
    %scan3A_142 = arith.constant 40 : i32
    %mul3A_143 = arith.constant 640 : i32
    %mul3A_144 = arith.muli %arg1, %mul3A_143 : i32
    %add3A_145 = arith.constant 122880 : i32
    %add3A_146 = arith.addi %add3A_145, %mul3A_144 : i32
    "tpu.region"() ({
      %run_scoped3A = tpu.sem_alloc : memref<!tpu.dma_semaphore, #tpu.memory_space<semaphore_mem>>
      %dma_start3A = tpu.memref_slice %arg16[%add3A_146] : memref<163840xf32, #tpu.memory_space<vmem_shared>> -> memref<640xf32, #tpu.memory_space<vmem_shared>>
      %dma_start3A_206 = tpu.memref_slice %arg16[%add3A_146] : memref<163840xf32, #tpu.memory_space<vmem_shared>> -> memref<640xf32, #tpu.memory_space<vmem_shared>>
      tpu.enqueue_dma source(%dma_start3A_206 : memref<640xf32, #tpu.memory_space<vmem_shared>>) target(%arg10 : memref<640xf32, #tpu.memory_space<vmem>>) target_semaphore(%run_scoped3A : memref<!tpu.dma_semaphore, #tpu.memory_space<semaphore_mem>>)
      %dma_wait3A = tpu.memref_slice %arg16[%add3A_146] : memref<163840xf32, #tpu.memory_space<vmem_shared>> -> memref<640xf32, #tpu.memory_space<vmem_shared>>
      %dma_wait3A_207 = tpu.memref_slice %arg16[%add3A_146] : memref<163840xf32, #tpu.memory_space<vmem_shared>> -> memref<640xf32, #tpu.memory_space<vmem_shared>>
      tpu.wait_dma2 semaphore(%run_scoped3A : memref<!tpu.dma_semaphore, #tpu.memory_space<semaphore_mem>>) src(%dma_wait3A_207 : memref<640xf32, #tpu.memory_space<vmem_shared>>) dst(%arg10 : memref<640xf32, #tpu.memory_space<vmem>>)
      tpu.yield
    }) : () -> ()
    %scan3A_147 = arith.constant 0 : i32
    %scan3A_148 = arith.constant 0 : i32
    %scan3A_149 = arith.constant 40 : i32
    %scan3A_150 = arith.addi %scan3A_148, %scan3A_149 : i32
    %scan3A_151 = arith.constant 1 : i32
    %scan3A_152 = scf.for %scan3A_206 = %scan3A_148 to %scan3A_150 step %scan3A_151 iter_args(%scan3A_207 = %scan3A_147) -> (i32)  : i32 {
      %mul3A_208 = arith.constant 16 : i32
      %mul3A_209 = arith.muli %scan3A_206, %mul3A_208 : i32
      %get3A = arith.index_cast %mul3A_209 : i32 to index
      %get3A_210 = tpu.vector_load %arg9[%get3A] {strides = array<i32>} : memref<640xf32, #tpu.memory_space<vmem>>, vector<16xf32>,
      %mul3A_211 = arith.constant 16 : i32
      %mul3A_212 = arith.muli %scan3A_206, %mul3A_211 : i32
      %get3A_213 = arith.index_cast %mul3A_212 : i32 to index
      %get3A_214 = tpu.vector_load %arg10[%get3A_213] {strides = array<i32>} : memref<640xf32, #tpu.memory_space<vmem>>, vector<16xf32>,
      %add3A_215 = arith.addf %get3A_210, %get3A_214 : vector<16xf32>
      %mul3A_216 = arith.constant 16 : i32
      %mul3A_217 = arith.muli %scan3A_206, %mul3A_216 : i32
      %swap3A = arith.index_cast %mul3A_217 : i32 to index
      %swap3A_218 = tpu.vector_load %arg9[%swap3A] {strides = array<i32>} : memref<640xf32, #tpu.memory_space<vmem>>, vector<16xf32>,
      tpu.vector_store %arg9[%swap3A], %add3A_215 {strides = array<i32>} : memref<640xf32, #tpu.memory_space<vmem>>, vector<16xf32>,
      %scan3A_219 = arith.constant 0 : i32
      scf.yield %scan3A_219 : i32
    }
    %scan3A_153 = arith.constant 40 : i32
    %mul3A_154 = arith.constant 640 : i32
    %mul3A_155 = arith.muli %arg1, %mul3A_154 : i32
    %add3A_156 = arith.constant 133120 : i32
    %add3A_157 = arith.addi %add3A_156, %mul3A_155 : i32
    "tpu.region"() ({
      %run_scoped3A = tpu.sem_alloc : memref<!tpu.dma_semaphore, #tpu.memory_space<semaphore_mem>>
      %dma_start3A = tpu.memref_slice %arg16[%add3A_157] : memref<163840xf32, #tpu.memory_space<vmem_shared>> -> memref<640xf32, #tpu.memory_space<vmem_shared>>
      %dma_start3A_206 = tpu.memref_slice %arg16[%add3A_157] : memref<163840xf32, #tpu.memory_space<vmem_shared>> -> memref<640xf32, #tpu.memory_space<vmem_shared>>
      tpu.enqueue_dma source(%dma_start3A_206 : memref<640xf32, #tpu.memory_space<vmem_shared>>) target(%arg10 : memref<640xf32, #tpu.memory_space<vmem>>) target_semaphore(%run_scoped3A : memref<!tpu.dma_semaphore, #tpu.memory_space<semaphore_mem>>)
      %dma_wait3A = tpu.memref_slice %arg16[%add3A_157] : memref<163840xf32, #tpu.memory_space<vmem_shared>> -> memref<640xf32, #tpu.memory_space<vmem_shared>>
      %dma_wait3A_207 = tpu.memref_slice %arg16[%add3A_157] : memref<163840xf32, #tpu.memory_space<vmem_shared>> -> memref<640xf32, #tpu.memory_space<vmem_shared>>
      tpu.wait_dma2 semaphore(%run_scoped3A : memref<!tpu.dma_semaphore, #tpu.memory_space<semaphore_mem>>) src(%dma_wait3A_207 : memref<640xf32, #tpu.memory_space<vmem_shared>>) dst(%arg10 : memref<640xf32, #tpu.memory_space<vmem>>)
      tpu.yield
    }) : () -> ()
    %scan3A_158 = arith.constant 0 : i32
    %scan3A_159 = arith.constant 0 : i32
    %scan3A_160 = arith.constant 40 : i32
    %scan3A_161 = arith.addi %scan3A_159, %scan3A_160 : i32
    %scan3A_162 = arith.constant 1 : i32
    %scan3A_163 = scf.for %scan3A_206 = %scan3A_159 to %scan3A_161 step %scan3A_162 iter_args(%scan3A_207 = %scan3A_158) -> (i32)  : i32 {
      %mul3A_208 = arith.constant 16 : i32
      %mul3A_209 = arith.muli %scan3A_206, %mul3A_208 : i32
      %get3A = arith.index_cast %mul3A_209 : i32 to index
      %get3A_210 = tpu.vector_load %arg9[%get3A] {strides = array<i32>} : memref<640xf32, #tpu.memory_space<vmem>>, vector<16xf32>,
      %mul3A_211 = arith.constant 16 : i32
      %mul3A_212 = arith.muli %scan3A_206, %mul3A_211 : i32
      %get3A_213 = arith.index_cast %mul3A_212 : i32 to index
      %get3A_214 = tpu.vector_load %arg10[%get3A_213] {strides = array<i32>} : memref<640xf32, #tpu.memory_space<vmem>>, vector<16xf32>,
      %add3A_215 = arith.addf %get3A_210, %get3A_214 : vector<16xf32>
      %mul3A_216 = arith.constant 16 : i32
      %mul3A_217 = arith.muli %scan3A_206, %mul3A_216 : i32
      %swap3A = arith.index_cast %mul3A_217 : i32 to index
      %swap3A_218 = tpu.vector_load %arg9[%swap3A] {strides = array<i32>} : memref<640xf32, #tpu.memory_space<vmem>>, vector<16xf32>,
      tpu.vector_store %arg9[%swap3A], %add3A_215 {strides = array<i32>} : memref<640xf32, #tpu.memory_space<vmem>>, vector<16xf32>,
      %scan3A_219 = arith.constant 0 : i32
      scf.yield %scan3A_219 : i32
    }
    %scan3A_164 = arith.constant 40 : i32
    %mul3A_165 = arith.constant 640 : i32
    %mul3A_166 = arith.muli %arg1, %mul3A_165 : i32
    %add3A_167 = arith.constant 143360 : i32
    %add3A_168 = arith.addi %add3A_167, %mul3A_166 : i32
    "tpu.region"() ({
      %run_scoped3A = tpu.sem_alloc : memref<!tpu.dma_semaphore, #tpu.memory_space<semaphore_mem>>
      %dma_start3A = tpu.memref_slice %arg16[%add3A_168] : memref<163840xf32, #tpu.memory_space<vmem_shared>> -> memref<640xf32, #tpu.memory_space<vmem_shared>>
      %dma_start3A_206 = tpu.memref_slice %arg16[%add3A_168] : memref<163840xf32, #tpu.memory_space<vmem_shared>> -> memref<640xf32, #tpu.memory_space<vmem_shared>>
      tpu.enqueue_dma source(%dma_start3A_206 : memref<640xf32, #tpu.memory_space<vmem_shared>>) target(%arg10 : memref<640xf32, #tpu.memory_space<vmem>>) target_semaphore(%run_scoped3A : memref<!tpu.dma_semaphore, #tpu.memory_space<semaphore_mem>>)
      %dma_wait3A = tpu.memref_slice %arg16[%add3A_168] : memref<163840xf32, #tpu.memory_space<vmem_shared>> -> memref<640xf32, #tpu.memory_space<vmem_shared>>
      %dma_wait3A_207 = tpu.memref_slice %arg16[%add3A_168] : memref<163840xf32, #tpu.memory_space<vmem_shared>> -> memref<640xf32, #tpu.memory_space<vmem_shared>>
      tpu.wait_dma2 semaphore(%run_scoped3A : memref<!tpu.dma_semaphore, #tpu.memory_space<semaphore_mem>>) src(%dma_wait3A_207 : memref<640xf32, #tpu.memory_space<vmem_shared>>) dst(%arg10 : memref<640xf32, #tpu.memory_space<vmem>>)
      tpu.yield
    }) : () -> ()
    %scan3A_169 = arith.constant 0 : i32
    %scan3A_170 = arith.constant 0 : i32
    %scan3A_171 = arith.constant 40 : i32
    %scan3A_172 = arith.addi %scan3A_170, %scan3A_171 : i32
    %scan3A_173 = arith.constant 1 : i32
    %scan3A_174 = scf.for %scan3A_206 = %scan3A_170 to %scan3A_172 step %scan3A_173 iter_args(%scan3A_207 = %scan3A_169) -> (i32)  : i32 {
      %mul3A_208 = arith.constant 16 : i32
      %mul3A_209 = arith.muli %scan3A_206, %mul3A_208 : i32
      %get3A = arith.index_cast %mul3A_209 : i32 to index
      %get3A_210 = tpu.vector_load %arg9[%get3A] {strides = array<i32>} : memref<640xf32, #tpu.memory_space<vmem>>, vector<16xf32>,
      %mul3A_211 = arith.constant 16 : i32
      %mul3A_212 = arith.muli %scan3A_206, %mul3A_211 : i32
      %get3A_213 = arith.index_cast %mul3A_212 : i32 to index
      %get3A_214 = tpu.vector_load %arg10[%get3A_213] {strides = array<i32>} : memref<640xf32, #tpu.memory_space<vmem>>, vector<16xf32>,
      %add3A_215 = arith.addf %get3A_210, %get3A_214 : vector<16xf32>
      %mul3A_216 = arith.constant 16 : i32
      %mul3A_217 = arith.muli %scan3A_206, %mul3A_216 : i32
      %swap3A = arith.index_cast %mul3A_217 : i32 to index
      %swap3A_218 = tpu.vector_load %arg9[%swap3A] {strides = array<i32>} : memref<640xf32, #tpu.memory_space<vmem>>, vector<16xf32>,
      tpu.vector_store %arg9[%swap3A], %add3A_215 {strides = array<i32>} : memref<640xf32, #tpu.memory_space<vmem>>, vector<16xf32>,
      %scan3A_219 = arith.constant 0 : i32
      scf.yield %scan3A_219 : i32
    }
    %scan3A_175 = arith.constant 40 : i32
    %mul3A_176 = arith.constant 640 : i32
    %mul3A_177 = arith.muli %arg1, %mul3A_176 : i32
    %add3A_178 = arith.constant 153600 : i32
    %add3A_179 = arith.addi %add3A_178, %mul3A_177 : i32
    "tpu.region"() ({
      %run_scoped3A = tpu.sem_alloc : memref<!tpu.dma_semaphore, #tpu.memory_space<semaphore_mem>>
      %dma_start3A = tpu.memref_slice %arg16[%add3A_179] : memref<163840xf32, #tpu.memory_space<vmem_shared>> -> memref<640xf32, #tpu.memory_space<vmem_shared>>
      %dma_start3A_206 = tpu.memref_slice %arg16[%add3A_179] : memref<163840xf32, #tpu.memory_space<vmem_shared>> -> memref<640xf32, #tpu.memory_space<vmem_shared>>
      tpu.enqueue_dma source(%dma_start3A_206 : memref<640xf32, #tpu.memory_space<vmem_shared>>) target(%arg10 : memref<640xf32, #tpu.memory_space<vmem>>) target_semaphore(%run_scoped3A : memref<!tpu.dma_semaphore, #tpu.memory_space<semaphore_mem>>)
      %dma_wait3A = tpu.memref_slice %arg16[%add3A_179] : memref<163840xf32, #tpu.memory_space<vmem_shared>> -> memref<640xf32, #tpu.memory_space<vmem_shared>>
      %dma_wait3A_207 = tpu.memref_slice %arg16[%add3A_179] : memref<163840xf32, #tpu.memory_space<vmem_shared>> -> memref<640xf32, #tpu.memory_space<vmem_shared>>
      tpu.wait_dma2 semaphore(%run_scoped3A : memref<!tpu.dma_semaphore, #tpu.memory_space<semaphore_mem>>) src(%dma_wait3A_207 : memref<640xf32, #tpu.memory_space<vmem_shared>>) dst(%arg10 : memref<640xf32, #tpu.memory_space<vmem>>)
      tpu.yield
    }) : () -> ()
    %scan3A_180 = arith.constant 0 : i32
    %scan3A_181 = arith.constant 0 : i32
    %scan3A_182 = arith.constant 40 : i32
    %scan3A_183 = arith.addi %scan3A_181, %scan3A_182 : i32
    %scan3A_184 = arith.constant 1 : i32
    %scan3A_185 = scf.for %scan3A_206 = %scan3A_181 to %scan3A_183 step %scan3A_184 iter_args(%scan3A_207 = %scan3A_180) -> (i32)  : i32 {
      %mul3A_208 = arith.constant 16 : i32
      %mul3A_209 = arith.muli %scan3A_206, %mul3A_208 : i32
      %get3A = arith.index_cast %mul3A_209 : i32 to index
      %get3A_210 = tpu.vector_load %arg9[%get3A] {strides = array<i32>} : memref<640xf32, #tpu.memory_space<vmem>>, vector<16xf32>,
      %mul3A_211 = arith.constant 16 : i32
      %mul3A_212 = arith.muli %scan3A_206, %mul3A_211 : i32
      %get3A_213 = arith.index_cast %mul3A_212 : i32 to index
      %get3A_214 = tpu.vector_load %arg10[%get3A_213] {strides = array<i32>} : memref<640xf32, #tpu.memory_space<vmem>>, vector<16xf32>,
      %add3A_215 = arith.addf %get3A_210, %get3A_214 : vector<16xf32>
      %mul3A_216 = arith.constant 16 : i32
      %mul3A_217 = arith.muli %scan3A_206, %mul3A_216 : i32
      %swap3A = arith.index_cast %mul3A_217 : i32 to index
      %swap3A_218 = tpu.vector_load %arg9[%swap3A] {strides = array<i32>} : memref<640xf32, #tpu.memory_space<vmem>>, vector<16xf32>,
      tpu.vector_store %arg9[%swap3A], %add3A_215 {strides = array<i32>} : memref<640xf32, #tpu.memory_space<vmem>>, vector<16xf32>,
      %scan3A_219 = arith.constant 0 : i32
      scf.yield %scan3A_219 : i32
    }
    %scan3A_186 = arith.constant 40 : i32
    %scan3A_187 = arith.constant 0 : i32
    %scan3A_188 = arith.constant 0 : i32
    %scan3A_189 = arith.constant 40 : i32
    %scan3A_190 = arith.addi %scan3A_188, %scan3A_189 : i32
    %scan3A_191 = arith.constant 1 : i32
    %scan3A_192 = scf.for %scan3A_206 = %scan3A_188 to %scan3A_190 step %scan3A_191 iter_args(%scan3A_207 = %scan3A_187) -> (i32)  : i32 {
      %mul3A_208 = arith.constant 16 : i32
      %mul3A_209 = arith.muli %scan3A_206, %mul3A_208 : i32
      %get3A = arith.index_cast %mul3A_209 : i32 to index
      %get3A_210 = tpu.vector_load %arg9[%get3A] {strides = array<i32>} : memref<640xf32, #tpu.memory_space<vmem>>, vector<16xf32>,
      %bitcast3A = vector.bitcast %get3A_210 : vector<16xf32> to vector<16xi32>
      %shift_right_arithmetic3A = arith.constant 1 : i32
      %shift_right_arithmetic3A_211 = vector.broadcast %shift_right_arithmetic3A : i32 to vector<16xi32>
      %shift_right_arithmetic3A_212 = arith.shrsi %bitcast3A, %shift_right_arithmetic3A_211 : vector<16xi32>
      %sub3A = arith.constant 1597463007 : i32
      %sub3A_213 = vector.broadcast %sub3A : i32 to vector<16xi32>
      %sub3A_214 = arith.subi %sub3A_213, %shift_right_arithmetic3A_212 : vector<16xi32>
      %bitcast3A_215 = vector.bitcast %sub3A_214 : vector<16xi32> to vector<16xf32>
      %mul3A_216 = arith.constant 5.000000e-01 : f32
      %mul3A_217 = vector.broadcast %mul3A_216 : f32 to vector<16xf32>
      %mul3A_218 = arith.mulf %mul3A_217, %get3A_210 : vector<16xf32>
      %mul3A_219 = arith.mulf %mul3A_218, %bitcast3A_215 : vector<16xf32>
      %mul3A_220 = arith.mulf %mul3A_219, %bitcast3A_215 : vector<16xf32>
      %sub3A_221 = arith.constant 1.500000e+00 : f32
      %sub3A_222 = vector.broadcast %sub3A_221 : f32 to vector<16xf32>
      %sub3A_223 = arith.subf %sub3A_222, %mul3A_220 : vector<16xf32>
      %mul3A_224 = arith.mulf %bitcast3A_215, %sub3A_223 : vector<16xf32>
      %mul3A_225 = arith.constant 5.000000e-01 : f32
      %mul3A_226 = vector.broadcast %mul3A_225 : f32 to vector<16xf32>
      %mul3A_227 = arith.mulf %mul3A_226, %get3A_210 : vector<16xf32>
      %mul3A_228 = arith.mulf %mul3A_227, %mul3A_224 : vector<16xf32>
      %mul3A_229 = arith.mulf %mul3A_228, %mul3A_224 : vector<16xf32>
      %sub3A_230 = arith.constant 1.500000e+00 : f32
      %sub3A_231 = vector.broadcast %sub3A_230 : f32 to vector<16xf32>
      %sub3A_232 = arith.subf %sub3A_231, %mul3A_229 : vector<16xf32>
      %mul3A_233 = arith.mulf %mul3A_224, %sub3A_232 : vector<16xf32>
      %mul3A_234 = arith.constant 5.000000e-01 : f32
      %mul3A_235 = vector.broadcast %mul3A_234 : f32 to vector<16xf32>
      %mul3A_236 = arith.mulf %mul3A_235, %get3A_210 : vector<16xf32>
      %mul3A_237 = arith.mulf %mul3A_236, %mul3A_233 : vector<16xf32>
      %mul3A_238 = arith.mulf %mul3A_237, %mul3A_233 : vector<16xf32>
      %sub3A_239 = arith.constant 1.500000e+00 : f32
      %sub3A_240 = vector.broadcast %sub3A_239 : f32 to vector<16xf32>
      %sub3A_241 = arith.subf %sub3A_240, %mul3A_238 : vector<16xf32>
      %mul3A_242 = arith.mulf %mul3A_233, %sub3A_241 : vector<16xf32>
      %gt3A = arith.constant 0.000000e+00 : f32
      %gt3A_243 = vector.broadcast %gt3A : f32 to vector<16xf32>
      %gt3A_244 = arith.cmpf ogt, %get3A_210, %gt3A_243 : vector<16xf32>
      %jit3A = arith.constant 0.000000e+00 : f32
      %broadcast_in_dim3A = vector.broadcast %jit3A : f32 to vector<16xf32>
      %select_n3A = arith.select %gt3A_244, %mul3A_242, %broadcast_in_dim3A : vector<16xi1>, vector<16xf32>
      %mul3A_245 = arith.constant 16 : i32
      %mul3A_246 = arith.muli %scan3A_206, %mul3A_245 : i32
      %swap3A = arith.index_cast %mul3A_246 : i32 to index
      %swap3A_247 = tpu.vector_load %arg9[%swap3A] {strides = array<i32>} : memref<640xf32, #tpu.memory_space<vmem>>, vector<16xf32>,
      tpu.vector_store %arg9[%swap3A], %select_n3A {strides = array<i32>} : memref<640xf32, #tpu.memory_space<vmem>>, vector<16xf32>,
      %scan3A_248 = arith.constant 0 : i32
      scf.yield %scan3A_248 : i32
    }
    %scan3A_193 = arith.constant 40 : i32
    %mul3A_194 = arith.constant 640 : i32
    %mul3A_195 = arith.muli %arg1, %mul3A_194 : i32
    "tpu.region"() ({
      %run_scoped3A = tpu.sem_alloc : memref<!tpu.dma_semaphore, #tpu.memory_space<semaphore_mem>>
      %dma_start3A = tpu.memref_slice %arg17[%mul3A_195] : memref<10240xf32, #tpu.memory_space<vmem_shared>> -> memref<640xf32, #tpu.memory_space<vmem_shared>>
      %dma_start3A_206 = tpu.memref_slice %arg17[%mul3A_195] : memref<10240xf32, #tpu.memory_space<vmem_shared>> -> memref<640xf32, #tpu.memory_space<vmem_shared>>
      tpu.enqueue_dma source(%arg9 : memref<640xf32, #tpu.memory_space<vmem>>) target(%dma_start3A_206 : memref<640xf32, #tpu.memory_space<vmem_shared>>) target_semaphore(%run_scoped3A : memref<!tpu.dma_semaphore, #tpu.memory_space<semaphore_mem>>)
      %dma_wait3A = tpu.memref_slice %arg17[%mul3A_195] : memref<10240xf32, #tpu.memory_space<vmem_shared>> -> memref<640xf32, #tpu.memory_space<vmem_shared>>
      %dma_wait3A_207 = tpu.memref_slice %arg17[%mul3A_195] : memref<10240xf32, #tpu.memory_space<vmem_shared>> -> memref<640xf32, #tpu.memory_space<vmem_shared>>
      tpu.wait_dma2 semaphore(%run_scoped3A : memref<!tpu.dma_semaphore, #tpu.memory_space<semaphore_mem>>) src(%arg9 : memref<640xf32, #tpu.memory_space<vmem>>) dst(%dma_wait3A_207 : memref<640xf32, #tpu.memory_space<vmem_shared>>)
      tpu.yield
    }) : () -> ()
    %barrier3A_196 = arith.constant 0 : index
    tpu.barrier barrier_id(%barrier3A_196)
    "tpu.region"() ({
      %run_scoped3A = tpu.sem_alloc : memref<!tpu.dma_semaphore, #tpu.memory_space<semaphore_mem>>
      tpu.enqueue_dma source(%arg17 : memref<10240xf32, #tpu.memory_space<vmem_shared>>) target(%arg11 : memref<10240xf32, #tpu.memory_space<vmem>>) target_semaphore(%run_scoped3A : memref<!tpu.dma_semaphore, #tpu.memory_space<semaphore_mem>>)
      tpu.wait_dma2 semaphore(%run_scoped3A : memref<!tpu.dma_semaphore, #tpu.memory_space<semaphore_mem>>) src(%arg17 : memref<10240xf32, #tpu.memory_space<vmem_shared>>) dst(%arg11 : memref<10240xf32, #tpu.memory_space<vmem>>)
      tpu.yield
    }) : () -> ()
    %mul3A_197 = arith.constant 80 : i32
    %mul3A_198 = arith.muli %add3A, %mul3A_197 : i32
    "tpu.region"() ({
      %run_scoped3A = tpu.sem_alloc : memref<!tpu.dma_semaphore, #tpu.memory_space<semaphore_mem>>
      %dma_start3A = arith.constant 0 : i32
      %dma_start3A_206 = tpu.memref_slice %arg4[%mul3A_198, %dma_start3A] : memref<2560x128xi32, #tpu.memory_space<hbm>> -> memref<80x128xi32, #tpu.memory_space<hbm>>
      %dma_start3A_207 = arith.constant 0 : i32
      %dma_start3A_208 = tpu.memref_slice %arg4[%mul3A_198, %dma_start3A_207] : memref<2560x128xi32, #tpu.memory_space<hbm>> -> memref<80x128xi32, #tpu.memory_space<hbm>>
      tpu.enqueue_dma source(%dma_start3A_208 : memref<80x128xi32, #tpu.memory_space<hbm>>) target(%arg12 : memref<80x128xi32, #tpu.memory_space<vmem>>) target_semaphore(%run_scoped3A : memref<!tpu.dma_semaphore, #tpu.memory_space<semaphore_mem>>)
      %dma_wait3A = arith.constant 0 : i32
      %dma_wait3A_209 = tpu.memref_slice %arg4[%mul3A_198, %dma_wait3A] : memref<2560x128xi32, #tpu.memory_space<hbm>> -> memref<80x128xi32, #tpu.memory_space<hbm>>
      %dma_wait3A_210 = arith.constant 0 : i32
      %dma_wait3A_211 = tpu.memref_slice %arg4[%mul3A_198, %dma_wait3A_210] : memref<2560x128xi32, #tpu.memory_space<hbm>> -> memref<80x128xi32, #tpu.memory_space<hbm>>
      tpu.wait_dma2 semaphore(%run_scoped3A : memref<!tpu.dma_semaphore, #tpu.memory_space<semaphore_mem>>) src(%dma_wait3A_211 : memref<80x128xi32, #tpu.memory_space<hbm>>) dst(%arg12 : memref<80x128xi32, #tpu.memory_space<vmem>>)
      tpu.yield
    }) : () -> ()
    "tpu.region"() ({
      %run_scoped3A = tpu.sem_alloc : memref<!tpu.dma_semaphore, #tpu.memory_space<semaphore_mem>>
      %dma_start3A = arith.constant 0 : i32
      %dma_start3A_206 = tpu.memref_slice %arg2[%mul3A_198, %dma_start3A] : memref<2560x128xi32, #tpu.memory_space<hbm>> -> memref<80x128xi32, #tpu.memory_space<hbm>>
      %dma_start3A_207 = arith.constant 0 : i32
      %dma_start3A_208 = tpu.memref_slice %arg2[%mul3A_198, %dma_start3A_207] : memref<2560x128xi32, #tpu.memory_space<hbm>> -> memref<80x128xi32, #tpu.memory_space<hbm>>
      tpu.enqueue_dma source(%dma_start3A_208 : memref<80x128xi32, #tpu.memory_space<hbm>>) target(%arg13 : memref<80x128xi32, #tpu.memory_space<vmem>>) target_semaphore(%run_scoped3A : memref<!tpu.dma_semaphore, #tpu.memory_space<semaphore_mem>>)
      %dma_wait3A = arith.constant 0 : i32
      %dma_wait3A_209 = tpu.memref_slice %arg2[%mul3A_198, %dma_wait3A] : memref<2560x128xi32, #tpu.memory_space<hbm>> -> memref<80x128xi32, #tpu.memory_space<hbm>>
      %dma_wait3A_210 = arith.constant 0 : i32
      %dma_wait3A_211 = tpu.memref_slice %arg2[%mul3A_198, %dma_wait3A_210] : memref<2560x128xi32, #tpu.memory_space<hbm>> -> memref<80x128xi32, #tpu.memory_space<hbm>>
      tpu.wait_dma2 semaphore(%run_scoped3A : memref<!tpu.dma_semaphore, #tpu.memory_space<semaphore_mem>>) src(%dma_wait3A_211 : memref<80x128xi32, #tpu.memory_space<hbm>>) dst(%arg13 : memref<80x128xi32, #tpu.memory_space<vmem>>)
      tpu.yield
    }) : () -> ()
    "tpu.region"() ({
      %run_scoped3A = tpu.sem_alloc : memref<!tpu.dma_semaphore, #tpu.memory_space<semaphore_mem>>
      %dma_start3A = arith.constant 0 : i32
      %dma_start3A_206 = tpu.memref_slice %arg3[%mul3A_198, %dma_start3A] : memref<2560x128xf32, #tpu.memory_space<hbm>> -> memref<80x128xf32, #tpu.memory_space<hbm>>
      %dma_start3A_207 = arith.constant 0 : i32
      %dma_start3A_208 = tpu.memref_slice %arg3[%mul3A_198, %dma_start3A_207] : memref<2560x128xf32, #tpu.memory_space<hbm>> -> memref<80x128xf32, #tpu.memory_space<hbm>>
      tpu.enqueue_dma source(%dma_start3A_208 : memref<80x128xf32, #tpu.memory_space<hbm>>) target(%arg14 : memref<80x128xf32, #tpu.memory_space<vmem>>) target_semaphore(%run_scoped3A : memref<!tpu.dma_semaphore, #tpu.memory_space<semaphore_mem>>)
      %dma_wait3A = arith.constant 0 : i32
      %dma_wait3A_209 = tpu.memref_slice %arg3[%mul3A_198, %dma_wait3A] : memref<2560x128xf32, #tpu.memory_space<hbm>> -> memref<80x128xf32, #tpu.memory_space<hbm>>
      %dma_wait3A_210 = arith.constant 0 : i32
      %dma_wait3A_211 = tpu.memref_slice %arg3[%mul3A_198, %dma_wait3A_210] : memref<2560x128xf32, #tpu.memory_space<hbm>> -> memref<80x128xf32, #tpu.memory_space<hbm>>
      tpu.wait_dma2 semaphore(%run_scoped3A : memref<!tpu.dma_semaphore, #tpu.memory_space<semaphore_mem>>) src(%dma_wait3A_211 : memref<80x128xf32, #tpu.memory_space<hbm>>) dst(%arg14 : memref<80x128xf32, #tpu.memory_space<vmem>>)
      tpu.yield
    }) : () -> ()
    %scan3A_199 = arith.constant 0 : i32
    %scan3A_200 = arith.constant 0 : i32
    %scan3A_201 = arith.constant 80 : i32
    %scan3A_202 = arith.addi %scan3A_200, %scan3A_201 : i32
    %scan3A_203 = arith.constant 1 : i32
    %scan3A_204 = scf.for %scan3A_206 = %scan3A_200 to %scan3A_202 step %scan3A_203 iter_args(%scan3A_207 = %scan3A_199) -> (i32)  : i32 {
      %get3A = arith.index_cast %scan3A_206 : i32 to index
      %get3A_208 = arith.constant 0 : index
      %get3A_209 = tpu.vector_load %arg12[%get3A, %get3A_208] {strides = array<i32>} : memref<80x128xi32, #tpu.memory_space<vmem>>, vector<16xi32>,
      %get3A_210 = arith.index_cast %scan3A_206 : i32 to index
      %get3A_211 = arith.constant 0 : index
      %get3A_212 = tpu.vector_load %arg13[%get3A_210, %get3A_211] {strides = array<i32>} : memref<80x128xi32, #tpu.memory_space<vmem>>, vector<16xi32>,
      %get3A_213 = arith.index_cast %scan3A_206 : i32 to index
      %get3A_214 = arith.constant 0 : index
      %get3A_215 = tpu.vector_load %arg14[%get3A_213, %get3A_214] {strides = array<i32>} : memref<80x128xf32, #tpu.memory_space<vmem>>, vector<16xf32>,
      %gather3A = tpu.vector_load_idx %arg11[%get3A_209] : memref<10240xf32, #tpu.memory_space<vmem>>[vector<16xi32>], vector<16xf32>,
      %gather3A_216 = tpu.vector_load_idx %arg11[%get3A_212] : memref<10240xf32, #tpu.memory_space<vmem>>[vector<16xi32>], vector<16xf32>,
      %mul3A_217 = arith.mulf %gather3A, %get3A_215 : vector<16xf32>
      %mul3A_218 = arith.mulf %mul3A_217, %gather3A_216 : vector<16xf32>
      %swap3A = arith.index_cast %scan3A_206 : i32 to index
      %swap3A_219 = arith.constant 0 : index
      %swap3A_220 = tpu.vector_load %arg15[%swap3A, %swap3A_219] {strides = array<i32>} : memref<80x128xf32, #tpu.memory_space<vmem>>, vector<16xf32>,
      tpu.vector_store %arg15[%swap3A, %swap3A_219], %mul3A_218 {strides = array<i32>} : memref<80x128xf32, #tpu.memory_space<vmem>>, vector<16xf32>,
      %get3A_221 = arith.index_cast %scan3A_206 : i32 to index
      %get3A_222 = arith.constant 16 : index
      %get3A_223 = tpu.vector_load %arg12[%get3A_221, %get3A_222] {strides = array<i32>} : memref<80x128xi32, #tpu.memory_space<vmem>>, vector<16xi32>,
      %get3A_224 = arith.index_cast %scan3A_206 : i32 to index
      %get3A_225 = arith.constant 16 : index
      %get3A_226 = tpu.vector_load %arg13[%get3A_224, %get3A_225] {strides = array<i32>} : memref<80x128xi32, #tpu.memory_space<vmem>>, vector<16xi32>,
      %get3A_227 = arith.index_cast %scan3A_206 : i32 to index
      %get3A_228 = arith.constant 16 : index
      %get3A_229 = tpu.vector_load %arg14[%get3A_227, %get3A_228] {strides = array<i32>} : memref<80x128xf32, #tpu.memory_space<vmem>>, vector<16xf32>,
      %gather3A_230 = tpu.vector_load_idx %arg11[%get3A_223] : memref<10240xf32, #tpu.memory_space<vmem>>[vector<16xi32>], vector<16xf32>,
      %gather3A_231 = tpu.vector_load_idx %arg11[%get3A_226] : memref<10240xf32, #tpu.memory_space<vmem>>[vector<16xi32>], vector<16xf32>,
      %mul3A_232 = arith.mulf %gather3A_230, %get3A_229 : vector<16xf32>
      %mul3A_233 = arith.mulf %mul3A_232, %gather3A_231 : vector<16xf32>
      %swap3A_234 = arith.index_cast %scan3A_206 : i32 to index
      %swap3A_235 = arith.constant 16 : index
      %swap3A_236 = tpu.vector_load %arg15[%swap3A_234, %swap3A_235] {strides = array<i32>} : memref<80x128xf32, #tpu.memory_space<vmem>>, vector<16xf32>,
      tpu.vector_store %arg15[%swap3A_234, %swap3A_235], %mul3A_233 {strides = array<i32>} : memref<80x128xf32, #tpu.memory_space<vmem>>, vector<16xf32>,
      %get3A_237 = arith.index_cast %scan3A_206 : i32 to index
      %get3A_238 = arith.constant 32 : index
      %get3A_239 = tpu.vector_load %arg12[%get3A_237, %get3A_238] {strides = array<i32>} : memref<80x128xi32, #tpu.memory_space<vmem>>, vector<16xi32>,
      %get3A_240 = arith.index_cast %scan3A_206 : i32 to index
      %get3A_241 = arith.constant 32 : index
      %get3A_242 = tpu.vector_load %arg13[%get3A_240, %get3A_241] {strides = array<i32>} : memref<80x128xi32, #tpu.memory_space<vmem>>, vector<16xi32>,
      %get3A_243 = arith.index_cast %scan3A_206 : i32 to index
      %get3A_244 = arith.constant 32 : index
      %get3A_245 = tpu.vector_load %arg14[%get3A_243, %get3A_244] {strides = array<i32>} : memref<80x128xf32, #tpu.memory_space<vmem>>, vector<16xf32>,
      %gather3A_246 = tpu.vector_load_idx %arg11[%get3A_239] : memref<10240xf32, #tpu.memory_space<vmem>>[vector<16xi32>], vector<16xf32>,
      %gather3A_247 = tpu.vector_load_idx %arg11[%get3A_242] : memref<10240xf32, #tpu.memory_space<vmem>>[vector<16xi32>], vector<16xf32>,
      %mul3A_248 = arith.mulf %gather3A_246, %get3A_245 : vector<16xf32>
      %mul3A_249 = arith.mulf %mul3A_248, %gather3A_247 : vector<16xf32>
      %swap3A_250 = arith.index_cast %scan3A_206 : i32 to index
      %swap3A_251 = arith.constant 32 : index
      %swap3A_252 = tpu.vector_load %arg15[%swap3A_250, %swap3A_251] {strides = array<i32>} : memref<80x128xf32, #tpu.memory_space<vmem>>, vector<16xf32>,
      tpu.vector_store %arg15[%swap3A_250, %swap3A_251], %mul3A_249 {strides = array<i32>} : memref<80x128xf32, #tpu.memory_space<vmem>>, vector<16xf32>,
      %get3A_253 = arith.index_cast %scan3A_206 : i32 to index
      %get3A_254 = arith.constant 48 : index
      %get3A_255 = tpu.vector_load %arg12[%get3A_253, %get3A_254] {strides = array<i32>} : memref<80x128xi32, #tpu.memory_space<vmem>>, vector<16xi32>,
      %get3A_256 = arith.index_cast %scan3A_206 : i32 to index
      %get3A_257 = arith.constant 48 : index
      %get3A_258 = tpu.vector_load %arg13[%get3A_256, %get3A_257] {strides = array<i32>} : memref<80x128xi32, #tpu.memory_space<vmem>>, vector<16xi32>,
      %get3A_259 = arith.index_cast %scan3A_206 : i32 to index
      %get3A_260 = arith.constant 48 : index
      %get3A_261 = tpu.vector_load %arg14[%get3A_259, %get3A_260] {strides = array<i32>} : memref<80x128xf32, #tpu.memory_space<vmem>>, vector<16xf32>,
      %gather3A_262 = tpu.vector_load_idx %arg11[%get3A_255] : memref<10240xf32, #tpu.memory_space<vmem>>[vector<16xi32>], vector<16xf32>,
      %gather3A_263 = tpu.vector_load_idx %arg11[%get3A_258] : memref<10240xf32, #tpu.memory_space<vmem>>[vector<16xi32>], vector<16xf32>,
      %mul3A_264 = arith.mulf %gather3A_262, %get3A_261 : vector<16xf32>
      %mul3A_265 = arith.mulf %mul3A_264, %gather3A_263 : vector<16xf32>
      %swap3A_266 = arith.index_cast %scan3A_206 : i32 to index
      %swap3A_267 = arith.constant 48 : index
      %swap3A_268 = tpu.vector_load %arg15[%swap3A_266, %swap3A_267] {strides = array<i32>} : memref<80x128xf32, #tpu.memory_space<vmem>>, vector<16xf32>,
      tpu.vector_store %arg15[%swap3A_266, %swap3A_267], %mul3A_265 {strides = array<i32>} : memref<80x128xf32, #tpu.memory_space<vmem>>, vector<16xf32>,
      %get3A_269 = arith.index_cast %scan3A_206 : i32 to index
      %get3A_270 = arith.constant 64 : index
      %get3A_271 = tpu.vector_load %arg12[%get3A_269, %get3A_270] {strides = array<i32>} : memref<80x128xi32, #tpu.memory_space<vmem>>, vector<16xi32>,
      %get3A_272 = arith.index_cast %scan3A_206 : i32 to index
      %get3A_273 = arith.constant 64 : index
      %get3A_274 = tpu.vector_load %arg13[%get3A_272, %get3A_273] {strides = array<i32>} : memref<80x128xi32, #tpu.memory_space<vmem>>, vector<16xi32>,
      %get3A_275 = arith.index_cast %scan3A_206 : i32 to index
      %get3A_276 = arith.constant 64 : index
      %get3A_277 = tpu.vector_load %arg14[%get3A_275, %get3A_276] {strides = array<i32>} : memref<80x128xf32, #tpu.memory_space<vmem>>, vector<16xf32>,
      %gather3A_278 = tpu.vector_load_idx %arg11[%get3A_271] : memref<10240xf32, #tpu.memory_space<vmem>>[vector<16xi32>], vector<16xf32>,
      %gather3A_279 = tpu.vector_load_idx %arg11[%get3A_274] : memref<10240xf32, #tpu.memory_space<vmem>>[vector<16xi32>], vector<16xf32>,
      %mul3A_280 = arith.mulf %gather3A_278, %get3A_277 : vector<16xf32>
      %mul3A_281 = arith.mulf %mul3A_280, %gather3A_279 : vector<16xf32>
      %swap3A_282 = arith.index_cast %scan3A_206 : i32 to index
      %swap3A_283 = arith.constant 64 : index
      %swap3A_284 = tpu.vector_load %arg15[%swap3A_282, %swap3A_283] {strides = array<i32>} : memref<80x128xf32, #tpu.memory_space<vmem>>, vector<16xf32>,
      tpu.vector_store %arg15[%swap3A_282, %swap3A_283], %mul3A_281 {strides = array<i32>} : memref<80x128xf32, #tpu.memory_space<vmem>>, vector<16xf32>,
      %get3A_285 = arith.index_cast %scan3A_206 : i32 to index
      %get3A_286 = arith.constant 80 : index
      %get3A_287 = tpu.vector_load %arg12[%get3A_285, %get3A_286] {strides = array<i32>} : memref<80x128xi32, #tpu.memory_space<vmem>>, vector<16xi32>,
      %get3A_288 = arith.index_cast %scan3A_206 : i32 to index
      %get3A_289 = arith.constant 80 : index
      %get3A_290 = tpu.vector_load %arg13[%get3A_288, %get3A_289] {strides = array<i32>} : memref<80x128xi32, #tpu.memory_space<vmem>>, vector<16xi32>,
      %get3A_291 = arith.index_cast %scan3A_206 : i32 to index
      %get3A_292 = arith.constant 80 : index
      %get3A_293 = tpu.vector_load %arg14[%get3A_291, %get3A_292] {strides = array<i32>} : memref<80x128xf32, #tpu.memory_space<vmem>>, vector<16xf32>,
      %gather3A_294 = tpu.vector_load_idx %arg11[%get3A_287] : memref<10240xf32, #tpu.memory_space<vmem>>[vector<16xi32>], vector<16xf32>,
      %gather3A_295 = tpu.vector_load_idx %arg11[%get3A_290] : memref<10240xf32, #tpu.memory_space<vmem>>[vector<16xi32>], vector<16xf32>,
      %mul3A_296 = arith.mulf %gather3A_294, %get3A_293 : vector<16xf32>
      %mul3A_297 = arith.mulf %mul3A_296, %gather3A_295 : vector<16xf32>
      %swap3A_298 = arith.index_cast %scan3A_206 : i32 to index
      %swap3A_299 = arith.constant 80 : index
      %swap3A_300 = tpu.vector_load %arg15[%swap3A_298, %swap3A_299] {strides = array<i32>} : memref<80x128xf32, #tpu.memory_space<vmem>>, vector<16xf32>,
      tpu.vector_store %arg15[%swap3A_298, %swap3A_299], %mul3A_297 {strides = array<i32>} : memref<80x128xf32, #tpu.memory_space<vmem>>, vector<16xf32>,
      %get3A_301 = arith.index_cast %scan3A_206 : i32 to index
      %get3A_302 = arith.constant 96 : index
      %get3A_303 = tpu.vector_load %arg12[%get3A_301, %get3A_302] {strides = array<i32>} : memref<80x128xi32, #tpu.memory_space<vmem>>, vector<16xi32>,
      %get3A_304 = arith.index_cast %scan3A_206 : i32 to index
      %get3A_305 = arith.constant 96 : index
      %get3A_306 = tpu.vector_load %arg13[%get3A_304, %get3A_305] {strides = array<i32>} : memref<80x128xi32, #tpu.memory_space<vmem>>, vector<16xi32>,
      %get3A_307 = arith.index_cast %scan3A_206 : i32 to index
      %get3A_308 = arith.constant 96 : index
      %get3A_309 = tpu.vector_load %arg14[%get3A_307, %get3A_308] {strides = array<i32>} : memref<80x128xf32, #tpu.memory_space<vmem>>, vector<16xf32>,
      %gather3A_310 = tpu.vector_load_idx %arg11[%get3A_303] : memref<10240xf32, #tpu.memory_space<vmem>>[vector<16xi32>], vector<16xf32>,
      %gather3A_311 = tpu.vector_load_idx %arg11[%get3A_306] : memref<10240xf32, #tpu.memory_space<vmem>>[vector<16xi32>], vector<16xf32>,
      %mul3A_312 = arith.mulf %gather3A_310, %get3A_309 : vector<16xf32>
      %mul3A_313 = arith.mulf %mul3A_312, %gather3A_311 : vector<16xf32>
      %swap3A_314 = arith.index_cast %scan3A_206 : i32 to index
      %swap3A_315 = arith.constant 96 : index
      %swap3A_316 = tpu.vector_load %arg15[%swap3A_314, %swap3A_315] {strides = array<i32>} : memref<80x128xf32, #tpu.memory_space<vmem>>, vector<16xf32>,
      tpu.vector_store %arg15[%swap3A_314, %swap3A_315], %mul3A_313 {strides = array<i32>} : memref<80x128xf32, #tpu.memory_space<vmem>>, vector<16xf32>,
      %get3A_317 = arith.index_cast %scan3A_206 : i32 to index
      %get3A_318 = arith.constant 112 : index
      %get3A_319 = tpu.vector_load %arg12[%get3A_317, %get3A_318] {strides = array<i32>} : memref<80x128xi32, #tpu.memory_space<vmem>>, vector<16xi32>,
      %get3A_320 = arith.index_cast %scan3A_206 : i32 to index
      %get3A_321 = arith.constant 112 : index
      %get3A_322 = tpu.vector_load %arg13[%get3A_320, %get3A_321] {strides = array<i32>} : memref<80x128xi32, #tpu.memory_space<vmem>>, vector<16xi32>,
      %get3A_323 = arith.index_cast %scan3A_206 : i32 to index
      %get3A_324 = arith.constant 112 : index
      %get3A_325 = tpu.vector_load %arg14[%get3A_323, %get3A_324] {strides = array<i32>} : memref<80x128xf32, #tpu.memory_space<vmem>>, vector<16xf32>,
      %gather3A_326 = tpu.vector_load_idx %arg11[%get3A_319] : memref<10240xf32, #tpu.memory_space<vmem>>[vector<16xi32>], vector<16xf32>,
      %gather3A_327 = tpu.vector_load_idx %arg11[%get3A_322] : memref<10240xf32, #tpu.memory_space<vmem>>[vector<16xi32>], vector<16xf32>,
      %mul3A_328 = arith.mulf %gather3A_326, %get3A_325 : vector<16xf32>
      %mul3A_329 = arith.mulf %mul3A_328, %gather3A_327 : vector<16xf32>
      %swap3A_330 = arith.index_cast %scan3A_206 : i32 to index
      %swap3A_331 = arith.constant 112 : index
      %swap3A_332 = tpu.vector_load %arg15[%swap3A_330, %swap3A_331] {strides = array<i32>} : memref<80x128xf32, #tpu.memory_space<vmem>>, vector<16xf32>,
      tpu.vector_store %arg15[%swap3A_330, %swap3A_331], %mul3A_329 {strides = array<i32>} : memref<80x128xf32, #tpu.memory_space<vmem>>, vector<16xf32>,
      %scan3A_333 = arith.constant 0 : i32
      scf.yield %scan3A_333 : i32
    }
    %scan3A_205 = arith.constant 80 : i32
    "tpu.region"() ({
      %run_scoped3A = tpu.sem_alloc : memref<!tpu.dma_semaphore, #tpu.memory_space<semaphore_mem>>
      %dma_start3A = arith.constant 0 : i32
      %dma_start3A_206 = tpu.memref_slice %arg5[%mul3A_198, %dma_start3A] : memref<2560x128xf32, #tpu.memory_space<hbm>> -> memref<80x128xf32, #tpu.memory_space<hbm>>
      %dma_start3A_207 = arith.constant 0 : i32
      %dma_start3A_208 = tpu.memref_slice %arg5[%mul3A_198, %dma_start3A_207] : memref<2560x128xf32, #tpu.memory_space<hbm>> -> memref<80x128xf32, #tpu.memory_space<hbm>>
      tpu.enqueue_dma source(%arg15 : memref<80x128xf32, #tpu.memory_space<vmem>>) target(%dma_start3A_208 : memref<80x128xf32, #tpu.memory_space<hbm>>) target_semaphore(%run_scoped3A : memref<!tpu.dma_semaphore, #tpu.memory_space<semaphore_mem>>)
      %dma_wait3A = arith.constant 0 : i32
      %dma_wait3A_209 = tpu.memref_slice %arg5[%mul3A_198, %dma_wait3A] : memref<2560x128xf32, #tpu.memory_space<hbm>> -> memref<80x128xf32, #tpu.memory_space<hbm>>
      %dma_wait3A_210 = arith.constant 0 : i32
      %dma_wait3A_211 = tpu.memref_slice %arg5[%mul3A_198, %dma_wait3A_210] : memref<2560x128xf32, #tpu.memory_space<hbm>> -> memref<80x128xf32, #tpu.memory_space<hbm>>
      tpu.wait_dma2 semaphore(%run_scoped3A : memref<!tpu.dma_semaphore, #tpu.memory_space<semaphore_mem>>) src(%arg15 : memref<80x128xf32, #tpu.memory_space<vmem>>) dst(%dma_wait3A_211 : memref<80x128xf32, #tpu.memory_space<hbm>>)
      tpu.yield
    }) : () -> ()
    return
  }
}

#map = affine_map<(d0, d1) -> (0, 0)>
#map1 = affine_map<(d0, d1) -> (0, 0, 0)>
module attributes {stable_mosaic.version = 14 : i64} {
  func.func @_msg_body(%arg0: i32, %arg1: i32, %arg2: memref<10240x128xf32, #tpu.memory_space<hbm>>, %arg3: memref<2560x128xi32, #tpu.memory_space<hbm>>, %arg4: memref<2560x128xi32, #tpu.memory_space<hbm>>, %arg5: memref<2560x128xf32, #tpu.memory_space<hbm>>, %arg6: memref<2x10240x128xf32, #tpu.memory_space<hbm>>, %arg7: memref<80x128xi32, #tpu.memory_space<vmem>>, %arg8: memref<80x128xi32, #tpu.memory_space<vmem>>, %arg9: memref<80x128xf32, #tpu.memory_space<vmem>>, %arg10: memref<128x128xf32, #tpu.memory_space<vmem>>, %arg11: memref<10240x128xf32, #tpu.memory_space<vmem_shared>>, %arg12: memref<!tpu.dma_semaphore, #tpu.memory_space<semaphore_mem>>) attributes {dimension_semantics = [#tpu.dimension_semantics<core_parallel>, #tpu.dimension_semantics<subcore_parallel>], iteration_bounds = array<i64: 2, 16>, scalar_prefetch = 0 : i64, scratch_operands = 6 : i64, tpu.core_type = #tpu.core_type<sc_vector_subcore>, window_params = [{transform_indices = #map}, {transform_indices = #map}, {transform_indices = #map}, {transform_indices = #map}, {transform_indices = #map1}]} {
    %mul3A = arith.constant 16 : i32
    %mul3A_0 = arith.muli %arg0, %mul3A : i32
    %add3A = arith.addi %mul3A_0, %arg1 : i32
    %scan3A = arith.constant 0 : i32
    %scan3A_1 = arith.constant 0 : i32
    %scan3A_2 = arith.constant 128 : i32
    %scan3A_3 = arith.addi %scan3A_1, %scan3A_2 : i32
    %scan3A_4 = arith.constant 1 : i32
    %scan3A_5 = scf.for %scan3A_41 = %scan3A_1 to %scan3A_3 step %scan3A_4 iter_args(%scan3A_42 = %scan3A) -> (i32)  : i32 {
      %broadcast_in_dim3A = arith.constant 0.000000e+00 : f32
      %broadcast_in_dim3A_43 = vector.broadcast %broadcast_in_dim3A : f32 to vector<16xf32>
      %swap3A = arith.index_cast %scan3A_41 : i32 to index
      %swap3A_44 = arith.constant 0 : index
      %swap3A_45 = tpu.vector_load %arg10[%swap3A, %swap3A_44] {strides = array<i32>} : memref<128x128xf32, #tpu.memory_space<vmem>>, vector<16xf32>,
      tpu.vector_store %arg10[%swap3A, %swap3A_44], %broadcast_in_dim3A_43 {strides = array<i32>} : memref<128x128xf32, #tpu.memory_space<vmem>>, vector<16xf32>,
      %broadcast_in_dim3A_46 = arith.constant 0.000000e+00 : f32
      %broadcast_in_dim3A_47 = vector.broadcast %broadcast_in_dim3A_46 : f32 to vector<16xf32>
      %swap3A_48 = arith.index_cast %scan3A_41 : i32 to index
      %swap3A_49 = arith.constant 16 : index
      %swap3A_50 = tpu.vector_load %arg10[%swap3A_48, %swap3A_49] {strides = array<i32>} : memref<128x128xf32, #tpu.memory_space<vmem>>, vector<16xf32>,
      tpu.vector_store %arg10[%swap3A_48, %swap3A_49], %broadcast_in_dim3A_47 {strides = array<i32>} : memref<128x128xf32, #tpu.memory_space<vmem>>, vector<16xf32>,
      %broadcast_in_dim3A_51 = arith.constant 0.000000e+00 : f32
      %broadcast_in_dim3A_52 = vector.broadcast %broadcast_in_dim3A_51 : f32 to vector<16xf32>
      %swap3A_53 = arith.index_cast %scan3A_41 : i32 to index
      %swap3A_54 = arith.constant 32 : index
      %swap3A_55 = tpu.vector_load %arg10[%swap3A_53, %swap3A_54] {strides = array<i32>} : memref<128x128xf32, #tpu.memory_space<vmem>>, vector<16xf32>,
      tpu.vector_store %arg10[%swap3A_53, %swap3A_54], %broadcast_in_dim3A_52 {strides = array<i32>} : memref<128x128xf32, #tpu.memory_space<vmem>>, vector<16xf32>,
      %broadcast_in_dim3A_56 = arith.constant 0.000000e+00 : f32
      %broadcast_in_dim3A_57 = vector.broadcast %broadcast_in_dim3A_56 : f32 to vector<16xf32>
      %swap3A_58 = arith.index_cast %scan3A_41 : i32 to index
      %swap3A_59 = arith.constant 48 : index
      %swap3A_60 = tpu.vector_load %arg10[%swap3A_58, %swap3A_59] {strides = array<i32>} : memref<128x128xf32, #tpu.memory_space<vmem>>, vector<16xf32>,
      tpu.vector_store %arg10[%swap3A_58, %swap3A_59], %broadcast_in_dim3A_57 {strides = array<i32>} : memref<128x128xf32, #tpu.memory_space<vmem>>, vector<16xf32>,
      %broadcast_in_dim3A_61 = arith.constant 0.000000e+00 : f32
      %broadcast_in_dim3A_62 = vector.broadcast %broadcast_in_dim3A_61 : f32 to vector<16xf32>
      %swap3A_63 = arith.index_cast %scan3A_41 : i32 to index
      %swap3A_64 = arith.constant 64 : index
      %swap3A_65 = tpu.vector_load %arg10[%swap3A_63, %swap3A_64] {strides = array<i32>} : memref<128x128xf32, #tpu.memory_space<vmem>>, vector<16xf32>,
      tpu.vector_store %arg10[%swap3A_63, %swap3A_64], %broadcast_in_dim3A_62 {strides = array<i32>} : memref<128x128xf32, #tpu.memory_space<vmem>>, vector<16xf32>,
      %broadcast_in_dim3A_66 = arith.constant 0.000000e+00 : f32
      %broadcast_in_dim3A_67 = vector.broadcast %broadcast_in_dim3A_66 : f32 to vector<16xf32>
      %swap3A_68 = arith.index_cast %scan3A_41 : i32 to index
      %swap3A_69 = arith.constant 80 : index
      %swap3A_70 = tpu.vector_load %arg10[%swap3A_68, %swap3A_69] {strides = array<i32>} : memref<128x128xf32, #tpu.memory_space<vmem>>, vector<16xf32>,
      tpu.vector_store %arg10[%swap3A_68, %swap3A_69], %broadcast_in_dim3A_67 {strides = array<i32>} : memref<128x128xf32, #tpu.memory_space<vmem>>, vector<16xf32>,
      %broadcast_in_dim3A_71 = arith.constant 0.000000e+00 : f32
      %broadcast_in_dim3A_72 = vector.broadcast %broadcast_in_dim3A_71 : f32 to vector<16xf32>
      %swap3A_73 = arith.index_cast %scan3A_41 : i32 to index
      %swap3A_74 = arith.constant 96 : index
      %swap3A_75 = tpu.vector_load %arg10[%swap3A_73, %swap3A_74] {strides = array<i32>} : memref<128x128xf32, #tpu.memory_space<vmem>>, vector<16xf32>,
      tpu.vector_store %arg10[%swap3A_73, %swap3A_74], %broadcast_in_dim3A_72 {strides = array<i32>} : memref<128x128xf32, #tpu.memory_space<vmem>>, vector<16xf32>,
      %broadcast_in_dim3A_76 = arith.constant 0.000000e+00 : f32
      %broadcast_in_dim3A_77 = vector.broadcast %broadcast_in_dim3A_76 : f32 to vector<16xf32>
      %swap3A_78 = arith.index_cast %scan3A_41 : i32 to index
      %swap3A_79 = arith.constant 112 : index
      %swap3A_80 = tpu.vector_load %arg10[%swap3A_78, %swap3A_79] {strides = array<i32>} : memref<128x128xf32, #tpu.memory_space<vmem>>, vector<16xf32>,
      tpu.vector_store %arg10[%swap3A_78, %swap3A_79], %broadcast_in_dim3A_77 {strides = array<i32>} : memref<128x128xf32, #tpu.memory_space<vmem>>, vector<16xf32>,
      %scan3A_81 = arith.constant 0 : i32
      scf.yield %scan3A_81 : i32
    }
    %scan3A_6 = arith.constant 128 : i32
    %mul3A_7 = arith.constant 640 : i32
    %mul3A_8 = arith.muli %arg1, %mul3A_7 : i32
    %add3A_9 = arith.constant 0 : i32
    %add3A_10 = arith.addi %mul3A_8, %add3A_9 : i32
    "tpu.region"() ({
      %run_scoped3A = tpu.sem_alloc : memref<!tpu.dma_semaphore, #tpu.memory_space<semaphore_mem>>
      %dma_start3A = arith.constant 0 : i32
      %dma_start3A_41 = tpu.memref_slice %arg11[%add3A_10, %dma_start3A] : memref<10240x128xf32, #tpu.memory_space<vmem_shared>> -> memref<128x128xf32, #tpu.memory_space<vmem_shared>>
      %dma_start3A_42 = arith.constant 0 : i32
      %dma_start3A_43 = tpu.memref_slice %arg11[%add3A_10, %dma_start3A_42] : memref<10240x128xf32, #tpu.memory_space<vmem_shared>> -> memref<128x128xf32, #tpu.memory_space<vmem_shared>>
      tpu.enqueue_dma source(%arg10 : memref<128x128xf32, #tpu.memory_space<vmem>>) target(%dma_start3A_43 : memref<128x128xf32, #tpu.memory_space<vmem_shared>>) target_semaphore(%run_scoped3A : memref<!tpu.dma_semaphore, #tpu.memory_space<semaphore_mem>>)
      %dma_wait3A = arith.constant 0 : i32
      %dma_wait3A_44 = tpu.memref_slice %arg11[%add3A_10, %dma_wait3A] : memref<10240x128xf32, #tpu.memory_space<vmem_shared>> -> memref<128x128xf32, #tpu.memory_space<vmem_shared>>
      %dma_wait3A_45 = arith.constant 0 : i32
      %dma_wait3A_46 = tpu.memref_slice %arg11[%add3A_10, %dma_wait3A_45] : memref<10240x128xf32, #tpu.memory_space<vmem_shared>> -> memref<128x128xf32, #tpu.memory_space<vmem_shared>>
      tpu.wait_dma2 semaphore(%run_scoped3A : memref<!tpu.dma_semaphore, #tpu.memory_space<semaphore_mem>>) src(%arg10 : memref<128x128xf32, #tpu.memory_space<vmem>>) dst(%dma_wait3A_46 : memref<128x128xf32, #tpu.memory_space<vmem_shared>>)
      tpu.yield
    }) : () -> ()
    %mul3A_11 = arith.constant 640 : i32
    %mul3A_12 = arith.muli %arg1, %mul3A_11 : i32
    %add3A_13 = arith.constant 128 : i32
    %add3A_14 = arith.addi %mul3A_12, %add3A_13 : i32
    "tpu.region"() ({
      %run_scoped3A = tpu.sem_alloc : memref<!tpu.dma_semaphore, #tpu.memory_space<semaphore_mem>>
      %dma_start3A = arith.constant 0 : i32
      %dma_start3A_41 = tpu.memref_slice %arg11[%add3A_14, %dma_start3A] : memref<10240x128xf32, #tpu.memory_space<vmem_shared>> -> memref<128x128xf32, #tpu.memory_space<vmem_shared>>
      %dma_start3A_42 = arith.constant 0 : i32
      %dma_start3A_43 = tpu.memref_slice %arg11[%add3A_14, %dma_start3A_42] : memref<10240x128xf32, #tpu.memory_space<vmem_shared>> -> memref<128x128xf32, #tpu.memory_space<vmem_shared>>
      tpu.enqueue_dma source(%arg10 : memref<128x128xf32, #tpu.memory_space<vmem>>) target(%dma_start3A_43 : memref<128x128xf32, #tpu.memory_space<vmem_shared>>) target_semaphore(%run_scoped3A : memref<!tpu.dma_semaphore, #tpu.memory_space<semaphore_mem>>)
      %dma_wait3A = arith.constant 0 : i32
      %dma_wait3A_44 = tpu.memref_slice %arg11[%add3A_14, %dma_wait3A] : memref<10240x128xf32, #tpu.memory_space<vmem_shared>> -> memref<128x128xf32, #tpu.memory_space<vmem_shared>>
      %dma_wait3A_45 = arith.constant 0 : i32
      %dma_wait3A_46 = tpu.memref_slice %arg11[%add3A_14, %dma_wait3A_45] : memref<10240x128xf32, #tpu.memory_space<vmem_shared>> -> memref<128x128xf32, #tpu.memory_space<vmem_shared>>
      tpu.wait_dma2 semaphore(%run_scoped3A : memref<!tpu.dma_semaphore, #tpu.memory_space<semaphore_mem>>) src(%arg10 : memref<128x128xf32, #tpu.memory_space<vmem>>) dst(%dma_wait3A_46 : memref<128x128xf32, #tpu.memory_space<vmem_shared>>)
      tpu.yield
    }) : () -> ()
    %mul3A_15 = arith.constant 640 : i32
    %mul3A_16 = arith.muli %arg1, %mul3A_15 : i32
    %add3A_17 = arith.constant 256 : i32
    %add3A_18 = arith.addi %mul3A_16, %add3A_17 : i32
    "tpu.region"() ({
      %run_scoped3A = tpu.sem_alloc : memref<!tpu.dma_semaphore, #tpu.memory_space<semaphore_mem>>
      %dma_start3A = arith.constant 0 : i32
      %dma_start3A_41 = tpu.memref_slice %arg11[%add3A_18, %dma_start3A] : memref<10240x128xf32, #tpu.memory_space<vmem_shared>> -> memref<128x128xf32, #tpu.memory_space<vmem_shared>>
      %dma_start3A_42 = arith.constant 0 : i32
      %dma_start3A_43 = tpu.memref_slice %arg11[%add3A_18, %dma_start3A_42] : memref<10240x128xf32, #tpu.memory_space<vmem_shared>> -> memref<128x128xf32, #tpu.memory_space<vmem_shared>>
      tpu.enqueue_dma source(%arg10 : memref<128x128xf32, #tpu.memory_space<vmem>>) target(%dma_start3A_43 : memref<128x128xf32, #tpu.memory_space<vmem_shared>>) target_semaphore(%run_scoped3A : memref<!tpu.dma_semaphore, #tpu.memory_space<semaphore_mem>>)
      %dma_wait3A = arith.constant 0 : i32
      %dma_wait3A_44 = tpu.memref_slice %arg11[%add3A_18, %dma_wait3A] : memref<10240x128xf32, #tpu.memory_space<vmem_shared>> -> memref<128x128xf32, #tpu.memory_space<vmem_shared>>
      %dma_wait3A_45 = arith.constant 0 : i32
      %dma_wait3A_46 = tpu.memref_slice %arg11[%add3A_18, %dma_wait3A_45] : memref<10240x128xf32, #tpu.memory_space<vmem_shared>> -> memref<128x128xf32, #tpu.memory_space<vmem_shared>>
      tpu.wait_dma2 semaphore(%run_scoped3A : memref<!tpu.dma_semaphore, #tpu.memory_space<semaphore_mem>>) src(%arg10 : memref<128x128xf32, #tpu.memory_space<vmem>>) dst(%dma_wait3A_46 : memref<128x128xf32, #tpu.memory_space<vmem_shared>>)
      tpu.yield
    }) : () -> ()
    %mul3A_19 = arith.constant 640 : i32
    %mul3A_20 = arith.muli %arg1, %mul3A_19 : i32
    %add3A_21 = arith.constant 384 : i32
    %add3A_22 = arith.addi %mul3A_20, %add3A_21 : i32
    "tpu.region"() ({
      %run_scoped3A = tpu.sem_alloc : memref<!tpu.dma_semaphore, #tpu.memory_space<semaphore_mem>>
      %dma_start3A = arith.constant 0 : i32
      %dma_start3A_41 = tpu.memref_slice %arg11[%add3A_22, %dma_start3A] : memref<10240x128xf32, #tpu.memory_space<vmem_shared>> -> memref<128x128xf32, #tpu.memory_space<vmem_shared>>
      %dma_start3A_42 = arith.constant 0 : i32
      %dma_start3A_43 = tpu.memref_slice %arg11[%add3A_22, %dma_start3A_42] : memref<10240x128xf32, #tpu.memory_space<vmem_shared>> -> memref<128x128xf32, #tpu.memory_space<vmem_shared>>
      tpu.enqueue_dma source(%arg10 : memref<128x128xf32, #tpu.memory_space<vmem>>) target(%dma_start3A_43 : memref<128x128xf32, #tpu.memory_space<vmem_shared>>) target_semaphore(%run_scoped3A : memref<!tpu.dma_semaphore, #tpu.memory_space<semaphore_mem>>)
      %dma_wait3A = arith.constant 0 : i32
      %dma_wait3A_44 = tpu.memref_slice %arg11[%add3A_22, %dma_wait3A] : memref<10240x128xf32, #tpu.memory_space<vmem_shared>> -> memref<128x128xf32, #tpu.memory_space<vmem_shared>>
      %dma_wait3A_45 = arith.constant 0 : i32
      %dma_wait3A_46 = tpu.memref_slice %arg11[%add3A_22, %dma_wait3A_45] : memref<10240x128xf32, #tpu.memory_space<vmem_shared>> -> memref<128x128xf32, #tpu.memory_space<vmem_shared>>
      tpu.wait_dma2 semaphore(%run_scoped3A : memref<!tpu.dma_semaphore, #tpu.memory_space<semaphore_mem>>) src(%arg10 : memref<128x128xf32, #tpu.memory_space<vmem>>) dst(%dma_wait3A_46 : memref<128x128xf32, #tpu.memory_space<vmem_shared>>)
      tpu.yield
    }) : () -> ()
    %mul3A_23 = arith.constant 640 : i32
    %mul3A_24 = arith.muli %arg1, %mul3A_23 : i32
    %add3A_25 = arith.constant 512 : i32
    %add3A_26 = arith.addi %mul3A_24, %add3A_25 : i32
    "tpu.region"() ({
      %run_scoped3A = tpu.sem_alloc : memref<!tpu.dma_semaphore, #tpu.memory_space<semaphore_mem>>
      %dma_start3A = arith.constant 0 : i32
      %dma_start3A_41 = tpu.memref_slice %arg11[%add3A_26, %dma_start3A] : memref<10240x128xf32, #tpu.memory_space<vmem_shared>> -> memref<128x128xf32, #tpu.memory_space<vmem_shared>>
      %dma_start3A_42 = arith.constant 0 : i32
      %dma_start3A_43 = tpu.memref_slice %arg11[%add3A_26, %dma_start3A_42] : memref<10240x128xf32, #tpu.memory_space<vmem_shared>> -> memref<128x128xf32, #tpu.memory_space<vmem_shared>>
      tpu.enqueue_dma source(%arg10 : memref<128x128xf32, #tpu.memory_space<vmem>>) target(%dma_start3A_43 : memref<128x128xf32, #tpu.memory_space<vmem_shared>>) target_semaphore(%run_scoped3A : memref<!tpu.dma_semaphore, #tpu.memory_space<semaphore_mem>>)
      %dma_wait3A = arith.constant 0 : i32
      %dma_wait3A_44 = tpu.memref_slice %arg11[%add3A_26, %dma_wait3A] : memref<10240x128xf32, #tpu.memory_space<vmem_shared>> -> memref<128x128xf32, #tpu.memory_space<vmem_shared>>
      %dma_wait3A_45 = arith.constant 0 : i32
      %dma_wait3A_46 = tpu.memref_slice %arg11[%add3A_26, %dma_wait3A_45] : memref<10240x128xf32, #tpu.memory_space<vmem_shared>> -> memref<128x128xf32, #tpu.memory_space<vmem_shared>>
      tpu.wait_dma2 semaphore(%run_scoped3A : memref<!tpu.dma_semaphore, #tpu.memory_space<semaphore_mem>>) src(%arg10 : memref<128x128xf32, #tpu.memory_space<vmem>>) dst(%dma_wait3A_46 : memref<128x128xf32, #tpu.memory_space<vmem_shared>>)
      tpu.yield
    }) : () -> ()
    %mul3A_27 = arith.constant 80 : i32
    %mul3A_28 = arith.muli %add3A, %mul3A_27 : i32
    "tpu.region"() ({
      %run_scoped3A = tpu.sem_alloc : memref<!tpu.dma_semaphore, #tpu.memory_space<semaphore_mem>>
      %dma_start3A = arith.constant 0 : i32
      %dma_start3A_41 = tpu.memref_slice %arg3[%mul3A_28, %dma_start3A] : memref<2560x128xi32, #tpu.memory_space<hbm>> -> memref<80x128xi32, #tpu.memory_space<hbm>>
      %dma_start3A_42 = arith.constant 0 : i32
      %dma_start3A_43 = tpu.memref_slice %arg3[%mul3A_28, %dma_start3A_42] : memref<2560x128xi32, #tpu.memory_space<hbm>> -> memref<80x128xi32, #tpu.memory_space<hbm>>
      tpu.enqueue_dma source(%dma_start3A_43 : memref<80x128xi32, #tpu.memory_space<hbm>>) target(%arg7 : memref<80x128xi32, #tpu.memory_space<vmem>>) target_semaphore(%run_scoped3A : memref<!tpu.dma_semaphore, #tpu.memory_space<semaphore_mem>>)
      %dma_wait3A = arith.constant 0 : i32
      %dma_wait3A_44 = tpu.memref_slice %arg3[%mul3A_28, %dma_wait3A] : memref<2560x128xi32, #tpu.memory_space<hbm>> -> memref<80x128xi32, #tpu.memory_space<hbm>>
      %dma_wait3A_45 = arith.constant 0 : i32
      %dma_wait3A_46 = tpu.memref_slice %arg3[%mul3A_28, %dma_wait3A_45] : memref<2560x128xi32, #tpu.memory_space<hbm>> -> memref<80x128xi32, #tpu.memory_space<hbm>>
      tpu.wait_dma2 semaphore(%run_scoped3A : memref<!tpu.dma_semaphore, #tpu.memory_space<semaphore_mem>>) src(%dma_wait3A_46 : memref<80x128xi32, #tpu.memory_space<hbm>>) dst(%arg7 : memref<80x128xi32, #tpu.memory_space<vmem>>)
      tpu.yield
    }) : () -> ()
    "tpu.region"() ({
      %run_scoped3A = tpu.sem_alloc : memref<!tpu.dma_semaphore, #tpu.memory_space<semaphore_mem>>
      %dma_start3A = arith.constant 0 : i32
      %dma_start3A_41 = tpu.memref_slice %arg4[%mul3A_28, %dma_start3A] : memref<2560x128xi32, #tpu.memory_space<hbm>> -> memref<80x128xi32, #tpu.memory_space<hbm>>
      %dma_start3A_42 = arith.constant 0 : i32
      %dma_start3A_43 = tpu.memref_slice %arg4[%mul3A_28, %dma_start3A_42] : memref<2560x128xi32, #tpu.memory_space<hbm>> -> memref<80x128xi32, #tpu.memory_space<hbm>>
      tpu.enqueue_dma source(%dma_start3A_43 : memref<80x128xi32, #tpu.memory_space<hbm>>) target(%arg8 : memref<80x128xi32, #tpu.memory_space<vmem>>) target_semaphore(%run_scoped3A : memref<!tpu.dma_semaphore, #tpu.memory_space<semaphore_mem>>)
      %dma_wait3A = arith.constant 0 : i32
      %dma_wait3A_44 = tpu.memref_slice %arg4[%mul3A_28, %dma_wait3A] : memref<2560x128xi32, #tpu.memory_space<hbm>> -> memref<80x128xi32, #tpu.memory_space<hbm>>
      %dma_wait3A_45 = arith.constant 0 : i32
      %dma_wait3A_46 = tpu.memref_slice %arg4[%mul3A_28, %dma_wait3A_45] : memref<2560x128xi32, #tpu.memory_space<hbm>> -> memref<80x128xi32, #tpu.memory_space<hbm>>
      tpu.wait_dma2 semaphore(%run_scoped3A : memref<!tpu.dma_semaphore, #tpu.memory_space<semaphore_mem>>) src(%dma_wait3A_46 : memref<80x128xi32, #tpu.memory_space<hbm>>) dst(%arg8 : memref<80x128xi32, #tpu.memory_space<vmem>>)
      tpu.yield
    }) : () -> ()
    "tpu.region"() ({
      %run_scoped3A = tpu.sem_alloc : memref<!tpu.dma_semaphore, #tpu.memory_space<semaphore_mem>>
      %dma_start3A = arith.constant 0 : i32
      %dma_start3A_41 = tpu.memref_slice %arg5[%mul3A_28, %dma_start3A] : memref<2560x128xf32, #tpu.memory_space<hbm>> -> memref<80x128xf32, #tpu.memory_space<hbm>>
      %dma_start3A_42 = arith.constant 0 : i32
      %dma_start3A_43 = tpu.memref_slice %arg5[%mul3A_28, %dma_start3A_42] : memref<2560x128xf32, #tpu.memory_space<hbm>> -> memref<80x128xf32, #tpu.memory_space<hbm>>
      tpu.enqueue_dma source(%dma_start3A_43 : memref<80x128xf32, #tpu.memory_space<hbm>>) target(%arg9 : memref<80x128xf32, #tpu.memory_space<vmem>>) target_semaphore(%run_scoped3A : memref<!tpu.dma_semaphore, #tpu.memory_space<semaphore_mem>>)
      %dma_wait3A = arith.constant 0 : i32
      %dma_wait3A_44 = tpu.memref_slice %arg5[%mul3A_28, %dma_wait3A] : memref<2560x128xf32, #tpu.memory_space<hbm>> -> memref<80x128xf32, #tpu.memory_space<hbm>>
      %dma_wait3A_45 = arith.constant 0 : i32
      %dma_wait3A_46 = tpu.memref_slice %arg5[%mul3A_28, %dma_wait3A_45] : memref<2560x128xf32, #tpu.memory_space<hbm>> -> memref<80x128xf32, #tpu.memory_space<hbm>>
      tpu.wait_dma2 semaphore(%run_scoped3A : memref<!tpu.dma_semaphore, #tpu.memory_space<semaphore_mem>>) src(%dma_wait3A_46 : memref<80x128xf32, #tpu.memory_space<hbm>>) dst(%arg9 : memref<80x128xf32, #tpu.memory_space<vmem>>)
      tpu.yield
    }) : () -> ()
    %barrier3A = arith.constant 0 : index
    tpu.barrier barrier_id(%barrier3A)
    %scan3A_29 = arith.constant 0 : i32
    %scan3A_30 = arith.constant 0 : i32
    %scan3A_31 = arith.constant 80 : i32
    %scan3A_32 = arith.addi %scan3A_30, %scan3A_31 : i32
    %scan3A_33 = arith.constant 1 : i32
    %scan3A_34 = scf.for %scan3A_41 = %scan3A_30 to %scan3A_32 step %scan3A_33 iter_args(%scan3A_42 = %scan3A_29) -> (i32)  : i32 {
      %dma_start3A = arith.constant 0 : i32
      %dma_start3A_43 = tpu.memref_slice %arg7[%scan3A_41, %dma_start3A] : memref<80x128xi32, #tpu.memory_space<vmem>> -> memref<1x128xi32, #tpu.memory_space<vmem>>
      %dma_start3A_44 = tpu.memref_squeeze %dma_start3A_43 : memref<1x128xi32, #tpu.memory_space<vmem>> -> memref<128xi32, #tpu.memory_space<vmem>>
      %dma_start3A_45 = arith.constant 0 : i32
      %dma_start3A_46 = arith.constant 0 : i32
      %dma_start3A_47 = tpu.memref_slice %arg2[%dma_start3A_45, %dma_start3A_46] : memref<10240x128xf32, #tpu.memory_space<hbm>> -> memref<10240x128xf32, #tpu.memory_space<hbm>>
      tpu.enqueue_indirect_dma source(%dma_start3A_47 : memref<10240x128xf32, #tpu.memory_space<hbm>>) target(%arg10 : memref<128x128xf32, #tpu.memory_space<vmem>>) offsets(%dma_start3A_44 : memref<128xi32, #tpu.memory_space<vmem>>) semaphore(%arg12 : memref<!tpu.dma_semaphore, #tpu.memory_space<semaphore_mem>>)
      %dma_wait3A = arith.constant 0 : i32
      %dma_wait3A_48 = tpu.memref_slice %arg7[%scan3A_41, %dma_wait3A] : memref<80x128xi32, #tpu.memory_space<vmem>> -> memref<1x128xi32, #tpu.memory_space<vmem>>
      %dma_wait3A_49 = tpu.memref_squeeze %dma_wait3A_48 : memref<1x128xi32, #tpu.memory_space<vmem>> -> memref<128xi32, #tpu.memory_space<vmem>>
      %dma_wait3A_50 = arith.constant 0 : i32
      %dma_wait3A_51 = arith.constant 0 : i32
      %dma_wait3A_52 = tpu.memref_slice %arg2[%dma_wait3A_50, %dma_wait3A_51] : memref<10240x128xf32, #tpu.memory_space<hbm>> -> memref<10240x128xf32, #tpu.memory_space<hbm>>
      tpu.wait_indirect_dma semaphore(%arg12 : memref<!tpu.dma_semaphore, #tpu.memory_space<semaphore_mem>>) src(%dma_wait3A_52 : memref<10240x128xf32, #tpu.memory_space<hbm>>) dst(%arg10 : memref<128x128xf32, #tpu.memory_space<vmem>>)
      %scan3A_53 = arith.constant 0 : i32
      %scan3A_54 = arith.constant 0 : i32
      %scan3A_55 = arith.constant 8 : i32
      %scan3A_56 = arith.addi %scan3A_54, %scan3A_55 : i32
      %scan3A_57 = arith.constant 1 : i32
      %scan3A_58 = scf.for %scan3A_61 = %scan3A_54 to %scan3A_56 step %scan3A_57 iter_args(%scan3A_62 = %scan3A_53) -> (i32)  : i32 {
        %mul3A_63 = arith.constant 16 : i32
        %mul3A_64 = arith.muli %scan3A_61, %mul3A_63 : i32
        %add3A_65 = arith.constant 0 : i32
        %add3A_66 = arith.addi %mul3A_64, %add3A_65 : i32
        %broadcast_in_dim3A = vector.broadcast %scan3A_41 : i32 to vector<16xi32>
        %broadcast_in_dim3A_67 = vector.broadcast %add3A_66 : i32 to vector<16xi32>
        %gather3A = tpu.vector_load_idx %arg9[%broadcast_in_dim3A, %broadcast_in_dim3A_67] : memref<80x128xf32, #tpu.memory_space<vmem>>[vector<16xi32>, vector<16xi32>], vector<16xf32>,
        %get3A = arith.index_cast %add3A_66 : i32 to index
        %get3A_68 = arith.constant 0 : index
        %get3A_69 = tpu.vector_load %arg10[%get3A, %get3A_68] {strides = array<i32>} : memref<128x128xf32, #tpu.memory_space<vmem>>, vector<16xf32>,
        %mul3A_70 = arith.mulf %get3A_69, %gather3A : vector<16xf32>
        %swap3A = arith.index_cast %add3A_66 : i32 to index
        %swap3A_71 = arith.constant 0 : index
        %swap3A_72 = tpu.vector_load %arg10[%swap3A, %swap3A_71] {strides = array<i32>} : memref<128x128xf32, #tpu.memory_space<vmem>>, vector<16xf32>,
        tpu.vector_store %arg10[%swap3A, %swap3A_71], %mul3A_70 {strides = array<i32>} : memref<128x128xf32, #tpu.memory_space<vmem>>, vector<16xf32>,
        %get3A_73 = arith.index_cast %add3A_66 : i32 to index
        %get3A_74 = arith.constant 16 : index
        %get3A_75 = tpu.vector_load %arg10[%get3A_73, %get3A_74] {strides = array<i32>} : memref<128x128xf32, #tpu.memory_space<vmem>>, vector<16xf32>,
        %mul3A_76 = arith.mulf %get3A_75, %gather3A : vector<16xf32>
        %swap3A_77 = arith.index_cast %add3A_66 : i32 to index
        %swap3A_78 = arith.constant 16 : index
        %swap3A_79 = tpu.vector_load %arg10[%swap3A_77, %swap3A_78] {strides = array<i32>} : memref<128x128xf32, #tpu.memory_space<vmem>>, vector<16xf32>,
        tpu.vector_store %arg10[%swap3A_77, %swap3A_78], %mul3A_76 {strides = array<i32>} : memref<128x128xf32, #tpu.memory_space<vmem>>, vector<16xf32>,
        %get3A_80 = arith.index_cast %add3A_66 : i32 to index
        %get3A_81 = arith.constant 32 : index
        %get3A_82 = tpu.vector_load %arg10[%get3A_80, %get3A_81] {strides = array<i32>} : memref<128x128xf32, #tpu.memory_space<vmem>>, vector<16xf32>,
        %mul3A_83 = arith.mulf %get3A_82, %gather3A : vector<16xf32>
        %swap3A_84 = arith.index_cast %add3A_66 : i32 to index
        %swap3A_85 = arith.constant 32 : index
        %swap3A_86 = tpu.vector_load %arg10[%swap3A_84, %swap3A_85] {strides = array<i32>} : memref<128x128xf32, #tpu.memory_space<vmem>>, vector<16xf32>,
        tpu.vector_store %arg10[%swap3A_84, %swap3A_85], %mul3A_83 {strides = array<i32>} : memref<128x128xf32, #tpu.memory_space<vmem>>, vector<16xf32>,
        %get3A_87 = arith.index_cast %add3A_66 : i32 to index
        %get3A_88 = arith.constant 48 : index
        %get3A_89 = tpu.vector_load %arg10[%get3A_87, %get3A_88] {strides = array<i32>} : memref<128x128xf32, #tpu.memory_space<vmem>>, vector<16xf32>,
        %mul3A_90 = arith.mulf %get3A_89, %gather3A : vector<16xf32>
        %swap3A_91 = arith.index_cast %add3A_66 : i32 to index
        %swap3A_92 = arith.constant 48 : index
        %swap3A_93 = tpu.vector_load %arg10[%swap3A_91, %swap3A_92] {strides = array<i32>} : memref<128x128xf32, #tpu.memory_space<vmem>>, vector<16xf32>,
        tpu.vector_store %arg10[%swap3A_91, %swap3A_92], %mul3A_90 {strides = array<i32>} : memref<128x128xf32, #tpu.memory_space<vmem>>, vector<16xf32>,
        %get3A_94 = arith.index_cast %add3A_66 : i32 to index
        %get3A_95 = arith.constant 64 : index
        %get3A_96 = tpu.vector_load %arg10[%get3A_94, %get3A_95] {strides = array<i32>} : memref<128x128xf32, #tpu.memory_space<vmem>>, vector<16xf32>,
        %mul3A_97 = arith.mulf %get3A_96, %gather3A : vector<16xf32>
        %swap3A_98 = arith.index_cast %add3A_66 : i32 to index
        %swap3A_99 = arith.constant 64 : index
        %swap3A_100 = tpu.vector_load %arg10[%swap3A_98, %swap3A_99] {strides = array<i32>} : memref<128x128xf32, #tpu.memory_space<vmem>>, vector<16xf32>,
        tpu.vector_store %arg10[%swap3A_98, %swap3A_99], %mul3A_97 {strides = array<i32>} : memref<128x128xf32, #tpu.memory_space<vmem>>, vector<16xf32>,
        %get3A_101 = arith.index_cast %add3A_66 : i32 to index
        %get3A_102 = arith.constant 80 : index
        %get3A_103 = tpu.vector_load %arg10[%get3A_101, %get3A_102] {strides = array<i32>} : memref<128x128xf32, #tpu.memory_space<vmem>>, vector<16xf32>,
        %mul3A_104 = arith.mulf %get3A_103, %gather3A : vector<16xf32>
        %swap3A_105 = arith.index_cast %add3A_66 : i32 to index
        %swap3A_106 = arith.constant 80 : index
        %swap3A_107 = tpu.vector_load %arg10[%swap3A_105, %swap3A_106] {strides = array<i32>} : memref<128x128xf32, #tpu.memory_space<vmem>>, vector<16xf32>,
        tpu.vector_store %arg10[%swap3A_105, %swap3A_106], %mul3A_104 {strides = array<i32>} : memref<128x128xf32, #tpu.memory_space<vmem>>, vector<16xf32>,
        %get3A_108 = arith.index_cast %add3A_66 : i32 to index
        %get3A_109 = arith.constant 96 : index
        %get3A_110 = tpu.vector_load %arg10[%get3A_108, %get3A_109] {strides = array<i32>} : memref<128x128xf32, #tpu.memory_space<vmem>>, vector<16xf32>,
        %mul3A_111 = arith.mulf %get3A_110, %gather3A : vector<16xf32>
        %swap3A_112 = arith.index_cast %add3A_66 : i32 to index
        %swap3A_113 = arith.constant 96 : index
        %swap3A_114 = tpu.vector_load %arg10[%swap3A_112, %swap3A_113] {strides = array<i32>} : memref<128x128xf32, #tpu.memory_space<vmem>>, vector<16xf32>,
        tpu.vector_store %arg10[%swap3A_112, %swap3A_113], %mul3A_111 {strides = array<i32>} : memref<128x128xf32, #tpu.memory_space<vmem>>, vector<16xf32>,
        %get3A_115 = arith.index_cast %add3A_66 : i32 to index
        %get3A_116 = arith.constant 112 : index
        %get3A_117 = tpu.vector_load %arg10[%get3A_115, %get3A_116] {strides = array<i32>} : memref<128x128xf32, #tpu.memory_space<vmem>>, vector<16xf32>,
        %mul3A_118 = arith.mulf %get3A_117, %gather3A : vector<16xf32>
        %swap3A_119 = arith.index_cast %add3A_66 : i32 to index
        %swap3A_120 = arith.constant 112 : index
        %swap3A_121 = tpu.vector_load %arg10[%swap3A_119, %swap3A_120] {strides = array<i32>} : memref<128x128xf32, #tpu.memory_space<vmem>>, vector<16xf32>,
        tpu.vector_store %arg10[%swap3A_119, %swap3A_120], %mul3A_118 {strides = array<i32>} : memref<128x128xf32, #tpu.memory_space<vmem>>, vector<16xf32>,
        %mul3A_122 = arith.constant 16 : i32
        %mul3A_123 = arith.muli %scan3A_61, %mul3A_122 : i32
        %add3A_124 = arith.constant 1 : i32
        %add3A_125 = arith.addi %mul3A_123, %add3A_124 : i32
        %broadcast_in_dim3A_126 = vector.broadcast %scan3A_41 : i32 to vector<16xi32>
        %broadcast_in_dim3A_127 = vector.broadcast %add3A_125 : i32 to vector<16xi32>
        %gather3A_128 = tpu.vector_load_idx %arg9[%broadcast_in_dim3A_126, %broadcast_in_dim3A_127] : memref<80x128xf32, #tpu.memory_space<vmem>>[vector<16xi32>, vector<16xi32>], vector<16xf32>,
        %get3A_129 = arith.index_cast %add3A_125 : i32 to index
        %get3A_130 = arith.constant 0 : index
        %get3A_131 = tpu.vector_load %arg10[%get3A_129, %get3A_130] {strides = array<i32>} : memref<128x128xf32, #tpu.memory_space<vmem>>, vector<16xf32>,
        %mul3A_132 = arith.mulf %get3A_131, %gather3A_128 : vector<16xf32>
        %swap3A_133 = arith.index_cast %add3A_125 : i32 to index
        %swap3A_134 = arith.constant 0 : index
        %swap3A_135 = tpu.vector_load %arg10[%swap3A_133, %swap3A_134] {strides = array<i32>} : memref<128x128xf32, #tpu.memory_space<vmem>>, vector<16xf32>,
        tpu.vector_store %arg10[%swap3A_133, %swap3A_134], %mul3A_132 {strides = array<i32>} : memref<128x128xf32, #tpu.memory_space<vmem>>, vector<16xf32>,
        %get3A_136 = arith.index_cast %add3A_125 : i32 to index
        %get3A_137 = arith.constant 16 : index
        %get3A_138 = tpu.vector_load %arg10[%get3A_136, %get3A_137] {strides = array<i32>} : memref<128x128xf32, #tpu.memory_space<vmem>>, vector<16xf32>,
        %mul3A_139 = arith.mulf %get3A_138, %gather3A_128 : vector<16xf32>
        %swap3A_140 = arith.index_cast %add3A_125 : i32 to index
        %swap3A_141 = arith.constant 16 : index
        %swap3A_142 = tpu.vector_load %arg10[%swap3A_140, %swap3A_141] {strides = array<i32>} : memref<128x128xf32, #tpu.memory_space<vmem>>, vector<16xf32>,
        tpu.vector_store %arg10[%swap3A_140, %swap3A_141], %mul3A_139 {strides = array<i32>} : memref<128x128xf32, #tpu.memory_space<vmem>>, vector<16xf32>,
        %get3A_143 = arith.index_cast %add3A_125 : i32 to index
        %get3A_144 = arith.constant 32 : index
        %get3A_145 = tpu.vector_load %arg10[%get3A_143, %get3A_144] {strides = array<i32>} : memref<128x128xf32, #tpu.memory_space<vmem>>, vector<16xf32>,
        %mul3A_146 = arith.mulf %get3A_145, %gather3A_128 : vector<16xf32>
        %swap3A_147 = arith.index_cast %add3A_125 : i32 to index
        %swap3A_148 = arith.constant 32 : index
        %swap3A_149 = tpu.vector_load %arg10[%swap3A_147, %swap3A_148] {strides = array<i32>} : memref<128x128xf32, #tpu.memory_space<vmem>>, vector<16xf32>,
        tpu.vector_store %arg10[%swap3A_147, %swap3A_148], %mul3A_146 {strides = array<i32>} : memref<128x128xf32, #tpu.memory_space<vmem>>, vector<16xf32>,
        %get3A_150 = arith.index_cast %add3A_125 : i32 to index
        %get3A_151 = arith.constant 48 : index
        %get3A_152 = tpu.vector_load %arg10[%get3A_150, %get3A_151] {strides = array<i32>} : memref<128x128xf32, #tpu.memory_space<vmem>>, vector<16xf32>,
        %mul3A_153 = arith.mulf %get3A_152, %gather3A_128 : vector<16xf32>
        %swap3A_154 = arith.index_cast %add3A_125 : i32 to index
        %swap3A_155 = arith.constant 48 : index
        %swap3A_156 = tpu.vector_load %arg10[%swap3A_154, %swap3A_155] {strides = array<i32>} : memref<128x128xf32, #tpu.memory_space<vmem>>, vector<16xf32>,
        tpu.vector_store %arg10[%swap3A_154, %swap3A_155], %mul3A_153 {strides = array<i32>} : memref<128x128xf32, #tpu.memory_space<vmem>>, vector<16xf32>,
        %get3A_157 = arith.index_cast %add3A_125 : i32 to index
        %get3A_158 = arith.constant 64 : index
        %get3A_159 = tpu.vector_load %arg10[%get3A_157, %get3A_158] {strides = array<i32>} : memref<128x128xf32, #tpu.memory_space<vmem>>, vector<16xf32>,
        %mul3A_160 = arith.mulf %get3A_159, %gather3A_128 : vector<16xf32>
        %swap3A_161 = arith.index_cast %add3A_125 : i32 to index
        %swap3A_162 = arith.constant 64 : index
        %swap3A_163 = tpu.vector_load %arg10[%swap3A_161, %swap3A_162] {strides = array<i32>} : memref<128x128xf32, #tpu.memory_space<vmem>>, vector<16xf32>,
        tpu.vector_store %arg10[%swap3A_161, %swap3A_162], %mul3A_160 {strides = array<i32>} : memref<128x128xf32, #tpu.memory_space<vmem>>, vector<16xf32>,
        %get3A_164 = arith.index_cast %add3A_125 : i32 to index
        %get3A_165 = arith.constant 80 : index
        %get3A_166 = tpu.vector_load %arg10[%get3A_164, %get3A_165] {strides = array<i32>} : memref<128x128xf32, #tpu.memory_space<vmem>>, vector<16xf32>,
        %mul3A_167 = arith.mulf %get3A_166, %gather3A_128 : vector<16xf32>
        %swap3A_168 = arith.index_cast %add3A_125 : i32 to index
        %swap3A_169 = arith.constant 80 : index
        %swap3A_170 = tpu.vector_load %arg10[%swap3A_168, %swap3A_169] {strides = array<i32>} : memref<128x128xf32, #tpu.memory_space<vmem>>, vector<16xf32>,
        tpu.vector_store %arg10[%swap3A_168, %swap3A_169], %mul3A_167 {strides = array<i32>} : memref<128x128xf32, #tpu.memory_space<vmem>>, vector<16xf32>,
        %get3A_171 = arith.index_cast %add3A_125 : i32 to index
        %get3A_172 = arith.constant 96 : index
        %get3A_173 = tpu.vector_load %arg10[%get3A_171, %get3A_172] {strides = array<i32>} : memref<128x128xf32, #tpu.memory_space<vmem>>, vector<16xf32>,
        %mul3A_174 = arith.mulf %get3A_173, %gather3A_128 : vector<16xf32>
        %swap3A_175 = arith.index_cast %add3A_125 : i32 to index
        %swap3A_176 = arith.constant 96 : index
        %swap3A_177 = tpu.vector_load %arg10[%swap3A_175, %swap3A_176] {strides = array<i32>} : memref<128x128xf32, #tpu.memory_space<vmem>>, vector<16xf32>,
        tpu.vector_store %arg10[%swap3A_175, %swap3A_176], %mul3A_174 {strides = array<i32>} : memref<128x128xf32, #tpu.memory_space<vmem>>, vector<16xf32>,
        %get3A_178 = arith.index_cast %add3A_125 : i32 to index
        %get3A_179 = arith.constant 112 : index
        %get3A_180 = tpu.vector_load %arg10[%get3A_178, %get3A_179] {strides = array<i32>} : memref<128x128xf32, #tpu.memory_space<vmem>>, vector<16xf32>,
        %mul3A_181 = arith.mulf %get3A_180, %gather3A_128 : vector<16xf32>
        %swap3A_182 = arith.index_cast %add3A_125 : i32 to index
        %swap3A_183 = arith.constant 112 : index
        %swap3A_184 = tpu.vector_load %arg10[%swap3A_182, %swap3A_183] {strides = array<i32>} : memref<128x128xf32, #tpu.memory_space<vmem>>, vector<16xf32>,
        tpu.vector_store %arg10[%swap3A_182, %swap3A_183], %mul3A_181 {strides = array<i32>} : memref<128x128xf32, #tpu.memory_space<vmem>>, vector<16xf32>,
        %mul3A_185 = arith.constant 16 : i32
        %mul3A_186 = arith.muli %scan3A_61, %mul3A_185 : i32
        %add3A_187 = arith.constant 2 : i32
        %add3A_188 = arith.addi %mul3A_186, %add3A_187 : i32
        %broadcast_in_dim3A_189 = vector.broadcast %scan3A_41 : i32 to vector<16xi32>
        %broadcast_in_dim3A_190 = vector.broadcast %add3A_188 : i32 to vector<16xi32>
        %gather3A_191 = tpu.vector_load_idx %arg9[%broadcast_in_dim3A_189, %broadcast_in_dim3A_190] : memref<80x128xf32, #tpu.memory_space<vmem>>[vector<16xi32>, vector<16xi32>], vector<16xf32>,
        %get3A_192 = arith.index_cast %add3A_188 : i32 to index
        %get3A_193 = arith.constant 0 : index
        %get3A_194 = tpu.vector_load %arg10[%get3A_192, %get3A_193] {strides = array<i32>} : memref<128x128xf32, #tpu.memory_space<vmem>>, vector<16xf32>,
        %mul3A_195 = arith.mulf %get3A_194, %gather3A_191 : vector<16xf32>
        %swap3A_196 = arith.index_cast %add3A_188 : i32 to index
        %swap3A_197 = arith.constant 0 : index
        %swap3A_198 = tpu.vector_load %arg10[%swap3A_196, %swap3A_197] {strides = array<i32>} : memref<128x128xf32, #tpu.memory_space<vmem>>, vector<16xf32>,
        tpu.vector_store %arg10[%swap3A_196, %swap3A_197], %mul3A_195 {strides = array<i32>} : memref<128x128xf32, #tpu.memory_space<vmem>>, vector<16xf32>,
        %get3A_199 = arith.index_cast %add3A_188 : i32 to index
        %get3A_200 = arith.constant 16 : index
        %get3A_201 = tpu.vector_load %arg10[%get3A_199, %get3A_200] {strides = array<i32>} : memref<128x128xf32, #tpu.memory_space<vmem>>, vector<16xf32>,
        %mul3A_202 = arith.mulf %get3A_201, %gather3A_191 : vector<16xf32>
        %swap3A_203 = arith.index_cast %add3A_188 : i32 to index
        %swap3A_204 = arith.constant 16 : index
        %swap3A_205 = tpu.vector_load %arg10[%swap3A_203, %swap3A_204] {strides = array<i32>} : memref<128x128xf32, #tpu.memory_space<vmem>>, vector<16xf32>,
        tpu.vector_store %arg10[%swap3A_203, %swap3A_204], %mul3A_202 {strides = array<i32>} : memref<128x128xf32, #tpu.memory_space<vmem>>, vector<16xf32>,
        %get3A_206 = arith.index_cast %add3A_188 : i32 to index
        %get3A_207 = arith.constant 32 : index
        %get3A_208 = tpu.vector_load %arg10[%get3A_206, %get3A_207] {strides = array<i32>} : memref<128x128xf32, #tpu.memory_space<vmem>>, vector<16xf32>,
        %mul3A_209 = arith.mulf %get3A_208, %gather3A_191 : vector<16xf32>
        %swap3A_210 = arith.index_cast %add3A_188 : i32 to index
        %swap3A_211 = arith.constant 32 : index
        %swap3A_212 = tpu.vector_load %arg10[%swap3A_210, %swap3A_211] {strides = array<i32>} : memref<128x128xf32, #tpu.memory_space<vmem>>, vector<16xf32>,
        tpu.vector_store %arg10[%swap3A_210, %swap3A_211], %mul3A_209 {strides = array<i32>} : memref<128x128xf32, #tpu.memory_space<vmem>>, vector<16xf32>,
        %get3A_213 = arith.index_cast %add3A_188 : i32 to index
        %get3A_214 = arith.constant 48 : index
        %get3A_215 = tpu.vector_load %arg10[%get3A_213, %get3A_214] {strides = array<i32>} : memref<128x128xf32, #tpu.memory_space<vmem>>, vector<16xf32>,
        %mul3A_216 = arith.mulf %get3A_215, %gather3A_191 : vector<16xf32>
        %swap3A_217 = arith.index_cast %add3A_188 : i32 to index
        %swap3A_218 = arith.constant 48 : index
        %swap3A_219 = tpu.vector_load %arg10[%swap3A_217, %swap3A_218] {strides = array<i32>} : memref<128x128xf32, #tpu.memory_space<vmem>>, vector<16xf32>,
        tpu.vector_store %arg10[%swap3A_217, %swap3A_218], %mul3A_216 {strides = array<i32>} : memref<128x128xf32, #tpu.memory_space<vmem>>, vector<16xf32>,
        %get3A_220 = arith.index_cast %add3A_188 : i32 to index
        %get3A_221 = arith.constant 64 : index
        %get3A_222 = tpu.vector_load %arg10[%get3A_220, %get3A_221] {strides = array<i32>} : memref<128x128xf32, #tpu.memory_space<vmem>>, vector<16xf32>,
        %mul3A_223 = arith.mulf %get3A_222, %gather3A_191 : vector<16xf32>
        %swap3A_224 = arith.index_cast %add3A_188 : i32 to index
        %swap3A_225 = arith.constant 64 : index
        %swap3A_226 = tpu.vector_load %arg10[%swap3A_224, %swap3A_225] {strides = array<i32>} : memref<128x128xf32, #tpu.memory_space<vmem>>, vector<16xf32>,
        tpu.vector_store %arg10[%swap3A_224, %swap3A_225], %mul3A_223 {strides = array<i32>} : memref<128x128xf32, #tpu.memory_space<vmem>>, vector<16xf32>,
        %get3A_227 = arith.index_cast %add3A_188 : i32 to index
        %get3A_228 = arith.constant 80 : index
        %get3A_229 = tpu.vector_load %arg10[%get3A_227, %get3A_228] {strides = array<i32>} : memref<128x128xf32, #tpu.memory_space<vmem>>, vector<16xf32>,
        %mul3A_230 = arith.mulf %get3A_229, %gather3A_191 : vector<16xf32>
        %swap3A_231 = arith.index_cast %add3A_188 : i32 to index
        %swap3A_232 = arith.constant 80 : index
        %swap3A_233 = tpu.vector_load %arg10[%swap3A_231, %swap3A_232] {strides = array<i32>} : memref<128x128xf32, #tpu.memory_space<vmem>>, vector<16xf32>,
        tpu.vector_store %arg10[%swap3A_231, %swap3A_232], %mul3A_230 {strides = array<i32>} : memref<128x128xf32, #tpu.memory_space<vmem>>, vector<16xf32>,
        %get3A_234 = arith.index_cast %add3A_188 : i32 to index
        %get3A_235 = arith.constant 96 : index
        %get3A_236 = tpu.vector_load %arg10[%get3A_234, %get3A_235] {strides = array<i32>} : memref<128x128xf32, #tpu.memory_space<vmem>>, vector<16xf32>,
        %mul3A_237 = arith.mulf %get3A_236, %gather3A_191 : vector<16xf32>
        %swap3A_238 = arith.index_cast %add3A_188 : i32 to index
        %swap3A_239 = arith.constant 96 : index
        %swap3A_240 = tpu.vector_load %arg10[%swap3A_238, %swap3A_239] {strides = array<i32>} : memref<128x128xf32, #tpu.memory_space<vmem>>, vector<16xf32>,
        tpu.vector_store %arg10[%swap3A_238, %swap3A_239], %mul3A_237 {strides = array<i32>} : memref<128x128xf32, #tpu.memory_space<vmem>>, vector<16xf32>,
        %get3A_241 = arith.index_cast %add3A_188 : i32 to index
        %get3A_242 = arith.constant 112 : index
        %get3A_243 = tpu.vector_load %arg10[%get3A_241, %get3A_242] {strides = array<i32>} : memref<128x128xf32, #tpu.memory_space<vmem>>, vector<16xf32>,
        %mul3A_244 = arith.mulf %get3A_243, %gather3A_191 : vector<16xf32>
        %swap3A_245 = arith.index_cast %add3A_188 : i32 to index
        %swap3A_246 = arith.constant 112 : index
        %swap3A_247 = tpu.vector_load %arg10[%swap3A_245, %swap3A_246] {strides = array<i32>} : memref<128x128xf32, #tpu.memory_space<vmem>>, vector<16xf32>,
        tpu.vector_store %arg10[%swap3A_245, %swap3A_246], %mul3A_244 {strides = array<i32>} : memref<128x128xf32, #tpu.memory_space<vmem>>, vector<16xf32>,
        %mul3A_248 = arith.constant 16 : i32
        %mul3A_249 = arith.muli %scan3A_61, %mul3A_248 : i32
        %add3A_250 = arith.constant 3 : i32
        %add3A_251 = arith.addi %mul3A_249, %add3A_250 : i32
        %broadcast_in_dim3A_252 = vector.broadcast %scan3A_41 : i32 to vector<16xi32>
        %broadcast_in_dim3A_253 = vector.broadcast %add3A_251 : i32 to vector<16xi32>
        %gather3A_254 = tpu.vector_load_idx %arg9[%broadcast_in_dim3A_252, %broadcast_in_dim3A_253] : memref<80x128xf32, #tpu.memory_space<vmem>>[vector<16xi32>, vector<16xi32>], vector<16xf32>,
        %get3A_255 = arith.index_cast %add3A_251 : i32 to index
        %get3A_256 = arith.constant 0 : index
        %get3A_257 = tpu.vector_load %arg10[%get3A_255, %get3A_256] {strides = array<i32>} : memref<128x128xf32, #tpu.memory_space<vmem>>, vector<16xf32>,
        %mul3A_258 = arith.mulf %get3A_257, %gather3A_254 : vector<16xf32>
        %swap3A_259 = arith.index_cast %add3A_251 : i32 to index
        %swap3A_260 = arith.constant 0 : index
        %swap3A_261 = tpu.vector_load %arg10[%swap3A_259, %swap3A_260] {strides = array<i32>} : memref<128x128xf32, #tpu.memory_space<vmem>>, vector<16xf32>,
        tpu.vector_store %arg10[%swap3A_259, %swap3A_260], %mul3A_258 {strides = array<i32>} : memref<128x128xf32, #tpu.memory_space<vmem>>, vector<16xf32>,
        %get3A_262 = arith.index_cast %add3A_251 : i32 to index
        %get3A_263 = arith.constant 16 : index
        %get3A_264 = tpu.vector_load %arg10[%get3A_262, %get3A_263] {strides = array<i32>} : memref<128x128xf32, #tpu.memory_space<vmem>>, vector<16xf32>,
        %mul3A_265 = arith.mulf %get3A_264, %gather3A_254 : vector<16xf32>
        %swap3A_266 = arith.index_cast %add3A_251 : i32 to index
        %swap3A_267 = arith.constant 16 : index
        %swap3A_268 = tpu.vector_load %arg10[%swap3A_266, %swap3A_267] {strides = array<i32>} : memref<128x128xf32, #tpu.memory_space<vmem>>, vector<16xf32>,
        tpu.vector_store %arg10[%swap3A_266, %swap3A_267], %mul3A_265 {strides = array<i32>} : memref<128x128xf32, #tpu.memory_space<vmem>>, vector<16xf32>,
        %get3A_269 = arith.index_cast %add3A_251 : i32 to index
        %get3A_270 = arith.constant 32 : index
        %get3A_271 = tpu.vector_load %arg10[%get3A_269, %get3A_270] {strides = array<i32>} : memref<128x128xf32, #tpu.memory_space<vmem>>, vector<16xf32>,
        %mul3A_272 = arith.mulf %get3A_271, %gather3A_254 : vector<16xf32>
        %swap3A_273 = arith.index_cast %add3A_251 : i32 to index
        %swap3A_274 = arith.constant 32 : index
        %swap3A_275 = tpu.vector_load %arg10[%swap3A_273, %swap3A_274] {strides = array<i32>} : memref<128x128xf32, #tpu.memory_space<vmem>>, vector<16xf32>,
        tpu.vector_store %arg10[%swap3A_273, %swap3A_274], %mul3A_272 {strides = array<i32>} : memref<128x128xf32, #tpu.memory_space<vmem>>, vector<16xf32>,
        %get3A_276 = arith.index_cast %add3A_251 : i32 to index
        %get3A_277 = arith.constant 48 : index
        %get3A_278 = tpu.vector_load %arg10[%get3A_276, %get3A_277] {strides = array<i32>} : memref<128x128xf32, #tpu.memory_space<vmem>>, vector<16xf32>,
        %mul3A_279 = arith.mulf %get3A_278, %gather3A_254 : vector<16xf32>
        %swap3A_280 = arith.index_cast %add3A_251 : i32 to index
        %swap3A_281 = arith.constant 48 : index
        %swap3A_282 = tpu.vector_load %arg10[%swap3A_280, %swap3A_281] {strides = array<i32>} : memref<128x128xf32, #tpu.memory_space<vmem>>, vector<16xf32>,
        tpu.vector_store %arg10[%swap3A_280, %swap3A_281], %mul3A_279 {strides = array<i32>} : memref<128x128xf32, #tpu.memory_space<vmem>>, vector<16xf32>,
        %get3A_283 = arith.index_cast %add3A_251 : i32 to index
        %get3A_284 = arith.constant 64 : index
        %get3A_285 = tpu.vector_load %arg10[%get3A_283, %get3A_284] {strides = array<i32>} : memref<128x128xf32, #tpu.memory_space<vmem>>, vector<16xf32>,
        %mul3A_286 = arith.mulf %get3A_285, %gather3A_254 : vector<16xf32>
        %swap3A_287 = arith.index_cast %add3A_251 : i32 to index
        %swap3A_288 = arith.constant 64 : index
        %swap3A_289 = tpu.vector_load %arg10[%swap3A_287, %swap3A_288] {strides = array<i32>} : memref<128x128xf32, #tpu.memory_space<vmem>>, vector<16xf32>,
        tpu.vector_store %arg10[%swap3A_287, %swap3A_288], %mul3A_286 {strides = array<i32>} : memref<128x128xf32, #tpu.memory_space<vmem>>, vector<16xf32>,
        %get3A_290 = arith.index_cast %add3A_251 : i32 to index
        %get3A_291 = arith.constant 80 : index
        %get3A_292 = tpu.vector_load %arg10[%get3A_290, %get3A_291] {strides = array<i32>} : memref<128x128xf32, #tpu.memory_space<vmem>>, vector<16xf32>,
        %mul3A_293 = arith.mulf %get3A_292, %gather3A_254 : vector<16xf32>
        %swap3A_294 = arith.index_cast %add3A_251 : i32 to index
        %swap3A_295 = arith.constant 80 : index
        %swap3A_296 = tpu.vector_load %arg10[%swap3A_294, %swap3A_295] {strides = array<i32>} : memref<128x128xf32, #tpu.memory_space<vmem>>, vector<16xf32>,
        tpu.vector_store %arg10[%swap3A_294, %swap3A_295], %mul3A_293 {strides = array<i32>} : memref<128x128xf32, #tpu.memory_space<vmem>>, vector<16xf32>,
        %get3A_297 = arith.index_cast %add3A_251 : i32 to index
        %get3A_298 = arith.constant 96 : index
        %get3A_299 = tpu.vector_load %arg10[%get3A_297, %get3A_298] {strides = array<i32>} : memref<128x128xf32, #tpu.memory_space<vmem>>, vector<16xf32>,
        %mul3A_300 = arith.mulf %get3A_299, %gather3A_254 : vector<16xf32>
        %swap3A_301 = arith.index_cast %add3A_251 : i32 to index
        %swap3A_302 = arith.constant 96 : index
        %swap3A_303 = tpu.vector_load %arg10[%swap3A_301, %swap3A_302] {strides = array<i32>} : memref<128x128xf32, #tpu.memory_space<vmem>>, vector<16xf32>,
        tpu.vector_store %arg10[%swap3A_301, %swap3A_302], %mul3A_300 {strides = array<i32>} : memref<128x128xf32, #tpu.memory_space<vmem>>, vector<16xf32>,
        %get3A_304 = arith.index_cast %add3A_251 : i32 to index
        %get3A_305 = arith.constant 112 : index
        %get3A_306 = tpu.vector_load %arg10[%get3A_304, %get3A_305] {strides = array<i32>} : memref<128x128xf32, #tpu.memory_space<vmem>>, vector<16xf32>,
        %mul3A_307 = arith.mulf %get3A_306, %gather3A_254 : vector<16xf32>
        %swap3A_308 = arith.index_cast %add3A_251 : i32 to index
        %swap3A_309 = arith.constant 112 : index
        %swap3A_310 = tpu.vector_load %arg10[%swap3A_308, %swap3A_309] {strides = array<i32>} : memref<128x128xf32, #tpu.memory_space<vmem>>, vector<16xf32>,
        tpu.vector_store %arg10[%swap3A_308, %swap3A_309], %mul3A_307 {strides = array<i32>} : memref<128x128xf32, #tpu.memory_space<vmem>>, vector<16xf32>,
        %mul3A_311 = arith.constant 16 : i32
        %mul3A_312 = arith.muli %scan3A_61, %mul3A_311 : i32
        %add3A_313 = arith.constant 4 : i32
        %add3A_314 = arith.addi %mul3A_312, %add3A_313 : i32
        %broadcast_in_dim3A_315 = vector.broadcast %scan3A_41 : i32 to vector<16xi32>
        %broadcast_in_dim3A_316 = vector.broadcast %add3A_314 : i32 to vector<16xi32>
        %gather3A_317 = tpu.vector_load_idx %arg9[%broadcast_in_dim3A_315, %broadcast_in_dim3A_316] : memref<80x128xf32, #tpu.memory_space<vmem>>[vector<16xi32>, vector<16xi32>], vector<16xf32>,
        %get3A_318 = arith.index_cast %add3A_314 : i32 to index
        %get3A_319 = arith.constant 0 : index
        %get3A_320 = tpu.vector_load %arg10[%get3A_318, %get3A_319] {strides = array<i32>} : memref<128x128xf32, #tpu.memory_space<vmem>>, vector<16xf32>,
        %mul3A_321 = arith.mulf %get3A_320, %gather3A_317 : vector<16xf32>
        %swap3A_322 = arith.index_cast %add3A_314 : i32 to index
        %swap3A_323 = arith.constant 0 : index
        %swap3A_324 = tpu.vector_load %arg10[%swap3A_322, %swap3A_323] {strides = array<i32>} : memref<128x128xf32, #tpu.memory_space<vmem>>, vector<16xf32>,
        tpu.vector_store %arg10[%swap3A_322, %swap3A_323], %mul3A_321 {strides = array<i32>} : memref<128x128xf32, #tpu.memory_space<vmem>>, vector<16xf32>,
        %get3A_325 = arith.index_cast %add3A_314 : i32 to index
        %get3A_326 = arith.constant 16 : index
        %get3A_327 = tpu.vector_load %arg10[%get3A_325, %get3A_326] {strides = array<i32>} : memref<128x128xf32, #tpu.memory_space<vmem>>, vector<16xf32>,
        %mul3A_328 = arith.mulf %get3A_327, %gather3A_317 : vector<16xf32>
        %swap3A_329 = arith.index_cast %add3A_314 : i32 to index
        %swap3A_330 = arith.constant 16 : index
        %swap3A_331 = tpu.vector_load %arg10[%swap3A_329, %swap3A_330] {strides = array<i32>} : memref<128x128xf32, #tpu.memory_space<vmem>>, vector<16xf32>,
        tpu.vector_store %arg10[%swap3A_329, %swap3A_330], %mul3A_328 {strides = array<i32>} : memref<128x128xf32, #tpu.memory_space<vmem>>, vector<16xf32>,
        %get3A_332 = arith.index_cast %add3A_314 : i32 to index
        %get3A_333 = arith.constant 32 : index
        %get3A_334 = tpu.vector_load %arg10[%get3A_332, %get3A_333] {strides = array<i32>} : memref<128x128xf32, #tpu.memory_space<vmem>>, vector<16xf32>,
        %mul3A_335 = arith.mulf %get3A_334, %gather3A_317 : vector<16xf32>
        %swap3A_336 = arith.index_cast %add3A_314 : i32 to index
        %swap3A_337 = arith.constant 32 : index
        %swap3A_338 = tpu.vector_load %arg10[%swap3A_336, %swap3A_337] {strides = array<i32>} : memref<128x128xf32, #tpu.memory_space<vmem>>, vector<16xf32>,
        tpu.vector_store %arg10[%swap3A_336, %swap3A_337], %mul3A_335 {strides = array<i32>} : memref<128x128xf32, #tpu.memory_space<vmem>>, vector<16xf32>,
        %get3A_339 = arith.index_cast %add3A_314 : i32 to index
        %get3A_340 = arith.constant 48 : index
        %get3A_341 = tpu.vector_load %arg10[%get3A_339, %get3A_340] {strides = array<i32>} : memref<128x128xf32, #tpu.memory_space<vmem>>, vector<16xf32>,
        %mul3A_342 = arith.mulf %get3A_341, %gather3A_317 : vector<16xf32>
        %swap3A_343 = arith.index_cast %add3A_314 : i32 to index
        %swap3A_344 = arith.constant 48 : index
        %swap3A_345 = tpu.vector_load %arg10[%swap3A_343, %swap3A_344] {strides = array<i32>} : memref<128x128xf32, #tpu.memory_space<vmem>>, vector<16xf32>,
        tpu.vector_store %arg10[%swap3A_343, %swap3A_344], %mul3A_342 {strides = array<i32>} : memref<128x128xf32, #tpu.memory_space<vmem>>, vector<16xf32>,
        %get3A_346 = arith.index_cast %add3A_314 : i32 to index
        %get3A_347 = arith.constant 64 : index
        %get3A_348 = tpu.vector_load %arg10[%get3A_346, %get3A_347] {strides = array<i32>} : memref<128x128xf32, #tpu.memory_space<vmem>>, vector<16xf32>,
        %mul3A_349 = arith.mulf %get3A_348, %gather3A_317 : vector<16xf32>
        %swap3A_350 = arith.index_cast %add3A_314 : i32 to index
        %swap3A_351 = arith.constant 64 : index
        %swap3A_352 = tpu.vector_load %arg10[%swap3A_350, %swap3A_351] {strides = array<i32>} : memref<128x128xf32, #tpu.memory_space<vmem>>, vector<16xf32>,
        tpu.vector_store %arg10[%swap3A_350, %swap3A_351], %mul3A_349 {strides = array<i32>} : memref<128x128xf32, #tpu.memory_space<vmem>>, vector<16xf32>,
        %get3A_353 = arith.index_cast %add3A_314 : i32 to index
        %get3A_354 = arith.constant 80 : index
        %get3A_355 = tpu.vector_load %arg10[%get3A_353, %get3A_354] {strides = array<i32>} : memref<128x128xf32, #tpu.memory_space<vmem>>, vector<16xf32>,
        %mul3A_356 = arith.mulf %get3A_355, %gather3A_317 : vector<16xf32>
        %swap3A_357 = arith.index_cast %add3A_314 : i32 to index
        %swap3A_358 = arith.constant 80 : index
        %swap3A_359 = tpu.vector_load %arg10[%swap3A_357, %swap3A_358] {strides = array<i32>} : memref<128x128xf32, #tpu.memory_space<vmem>>, vector<16xf32>,
        tpu.vector_store %arg10[%swap3A_357, %swap3A_358], %mul3A_356 {strides = array<i32>} : memref<128x128xf32, #tpu.memory_space<vmem>>, vector<16xf32>,
        %get3A_360 = arith.index_cast %add3A_314 : i32 to index
        %get3A_361 = arith.constant 96 : index
        %get3A_362 = tpu.vector_load %arg10[%get3A_360, %get3A_361] {strides = array<i32>} : memref<128x128xf32, #tpu.memory_space<vmem>>, vector<16xf32>,
        %mul3A_363 = arith.mulf %get3A_362, %gather3A_317 : vector<16xf32>
        %swap3A_364 = arith.index_cast %add3A_314 : i32 to index
        %swap3A_365 = arith.constant 96 : index
        %swap3A_366 = tpu.vector_load %arg10[%swap3A_364, %swap3A_365] {strides = array<i32>} : memref<128x128xf32, #tpu.memory_space<vmem>>, vector<16xf32>,
        tpu.vector_store %arg10[%swap3A_364, %swap3A_365], %mul3A_363 {strides = array<i32>} : memref<128x128xf32, #tpu.memory_space<vmem>>, vector<16xf32>,
        %get3A_367 = arith.index_cast %add3A_314 : i32 to index
        %get3A_368 = arith.constant 112 : index
        %get3A_369 = tpu.vector_load %arg10[%get3A_367, %get3A_368] {strides = array<i32>} : memref<128x128xf32, #tpu.memory_space<vmem>>, vector<16xf32>,
        %mul3A_370 = arith.mulf %get3A_369, %gather3A_317 : vector<16xf32>
        %swap3A_371 = arith.index_cast %add3A_314 : i32 to index
        %swap3A_372 = arith.constant 112 : index
        %swap3A_373 = tpu.vector_load %arg10[%swap3A_371, %swap3A_372] {strides = array<i32>} : memref<128x128xf32, #tpu.memory_space<vmem>>, vector<16xf32>,
        tpu.vector_store %arg10[%swap3A_371, %swap3A_372], %mul3A_370 {strides = array<i32>} : memref<128x128xf32, #tpu.memory_space<vmem>>, vector<16xf32>,
        %mul3A_374 = arith.constant 16 : i32
        %mul3A_375 = arith.muli %scan3A_61, %mul3A_374 : i32
        %add3A_376 = arith.constant 5 : i32
        %add3A_377 = arith.addi %mul3A_375, %add3A_376 : i32
        %broadcast_in_dim3A_378 = vector.broadcast %scan3A_41 : i32 to vector<16xi32>
        %broadcast_in_dim3A_379 = vector.broadcast %add3A_377 : i32 to vector<16xi32>
        %gather3A_380 = tpu.vector_load_idx %arg9[%broadcast_in_dim3A_378, %broadcast_in_dim3A_379] : memref<80x128xf32, #tpu.memory_space<vmem>>[vector<16xi32>, vector<16xi32>], vector<16xf32>,
        %get3A_381 = arith.index_cast %add3A_377 : i32 to index
        %get3A_382 = arith.constant 0 : index
        %get3A_383 = tpu.vector_load %arg10[%get3A_381, %get3A_382] {strides = array<i32>} : memref<128x128xf32, #tpu.memory_space<vmem>>, vector<16xf32>,
        %mul3A_384 = arith.mulf %get3A_383, %gather3A_380 : vector<16xf32>
        %swap3A_385 = arith.index_cast %add3A_377 : i32 to index
        %swap3A_386 = arith.constant 0 : index
        %swap3A_387 = tpu.vector_load %arg10[%swap3A_385, %swap3A_386] {strides = array<i32>} : memref<128x128xf32, #tpu.memory_space<vmem>>, vector<16xf32>,
        tpu.vector_store %arg10[%swap3A_385, %swap3A_386], %mul3A_384 {strides = array<i32>} : memref<128x128xf32, #tpu.memory_space<vmem>>, vector<16xf32>,
        %get3A_388 = arith.index_cast %add3A_377 : i32 to index
        %get3A_389 = arith.constant 16 : index
        %get3A_390 = tpu.vector_load %arg10[%get3A_388, %get3A_389] {strides = array<i32>} : memref<128x128xf32, #tpu.memory_space<vmem>>, vector<16xf32>,
        %mul3A_391 = arith.mulf %get3A_390, %gather3A_380 : vector<16xf32>
        %swap3A_392 = arith.index_cast %add3A_377 : i32 to index
        %swap3A_393 = arith.constant 16 : index
        %swap3A_394 = tpu.vector_load %arg10[%swap3A_392, %swap3A_393] {strides = array<i32>} : memref<128x128xf32, #tpu.memory_space<vmem>>, vector<16xf32>,
        tpu.vector_store %arg10[%swap3A_392, %swap3A_393], %mul3A_391 {strides = array<i32>} : memref<128x128xf32, #tpu.memory_space<vmem>>, vector<16xf32>,
        %get3A_395 = arith.index_cast %add3A_377 : i32 to index
        %get3A_396 = arith.constant 32 : index
        %get3A_397 = tpu.vector_load %arg10[%get3A_395, %get3A_396] {strides = array<i32>} : memref<128x128xf32, #tpu.memory_space<vmem>>, vector<16xf32>,
        %mul3A_398 = arith.mulf %get3A_397, %gather3A_380 : vector<16xf32>
        %swap3A_399 = arith.index_cast %add3A_377 : i32 to index
        %swap3A_400 = arith.constant 32 : index
        %swap3A_401 = tpu.vector_load %arg10[%swap3A_399, %swap3A_400] {strides = array<i32>} : memref<128x128xf32, #tpu.memory_space<vmem>>, vector<16xf32>,
        tpu.vector_store %arg10[%swap3A_399, %swap3A_400], %mul3A_398 {strides = array<i32>} : memref<128x128xf32, #tpu.memory_space<vmem>>, vector<16xf32>,
        %get3A_402 = arith.index_cast %add3A_377 : i32 to index
        %get3A_403 = arith.constant 48 : index
        %get3A_404 = tpu.vector_load %arg10[%get3A_402, %get3A_403] {strides = array<i32>} : memref<128x128xf32, #tpu.memory_space<vmem>>, vector<16xf32>,
        %mul3A_405 = arith.mulf %get3A_404, %gather3A_380 : vector<16xf32>
        %swap3A_406 = arith.index_cast %add3A_377 : i32 to index
        %swap3A_407 = arith.constant 48 : index
        %swap3A_408 = tpu.vector_load %arg10[%swap3A_406, %swap3A_407] {strides = array<i32>} : memref<128x128xf32, #tpu.memory_space<vmem>>, vector<16xf32>,
        tpu.vector_store %arg10[%swap3A_406, %swap3A_407], %mul3A_405 {strides = array<i32>} : memref<128x128xf32, #tpu.memory_space<vmem>>, vector<16xf32>,
        %get3A_409 = arith.index_cast %add3A_377 : i32 to index
        %get3A_410 = arith.constant 64 : index
        %get3A_411 = tpu.vector_load %arg10[%get3A_409, %get3A_410] {strides = array<i32>} : memref<128x128xf32, #tpu.memory_space<vmem>>, vector<16xf32>,
        %mul3A_412 = arith.mulf %get3A_411, %gather3A_380 : vector<16xf32>
        %swap3A_413 = arith.index_cast %add3A_377 : i32 to index
        %swap3A_414 = arith.constant 64 : index
        %swap3A_415 = tpu.vector_load %arg10[%swap3A_413, %swap3A_414] {strides = array<i32>} : memref<128x128xf32, #tpu.memory_space<vmem>>, vector<16xf32>,
        tpu.vector_store %arg10[%swap3A_413, %swap3A_414], %mul3A_412 {strides = array<i32>} : memref<128x128xf32, #tpu.memory_space<vmem>>, vector<16xf32>,
        %get3A_416 = arith.index_cast %add3A_377 : i32 to index
        %get3A_417 = arith.constant 80 : index
        %get3A_418 = tpu.vector_load %arg10[%get3A_416, %get3A_417] {strides = array<i32>} : memref<128x128xf32, #tpu.memory_space<vmem>>, vector<16xf32>,
        %mul3A_419 = arith.mulf %get3A_418, %gather3A_380 : vector<16xf32>
        %swap3A_420 = arith.index_cast %add3A_377 : i32 to index
        %swap3A_421 = arith.constant 80 : index
        %swap3A_422 = tpu.vector_load %arg10[%swap3A_420, %swap3A_421] {strides = array<i32>} : memref<128x128xf32, #tpu.memory_space<vmem>>, vector<16xf32>,
        tpu.vector_store %arg10[%swap3A_420, %swap3A_421], %mul3A_419 {strides = array<i32>} : memref<128x128xf32, #tpu.memory_space<vmem>>, vector<16xf32>,
        %get3A_423 = arith.index_cast %add3A_377 : i32 to index
        %get3A_424 = arith.constant 96 : index
        %get3A_425 = tpu.vector_load %arg10[%get3A_423, %get3A_424] {strides = array<i32>} : memref<128x128xf32, #tpu.memory_space<vmem>>, vector<16xf32>,
        %mul3A_426 = arith.mulf %get3A_425, %gather3A_380 : vector<16xf32>
        %swap3A_427 = arith.index_cast %add3A_377 : i32 to index
        %swap3A_428 = arith.constant 96 : index
        %swap3A_429 = tpu.vector_load %arg10[%swap3A_427, %swap3A_428] {strides = array<i32>} : memref<128x128xf32, #tpu.memory_space<vmem>>, vector<16xf32>,
        tpu.vector_store %arg10[%swap3A_427, %swap3A_428], %mul3A_426 {strides = array<i32>} : memref<128x128xf32, #tpu.memory_space<vmem>>, vector<16xf32>,
        %get3A_430 = arith.index_cast %add3A_377 : i32 to index
        %get3A_431 = arith.constant 112 : index
        %get3A_432 = tpu.vector_load %arg10[%get3A_430, %get3A_431] {strides = array<i32>} : memref<128x128xf32, #tpu.memory_space<vmem>>, vector<16xf32>,
        %mul3A_433 = arith.mulf %get3A_432, %gather3A_380 : vector<16xf32>
        %swap3A_434 = arith.index_cast %add3A_377 : i32 to index
        %swap3A_435 = arith.constant 112 : index
        %swap3A_436 = tpu.vector_load %arg10[%swap3A_434, %swap3A_435] {strides = array<i32>} : memref<128x128xf32, #tpu.memory_space<vmem>>, vector<16xf32>,
        tpu.vector_store %arg10[%swap3A_434, %swap3A_435], %mul3A_433 {strides = array<i32>} : memref<128x128xf32, #tpu.memory_space<vmem>>, vector<16xf32>,
        %mul3A_437 = arith.constant 16 : i32
        %mul3A_438 = arith.muli %scan3A_61, %mul3A_437 : i32
        %add3A_439 = arith.constant 6 : i32
        %add3A_440 = arith.addi %mul3A_438, %add3A_439 : i32
        %broadcast_in_dim3A_441 = vector.broadcast %scan3A_41 : i32 to vector<16xi32>
        %broadcast_in_dim3A_442 = vector.broadcast %add3A_440 : i32 to vector<16xi32>
        %gather3A_443 = tpu.vector_load_idx %arg9[%broadcast_in_dim3A_441, %broadcast_in_dim3A_442] : memref<80x128xf32, #tpu.memory_space<vmem>>[vector<16xi32>, vector<16xi32>], vector<16xf32>,
        %get3A_444 = arith.index_cast %add3A_440 : i32 to index
        %get3A_445 = arith.constant 0 : index
        %get3A_446 = tpu.vector_load %arg10[%get3A_444, %get3A_445] {strides = array<i32>} : memref<128x128xf32, #tpu.memory_space<vmem>>, vector<16xf32>,
        %mul3A_447 = arith.mulf %get3A_446, %gather3A_443 : vector<16xf32>
        %swap3A_448 = arith.index_cast %add3A_440 : i32 to index
        %swap3A_449 = arith.constant 0 : index
        %swap3A_450 = tpu.vector_load %arg10[%swap3A_448, %swap3A_449] {strides = array<i32>} : memref<128x128xf32, #tpu.memory_space<vmem>>, vector<16xf32>,
        tpu.vector_store %arg10[%swap3A_448, %swap3A_449], %mul3A_447 {strides = array<i32>} : memref<128x128xf32, #tpu.memory_space<vmem>>, vector<16xf32>,
        %get3A_451 = arith.index_cast %add3A_440 : i32 to index
        %get3A_452 = arith.constant 16 : index
        %get3A_453 = tpu.vector_load %arg10[%get3A_451, %get3A_452] {strides = array<i32>} : memref<128x128xf32, #tpu.memory_space<vmem>>, vector<16xf32>,
        %mul3A_454 = arith.mulf %get3A_453, %gather3A_443 : vector<16xf32>
        %swap3A_455 = arith.index_cast %add3A_440 : i32 to index
        %swap3A_456 = arith.constant 16 : index
        %swap3A_457 = tpu.vector_load %arg10[%swap3A_455, %swap3A_456] {strides = array<i32>} : memref<128x128xf32, #tpu.memory_space<vmem>>, vector<16xf32>,
        tpu.vector_store %arg10[%swap3A_455, %swap3A_456], %mul3A_454 {strides = array<i32>} : memref<128x128xf32, #tpu.memory_space<vmem>>, vector<16xf32>,
        %get3A_458 = arith.index_cast %add3A_440 : i32 to index
        %get3A_459 = arith.constant 32 : index
        %get3A_460 = tpu.vector_load %arg10[%get3A_458, %get3A_459] {strides = array<i32>} : memref<128x128xf32, #tpu.memory_space<vmem>>, vector<16xf32>,
        %mul3A_461 = arith.mulf %get3A_460, %gather3A_443 : vector<16xf32>
        %swap3A_462 = arith.index_cast %add3A_440 : i32 to index
        %swap3A_463 = arith.constant 32 : index
        %swap3A_464 = tpu.vector_load %arg10[%swap3A_462, %swap3A_463] {strides = array<i32>} : memref<128x128xf32, #tpu.memory_space<vmem>>, vector<16xf32>,
        tpu.vector_store %arg10[%swap3A_462, %swap3A_463], %mul3A_461 {strides = array<i32>} : memref<128x128xf32, #tpu.memory_space<vmem>>, vector<16xf32>,
        %get3A_465 = arith.index_cast %add3A_440 : i32 to index
        %get3A_466 = arith.constant 48 : index
        %get3A_467 = tpu.vector_load %arg10[%get3A_465, %get3A_466] {strides = array<i32>} : memref<128x128xf32, #tpu.memory_space<vmem>>, vector<16xf32>,
        %mul3A_468 = arith.mulf %get3A_467, %gather3A_443 : vector<16xf32>
        %swap3A_469 = arith.index_cast %add3A_440 : i32 to index
        %swap3A_470 = arith.constant 48 : index
        %swap3A_471 = tpu.vector_load %arg10[%swap3A_469, %swap3A_470] {strides = array<i32>} : memref<128x128xf32, #tpu.memory_space<vmem>>, vector<16xf32>,
        tpu.vector_store %arg10[%swap3A_469, %swap3A_470], %mul3A_468 {strides = array<i32>} : memref<128x128xf32, #tpu.memory_space<vmem>>, vector<16xf32>,
        %get3A_472 = arith.index_cast %add3A_440 : i32 to index
        %get3A_473 = arith.constant 64 : index
        %get3A_474 = tpu.vector_load %arg10[%get3A_472, %get3A_473] {strides = array<i32>} : memref<128x128xf32, #tpu.memory_space<vmem>>, vector<16xf32>,
        %mul3A_475 = arith.mulf %get3A_474, %gather3A_443 : vector<16xf32>
        %swap3A_476 = arith.index_cast %add3A_440 : i32 to index
        %swap3A_477 = arith.constant 64 : index
        %swap3A_478 = tpu.vector_load %arg10[%swap3A_476, %swap3A_477] {strides = array<i32>} : memref<128x128xf32, #tpu.memory_space<vmem>>, vector<16xf32>,
        tpu.vector_store %arg10[%swap3A_476, %swap3A_477], %mul3A_475 {strides = array<i32>} : memref<128x128xf32, #tpu.memory_space<vmem>>, vector<16xf32>,
        %get3A_479 = arith.index_cast %add3A_440 : i32 to index
        %get3A_480 = arith.constant 80 : index
        %get3A_481 = tpu.vector_load %arg10[%get3A_479, %get3A_480] {strides = array<i32>} : memref<128x128xf32, #tpu.memory_space<vmem>>, vector<16xf32>,
        %mul3A_482 = arith.mulf %get3A_481, %gather3A_443 : vector<16xf32>
        %swap3A_483 = arith.index_cast %add3A_440 : i32 to index
        %swap3A_484 = arith.constant 80 : index
        %swap3A_485 = tpu.vector_load %arg10[%swap3A_483, %swap3A_484] {strides = array<i32>} : memref<128x128xf32, #tpu.memory_space<vmem>>, vector<16xf32>,
        tpu.vector_store %arg10[%swap3A_483, %swap3A_484], %mul3A_482 {strides = array<i32>} : memref<128x128xf32, #tpu.memory_space<vmem>>, vector<16xf32>,
        %get3A_486 = arith.index_cast %add3A_440 : i32 to index
        %get3A_487 = arith.constant 96 : index
        %get3A_488 = tpu.vector_load %arg10[%get3A_486, %get3A_487] {strides = array<i32>} : memref<128x128xf32, #tpu.memory_space<vmem>>, vector<16xf32>,
        %mul3A_489 = arith.mulf %get3A_488, %gather3A_443 : vector<16xf32>
        %swap3A_490 = arith.index_cast %add3A_440 : i32 to index
        %swap3A_491 = arith.constant 96 : index
        %swap3A_492 = tpu.vector_load %arg10[%swap3A_490, %swap3A_491] {strides = array<i32>} : memref<128x128xf32, #tpu.memory_space<vmem>>, vector<16xf32>,
        tpu.vector_store %arg10[%swap3A_490, %swap3A_491], %mul3A_489 {strides = array<i32>} : memref<128x128xf32, #tpu.memory_space<vmem>>, vector<16xf32>,
        %get3A_493 = arith.index_cast %add3A_440 : i32 to index
        %get3A_494 = arith.constant 112 : index
        %get3A_495 = tpu.vector_load %arg10[%get3A_493, %get3A_494] {strides = array<i32>} : memref<128x128xf32, #tpu.memory_space<vmem>>, vector<16xf32>,
        %mul3A_496 = arith.mulf %get3A_495, %gather3A_443 : vector<16xf32>
        %swap3A_497 = arith.index_cast %add3A_440 : i32 to index
        %swap3A_498 = arith.constant 112 : index
        %swap3A_499 = tpu.vector_load %arg10[%swap3A_497, %swap3A_498] {strides = array<i32>} : memref<128x128xf32, #tpu.memory_space<vmem>>, vector<16xf32>,
        tpu.vector_store %arg10[%swap3A_497, %swap3A_498], %mul3A_496 {strides = array<i32>} : memref<128x128xf32, #tpu.memory_space<vmem>>, vector<16xf32>,
        %mul3A_500 = arith.constant 16 : i32
        %mul3A_501 = arith.muli %scan3A_61, %mul3A_500 : i32
        %add3A_502 = arith.constant 7 : i32
        %add3A_503 = arith.addi %mul3A_501, %add3A_502 : i32
        %broadcast_in_dim3A_504 = vector.broadcast %scan3A_41 : i32 to vector<16xi32>
        %broadcast_in_dim3A_505 = vector.broadcast %add3A_503 : i32 to vector<16xi32>
        %gather3A_506 = tpu.vector_load_idx %arg9[%broadcast_in_dim3A_504, %broadcast_in_dim3A_505] : memref<80x128xf32, #tpu.memory_space<vmem>>[vector<16xi32>, vector<16xi32>], vector<16xf32>,
        %get3A_507 = arith.index_cast %add3A_503 : i32 to index
        %get3A_508 = arith.constant 0 : index
        %get3A_509 = tpu.vector_load %arg10[%get3A_507, %get3A_508] {strides = array<i32>} : memref<128x128xf32, #tpu.memory_space<vmem>>, vector<16xf32>,
        %mul3A_510 = arith.mulf %get3A_509, %gather3A_506 : vector<16xf32>
        %swap3A_511 = arith.index_cast %add3A_503 : i32 to index
        %swap3A_512 = arith.constant 0 : index
        %swap3A_513 = tpu.vector_load %arg10[%swap3A_511, %swap3A_512] {strides = array<i32>} : memref<128x128xf32, #tpu.memory_space<vmem>>, vector<16xf32>,
        tpu.vector_store %arg10[%swap3A_511, %swap3A_512], %mul3A_510 {strides = array<i32>} : memref<128x128xf32, #tpu.memory_space<vmem>>, vector<16xf32>,
        %get3A_514 = arith.index_cast %add3A_503 : i32 to index
        %get3A_515 = arith.constant 16 : index
        %get3A_516 = tpu.vector_load %arg10[%get3A_514, %get3A_515] {strides = array<i32>} : memref<128x128xf32, #tpu.memory_space<vmem>>, vector<16xf32>,
        %mul3A_517 = arith.mulf %get3A_516, %gather3A_506 : vector<16xf32>
        %swap3A_518 = arith.index_cast %add3A_503 : i32 to index
        %swap3A_519 = arith.constant 16 : index
        %swap3A_520 = tpu.vector_load %arg10[%swap3A_518, %swap3A_519] {strides = array<i32>} : memref<128x128xf32, #tpu.memory_space<vmem>>, vector<16xf32>,
        tpu.vector_store %arg10[%swap3A_518, %swap3A_519], %mul3A_517 {strides = array<i32>} : memref<128x128xf32, #tpu.memory_space<vmem>>, vector<16xf32>,
        %get3A_521 = arith.index_cast %add3A_503 : i32 to index
        %get3A_522 = arith.constant 32 : index
        %get3A_523 = tpu.vector_load %arg10[%get3A_521, %get3A_522] {strides = array<i32>} : memref<128x128xf32, #tpu.memory_space<vmem>>, vector<16xf32>,
        %mul3A_524 = arith.mulf %get3A_523, %gather3A_506 : vector<16xf32>
        %swap3A_525 = arith.index_cast %add3A_503 : i32 to index
        %swap3A_526 = arith.constant 32 : index
        %swap3A_527 = tpu.vector_load %arg10[%swap3A_525, %swap3A_526] {strides = array<i32>} : memref<128x128xf32, #tpu.memory_space<vmem>>, vector<16xf32>,
        tpu.vector_store %arg10[%swap3A_525, %swap3A_526], %mul3A_524 {strides = array<i32>} : memref<128x128xf32, #tpu.memory_space<vmem>>, vector<16xf32>,
        %get3A_528 = arith.index_cast %add3A_503 : i32 to index
        %get3A_529 = arith.constant 48 : index
        %get3A_530 = tpu.vector_load %arg10[%get3A_528, %get3A_529] {strides = array<i32>} : memref<128x128xf32, #tpu.memory_space<vmem>>, vector<16xf32>,
        %mul3A_531 = arith.mulf %get3A_530, %gather3A_506 : vector<16xf32>
        %swap3A_532 = arith.index_cast %add3A_503 : i32 to index
        %swap3A_533 = arith.constant 48 : index
        %swap3A_534 = tpu.vector_load %arg10[%swap3A_532, %swap3A_533] {strides = array<i32>} : memref<128x128xf32, #tpu.memory_space<vmem>>, vector<16xf32>,
        tpu.vector_store %arg10[%swap3A_532, %swap3A_533], %mul3A_531 {strides = array<i32>} : memref<128x128xf32, #tpu.memory_space<vmem>>, vector<16xf32>,
        %get3A_535 = arith.index_cast %add3A_503 : i32 to index
        %get3A_536 = arith.constant 64 : index
        %get3A_537 = tpu.vector_load %arg10[%get3A_535, %get3A_536] {strides = array<i32>} : memref<128x128xf32, #tpu.memory_space<vmem>>, vector<16xf32>,
        %mul3A_538 = arith.mulf %get3A_537, %gather3A_506 : vector<16xf32>
        %swap3A_539 = arith.index_cast %add3A_503 : i32 to index
        %swap3A_540 = arith.constant 64 : index
        %swap3A_541 = tpu.vector_load %arg10[%swap3A_539, %swap3A_540] {strides = array<i32>} : memref<128x128xf32, #tpu.memory_space<vmem>>, vector<16xf32>,
        tpu.vector_store %arg10[%swap3A_539, %swap3A_540], %mul3A_538 {strides = array<i32>} : memref<128x128xf32, #tpu.memory_space<vmem>>, vector<16xf32>,
        %get3A_542 = arith.index_cast %add3A_503 : i32 to index
        %get3A_543 = arith.constant 80 : index
        %get3A_544 = tpu.vector_load %arg10[%get3A_542, %get3A_543] {strides = array<i32>} : memref<128x128xf32, #tpu.memory_space<vmem>>, vector<16xf32>,
        %mul3A_545 = arith.mulf %get3A_544, %gather3A_506 : vector<16xf32>
        %swap3A_546 = arith.index_cast %add3A_503 : i32 to index
        %swap3A_547 = arith.constant 80 : index
        %swap3A_548 = tpu.vector_load %arg10[%swap3A_546, %swap3A_547] {strides = array<i32>} : memref<128x128xf32, #tpu.memory_space<vmem>>, vector<16xf32>,
        tpu.vector_store %arg10[%swap3A_546, %swap3A_547], %mul3A_545 {strides = array<i32>} : memref<128x128xf32, #tpu.memory_space<vmem>>, vector<16xf32>,
        %get3A_549 = arith.index_cast %add3A_503 : i32 to index
        %get3A_550 = arith.constant 96 : index
        %get3A_551 = tpu.vector_load %arg10[%get3A_549, %get3A_550] {strides = array<i32>} : memref<128x128xf32, #tpu.memory_space<vmem>>, vector<16xf32>,
        %mul3A_552 = arith.mulf %get3A_551, %gather3A_506 : vector<16xf32>
        %swap3A_553 = arith.index_cast %add3A_503 : i32 to index
        %swap3A_554 = arith.constant 96 : index
        %swap3A_555 = tpu.vector_load %arg10[%swap3A_553, %swap3A_554] {strides = array<i32>} : memref<128x128xf32, #tpu.memory_space<vmem>>, vector<16xf32>,
        tpu.vector_store %arg10[%swap3A_553, %swap3A_554], %mul3A_552 {strides = array<i32>} : memref<128x128xf32, #tpu.memory_space<vmem>>, vector<16xf32>,
        %get3A_556 = arith.index_cast %add3A_503 : i32 to index
        %get3A_557 = arith.constant 112 : index
        %get3A_558 = tpu.vector_load %arg10[%get3A_556, %get3A_557] {strides = array<i32>} : memref<128x128xf32, #tpu.memory_space<vmem>>, vector<16xf32>,
        %mul3A_559 = arith.mulf %get3A_558, %gather3A_506 : vector<16xf32>
        %swap3A_560 = arith.index_cast %add3A_503 : i32 to index
        %swap3A_561 = arith.constant 112 : index
        %swap3A_562 = tpu.vector_load %arg10[%swap3A_560, %swap3A_561] {strides = array<i32>} : memref<128x128xf32, #tpu.memory_space<vmem>>, vector<16xf32>,
        tpu.vector_store %arg10[%swap3A_560, %swap3A_561], %mul3A_559 {strides = array<i32>} : memref<128x128xf32, #tpu.memory_space<vmem>>, vector<16xf32>,
        %mul3A_563 = arith.constant 16 : i32
        %mul3A_564 = arith.muli %scan3A_61, %mul3A_563 : i32
        %add3A_565 = arith.constant 8 : i32
        %add3A_566 = arith.addi %mul3A_564, %add3A_565 : i32
        %broadcast_in_dim3A_567 = vector.broadcast %scan3A_41 : i32 to vector<16xi32>
        %broadcast_in_dim3A_568 = vector.broadcast %add3A_566 : i32 to vector<16xi32>
        %gather3A_569 = tpu.vector_load_idx %arg9[%broadcast_in_dim3A_567, %broadcast_in_dim3A_568] : memref<80x128xf32, #tpu.memory_space<vmem>>[vector<16xi32>, vector<16xi32>], vector<16xf32>,
        %get3A_570 = arith.index_cast %add3A_566 : i32 to index
        %get3A_571 = arith.constant 0 : index
        %get3A_572 = tpu.vector_load %arg10[%get3A_570, %get3A_571] {strides = array<i32>} : memref<128x128xf32, #tpu.memory_space<vmem>>, vector<16xf32>,
        %mul3A_573 = arith.mulf %get3A_572, %gather3A_569 : vector<16xf32>
        %swap3A_574 = arith.index_cast %add3A_566 : i32 to index
        %swap3A_575 = arith.constant 0 : index
        %swap3A_576 = tpu.vector_load %arg10[%swap3A_574, %swap3A_575] {strides = array<i32>} : memref<128x128xf32, #tpu.memory_space<vmem>>, vector<16xf32>,
        tpu.vector_store %arg10[%swap3A_574, %swap3A_575], %mul3A_573 {strides = array<i32>} : memref<128x128xf32, #tpu.memory_space<vmem>>, vector<16xf32>,
        %get3A_577 = arith.index_cast %add3A_566 : i32 to index
        %get3A_578 = arith.constant 16 : index
        %get3A_579 = tpu.vector_load %arg10[%get3A_577, %get3A_578] {strides = array<i32>} : memref<128x128xf32, #tpu.memory_space<vmem>>, vector<16xf32>,
        %mul3A_580 = arith.mulf %get3A_579, %gather3A_569 : vector<16xf32>
        %swap3A_581 = arith.index_cast %add3A_566 : i32 to index
        %swap3A_582 = arith.constant 16 : index
        %swap3A_583 = tpu.vector_load %arg10[%swap3A_581, %swap3A_582] {strides = array<i32>} : memref<128x128xf32, #tpu.memory_space<vmem>>, vector<16xf32>,
        tpu.vector_store %arg10[%swap3A_581, %swap3A_582], %mul3A_580 {strides = array<i32>} : memref<128x128xf32, #tpu.memory_space<vmem>>, vector<16xf32>,
        %get3A_584 = arith.index_cast %add3A_566 : i32 to index
        %get3A_585 = arith.constant 32 : index
        %get3A_586 = tpu.vector_load %arg10[%get3A_584, %get3A_585] {strides = array<i32>} : memref<128x128xf32, #tpu.memory_space<vmem>>, vector<16xf32>,
        %mul3A_587 = arith.mulf %get3A_586, %gather3A_569 : vector<16xf32>
        %swap3A_588 = arith.index_cast %add3A_566 : i32 to index
        %swap3A_589 = arith.constant 32 : index
        %swap3A_590 = tpu.vector_load %arg10[%swap3A_588, %swap3A_589] {strides = array<i32>} : memref<128x128xf32, #tpu.memory_space<vmem>>, vector<16xf32>,
        tpu.vector_store %arg10[%swap3A_588, %swap3A_589], %mul3A_587 {strides = array<i32>} : memref<128x128xf32, #tpu.memory_space<vmem>>, vector<16xf32>,
        %get3A_591 = arith.index_cast %add3A_566 : i32 to index
        %get3A_592 = arith.constant 48 : index
        %get3A_593 = tpu.vector_load %arg10[%get3A_591, %get3A_592] {strides = array<i32>} : memref<128x128xf32, #tpu.memory_space<vmem>>, vector<16xf32>,
        %mul3A_594 = arith.mulf %get3A_593, %gather3A_569 : vector<16xf32>
        %swap3A_595 = arith.index_cast %add3A_566 : i32 to index
        %swap3A_596 = arith.constant 48 : index
        %swap3A_597 = tpu.vector_load %arg10[%swap3A_595, %swap3A_596] {strides = array<i32>} : memref<128x128xf32, #tpu.memory_space<vmem>>, vector<16xf32>,
        tpu.vector_store %arg10[%swap3A_595, %swap3A_596], %mul3A_594 {strides = array<i32>} : memref<128x128xf32, #tpu.memory_space<vmem>>, vector<16xf32>,
        %get3A_598 = arith.index_cast %add3A_566 : i32 to index
        %get3A_599 = arith.constant 64 : index
        %get3A_600 = tpu.vector_load %arg10[%get3A_598, %get3A_599] {strides = array<i32>} : memref<128x128xf32, #tpu.memory_space<vmem>>, vector<16xf32>,
        %mul3A_601 = arith.mulf %get3A_600, %gather3A_569 : vector<16xf32>
        %swap3A_602 = arith.index_cast %add3A_566 : i32 to index
        %swap3A_603 = arith.constant 64 : index
        %swap3A_604 = tpu.vector_load %arg10[%swap3A_602, %swap3A_603] {strides = array<i32>} : memref<128x128xf32, #tpu.memory_space<vmem>>, vector<16xf32>,
        tpu.vector_store %arg10[%swap3A_602, %swap3A_603], %mul3A_601 {strides = array<i32>} : memref<128x128xf32, #tpu.memory_space<vmem>>, vector<16xf32>,
        %get3A_605 = arith.index_cast %add3A_566 : i32 to index
        %get3A_606 = arith.constant 80 : index
        %get3A_607 = tpu.vector_load %arg10[%get3A_605, %get3A_606] {strides = array<i32>} : memref<128x128xf32, #tpu.memory_space<vmem>>, vector<16xf32>,
        %mul3A_608 = arith.mulf %get3A_607, %gather3A_569 : vector<16xf32>
        %swap3A_609 = arith.index_cast %add3A_566 : i32 to index
        %swap3A_610 = arith.constant 80 : index
        %swap3A_611 = tpu.vector_load %arg10[%swap3A_609, %swap3A_610] {strides = array<i32>} : memref<128x128xf32, #tpu.memory_space<vmem>>, vector<16xf32>,
        tpu.vector_store %arg10[%swap3A_609, %swap3A_610], %mul3A_608 {strides = array<i32>} : memref<128x128xf32, #tpu.memory_space<vmem>>, vector<16xf32>,
        %get3A_612 = arith.index_cast %add3A_566 : i32 to index
        %get3A_613 = arith.constant 96 : index
        %get3A_614 = tpu.vector_load %arg10[%get3A_612, %get3A_613] {strides = array<i32>} : memref<128x128xf32, #tpu.memory_space<vmem>>, vector<16xf32>,
        %mul3A_615 = arith.mulf %get3A_614, %gather3A_569 : vector<16xf32>
        %swap3A_616 = arith.index_cast %add3A_566 : i32 to index
        %swap3A_617 = arith.constant 96 : index
        %swap3A_618 = tpu.vector_load %arg10[%swap3A_616, %swap3A_617] {strides = array<i32>} : memref<128x128xf32, #tpu.memory_space<vmem>>, vector<16xf32>,
        tpu.vector_store %arg10[%swap3A_616, %swap3A_617], %mul3A_615 {strides = array<i32>} : memref<128x128xf32, #tpu.memory_space<vmem>>, vector<16xf32>,
        %get3A_619 = arith.index_cast %add3A_566 : i32 to index
        %get3A_620 = arith.constant 112 : index
        %get3A_621 = tpu.vector_load %arg10[%get3A_619, %get3A_620] {strides = array<i32>} : memref<128x128xf32, #tpu.memory_space<vmem>>, vector<16xf32>,
        %mul3A_622 = arith.mulf %get3A_621, %gather3A_569 : vector<16xf32>
        %swap3A_623 = arith.index_cast %add3A_566 : i32 to index
        %swap3A_624 = arith.constant 112 : index
        %swap3A_625 = tpu.vector_load %arg10[%swap3A_623, %swap3A_624] {strides = array<i32>} : memref<128x128xf32, #tpu.memory_space<vmem>>, vector<16xf32>,
        tpu.vector_store %arg10[%swap3A_623, %swap3A_624], %mul3A_622 {strides = array<i32>} : memref<128x128xf32, #tpu.memory_space<vmem>>, vector<16xf32>,
        %mul3A_626 = arith.constant 16 : i32
        %mul3A_627 = arith.muli %scan3A_61, %mul3A_626 : i32
        %add3A_628 = arith.constant 9 : i32
        %add3A_629 = arith.addi %mul3A_627, %add3A_628 : i32
        %broadcast_in_dim3A_630 = vector.broadcast %scan3A_41 : i32 to vector<16xi32>
        %broadcast_in_dim3A_631 = vector.broadcast %add3A_629 : i32 to vector<16xi32>
        %gather3A_632 = tpu.vector_load_idx %arg9[%broadcast_in_dim3A_630, %broadcast_in_dim3A_631] : memref<80x128xf32, #tpu.memory_space<vmem>>[vector<16xi32>, vector<16xi32>], vector<16xf32>,
        %get3A_633 = arith.index_cast %add3A_629 : i32 to index
        %get3A_634 = arith.constant 0 : index
        %get3A_635 = tpu.vector_load %arg10[%get3A_633, %get3A_634] {strides = array<i32>} : memref<128x128xf32, #tpu.memory_space<vmem>>, vector<16xf32>,
        %mul3A_636 = arith.mulf %get3A_635, %gather3A_632 : vector<16xf32>
        %swap3A_637 = arith.index_cast %add3A_629 : i32 to index
        %swap3A_638 = arith.constant 0 : index
        %swap3A_639 = tpu.vector_load %arg10[%swap3A_637, %swap3A_638] {strides = array<i32>} : memref<128x128xf32, #tpu.memory_space<vmem>>, vector<16xf32>,
        tpu.vector_store %arg10[%swap3A_637, %swap3A_638], %mul3A_636 {strides = array<i32>} : memref<128x128xf32, #tpu.memory_space<vmem>>, vector<16xf32>,
        %get3A_640 = arith.index_cast %add3A_629 : i32 to index
        %get3A_641 = arith.constant 16 : index
        %get3A_642 = tpu.vector_load %arg10[%get3A_640, %get3A_641] {strides = array<i32>} : memref<128x128xf32, #tpu.memory_space<vmem>>, vector<16xf32>,
        %mul3A_643 = arith.mulf %get3A_642, %gather3A_632 : vector<16xf32>
        %swap3A_644 = arith.index_cast %add3A_629 : i32 to index
        %swap3A_645 = arith.constant 16 : index
        %swap3A_646 = tpu.vector_load %arg10[%swap3A_644, %swap3A_645] {strides = array<i32>} : memref<128x128xf32, #tpu.memory_space<vmem>>, vector<16xf32>,
        tpu.vector_store %arg10[%swap3A_644, %swap3A_645], %mul3A_643 {strides = array<i32>} : memref<128x128xf32, #tpu.memory_space<vmem>>, vector<16xf32>,
        %get3A_647 = arith.index_cast %add3A_629 : i32 to index
        %get3A_648 = arith.constant 32 : index
        %get3A_649 = tpu.vector_load %arg10[%get3A_647, %get3A_648] {strides = array<i32>} : memref<128x128xf32, #tpu.memory_space<vmem>>, vector<16xf32>,
        %mul3A_650 = arith.mulf %get3A_649, %gather3A_632 : vector<16xf32>
        %swap3A_651 = arith.index_cast %add3A_629 : i32 to index
        %swap3A_652 = arith.constant 32 : index
        %swap3A_653 = tpu.vector_load %arg10[%swap3A_651, %swap3A_652] {strides = array<i32>} : memref<128x128xf32, #tpu.memory_space<vmem>>, vector<16xf32>,
        tpu.vector_store %arg10[%swap3A_651, %swap3A_652], %mul3A_650 {strides = array<i32>} : memref<128x128xf32, #tpu.memory_space<vmem>>, vector<16xf32>,
        %get3A_654 = arith.index_cast %add3A_629 : i32 to index
        %get3A_655 = arith.constant 48 : index
        %get3A_656 = tpu.vector_load %arg10[%get3A_654, %get3A_655] {strides = array<i32>} : memref<128x128xf32, #tpu.memory_space<vmem>>, vector<16xf32>,
        %mul3A_657 = arith.mulf %get3A_656, %gather3A_632 : vector<16xf32>
        %swap3A_658 = arith.index_cast %add3A_629 : i32 to index
        %swap3A_659 = arith.constant 48 : index
        %swap3A_660 = tpu.vector_load %arg10[%swap3A_658, %swap3A_659] {strides = array<i32>} : memref<128x128xf32, #tpu.memory_space<vmem>>, vector<16xf32>,
        tpu.vector_store %arg10[%swap3A_658, %swap3A_659], %mul3A_657 {strides = array<i32>} : memref<128x128xf32, #tpu.memory_space<vmem>>, vector<16xf32>,
        %get3A_661 = arith.index_cast %add3A_629 : i32 to index
        %get3A_662 = arith.constant 64 : index
        %get3A_663 = tpu.vector_load %arg10[%get3A_661, %get3A_662] {strides = array<i32>} : memref<128x128xf32, #tpu.memory_space<vmem>>, vector<16xf32>,
        %mul3A_664 = arith.mulf %get3A_663, %gather3A_632 : vector<16xf32>
        %swap3A_665 = arith.index_cast %add3A_629 : i32 to index
        %swap3A_666 = arith.constant 64 : index
        %swap3A_667 = tpu.vector_load %arg10[%swap3A_665, %swap3A_666] {strides = array<i32>} : memref<128x128xf32, #tpu.memory_space<vmem>>, vector<16xf32>,
        tpu.vector_store %arg10[%swap3A_665, %swap3A_666], %mul3A_664 {strides = array<i32>} : memref<128x128xf32, #tpu.memory_space<vmem>>, vector<16xf32>,
        %get3A_668 = arith.index_cast %add3A_629 : i32 to index
        %get3A_669 = arith.constant 80 : index
        %get3A_670 = tpu.vector_load %arg10[%get3A_668, %get3A_669] {strides = array<i32>} : memref<128x128xf32, #tpu.memory_space<vmem>>, vector<16xf32>,
        %mul3A_671 = arith.mulf %get3A_670, %gather3A_632 : vector<16xf32>
        %swap3A_672 = arith.index_cast %add3A_629 : i32 to index
        %swap3A_673 = arith.constant 80 : index
        %swap3A_674 = tpu.vector_load %arg10[%swap3A_672, %swap3A_673] {strides = array<i32>} : memref<128x128xf32, #tpu.memory_space<vmem>>, vector<16xf32>,
        tpu.vector_store %arg10[%swap3A_672, %swap3A_673], %mul3A_671 {strides = array<i32>} : memref<128x128xf32, #tpu.memory_space<vmem>>, vector<16xf32>,
        %get3A_675 = arith.index_cast %add3A_629 : i32 to index
        %get3A_676 = arith.constant 96 : index
        %get3A_677 = tpu.vector_load %arg10[%get3A_675, %get3A_676] {strides = array<i32>} : memref<128x128xf32, #tpu.memory_space<vmem>>, vector<16xf32>,
        %mul3A_678 = arith.mulf %get3A_677, %gather3A_632 : vector<16xf32>
        %swap3A_679 = arith.index_cast %add3A_629 : i32 to index
        %swap3A_680 = arith.constant 96 : index
        %swap3A_681 = tpu.vector_load %arg10[%swap3A_679, %swap3A_680] {strides = array<i32>} : memref<128x128xf32, #tpu.memory_space<vmem>>, vector<16xf32>,
        tpu.vector_store %arg10[%swap3A_679, %swap3A_680], %mul3A_678 {strides = array<i32>} : memref<128x128xf32, #tpu.memory_space<vmem>>, vector<16xf32>,
        %get3A_682 = arith.index_cast %add3A_629 : i32 to index
        %get3A_683 = arith.constant 112 : index
        %get3A_684 = tpu.vector_load %arg10[%get3A_682, %get3A_683] {strides = array<i32>} : memref<128x128xf32, #tpu.memory_space<vmem>>, vector<16xf32>,
        %mul3A_685 = arith.mulf %get3A_684, %gather3A_632 : vector<16xf32>
        %swap3A_686 = arith.index_cast %add3A_629 : i32 to index
        %swap3A_687 = arith.constant 112 : index
        %swap3A_688 = tpu.vector_load %arg10[%swap3A_686, %swap3A_687] {strides = array<i32>} : memref<128x128xf32, #tpu.memory_space<vmem>>, vector<16xf32>,
        tpu.vector_store %arg10[%swap3A_686, %swap3A_687], %mul3A_685 {strides = array<i32>} : memref<128x128xf32, #tpu.memory_space<vmem>>, vector<16xf32>,
        %mul3A_689 = arith.constant 16 : i32
        %mul3A_690 = arith.muli %scan3A_61, %mul3A_689 : i32
        %add3A_691 = arith.constant 10 : i32
        %add3A_692 = arith.addi %mul3A_690, %add3A_691 : i32
        %broadcast_in_dim3A_693 = vector.broadcast %scan3A_41 : i32 to vector<16xi32>
        %broadcast_in_dim3A_694 = vector.broadcast %add3A_692 : i32 to vector<16xi32>
        %gather3A_695 = tpu.vector_load_idx %arg9[%broadcast_in_dim3A_693, %broadcast_in_dim3A_694] : memref<80x128xf32, #tpu.memory_space<vmem>>[vector<16xi32>, vector<16xi32>], vector<16xf32>,
        %get3A_696 = arith.index_cast %add3A_692 : i32 to index
        %get3A_697 = arith.constant 0 : index
        %get3A_698 = tpu.vector_load %arg10[%get3A_696, %get3A_697] {strides = array<i32>} : memref<128x128xf32, #tpu.memory_space<vmem>>, vector<16xf32>,
        %mul3A_699 = arith.mulf %get3A_698, %gather3A_695 : vector<16xf32>
        %swap3A_700 = arith.index_cast %add3A_692 : i32 to index
        %swap3A_701 = arith.constant 0 : index
        %swap3A_702 = tpu.vector_load %arg10[%swap3A_700, %swap3A_701] {strides = array<i32>} : memref<128x128xf32, #tpu.memory_space<vmem>>, vector<16xf32>,
        tpu.vector_store %arg10[%swap3A_700, %swap3A_701], %mul3A_699 {strides = array<i32>} : memref<128x128xf32, #tpu.memory_space<vmem>>, vector<16xf32>,
        %get3A_703 = arith.index_cast %add3A_692 : i32 to index
        %get3A_704 = arith.constant 16 : index
        %get3A_705 = tpu.vector_load %arg10[%get3A_703, %get3A_704] {strides = array<i32>} : memref<128x128xf32, #tpu.memory_space<vmem>>, vector<16xf32>,
        %mul3A_706 = arith.mulf %get3A_705, %gather3A_695 : vector<16xf32>
        %swap3A_707 = arith.index_cast %add3A_692 : i32 to index
        %swap3A_708 = arith.constant 16 : index
        %swap3A_709 = tpu.vector_load %arg10[%swap3A_707, %swap3A_708] {strides = array<i32>} : memref<128x128xf32, #tpu.memory_space<vmem>>, vector<16xf32>,
        tpu.vector_store %arg10[%swap3A_707, %swap3A_708], %mul3A_706 {strides = array<i32>} : memref<128x128xf32, #tpu.memory_space<vmem>>, vector<16xf32>,
        %get3A_710 = arith.index_cast %add3A_692 : i32 to index
        %get3A_711 = arith.constant 32 : index
        %get3A_712 = tpu.vector_load %arg10[%get3A_710, %get3A_711] {strides = array<i32>} : memref<128x128xf32, #tpu.memory_space<vmem>>, vector<16xf32>,
        %mul3A_713 = arith.mulf %get3A_712, %gather3A_695 : vector<16xf32>
        %swap3A_714 = arith.index_cast %add3A_692 : i32 to index
        %swap3A_715 = arith.constant 32 : index
        %swap3A_716 = tpu.vector_load %arg10[%swap3A_714, %swap3A_715] {strides = array<i32>} : memref<128x128xf32, #tpu.memory_space<vmem>>, vector<16xf32>,
        tpu.vector_store %arg10[%swap3A_714, %swap3A_715], %mul3A_713 {strides = array<i32>} : memref<128x128xf32, #tpu.memory_space<vmem>>, vector<16xf32>,
        %get3A_717 = arith.index_cast %add3A_692 : i32 to index
        %get3A_718 = arith.constant 48 : index
        %get3A_719 = tpu.vector_load %arg10[%get3A_717, %get3A_718] {strides = array<i32>} : memref<128x128xf32, #tpu.memory_space<vmem>>, vector<16xf32>,
        %mul3A_720 = arith.mulf %get3A_719, %gather3A_695 : vector<16xf32>
        %swap3A_721 = arith.index_cast %add3A_692 : i32 to index
        %swap3A_722 = arith.constant 48 : index
        %swap3A_723 = tpu.vector_load %arg10[%swap3A_721, %swap3A_722] {strides = array<i32>} : memref<128x128xf32, #tpu.memory_space<vmem>>, vector<16xf32>,
        tpu.vector_store %arg10[%swap3A_721, %swap3A_722], %mul3A_720 {strides = array<i32>} : memref<128x128xf32, #tpu.memory_space<vmem>>, vector<16xf32>,
        %get3A_724 = arith.index_cast %add3A_692 : i32 to index
        %get3A_725 = arith.constant 64 : index
        %get3A_726 = tpu.vector_load %arg10[%get3A_724, %get3A_725] {strides = array<i32>} : memref<128x128xf32, #tpu.memory_space<vmem>>, vector<16xf32>,
        %mul3A_727 = arith.mulf %get3A_726, %gather3A_695 : vector<16xf32>
        %swap3A_728 = arith.index_cast %add3A_692 : i32 to index
        %swap3A_729 = arith.constant 64 : index
        %swap3A_730 = tpu.vector_load %arg10[%swap3A_728, %swap3A_729] {strides = array<i32>} : memref<128x128xf32, #tpu.memory_space<vmem>>, vector<16xf32>,
        tpu.vector_store %arg10[%swap3A_728, %swap3A_729], %mul3A_727 {strides = array<i32>} : memref<128x128xf32, #tpu.memory_space<vmem>>, vector<16xf32>,
        %get3A_731 = arith.index_cast %add3A_692 : i32 to index
        %get3A_732 = arith.constant 80 : index
        %get3A_733 = tpu.vector_load %arg10[%get3A_731, %get3A_732] {strides = array<i32>} : memref<128x128xf32, #tpu.memory_space<vmem>>, vector<16xf32>,
        %mul3A_734 = arith.mulf %get3A_733, %gather3A_695 : vector<16xf32>
        %swap3A_735 = arith.index_cast %add3A_692 : i32 to index
        %swap3A_736 = arith.constant 80 : index
        %swap3A_737 = tpu.vector_load %arg10[%swap3A_735, %swap3A_736] {strides = array<i32>} : memref<128x128xf32, #tpu.memory_space<vmem>>, vector<16xf32>,
        tpu.vector_store %arg10[%swap3A_735, %swap3A_736], %mul3A_734 {strides = array<i32>} : memref<128x128xf32, #tpu.memory_space<vmem>>, vector<16xf32>,
        %get3A_738 = arith.index_cast %add3A_692 : i32 to index
        %get3A_739 = arith.constant 96 : index
        %get3A_740 = tpu.vector_load %arg10[%get3A_738, %get3A_739] {strides = array<i32>} : memref<128x128xf32, #tpu.memory_space<vmem>>, vector<16xf32>,
        %mul3A_741 = arith.mulf %get3A_740, %gather3A_695 : vector<16xf32>
        %swap3A_742 = arith.index_cast %add3A_692 : i32 to index
        %swap3A_743 = arith.constant 96 : index
        %swap3A_744 = tpu.vector_load %arg10[%swap3A_742, %swap3A_743] {strides = array<i32>} : memref<128x128xf32, #tpu.memory_space<vmem>>, vector<16xf32>,
        tpu.vector_store %arg10[%swap3A_742, %swap3A_743], %mul3A_741 {strides = array<i32>} : memref<128x128xf32, #tpu.memory_space<vmem>>, vector<16xf32>,
        %get3A_745 = arith.index_cast %add3A_692 : i32 to index
        %get3A_746 = arith.constant 112 : index
        %get3A_747 = tpu.vector_load %arg10[%get3A_745, %get3A_746] {strides = array<i32>} : memref<128x128xf32, #tpu.memory_space<vmem>>, vector<16xf32>,
        %mul3A_748 = arith.mulf %get3A_747, %gather3A_695 : vector<16xf32>
        %swap3A_749 = arith.index_cast %add3A_692 : i32 to index
        %swap3A_750 = arith.constant 112 : index
        %swap3A_751 = tpu.vector_load %arg10[%swap3A_749, %swap3A_750] {strides = array<i32>} : memref<128x128xf32, #tpu.memory_space<vmem>>, vector<16xf32>,
        tpu.vector_store %arg10[%swap3A_749, %swap3A_750], %mul3A_748 {strides = array<i32>} : memref<128x128xf32, #tpu.memory_space<vmem>>, vector<16xf32>,
        %mul3A_752 = arith.constant 16 : i32
        %mul3A_753 = arith.muli %scan3A_61, %mul3A_752 : i32
        %add3A_754 = arith.constant 11 : i32
        %add3A_755 = arith.addi %mul3A_753, %add3A_754 : i32
        %broadcast_in_dim3A_756 = vector.broadcast %scan3A_41 : i32 to vector<16xi32>
        %broadcast_in_dim3A_757 = vector.broadcast %add3A_755 : i32 to vector<16xi32>
        %gather3A_758 = tpu.vector_load_idx %arg9[%broadcast_in_dim3A_756, %broadcast_in_dim3A_757] : memref<80x128xf32, #tpu.memory_space<vmem>>[vector<16xi32>, vector<16xi32>], vector<16xf32>,
        %get3A_759 = arith.index_cast %add3A_755 : i32 to index
        %get3A_760 = arith.constant 0 : index
        %get3A_761 = tpu.vector_load %arg10[%get3A_759, %get3A_760] {strides = array<i32>} : memref<128x128xf32, #tpu.memory_space<vmem>>, vector<16xf32>,
        %mul3A_762 = arith.mulf %get3A_761, %gather3A_758 : vector<16xf32>
        %swap3A_763 = arith.index_cast %add3A_755 : i32 to index
        %swap3A_764 = arith.constant 0 : index
        %swap3A_765 = tpu.vector_load %arg10[%swap3A_763, %swap3A_764] {strides = array<i32>} : memref<128x128xf32, #tpu.memory_space<vmem>>, vector<16xf32>,
        tpu.vector_store %arg10[%swap3A_763, %swap3A_764], %mul3A_762 {strides = array<i32>} : memref<128x128xf32, #tpu.memory_space<vmem>>, vector<16xf32>,
        %get3A_766 = arith.index_cast %add3A_755 : i32 to index
        %get3A_767 = arith.constant 16 : index
        %get3A_768 = tpu.vector_load %arg10[%get3A_766, %get3A_767] {strides = array<i32>} : memref<128x128xf32, #tpu.memory_space<vmem>>, vector<16xf32>,
        %mul3A_769 = arith.mulf %get3A_768, %gather3A_758 : vector<16xf32>
        %swap3A_770 = arith.index_cast %add3A_755 : i32 to index
        %swap3A_771 = arith.constant 16 : index
        %swap3A_772 = tpu.vector_load %arg10[%swap3A_770, %swap3A_771] {strides = array<i32>} : memref<128x128xf32, #tpu.memory_space<vmem>>, vector<16xf32>,
        tpu.vector_store %arg10[%swap3A_770, %swap3A_771], %mul3A_769 {strides = array<i32>} : memref<128x128xf32, #tpu.memory_space<vmem>>, vector<16xf32>,
        %get3A_773 = arith.index_cast %add3A_755 : i32 to index
        %get3A_774 = arith.constant 32 : index
        %get3A_775 = tpu.vector_load %arg10[%get3A_773, %get3A_774] {strides = array<i32>} : memref<128x128xf32, #tpu.memory_space<vmem>>, vector<16xf32>,
        %mul3A_776 = arith.mulf %get3A_775, %gather3A_758 : vector<16xf32>
        %swap3A_777 = arith.index_cast %add3A_755 : i32 to index
        %swap3A_778 = arith.constant 32 : index
        %swap3A_779 = tpu.vector_load %arg10[%swap3A_777, %swap3A_778] {strides = array<i32>} : memref<128x128xf32, #tpu.memory_space<vmem>>, vector<16xf32>,
        tpu.vector_store %arg10[%swap3A_777, %swap3A_778], %mul3A_776 {strides = array<i32>} : memref<128x128xf32, #tpu.memory_space<vmem>>, vector<16xf32>,
        %get3A_780 = arith.index_cast %add3A_755 : i32 to index
        %get3A_781 = arith.constant 48 : index
        %get3A_782 = tpu.vector_load %arg10[%get3A_780, %get3A_781] {strides = array<i32>} : memref<128x128xf32, #tpu.memory_space<vmem>>, vector<16xf32>,
        %mul3A_783 = arith.mulf %get3A_782, %gather3A_758 : vector<16xf32>
        %swap3A_784 = arith.index_cast %add3A_755 : i32 to index
        %swap3A_785 = arith.constant 48 : index
        %swap3A_786 = tpu.vector_load %arg10[%swap3A_784, %swap3A_785] {strides = array<i32>} : memref<128x128xf32, #tpu.memory_space<vmem>>, vector<16xf32>,
        tpu.vector_store %arg10[%swap3A_784, %swap3A_785], %mul3A_783 {strides = array<i32>} : memref<128x128xf32, #tpu.memory_space<vmem>>, vector<16xf32>,
        %get3A_787 = arith.index_cast %add3A_755 : i32 to index
        %get3A_788 = arith.constant 64 : index
        %get3A_789 = tpu.vector_load %arg10[%get3A_787, %get3A_788] {strides = array<i32>} : memref<128x128xf32, #tpu.memory_space<vmem>>, vector<16xf32>,
        %mul3A_790 = arith.mulf %get3A_789, %gather3A_758 : vector<16xf32>
        %swap3A_791 = arith.index_cast %add3A_755 : i32 to index
        %swap3A_792 = arith.constant 64 : index
        %swap3A_793 = tpu.vector_load %arg10[%swap3A_791, %swap3A_792] {strides = array<i32>} : memref<128x128xf32, #tpu.memory_space<vmem>>, vector<16xf32>,
        tpu.vector_store %arg10[%swap3A_791, %swap3A_792], %mul3A_790 {strides = array<i32>} : memref<128x128xf32, #tpu.memory_space<vmem>>, vector<16xf32>,
        %get3A_794 = arith.index_cast %add3A_755 : i32 to index
        %get3A_795 = arith.constant 80 : index
        %get3A_796 = tpu.vector_load %arg10[%get3A_794, %get3A_795] {strides = array<i32>} : memref<128x128xf32, #tpu.memory_space<vmem>>, vector<16xf32>,
        %mul3A_797 = arith.mulf %get3A_796, %gather3A_758 : vector<16xf32>
        %swap3A_798 = arith.index_cast %add3A_755 : i32 to index
        %swap3A_799 = arith.constant 80 : index
        %swap3A_800 = tpu.vector_load %arg10[%swap3A_798, %swap3A_799] {strides = array<i32>} : memref<128x128xf32, #tpu.memory_space<vmem>>, vector<16xf32>,
        tpu.vector_store %arg10[%swap3A_798, %swap3A_799], %mul3A_797 {strides = array<i32>} : memref<128x128xf32, #tpu.memory_space<vmem>>, vector<16xf32>,
        %get3A_801 = arith.index_cast %add3A_755 : i32 to index
        %get3A_802 = arith.constant 96 : index
        %get3A_803 = tpu.vector_load %arg10[%get3A_801, %get3A_802] {strides = array<i32>} : memref<128x128xf32, #tpu.memory_space<vmem>>, vector<16xf32>,
        %mul3A_804 = arith.mulf %get3A_803, %gather3A_758 : vector<16xf32>
        %swap3A_805 = arith.index_cast %add3A_755 : i32 to index
        %swap3A_806 = arith.constant 96 : index
        %swap3A_807 = tpu.vector_load %arg10[%swap3A_805, %swap3A_806] {strides = array<i32>} : memref<128x128xf32, #tpu.memory_space<vmem>>, vector<16xf32>,
        tpu.vector_store %arg10[%swap3A_805, %swap3A_806], %mul3A_804 {strides = array<i32>} : memref<128x128xf32, #tpu.memory_space<vmem>>, vector<16xf32>,
        %get3A_808 = arith.index_cast %add3A_755 : i32 to index
        %get3A_809 = arith.constant 112 : index
        %get3A_810 = tpu.vector_load %arg10[%get3A_808, %get3A_809] {strides = array<i32>} : memref<128x128xf32, #tpu.memory_space<vmem>>, vector<16xf32>,
        %mul3A_811 = arith.mulf %get3A_810, %gather3A_758 : vector<16xf32>
        %swap3A_812 = arith.index_cast %add3A_755 : i32 to index
        %swap3A_813 = arith.constant 112 : index
        %swap3A_814 = tpu.vector_load %arg10[%swap3A_812, %swap3A_813] {strides = array<i32>} : memref<128x128xf32, #tpu.memory_space<vmem>>, vector<16xf32>,
        tpu.vector_store %arg10[%swap3A_812, %swap3A_813], %mul3A_811 {strides = array<i32>} : memref<128x128xf32, #tpu.memory_space<vmem>>, vector<16xf32>,
        %mul3A_815 = arith.constant 16 : i32
        %mul3A_816 = arith.muli %scan3A_61, %mul3A_815 : i32
        %add3A_817 = arith.constant 12 : i32
        %add3A_818 = arith.addi %mul3A_816, %add3A_817 : i32
        %broadcast_in_dim3A_819 = vector.broadcast %scan3A_41 : i32 to vector<16xi32>
        %broadcast_in_dim3A_820 = vector.broadcast %add3A_818 : i32 to vector<16xi32>
        %gather3A_821 = tpu.vector_load_idx %arg9[%broadcast_in_dim3A_819, %broadcast_in_dim3A_820] : memref<80x128xf32, #tpu.memory_space<vmem>>[vector<16xi32>, vector<16xi32>], vector<16xf32>,
        %get3A_822 = arith.index_cast %add3A_818 : i32 to index
        %get3A_823 = arith.constant 0 : index
        %get3A_824 = tpu.vector_load %arg10[%get3A_822, %get3A_823] {strides = array<i32>} : memref<128x128xf32, #tpu.memory_space<vmem>>, vector<16xf32>,
        %mul3A_825 = arith.mulf %get3A_824, %gather3A_821 : vector<16xf32>
        %swap3A_826 = arith.index_cast %add3A_818 : i32 to index
        %swap3A_827 = arith.constant 0 : index
        %swap3A_828 = tpu.vector_load %arg10[%swap3A_826, %swap3A_827] {strides = array<i32>} : memref<128x128xf32, #tpu.memory_space<vmem>>, vector<16xf32>,
        tpu.vector_store %arg10[%swap3A_826, %swap3A_827], %mul3A_825 {strides = array<i32>} : memref<128x128xf32, #tpu.memory_space<vmem>>, vector<16xf32>,
        %get3A_829 = arith.index_cast %add3A_818 : i32 to index
        %get3A_830 = arith.constant 16 : index
        %get3A_831 = tpu.vector_load %arg10[%get3A_829, %get3A_830] {strides = array<i32>} : memref<128x128xf32, #tpu.memory_space<vmem>>, vector<16xf32>,
        %mul3A_832 = arith.mulf %get3A_831, %gather3A_821 : vector<16xf32>
        %swap3A_833 = arith.index_cast %add3A_818 : i32 to index
        %swap3A_834 = arith.constant 16 : index
        %swap3A_835 = tpu.vector_load %arg10[%swap3A_833, %swap3A_834] {strides = array<i32>} : memref<128x128xf32, #tpu.memory_space<vmem>>, vector<16xf32>,
        tpu.vector_store %arg10[%swap3A_833, %swap3A_834], %mul3A_832 {strides = array<i32>} : memref<128x128xf32, #tpu.memory_space<vmem>>, vector<16xf32>,
        %get3A_836 = arith.index_cast %add3A_818 : i32 to index
        %get3A_837 = arith.constant 32 : index
        %get3A_838 = tpu.vector_load %arg10[%get3A_836, %get3A_837] {strides = array<i32>} : memref<128x128xf32, #tpu.memory_space<vmem>>, vector<16xf32>,
        %mul3A_839 = arith.mulf %get3A_838, %gather3A_821 : vector<16xf32>
        %swap3A_840 = arith.index_cast %add3A_818 : i32 to index
        %swap3A_841 = arith.constant 32 : index
        %swap3A_842 = tpu.vector_load %arg10[%swap3A_840, %swap3A_841] {strides = array<i32>} : memref<128x128xf32, #tpu.memory_space<vmem>>, vector<16xf32>,
        tpu.vector_store %arg10[%swap3A_840, %swap3A_841], %mul3A_839 {strides = array<i32>} : memref<128x128xf32, #tpu.memory_space<vmem>>, vector<16xf32>,
        %get3A_843 = arith.index_cast %add3A_818 : i32 to index
        %get3A_844 = arith.constant 48 : index
        %get3A_845 = tpu.vector_load %arg10[%get3A_843, %get3A_844] {strides = array<i32>} : memref<128x128xf32, #tpu.memory_space<vmem>>, vector<16xf32>,
        %mul3A_846 = arith.mulf %get3A_845, %gather3A_821 : vector<16xf32>
        %swap3A_847 = arith.index_cast %add3A_818 : i32 to index
        %swap3A_848 = arith.constant 48 : index
        %swap3A_849 = tpu.vector_load %arg10[%swap3A_847, %swap3A_848] {strides = array<i32>} : memref<128x128xf32, #tpu.memory_space<vmem>>, vector<16xf32>,
        tpu.vector_store %arg10[%swap3A_847, %swap3A_848], %mul3A_846 {strides = array<i32>} : memref<128x128xf32, #tpu.memory_space<vmem>>, vector<16xf32>,
        %get3A_850 = arith.index_cast %add3A_818 : i32 to index
        %get3A_851 = arith.constant 64 : index
        %get3A_852 = tpu.vector_load %arg10[%get3A_850, %get3A_851] {strides = array<i32>} : memref<128x128xf32, #tpu.memory_space<vmem>>, vector<16xf32>,
        %mul3A_853 = arith.mulf %get3A_852, %gather3A_821 : vector<16xf32>
        %swap3A_854 = arith.index_cast %add3A_818 : i32 to index
        %swap3A_855 = arith.constant 64 : index
        %swap3A_856 = tpu.vector_load %arg10[%swap3A_854, %swap3A_855] {strides = array<i32>} : memref<128x128xf32, #tpu.memory_space<vmem>>, vector<16xf32>,
        tpu.vector_store %arg10[%swap3A_854, %swap3A_855], %mul3A_853 {strides = array<i32>} : memref<128x128xf32, #tpu.memory_space<vmem>>, vector<16xf32>,
        %get3A_857 = arith.index_cast %add3A_818 : i32 to index
        %get3A_858 = arith.constant 80 : index
        %get3A_859 = tpu.vector_load %arg10[%get3A_857, %get3A_858] {strides = array<i32>} : memref<128x128xf32, #tpu.memory_space<vmem>>, vector<16xf32>,
        %mul3A_860 = arith.mulf %get3A_859, %gather3A_821 : vector<16xf32>
        %swap3A_861 = arith.index_cast %add3A_818 : i32 to index
        %swap3A_862 = arith.constant 80 : index
        %swap3A_863 = tpu.vector_load %arg10[%swap3A_861, %swap3A_862] {strides = array<i32>} : memref<128x128xf32, #tpu.memory_space<vmem>>, vector<16xf32>,
        tpu.vector_store %arg10[%swap3A_861, %swap3A_862], %mul3A_860 {strides = array<i32>} : memref<128x128xf32, #tpu.memory_space<vmem>>, vector<16xf32>,
        %get3A_864 = arith.index_cast %add3A_818 : i32 to index
        %get3A_865 = arith.constant 96 : index
        %get3A_866 = tpu.vector_load %arg10[%get3A_864, %get3A_865] {strides = array<i32>} : memref<128x128xf32, #tpu.memory_space<vmem>>, vector<16xf32>,
        %mul3A_867 = arith.mulf %get3A_866, %gather3A_821 : vector<16xf32>
        %swap3A_868 = arith.index_cast %add3A_818 : i32 to index
        %swap3A_869 = arith.constant 96 : index
        %swap3A_870 = tpu.vector_load %arg10[%swap3A_868, %swap3A_869] {strides = array<i32>} : memref<128x128xf32, #tpu.memory_space<vmem>>, vector<16xf32>,
        tpu.vector_store %arg10[%swap3A_868, %swap3A_869], %mul3A_867 {strides = array<i32>} : memref<128x128xf32, #tpu.memory_space<vmem>>, vector<16xf32>,
        %get3A_871 = arith.index_cast %add3A_818 : i32 to index
        %get3A_872 = arith.constant 112 : index
        %get3A_873 = tpu.vector_load %arg10[%get3A_871, %get3A_872] {strides = array<i32>} : memref<128x128xf32, #tpu.memory_space<vmem>>, vector<16xf32>,
        %mul3A_874 = arith.mulf %get3A_873, %gather3A_821 : vector<16xf32>
        %swap3A_875 = arith.index_cast %add3A_818 : i32 to index
        %swap3A_876 = arith.constant 112 : index
        %swap3A_877 = tpu.vector_load %arg10[%swap3A_875, %swap3A_876] {strides = array<i32>} : memref<128x128xf32, #tpu.memory_space<vmem>>, vector<16xf32>,
        tpu.vector_store %arg10[%swap3A_875, %swap3A_876], %mul3A_874 {strides = array<i32>} : memref<128x128xf32, #tpu.memory_space<vmem>>, vector<16xf32>,
        %mul3A_878 = arith.constant 16 : i32
        %mul3A_879 = arith.muli %scan3A_61, %mul3A_878 : i32
        %add3A_880 = arith.constant 13 : i32
        %add3A_881 = arith.addi %mul3A_879, %add3A_880 : i32
        %broadcast_in_dim3A_882 = vector.broadcast %scan3A_41 : i32 to vector<16xi32>
        %broadcast_in_dim3A_883 = vector.broadcast %add3A_881 : i32 to vector<16xi32>
        %gather3A_884 = tpu.vector_load_idx %arg9[%broadcast_in_dim3A_882, %broadcast_in_dim3A_883] : memref<80x128xf32, #tpu.memory_space<vmem>>[vector<16xi32>, vector<16xi32>], vector<16xf32>,
        %get3A_885 = arith.index_cast %add3A_881 : i32 to index
        %get3A_886 = arith.constant 0 : index
        %get3A_887 = tpu.vector_load %arg10[%get3A_885, %get3A_886] {strides = array<i32>} : memref<128x128xf32, #tpu.memory_space<vmem>>, vector<16xf32>,
        %mul3A_888 = arith.mulf %get3A_887, %gather3A_884 : vector<16xf32>
        %swap3A_889 = arith.index_cast %add3A_881 : i32 to index
        %swap3A_890 = arith.constant 0 : index
        %swap3A_891 = tpu.vector_load %arg10[%swap3A_889, %swap3A_890] {strides = array<i32>} : memref<128x128xf32, #tpu.memory_space<vmem>>, vector<16xf32>,
        tpu.vector_store %arg10[%swap3A_889, %swap3A_890], %mul3A_888 {strides = array<i32>} : memref<128x128xf32, #tpu.memory_space<vmem>>, vector<16xf32>,
        %get3A_892 = arith.index_cast %add3A_881 : i32 to index
        %get3A_893 = arith.constant 16 : index
        %get3A_894 = tpu.vector_load %arg10[%get3A_892, %get3A_893] {strides = array<i32>} : memref<128x128xf32, #tpu.memory_space<vmem>>, vector<16xf32>,
        %mul3A_895 = arith.mulf %get3A_894, %gather3A_884 : vector<16xf32>
        %swap3A_896 = arith.index_cast %add3A_881 : i32 to index
        %swap3A_897 = arith.constant 16 : index
        %swap3A_898 = tpu.vector_load %arg10[%swap3A_896, %swap3A_897] {strides = array<i32>} : memref<128x128xf32, #tpu.memory_space<vmem>>, vector<16xf32>,
        tpu.vector_store %arg10[%swap3A_896, %swap3A_897], %mul3A_895 {strides = array<i32>} : memref<128x128xf32, #tpu.memory_space<vmem>>, vector<16xf32>,
        %get3A_899 = arith.index_cast %add3A_881 : i32 to index
        %get3A_900 = arith.constant 32 : index
        %get3A_901 = tpu.vector_load %arg10[%get3A_899, %get3A_900] {strides = array<i32>} : memref<128x128xf32, #tpu.memory_space<vmem>>, vector<16xf32>,
        %mul3A_902 = arith.mulf %get3A_901, %gather3A_884 : vector<16xf32>
        %swap3A_903 = arith.index_cast %add3A_881 : i32 to index
        %swap3A_904 = arith.constant 32 : index
        %swap3A_905 = tpu.vector_load %arg10[%swap3A_903, %swap3A_904] {strides = array<i32>} : memref<128x128xf32, #tpu.memory_space<vmem>>, vector<16xf32>,
        tpu.vector_store %arg10[%swap3A_903, %swap3A_904], %mul3A_902 {strides = array<i32>} : memref<128x128xf32, #tpu.memory_space<vmem>>, vector<16xf32>,
        %get3A_906 = arith.index_cast %add3A_881 : i32 to index
        %get3A_907 = arith.constant 48 : index
        %get3A_908 = tpu.vector_load %arg10[%get3A_906, %get3A_907] {strides = array<i32>} : memref<128x128xf32, #tpu.memory_space<vmem>>, vector<16xf32>,
        %mul3A_909 = arith.mulf %get3A_908, %gather3A_884 : vector<16xf32>
        %swap3A_910 = arith.index_cast %add3A_881 : i32 to index
        %swap3A_911 = arith.constant 48 : index
        %swap3A_912 = tpu.vector_load %arg10[%swap3A_910, %swap3A_911] {strides = array<i32>} : memref<128x128xf32, #tpu.memory_space<vmem>>, vector<16xf32>,
        tpu.vector_store %arg10[%swap3A_910, %swap3A_911], %mul3A_909 {strides = array<i32>} : memref<128x128xf32, #tpu.memory_space<vmem>>, vector<16xf32>,
        %get3A_913 = arith.index_cast %add3A_881 : i32 to index
        %get3A_914 = arith.constant 64 : index
        %get3A_915 = tpu.vector_load %arg10[%get3A_913, %get3A_914] {strides = array<i32>} : memref<128x128xf32, #tpu.memory_space<vmem>>, vector<16xf32>,
        %mul3A_916 = arith.mulf %get3A_915, %gather3A_884 : vector<16xf32>
        %swap3A_917 = arith.index_cast %add3A_881 : i32 to index
        %swap3A_918 = arith.constant 64 : index
        %swap3A_919 = tpu.vector_load %arg10[%swap3A_917, %swap3A_918] {strides = array<i32>} : memref<128x128xf32, #tpu.memory_space<vmem>>, vector<16xf32>,
        tpu.vector_store %arg10[%swap3A_917, %swap3A_918], %mul3A_916 {strides = array<i32>} : memref<128x128xf32, #tpu.memory_space<vmem>>, vector<16xf32>,
        %get3A_920 = arith.index_cast %add3A_881 : i32 to index
        %get3A_921 = arith.constant 80 : index
        %get3A_922 = tpu.vector_load %arg10[%get3A_920, %get3A_921] {strides = array<i32>} : memref<128x128xf32, #tpu.memory_space<vmem>>, vector<16xf32>,
        %mul3A_923 = arith.mulf %get3A_922, %gather3A_884 : vector<16xf32>
        %swap3A_924 = arith.index_cast %add3A_881 : i32 to index
        %swap3A_925 = arith.constant 80 : index
        %swap3A_926 = tpu.vector_load %arg10[%swap3A_924, %swap3A_925] {strides = array<i32>} : memref<128x128xf32, #tpu.memory_space<vmem>>, vector<16xf32>,
        tpu.vector_store %arg10[%swap3A_924, %swap3A_925], %mul3A_923 {strides = array<i32>} : memref<128x128xf32, #tpu.memory_space<vmem>>, vector<16xf32>,
        %get3A_927 = arith.index_cast %add3A_881 : i32 to index
        %get3A_928 = arith.constant 96 : index
        %get3A_929 = tpu.vector_load %arg10[%get3A_927, %get3A_928] {strides = array<i32>} : memref<128x128xf32, #tpu.memory_space<vmem>>, vector<16xf32>,
        %mul3A_930 = arith.mulf %get3A_929, %gather3A_884 : vector<16xf32>
        %swap3A_931 = arith.index_cast %add3A_881 : i32 to index
        %swap3A_932 = arith.constant 96 : index
        %swap3A_933 = tpu.vector_load %arg10[%swap3A_931, %swap3A_932] {strides = array<i32>} : memref<128x128xf32, #tpu.memory_space<vmem>>, vector<16xf32>,
        tpu.vector_store %arg10[%swap3A_931, %swap3A_932], %mul3A_930 {strides = array<i32>} : memref<128x128xf32, #tpu.memory_space<vmem>>, vector<16xf32>,
        %get3A_934 = arith.index_cast %add3A_881 : i32 to index
        %get3A_935 = arith.constant 112 : index
        %get3A_936 = tpu.vector_load %arg10[%get3A_934, %get3A_935] {strides = array<i32>} : memref<128x128xf32, #tpu.memory_space<vmem>>, vector<16xf32>,
        %mul3A_937 = arith.mulf %get3A_936, %gather3A_884 : vector<16xf32>
        %swap3A_938 = arith.index_cast %add3A_881 : i32 to index
        %swap3A_939 = arith.constant 112 : index
        %swap3A_940 = tpu.vector_load %arg10[%swap3A_938, %swap3A_939] {strides = array<i32>} : memref<128x128xf32, #tpu.memory_space<vmem>>, vector<16xf32>,
        tpu.vector_store %arg10[%swap3A_938, %swap3A_939], %mul3A_937 {strides = array<i32>} : memref<128x128xf32, #tpu.memory_space<vmem>>, vector<16xf32>,
        %mul3A_941 = arith.constant 16 : i32
        %mul3A_942 = arith.muli %scan3A_61, %mul3A_941 : i32
        %add3A_943 = arith.constant 14 : i32
        %add3A_944 = arith.addi %mul3A_942, %add3A_943 : i32
        %broadcast_in_dim3A_945 = vector.broadcast %scan3A_41 : i32 to vector<16xi32>
        %broadcast_in_dim3A_946 = vector.broadcast %add3A_944 : i32 to vector<16xi32>
        %gather3A_947 = tpu.vector_load_idx %arg9[%broadcast_in_dim3A_945, %broadcast_in_dim3A_946] : memref<80x128xf32, #tpu.memory_space<vmem>>[vector<16xi32>, vector<16xi32>], vector<16xf32>,
        %get3A_948 = arith.index_cast %add3A_944 : i32 to index
        %get3A_949 = arith.constant 0 : index
        %get3A_950 = tpu.vector_load %arg10[%get3A_948, %get3A_949] {strides = array<i32>} : memref<128x128xf32, #tpu.memory_space<vmem>>, vector<16xf32>,
        %mul3A_951 = arith.mulf %get3A_950, %gather3A_947 : vector<16xf32>
        %swap3A_952 = arith.index_cast %add3A_944 : i32 to index
        %swap3A_953 = arith.constant 0 : index
        %swap3A_954 = tpu.vector_load %arg10[%swap3A_952, %swap3A_953] {strides = array<i32>} : memref<128x128xf32, #tpu.memory_space<vmem>>, vector<16xf32>,
        tpu.vector_store %arg10[%swap3A_952, %swap3A_953], %mul3A_951 {strides = array<i32>} : memref<128x128xf32, #tpu.memory_space<vmem>>, vector<16xf32>,
        %get3A_955 = arith.index_cast %add3A_944 : i32 to index
        %get3A_956 = arith.constant 16 : index
        %get3A_957 = tpu.vector_load %arg10[%get3A_955, %get3A_956] {strides = array<i32>} : memref<128x128xf32, #tpu.memory_space<vmem>>, vector<16xf32>,
        %mul3A_958 = arith.mulf %get3A_957, %gather3A_947 : vector<16xf32>
        %swap3A_959 = arith.index_cast %add3A_944 : i32 to index
        %swap3A_960 = arith.constant 16 : index
        %swap3A_961 = tpu.vector_load %arg10[%swap3A_959, %swap3A_960] {strides = array<i32>} : memref<128x128xf32, #tpu.memory_space<vmem>>, vector<16xf32>,
        tpu.vector_store %arg10[%swap3A_959, %swap3A_960], %mul3A_958 {strides = array<i32>} : memref<128x128xf32, #tpu.memory_space<vmem>>, vector<16xf32>,
        %get3A_962 = arith.index_cast %add3A_944 : i32 to index
        %get3A_963 = arith.constant 32 : index
        %get3A_964 = tpu.vector_load %arg10[%get3A_962, %get3A_963] {strides = array<i32>} : memref<128x128xf32, #tpu.memory_space<vmem>>, vector<16xf32>,
        %mul3A_965 = arith.mulf %get3A_964, %gather3A_947 : vector<16xf32>
        %swap3A_966 = arith.index_cast %add3A_944 : i32 to index
        %swap3A_967 = arith.constant 32 : index
        %swap3A_968 = tpu.vector_load %arg10[%swap3A_966, %swap3A_967] {strides = array<i32>} : memref<128x128xf32, #tpu.memory_space<vmem>>, vector<16xf32>,
        tpu.vector_store %arg10[%swap3A_966, %swap3A_967], %mul3A_965 {strides = array<i32>} : memref<128x128xf32, #tpu.memory_space<vmem>>, vector<16xf32>,
        %get3A_969 = arith.index_cast %add3A_944 : i32 to index
        %get3A_970 = arith.constant 48 : index
        %get3A_971 = tpu.vector_load %arg10[%get3A_969, %get3A_970] {strides = array<i32>} : memref<128x128xf32, #tpu.memory_space<vmem>>, vector<16xf32>,
        %mul3A_972 = arith.mulf %get3A_971, %gather3A_947 : vector<16xf32>
        %swap3A_973 = arith.index_cast %add3A_944 : i32 to index
        %swap3A_974 = arith.constant 48 : index
        %swap3A_975 = tpu.vector_load %arg10[%swap3A_973, %swap3A_974] {strides = array<i32>} : memref<128x128xf32, #tpu.memory_space<vmem>>, vector<16xf32>,
        tpu.vector_store %arg10[%swap3A_973, %swap3A_974], %mul3A_972 {strides = array<i32>} : memref<128x128xf32, #tpu.memory_space<vmem>>, vector<16xf32>,
        %get3A_976 = arith.index_cast %add3A_944 : i32 to index
        %get3A_977 = arith.constant 64 : index
        %get3A_978 = tpu.vector_load %arg10[%get3A_976, %get3A_977] {strides = array<i32>} : memref<128x128xf32, #tpu.memory_space<vmem>>, vector<16xf32>,
        %mul3A_979 = arith.mulf %get3A_978, %gather3A_947 : vector<16xf32>
        %swap3A_980 = arith.index_cast %add3A_944 : i32 to index
        %swap3A_981 = arith.constant 64 : index
        %swap3A_982 = tpu.vector_load %arg10[%swap3A_980, %swap3A_981] {strides = array<i32>} : memref<128x128xf32, #tpu.memory_space<vmem>>, vector<16xf32>,
        tpu.vector_store %arg10[%swap3A_980, %swap3A_981], %mul3A_979 {strides = array<i32>} : memref<128x128xf32, #tpu.memory_space<vmem>>, vector<16xf32>,
        %get3A_983 = arith.index_cast %add3A_944 : i32 to index
        %get3A_984 = arith.constant 80 : index
        %get3A_985 = tpu.vector_load %arg10[%get3A_983, %get3A_984] {strides = array<i32>} : memref<128x128xf32, #tpu.memory_space<vmem>>, vector<16xf32>,
        %mul3A_986 = arith.mulf %get3A_985, %gather3A_947 : vector<16xf32>
        %swap3A_987 = arith.index_cast %add3A_944 : i32 to index
        %swap3A_988 = arith.constant 80 : index
        %swap3A_989 = tpu.vector_load %arg10[%swap3A_987, %swap3A_988] {strides = array<i32>} : memref<128x128xf32, #tpu.memory_space<vmem>>, vector<16xf32>,
        tpu.vector_store %arg10[%swap3A_987, %swap3A_988], %mul3A_986 {strides = array<i32>} : memref<128x128xf32, #tpu.memory_space<vmem>>, vector<16xf32>,
        %get3A_990 = arith.index_cast %add3A_944 : i32 to index
        %get3A_991 = arith.constant 96 : index
        %get3A_992 = tpu.vector_load %arg10[%get3A_990, %get3A_991] {strides = array<i32>} : memref<128x128xf32, #tpu.memory_space<vmem>>, vector<16xf32>,
        %mul3A_993 = arith.mulf %get3A_992, %gather3A_947 : vector<16xf32>
        %swap3A_994 = arith.index_cast %add3A_944 : i32 to index
        %swap3A_995 = arith.constant 96 : index
        %swap3A_996 = tpu.vector_load %arg10[%swap3A_994, %swap3A_995] {strides = array<i32>} : memref<128x128xf32, #tpu.memory_space<vmem>>, vector<16xf32>,
        tpu.vector_store %arg10[%swap3A_994, %swap3A_995], %mul3A_993 {strides = array<i32>} : memref<128x128xf32, #tpu.memory_space<vmem>>, vector<16xf32>,
        %get3A_997 = arith.index_cast %add3A_944 : i32 to index
        %get3A_998 = arith.constant 112 : index
        %get3A_999 = tpu.vector_load %arg10[%get3A_997, %get3A_998] {strides = array<i32>} : memref<128x128xf32, #tpu.memory_space<vmem>>, vector<16xf32>,
        %mul3A_1000 = arith.mulf %get3A_999, %gather3A_947 : vector<16xf32>
        %swap3A_1001 = arith.index_cast %add3A_944 : i32 to index
        %swap3A_1002 = arith.constant 112 : index
        %swap3A_1003 = tpu.vector_load %arg10[%swap3A_1001, %swap3A_1002] {strides = array<i32>} : memref<128x128xf32, #tpu.memory_space<vmem>>, vector<16xf32>,
        tpu.vector_store %arg10[%swap3A_1001, %swap3A_1002], %mul3A_1000 {strides = array<i32>} : memref<128x128xf32, #tpu.memory_space<vmem>>, vector<16xf32>,
        %mul3A_1004 = arith.constant 16 : i32
        %mul3A_1005 = arith.muli %scan3A_61, %mul3A_1004 : i32
        %add3A_1006 = arith.constant 15 : i32
        %add3A_1007 = arith.addi %mul3A_1005, %add3A_1006 : i32
        %broadcast_in_dim3A_1008 = vector.broadcast %scan3A_41 : i32 to vector<16xi32>
        %broadcast_in_dim3A_1009 = vector.broadcast %add3A_1007 : i32 to vector<16xi32>
        %gather3A_1010 = tpu.vector_load_idx %arg9[%broadcast_in_dim3A_1008, %broadcast_in_dim3A_1009] : memref<80x128xf32, #tpu.memory_space<vmem>>[vector<16xi32>, vector<16xi32>], vector<16xf32>,
        %get3A_1011 = arith.index_cast %add3A_1007 : i32 to index
        %get3A_1012 = arith.constant 0 : index
        %get3A_1013 = tpu.vector_load %arg10[%get3A_1011, %get3A_1012] {strides = array<i32>} : memref<128x128xf32, #tpu.memory_space<vmem>>, vector<16xf32>,
        %mul3A_1014 = arith.mulf %get3A_1013, %gather3A_1010 : vector<16xf32>
        %swap3A_1015 = arith.index_cast %add3A_1007 : i32 to index
        %swap3A_1016 = arith.constant 0 : index
        %swap3A_1017 = tpu.vector_load %arg10[%swap3A_1015, %swap3A_1016] {strides = array<i32>} : memref<128x128xf32, #tpu.memory_space<vmem>>, vector<16xf32>,
        tpu.vector_store %arg10[%swap3A_1015, %swap3A_1016], %mul3A_1014 {strides = array<i32>} : memref<128x128xf32, #tpu.memory_space<vmem>>, vector<16xf32>,
        %get3A_1018 = arith.index_cast %add3A_1007 : i32 to index
        %get3A_1019 = arith.constant 16 : index
        %get3A_1020 = tpu.vector_load %arg10[%get3A_1018, %get3A_1019] {strides = array<i32>} : memref<128x128xf32, #tpu.memory_space<vmem>>, vector<16xf32>,
        %mul3A_1021 = arith.mulf %get3A_1020, %gather3A_1010 : vector<16xf32>
        %swap3A_1022 = arith.index_cast %add3A_1007 : i32 to index
        %swap3A_1023 = arith.constant 16 : index
        %swap3A_1024 = tpu.vector_load %arg10[%swap3A_1022, %swap3A_1023] {strides = array<i32>} : memref<128x128xf32, #tpu.memory_space<vmem>>, vector<16xf32>,
        tpu.vector_store %arg10[%swap3A_1022, %swap3A_1023], %mul3A_1021 {strides = array<i32>} : memref<128x128xf32, #tpu.memory_space<vmem>>, vector<16xf32>,
        %get3A_1025 = arith.index_cast %add3A_1007 : i32 to index
        %get3A_1026 = arith.constant 32 : index
        %get3A_1027 = tpu.vector_load %arg10[%get3A_1025, %get3A_1026] {strides = array<i32>} : memref<128x128xf32, #tpu.memory_space<vmem>>, vector<16xf32>,
        %mul3A_1028 = arith.mulf %get3A_1027, %gather3A_1010 : vector<16xf32>
        %swap3A_1029 = arith.index_cast %add3A_1007 : i32 to index
        %swap3A_1030 = arith.constant 32 : index
        %swap3A_1031 = tpu.vector_load %arg10[%swap3A_1029, %swap3A_1030] {strides = array<i32>} : memref<128x128xf32, #tpu.memory_space<vmem>>, vector<16xf32>,
        tpu.vector_store %arg10[%swap3A_1029, %swap3A_1030], %mul3A_1028 {strides = array<i32>} : memref<128x128xf32, #tpu.memory_space<vmem>>, vector<16xf32>,
        %get3A_1032 = arith.index_cast %add3A_1007 : i32 to index
        %get3A_1033 = arith.constant 48 : index
        %get3A_1034 = tpu.vector_load %arg10[%get3A_1032, %get3A_1033] {strides = array<i32>} : memref<128x128xf32, #tpu.memory_space<vmem>>, vector<16xf32>,
        %mul3A_1035 = arith.mulf %get3A_1034, %gather3A_1010 : vector<16xf32>
        %swap3A_1036 = arith.index_cast %add3A_1007 : i32 to index
        %swap3A_1037 = arith.constant 48 : index
        %swap3A_1038 = tpu.vector_load %arg10[%swap3A_1036, %swap3A_1037] {strides = array<i32>} : memref<128x128xf32, #tpu.memory_space<vmem>>, vector<16xf32>,
        tpu.vector_store %arg10[%swap3A_1036, %swap3A_1037], %mul3A_1035 {strides = array<i32>} : memref<128x128xf32, #tpu.memory_space<vmem>>, vector<16xf32>,
        %get3A_1039 = arith.index_cast %add3A_1007 : i32 to index
        %get3A_1040 = arith.constant 64 : index
        %get3A_1041 = tpu.vector_load %arg10[%get3A_1039, %get3A_1040] {strides = array<i32>} : memref<128x128xf32, #tpu.memory_space<vmem>>, vector<16xf32>,
        %mul3A_1042 = arith.mulf %get3A_1041, %gather3A_1010 : vector<16xf32>
        %swap3A_1043 = arith.index_cast %add3A_1007 : i32 to index
        %swap3A_1044 = arith.constant 64 : index
        %swap3A_1045 = tpu.vector_load %arg10[%swap3A_1043, %swap3A_1044] {strides = array<i32>} : memref<128x128xf32, #tpu.memory_space<vmem>>, vector<16xf32>,
        tpu.vector_store %arg10[%swap3A_1043, %swap3A_1044], %mul3A_1042 {strides = array<i32>} : memref<128x128xf32, #tpu.memory_space<vmem>>, vector<16xf32>,
        %get3A_1046 = arith.index_cast %add3A_1007 : i32 to index
        %get3A_1047 = arith.constant 80 : index
        %get3A_1048 = tpu.vector_load %arg10[%get3A_1046, %get3A_1047] {strides = array<i32>} : memref<128x128xf32, #tpu.memory_space<vmem>>, vector<16xf32>,
        %mul3A_1049 = arith.mulf %get3A_1048, %gather3A_1010 : vector<16xf32>
        %swap3A_1050 = arith.index_cast %add3A_1007 : i32 to index
        %swap3A_1051 = arith.constant 80 : index
        %swap3A_1052 = tpu.vector_load %arg10[%swap3A_1050, %swap3A_1051] {strides = array<i32>} : memref<128x128xf32, #tpu.memory_space<vmem>>, vector<16xf32>,
        tpu.vector_store %arg10[%swap3A_1050, %swap3A_1051], %mul3A_1049 {strides = array<i32>} : memref<128x128xf32, #tpu.memory_space<vmem>>, vector<16xf32>,
        %get3A_1053 = arith.index_cast %add3A_1007 : i32 to index
        %get3A_1054 = arith.constant 96 : index
        %get3A_1055 = tpu.vector_load %arg10[%get3A_1053, %get3A_1054] {strides = array<i32>} : memref<128x128xf32, #tpu.memory_space<vmem>>, vector<16xf32>,
        %mul3A_1056 = arith.mulf %get3A_1055, %gather3A_1010 : vector<16xf32>
        %swap3A_1057 = arith.index_cast %add3A_1007 : i32 to index
        %swap3A_1058 = arith.constant 96 : index
        %swap3A_1059 = tpu.vector_load %arg10[%swap3A_1057, %swap3A_1058] {strides = array<i32>} : memref<128x128xf32, #tpu.memory_space<vmem>>, vector<16xf32>,
        tpu.vector_store %arg10[%swap3A_1057, %swap3A_1058], %mul3A_1056 {strides = array<i32>} : memref<128x128xf32, #tpu.memory_space<vmem>>, vector<16xf32>,
        %get3A_1060 = arith.index_cast %add3A_1007 : i32 to index
        %get3A_1061 = arith.constant 112 : index
        %get3A_1062 = tpu.vector_load %arg10[%get3A_1060, %get3A_1061] {strides = array<i32>} : memref<128x128xf32, #tpu.memory_space<vmem>>, vector<16xf32>,
        %mul3A_1063 = arith.mulf %get3A_1062, %gather3A_1010 : vector<16xf32>
        %swap3A_1064 = arith.index_cast %add3A_1007 : i32 to index
        %swap3A_1065 = arith.constant 112 : index
        %swap3A_1066 = tpu.vector_load %arg10[%swap3A_1064, %swap3A_1065] {strides = array<i32>} : memref<128x128xf32, #tpu.memory_space<vmem>>, vector<16xf32>,
        tpu.vector_store %arg10[%swap3A_1064, %swap3A_1065], %mul3A_1063 {strides = array<i32>} : memref<128x128xf32, #tpu.memory_space<vmem>>, vector<16xf32>,
        %scan3A_1067 = arith.constant 0 : i32
        scf.yield %scan3A_1067 : i32
      }
      %scan3A_59 = arith.constant 8 : i32
      "tpu.region"() ({
        %run_scoped3A = tpu.sem_alloc : memref<!tpu.dma_semaphore, #tpu.memory_space<semaphore_mem>>
        %dma_start3A_61 = arith.constant 0 : i32
        %dma_start3A_62 = tpu.memref_slice %arg8[%scan3A_41, %dma_start3A_61] : memref<80x128xi32, #tpu.memory_space<vmem>> -> memref<1x128xi32, #tpu.memory_space<vmem>>
        %dma_start3A_63 = tpu.memref_squeeze %dma_start3A_62 : memref<1x128xi32, #tpu.memory_space<vmem>> -> memref<128xi32, #tpu.memory_space<vmem>>
        %dma_start3A_64 = arith.constant 0 : i32
        %dma_start3A_65 = arith.constant 0 : i32
        %dma_start3A_66 = tpu.memref_slice %arg11[%dma_start3A_64, %dma_start3A_65] : memref<10240x128xf32, #tpu.memory_space<vmem_shared>> -> memref<10240x128xf32, #tpu.memory_space<vmem_shared>>
        tpu.enqueue_indirect_dma source(%arg10 : memref<128x128xf32, #tpu.memory_space<vmem>>) target(%dma_start3A_66 : memref<10240x128xf32, #tpu.memory_space<vmem_shared>>) offsets(%dma_start3A_63 : memref<128xi32, #tpu.memory_space<vmem>>) semaphore(%run_scoped3A : memref<!tpu.dma_semaphore, #tpu.memory_space<semaphore_mem>>) {add = true}
        %dma_wait3A_67 = arith.constant 0 : i32
        %dma_wait3A_68 = tpu.memref_slice %arg8[%scan3A_41, %dma_wait3A_67] : memref<80x128xi32, #tpu.memory_space<vmem>> -> memref<1x128xi32, #tpu.memory_space<vmem>>
        %dma_wait3A_69 = tpu.memref_squeeze %dma_wait3A_68 : memref<1x128xi32, #tpu.memory_space<vmem>> -> memref<128xi32, #tpu.memory_space<vmem>>
        %dma_wait3A_70 = arith.constant 0 : i32
        %dma_wait3A_71 = arith.constant 0 : i32
        %dma_wait3A_72 = tpu.memref_slice %arg11[%dma_wait3A_70, %dma_wait3A_71] : memref<10240x128xf32, #tpu.memory_space<vmem_shared>> -> memref<10240x128xf32, #tpu.memory_space<vmem_shared>>
        tpu.wait_indirect_dma semaphore(%run_scoped3A : memref<!tpu.dma_semaphore, #tpu.memory_space<semaphore_mem>>) src(%arg10 : memref<128x128xf32, #tpu.memory_space<vmem>>) dst(%dma_wait3A_72 : memref<10240x128xf32, #tpu.memory_space<vmem_shared>>)
        tpu.yield
      }) : () -> ()
      %scan3A_60 = arith.constant 0 : i32
      scf.yield %scan3A_60 : i32
    }
    %scan3A_35 = arith.constant 80 : i32
    %barrier3A_36 = arith.constant 0 : index
    tpu.barrier barrier_id(%barrier3A_36)
    %mul3A_37 = arith.constant 640 : i32
    %mul3A_38 = arith.muli %arg1, %mul3A_37 : i32
    %mul3A_39 = arith.constant 640 : i32
    %mul3A_40 = arith.muli %arg1, %mul3A_39 : i32
    "tpu.region"() ({
      %run_scoped3A = tpu.sem_alloc : memref<!tpu.dma_semaphore, #tpu.memory_space<semaphore_mem>>
      %dma_start3A = arith.constant 0 : i32
      %dma_start3A_41 = arith.constant 0 : i32
      %dma_start3A_42 = tpu.memref_slice %arg6[%arg0, %dma_start3A, %dma_start3A_41] : memref<2x10240x128xf32, #tpu.memory_space<hbm>> -> memref<1x10240x128xf32, #tpu.memory_space<hbm>>
      %dma_start3A_43 = tpu.memref_squeeze %dma_start3A_42 : memref<1x10240x128xf32, #tpu.memory_space<hbm>> -> memref<10240x128xf32, #tpu.memory_space<hbm>>
      %dma_start3A_44 = arith.constant 0 : i32
      %dma_start3A_45 = tpu.memref_slice %dma_start3A_43[%mul3A_40, %dma_start3A_44] : memref<10240x128xf32, #tpu.memory_space<hbm>> -> memref<640x128xf32, #tpu.memory_space<hbm>>
      %dma_start3A_46 = arith.constant 0 : i32
      %dma_start3A_47 = tpu.memref_slice %arg11[%mul3A_38, %dma_start3A_46] : memref<10240x128xf32, #tpu.memory_space<vmem_shared>> -> memref<640x128xf32, #tpu.memory_space<vmem_shared>>
      tpu.enqueue_dma source(%dma_start3A_47 : memref<640x128xf32, #tpu.memory_space<vmem_shared>>) target(%dma_start3A_45 : memref<640x128xf32, #tpu.memory_space<hbm>>) target_semaphore(%run_scoped3A : memref<!tpu.dma_semaphore, #tpu.memory_space<semaphore_mem>>)
      %dma_wait3A = arith.constant 0 : i32
      %dma_wait3A_48 = arith.constant 0 : i32
      %dma_wait3A_49 = tpu.memref_slice %arg6[%arg0, %dma_wait3A, %dma_wait3A_48] : memref<2x10240x128xf32, #tpu.memory_space<hbm>> -> memref<1x10240x128xf32, #tpu.memory_space<hbm>>
      %dma_wait3A_50 = tpu.memref_squeeze %dma_wait3A_49 : memref<1x10240x128xf32, #tpu.memory_space<hbm>> -> memref<10240x128xf32, #tpu.memory_space<hbm>>
      %dma_wait3A_51 = arith.constant 0 : i32
      %dma_wait3A_52 = tpu.memref_slice %dma_wait3A_50[%mul3A_40, %dma_wait3A_51] : memref<10240x128xf32, #tpu.memory_space<hbm>> -> memref<640x128xf32, #tpu.memory_space<hbm>>
      %dma_wait3A_53 = arith.constant 0 : i32
      %dma_wait3A_54 = tpu.memref_slice %arg11[%mul3A_38, %dma_wait3A_53] : memref<10240x128xf32, #tpu.memory_space<vmem_shared>> -> memref<640x128xf32, #tpu.memory_space<vmem_shared>>
      tpu.wait_dma2 semaphore(%run_scoped3A : memref<!tpu.dma_semaphore, #tpu.memory_space<semaphore_mem>>) src(%dma_wait3A_54 : memref<640x128xf32, #tpu.memory_space<vmem_shared>>) dst(%dma_wait3A_52 : memref<640x128xf32, #tpu.memory_space<hbm>>)
      tpu.yield
    }) : () -> ()
    return
  }
}

#map = affine_map<(d0, d1) -> (0, 0)>
#map1 = affine_map<(d0, d1) -> (0, 0, 0)>
module attributes {stable_mosaic.version = 14 : i64} {
  func.func @_msg_body(%arg0: i32, %arg1: i32, %arg2: memref<10240x128xf32, #tpu.memory_space<hbm>>, %arg3: memref<2560x128xi32, #tpu.memory_space<hbm>>, %arg4: memref<2560x128xi32, #tpu.memory_space<hbm>>, %arg5: memref<2560x128xf32, #tpu.memory_space<hbm>>, %arg6: memref<2x10240x128xf32, #tpu.memory_space<hbm>>, %arg7: memref<80x128xi32, #tpu.memory_space<vmem>>, %arg8: memref<80x128xi32, #tpu.memory_space<vmem>>, %arg9: memref<80x128xf32, #tpu.memory_space<vmem>>, %arg10: memref<128x128xf32, #tpu.memory_space<vmem>>, %arg11: memref<10240x128xf32, #tpu.memory_space<vmem_shared>>, %arg12: memref<!tpu.dma_semaphore, #tpu.memory_space<semaphore_mem>>) attributes {dimension_semantics = [#tpu.dimension_semantics<core_parallel>, #tpu.dimension_semantics<subcore_parallel>], iteration_bounds = array<i64: 2, 16>, scalar_prefetch = 0 : i64, scratch_operands = 6 : i64, tpu.core_type = #tpu.core_type<sc_vector_subcore>, window_params = [{transform_indices = #map}, {transform_indices = #map}, {transform_indices = #map}, {transform_indices = #map}, {transform_indices = #map1}]} {
    %mul3A = arith.constant 16 : i32
    %mul3A_0 = arith.muli %arg0, %mul3A : i32
    %add3A = arith.addi %mul3A_0, %arg1 : i32
    %scan3A = arith.constant 0 : i32
    %scan3A_1 = arith.constant 0 : i32
    %scan3A_2 = arith.constant 128 : i32
    %scan3A_3 = arith.addi %scan3A_1, %scan3A_2 : i32
    %scan3A_4 = arith.constant 1 : i32
    %scan3A_5 = scf.for %scan3A_41 = %scan3A_1 to %scan3A_3 step %scan3A_4 iter_args(%scan3A_42 = %scan3A) -> (i32)  : i32 {
      %broadcast_in_dim3A = arith.constant 0.000000e+00 : f32
      %broadcast_in_dim3A_43 = vector.broadcast %broadcast_in_dim3A : f32 to vector<16xf32>
      %swap3A = arith.index_cast %scan3A_41 : i32 to index
      %swap3A_44 = arith.constant 0 : index
      %swap3A_45 = tpu.vector_load %arg10[%swap3A, %swap3A_44] {strides = array<i32>} : memref<128x128xf32, #tpu.memory_space<vmem>>, vector<16xf32>,
      tpu.vector_store %arg10[%swap3A, %swap3A_44], %broadcast_in_dim3A_43 {strides = array<i32>} : memref<128x128xf32, #tpu.memory_space<vmem>>, vector<16xf32>,
      %broadcast_in_dim3A_46 = arith.constant 0.000000e+00 : f32
      %broadcast_in_dim3A_47 = vector.broadcast %broadcast_in_dim3A_46 : f32 to vector<16xf32>
      %swap3A_48 = arith.index_cast %scan3A_41 : i32 to index
      %swap3A_49 = arith.constant 16 : index
      %swap3A_50 = tpu.vector_load %arg10[%swap3A_48, %swap3A_49] {strides = array<i32>} : memref<128x128xf32, #tpu.memory_space<vmem>>, vector<16xf32>,
      tpu.vector_store %arg10[%swap3A_48, %swap3A_49], %broadcast_in_dim3A_47 {strides = array<i32>} : memref<128x128xf32, #tpu.memory_space<vmem>>, vector<16xf32>,
      %broadcast_in_dim3A_51 = arith.constant 0.000000e+00 : f32
      %broadcast_in_dim3A_52 = vector.broadcast %broadcast_in_dim3A_51 : f32 to vector<16xf32>
      %swap3A_53 = arith.index_cast %scan3A_41 : i32 to index
      %swap3A_54 = arith.constant 32 : index
      %swap3A_55 = tpu.vector_load %arg10[%swap3A_53, %swap3A_54] {strides = array<i32>} : memref<128x128xf32, #tpu.memory_space<vmem>>, vector<16xf32>,
      tpu.vector_store %arg10[%swap3A_53, %swap3A_54], %broadcast_in_dim3A_52 {strides = array<i32>} : memref<128x128xf32, #tpu.memory_space<vmem>>, vector<16xf32>,
      %broadcast_in_dim3A_56 = arith.constant 0.000000e+00 : f32
      %broadcast_in_dim3A_57 = vector.broadcast %broadcast_in_dim3A_56 : f32 to vector<16xf32>
      %swap3A_58 = arith.index_cast %scan3A_41 : i32 to index
      %swap3A_59 = arith.constant 48 : index
      %swap3A_60 = tpu.vector_load %arg10[%swap3A_58, %swap3A_59] {strides = array<i32>} : memref<128x128xf32, #tpu.memory_space<vmem>>, vector<16xf32>,
      tpu.vector_store %arg10[%swap3A_58, %swap3A_59], %broadcast_in_dim3A_57 {strides = array<i32>} : memref<128x128xf32, #tpu.memory_space<vmem>>, vector<16xf32>,
      %broadcast_in_dim3A_61 = arith.constant 0.000000e+00 : f32
      %broadcast_in_dim3A_62 = vector.broadcast %broadcast_in_dim3A_61 : f32 to vector<16xf32>
      %swap3A_63 = arith.index_cast %scan3A_41 : i32 to index
      %swap3A_64 = arith.constant 64 : index
      %swap3A_65 = tpu.vector_load %arg10[%swap3A_63, %swap3A_64] {strides = array<i32>} : memref<128x128xf32, #tpu.memory_space<vmem>>, vector<16xf32>,
      tpu.vector_store %arg10[%swap3A_63, %swap3A_64], %broadcast_in_dim3A_62 {strides = array<i32>} : memref<128x128xf32, #tpu.memory_space<vmem>>, vector<16xf32>,
      %broadcast_in_dim3A_66 = arith.constant 0.000000e+00 : f32
      %broadcast_in_dim3A_67 = vector.broadcast %broadcast_in_dim3A_66 : f32 to vector<16xf32>
      %swap3A_68 = arith.index_cast %scan3A_41 : i32 to index
      %swap3A_69 = arith.constant 80 : index
      %swap3A_70 = tpu.vector_load %arg10[%swap3A_68, %swap3A_69] {strides = array<i32>} : memref<128x128xf32, #tpu.memory_space<vmem>>, vector<16xf32>,
      tpu.vector_store %arg10[%swap3A_68, %swap3A_69], %broadcast_in_dim3A_67 {strides = array<i32>} : memref<128x128xf32, #tpu.memory_space<vmem>>, vector<16xf32>,
      %broadcast_in_dim3A_71 = arith.constant 0.000000e+00 : f32
      %broadcast_in_dim3A_72 = vector.broadcast %broadcast_in_dim3A_71 : f32 to vector<16xf32>
      %swap3A_73 = arith.index_cast %scan3A_41 : i32 to index
      %swap3A_74 = arith.constant 96 : index
      %swap3A_75 = tpu.vector_load %arg10[%swap3A_73, %swap3A_74] {strides = array<i32>} : memref<128x128xf32, #tpu.memory_space<vmem>>, vector<16xf32>,
      tpu.vector_store %arg10[%swap3A_73, %swap3A_74], %broadcast_in_dim3A_72 {strides = array<i32>} : memref<128x128xf32, #tpu.memory_space<vmem>>, vector<16xf32>,
      %broadcast_in_dim3A_76 = arith.constant 0.000000e+00 : f32
      %broadcast_in_dim3A_77 = vector.broadcast %broadcast_in_dim3A_76 : f32 to vector<16xf32>
      %swap3A_78 = arith.index_cast %scan3A_41 : i32 to index
      %swap3A_79 = arith.constant 112 : index
      %swap3A_80 = tpu.vector_load %arg10[%swap3A_78, %swap3A_79] {strides = array<i32>} : memref<128x128xf32, #tpu.memory_space<vmem>>, vector<16xf32>,
      tpu.vector_store %arg10[%swap3A_78, %swap3A_79], %broadcast_in_dim3A_77 {strides = array<i32>} : memref<128x128xf32, #tpu.memory_space<vmem>>, vector<16xf32>,
      %scan3A_81 = arith.constant 0 : i32
      scf.yield %scan3A_81 : i32
    }
    %scan3A_6 = arith.constant 128 : i32
    %mul3A_7 = arith.constant 640 : i32
    %mul3A_8 = arith.muli %arg1, %mul3A_7 : i32
    %add3A_9 = arith.constant 0 : i32
    %add3A_10 = arith.addi %mul3A_8, %add3A_9 : i32
    "tpu.region"() ({
      %run_scoped3A = tpu.sem_alloc : memref<!tpu.dma_semaphore, #tpu.memory_space<semaphore_mem>>
      %dma_start3A = arith.constant 0 : i32
      %dma_start3A_41 = tpu.memref_slice %arg11[%add3A_10, %dma_start3A] : memref<10240x128xf32, #tpu.memory_space<vmem_shared>> -> memref<128x128xf32, #tpu.memory_space<vmem_shared>>
      %dma_start3A_42 = arith.constant 0 : i32
      %dma_start3A_43 = tpu.memref_slice %arg11[%add3A_10, %dma_start3A_42] : memref<10240x128xf32, #tpu.memory_space<vmem_shared>> -> memref<128x128xf32, #tpu.memory_space<vmem_shared>>
      tpu.enqueue_dma source(%arg10 : memref<128x128xf32, #tpu.memory_space<vmem>>) target(%dma_start3A_43 : memref<128x128xf32, #tpu.memory_space<vmem_shared>>) target_semaphore(%run_scoped3A : memref<!tpu.dma_semaphore, #tpu.memory_space<semaphore_mem>>)
      %dma_wait3A = arith.constant 0 : i32
      %dma_wait3A_44 = tpu.memref_slice %arg11[%add3A_10, %dma_wait3A] : memref<10240x128xf32, #tpu.memory_space<vmem_shared>> -> memref<128x128xf32, #tpu.memory_space<vmem_shared>>
      %dma_wait3A_45 = arith.constant 0 : i32
      %dma_wait3A_46 = tpu.memref_slice %arg11[%add3A_10, %dma_wait3A_45] : memref<10240x128xf32, #tpu.memory_space<vmem_shared>> -> memref<128x128xf32, #tpu.memory_space<vmem_shared>>
      tpu.wait_dma2 semaphore(%run_scoped3A : memref<!tpu.dma_semaphore, #tpu.memory_space<semaphore_mem>>) src(%arg10 : memref<128x128xf32, #tpu.memory_space<vmem>>) dst(%dma_wait3A_46 : memref<128x128xf32, #tpu.memory_space<vmem_shared>>)
      tpu.yield
    }) : () -> ()
    %mul3A_11 = arith.constant 640 : i32
    %mul3A_12 = arith.muli %arg1, %mul3A_11 : i32
    %add3A_13 = arith.constant 128 : i32
    %add3A_14 = arith.addi %mul3A_12, %add3A_13 : i32
    "tpu.region"() ({
      %run_scoped3A = tpu.sem_alloc : memref<!tpu.dma_semaphore, #tpu.memory_space<semaphore_mem>>
      %dma_start3A = arith.constant 0 : i32
      %dma_start3A_41 = tpu.memref_slice %arg11[%add3A_14, %dma_start3A] : memref<10240x128xf32, #tpu.memory_space<vmem_shared>> -> memref<128x128xf32, #tpu.memory_space<vmem_shared>>
      %dma_start3A_42 = arith.constant 0 : i32
      %dma_start3A_43 = tpu.memref_slice %arg11[%add3A_14, %dma_start3A_42] : memref<10240x128xf32, #tpu.memory_space<vmem_shared>> -> memref<128x128xf32, #tpu.memory_space<vmem_shared>>
      tpu.enqueue_dma source(%arg10 : memref<128x128xf32, #tpu.memory_space<vmem>>) target(%dma_start3A_43 : memref<128x128xf32, #tpu.memory_space<vmem_shared>>) target_semaphore(%run_scoped3A : memref<!tpu.dma_semaphore, #tpu.memory_space<semaphore_mem>>)
      %dma_wait3A = arith.constant 0 : i32
      %dma_wait3A_44 = tpu.memref_slice %arg11[%add3A_14, %dma_wait3A] : memref<10240x128xf32, #tpu.memory_space<vmem_shared>> -> memref<128x128xf32, #tpu.memory_space<vmem_shared>>
      %dma_wait3A_45 = arith.constant 0 : i32
      %dma_wait3A_46 = tpu.memref_slice %arg11[%add3A_14, %dma_wait3A_45] : memref<10240x128xf32, #tpu.memory_space<vmem_shared>> -> memref<128x128xf32, #tpu.memory_space<vmem_shared>>
      tpu.wait_dma2 semaphore(%run_scoped3A : memref<!tpu.dma_semaphore, #tpu.memory_space<semaphore_mem>>) src(%arg10 : memref<128x128xf32, #tpu.memory_space<vmem>>) dst(%dma_wait3A_46 : memref<128x128xf32, #tpu.memory_space<vmem_shared>>)
      tpu.yield
    }) : () -> ()
    %mul3A_15 = arith.constant 640 : i32
    %mul3A_16 = arith.muli %arg1, %mul3A_15 : i32
    %add3A_17 = arith.constant 256 : i32
    %add3A_18 = arith.addi %mul3A_16, %add3A_17 : i32
    "tpu.region"() ({
      %run_scoped3A = tpu.sem_alloc : memref<!tpu.dma_semaphore, #tpu.memory_space<semaphore_mem>>
      %dma_start3A = arith.constant 0 : i32
      %dma_start3A_41 = tpu.memref_slice %arg11[%add3A_18, %dma_start3A] : memref<10240x128xf32, #tpu.memory_space<vmem_shared>> -> memref<128x128xf32, #tpu.memory_space<vmem_shared>>
      %dma_start3A_42 = arith.constant 0 : i32
      %dma_start3A_43 = tpu.memref_slice %arg11[%add3A_18, %dma_start3A_42] : memref<10240x128xf32, #tpu.memory_space<vmem_shared>> -> memref<128x128xf32, #tpu.memory_space<vmem_shared>>
      tpu.enqueue_dma source(%arg10 : memref<128x128xf32, #tpu.memory_space<vmem>>) target(%dma_start3A_43 : memref<128x128xf32, #tpu.memory_space<vmem_shared>>) target_semaphore(%run_scoped3A : memref<!tpu.dma_semaphore, #tpu.memory_space<semaphore_mem>>)
      %dma_wait3A = arith.constant 0 : i32
      %dma_wait3A_44 = tpu.memref_slice %arg11[%add3A_18, %dma_wait3A] : memref<10240x128xf32, #tpu.memory_space<vmem_shared>> -> memref<128x128xf32, #tpu.memory_space<vmem_shared>>
      %dma_wait3A_45 = arith.constant 0 : i32
      %dma_wait3A_46 = tpu.memref_slice %arg11[%add3A_18, %dma_wait3A_45] : memref<10240x128xf32, #tpu.memory_space<vmem_shared>> -> memref<128x128xf32, #tpu.memory_space<vmem_shared>>
      tpu.wait_dma2 semaphore(%run_scoped3A : memref<!tpu.dma_semaphore, #tpu.memory_space<semaphore_mem>>) src(%arg10 : memref<128x128xf32, #tpu.memory_space<vmem>>) dst(%dma_wait3A_46 : memref<128x128xf32, #tpu.memory_space<vmem_shared>>)
      tpu.yield
    }) : () -> ()
    %mul3A_19 = arith.constant 640 : i32
    %mul3A_20 = arith.muli %arg1, %mul3A_19 : i32
    %add3A_21 = arith.constant 384 : i32
    %add3A_22 = arith.addi %mul3A_20, %add3A_21 : i32
    "tpu.region"() ({
      %run_scoped3A = tpu.sem_alloc : memref<!tpu.dma_semaphore, #tpu.memory_space<semaphore_mem>>
      %dma_start3A = arith.constant 0 : i32
      %dma_start3A_41 = tpu.memref_slice %arg11[%add3A_22, %dma_start3A] : memref<10240x128xf32, #tpu.memory_space<vmem_shared>> -> memref<128x128xf32, #tpu.memory_space<vmem_shared>>
      %dma_start3A_42 = arith.constant 0 : i32
      %dma_start3A_43 = tpu.memref_slice %arg11[%add3A_22, %dma_start3A_42] : memref<10240x128xf32, #tpu.memory_space<vmem_shared>> -> memref<128x128xf32, #tpu.memory_space<vmem_shared>>
      tpu.enqueue_dma source(%arg10 : memref<128x128xf32, #tpu.memory_space<vmem>>) target(%dma_start3A_43 : memref<128x128xf32, #tpu.memory_space<vmem_shared>>) target_semaphore(%run_scoped3A : memref<!tpu.dma_semaphore, #tpu.memory_space<semaphore_mem>>)
      %dma_wait3A = arith.constant 0 : i32
      %dma_wait3A_44 = tpu.memref_slice %arg11[%add3A_22, %dma_wait3A] : memref<10240x128xf32, #tpu.memory_space<vmem_shared>> -> memref<128x128xf32, #tpu.memory_space<vmem_shared>>
      %dma_wait3A_45 = arith.constant 0 : i32
      %dma_wait3A_46 = tpu.memref_slice %arg11[%add3A_22, %dma_wait3A_45] : memref<10240x128xf32, #tpu.memory_space<vmem_shared>> -> memref<128x128xf32, #tpu.memory_space<vmem_shared>>
      tpu.wait_dma2 semaphore(%run_scoped3A : memref<!tpu.dma_semaphore, #tpu.memory_space<semaphore_mem>>) src(%arg10 : memref<128x128xf32, #tpu.memory_space<vmem>>) dst(%dma_wait3A_46 : memref<128x128xf32, #tpu.memory_space<vmem_shared>>)
      tpu.yield
    }) : () -> ()
    %mul3A_23 = arith.constant 640 : i32
    %mul3A_24 = arith.muli %arg1, %mul3A_23 : i32
    %add3A_25 = arith.constant 512 : i32
    %add3A_26 = arith.addi %mul3A_24, %add3A_25 : i32
    "tpu.region"() ({
      %run_scoped3A = tpu.sem_alloc : memref<!tpu.dma_semaphore, #tpu.memory_space<semaphore_mem>>
      %dma_start3A = arith.constant 0 : i32
      %dma_start3A_41 = tpu.memref_slice %arg11[%add3A_26, %dma_start3A] : memref<10240x128xf32, #tpu.memory_space<vmem_shared>> -> memref<128x128xf32, #tpu.memory_space<vmem_shared>>
      %dma_start3A_42 = arith.constant 0 : i32
      %dma_start3A_43 = tpu.memref_slice %arg11[%add3A_26, %dma_start3A_42] : memref<10240x128xf32, #tpu.memory_space<vmem_shared>> -> memref<128x128xf32, #tpu.memory_space<vmem_shared>>
      tpu.enqueue_dma source(%arg10 : memref<128x128xf32, #tpu.memory_space<vmem>>) target(%dma_start3A_43 : memref<128x128xf32, #tpu.memory_space<vmem_shared>>) target_semaphore(%run_scoped3A : memref<!tpu.dma_semaphore, #tpu.memory_space<semaphore_mem>>)
      %dma_wait3A = arith.constant 0 : i32
      %dma_wait3A_44 = tpu.memref_slice %arg11[%add3A_26, %dma_wait3A] : memref<10240x128xf32, #tpu.memory_space<vmem_shared>> -> memref<128x128xf32, #tpu.memory_space<vmem_shared>>
      %dma_wait3A_45 = arith.constant 0 : i32
      %dma_wait3A_46 = tpu.memref_slice %arg11[%add3A_26, %dma_wait3A_45] : memref<10240x128xf32, #tpu.memory_space<vmem_shared>> -> memref<128x128xf32, #tpu.memory_space<vmem_shared>>
      tpu.wait_dma2 semaphore(%run_scoped3A : memref<!tpu.dma_semaphore, #tpu.memory_space<semaphore_mem>>) src(%arg10 : memref<128x128xf32, #tpu.memory_space<vmem>>) dst(%dma_wait3A_46 : memref<128x128xf32, #tpu.memory_space<vmem_shared>>)
      tpu.yield
    }) : () -> ()
    %mul3A_27 = arith.constant 80 : i32
    %mul3A_28 = arith.muli %add3A, %mul3A_27 : i32
    "tpu.region"() ({
      %run_scoped3A = tpu.sem_alloc : memref<!tpu.dma_semaphore, #tpu.memory_space<semaphore_mem>>
      %dma_start3A = arith.constant 0 : i32
      %dma_start3A_41 = tpu.memref_slice %arg3[%mul3A_28, %dma_start3A] : memref<2560x128xi32, #tpu.memory_space<hbm>> -> memref<80x128xi32, #tpu.memory_space<hbm>>
      %dma_start3A_42 = arith.constant 0 : i32
      %dma_start3A_43 = tpu.memref_slice %arg3[%mul3A_28, %dma_start3A_42] : memref<2560x128xi32, #tpu.memory_space<hbm>> -> memref<80x128xi32, #tpu.memory_space<hbm>>
      tpu.enqueue_dma source(%dma_start3A_43 : memref<80x128xi32, #tpu.memory_space<hbm>>) target(%arg7 : memref<80x128xi32, #tpu.memory_space<vmem>>) target_semaphore(%run_scoped3A : memref<!tpu.dma_semaphore, #tpu.memory_space<semaphore_mem>>)
      %dma_wait3A = arith.constant 0 : i32
      %dma_wait3A_44 = tpu.memref_slice %arg3[%mul3A_28, %dma_wait3A] : memref<2560x128xi32, #tpu.memory_space<hbm>> -> memref<80x128xi32, #tpu.memory_space<hbm>>
      %dma_wait3A_45 = arith.constant 0 : i32
      %dma_wait3A_46 = tpu.memref_slice %arg3[%mul3A_28, %dma_wait3A_45] : memref<2560x128xi32, #tpu.memory_space<hbm>> -> memref<80x128xi32, #tpu.memory_space<hbm>>
      tpu.wait_dma2 semaphore(%run_scoped3A : memref<!tpu.dma_semaphore, #tpu.memory_space<semaphore_mem>>) src(%dma_wait3A_46 : memref<80x128xi32, #tpu.memory_space<hbm>>) dst(%arg7 : memref<80x128xi32, #tpu.memory_space<vmem>>)
      tpu.yield
    }) : () -> ()
    "tpu.region"() ({
      %run_scoped3A = tpu.sem_alloc : memref<!tpu.dma_semaphore, #tpu.memory_space<semaphore_mem>>
      %dma_start3A = arith.constant 0 : i32
      %dma_start3A_41 = tpu.memref_slice %arg4[%mul3A_28, %dma_start3A] : memref<2560x128xi32, #tpu.memory_space<hbm>> -> memref<80x128xi32, #tpu.memory_space<hbm>>
      %dma_start3A_42 = arith.constant 0 : i32
      %dma_start3A_43 = tpu.memref_slice %arg4[%mul3A_28, %dma_start3A_42] : memref<2560x128xi32, #tpu.memory_space<hbm>> -> memref<80x128xi32, #tpu.memory_space<hbm>>
      tpu.enqueue_dma source(%dma_start3A_43 : memref<80x128xi32, #tpu.memory_space<hbm>>) target(%arg8 : memref<80x128xi32, #tpu.memory_space<vmem>>) target_semaphore(%run_scoped3A : memref<!tpu.dma_semaphore, #tpu.memory_space<semaphore_mem>>)
      %dma_wait3A = arith.constant 0 : i32
      %dma_wait3A_44 = tpu.memref_slice %arg4[%mul3A_28, %dma_wait3A] : memref<2560x128xi32, #tpu.memory_space<hbm>> -> memref<80x128xi32, #tpu.memory_space<hbm>>
      %dma_wait3A_45 = arith.constant 0 : i32
      %dma_wait3A_46 = tpu.memref_slice %arg4[%mul3A_28, %dma_wait3A_45] : memref<2560x128xi32, #tpu.memory_space<hbm>> -> memref<80x128xi32, #tpu.memory_space<hbm>>
      tpu.wait_dma2 semaphore(%run_scoped3A : memref<!tpu.dma_semaphore, #tpu.memory_space<semaphore_mem>>) src(%dma_wait3A_46 : memref<80x128xi32, #tpu.memory_space<hbm>>) dst(%arg8 : memref<80x128xi32, #tpu.memory_space<vmem>>)
      tpu.yield
    }) : () -> ()
    "tpu.region"() ({
      %run_scoped3A = tpu.sem_alloc : memref<!tpu.dma_semaphore, #tpu.memory_space<semaphore_mem>>
      %dma_start3A = arith.constant 0 : i32
      %dma_start3A_41 = tpu.memref_slice %arg5[%mul3A_28, %dma_start3A] : memref<2560x128xf32, #tpu.memory_space<hbm>> -> memref<80x128xf32, #tpu.memory_space<hbm>>
      %dma_start3A_42 = arith.constant 0 : i32
      %dma_start3A_43 = tpu.memref_slice %arg5[%mul3A_28, %dma_start3A_42] : memref<2560x128xf32, #tpu.memory_space<hbm>> -> memref<80x128xf32, #tpu.memory_space<hbm>>
      tpu.enqueue_dma source(%dma_start3A_43 : memref<80x128xf32, #tpu.memory_space<hbm>>) target(%arg9 : memref<80x128xf32, #tpu.memory_space<vmem>>) target_semaphore(%run_scoped3A : memref<!tpu.dma_semaphore, #tpu.memory_space<semaphore_mem>>)
      %dma_wait3A = arith.constant 0 : i32
      %dma_wait3A_44 = tpu.memref_slice %arg5[%mul3A_28, %dma_wait3A] : memref<2560x128xf32, #tpu.memory_space<hbm>> -> memref<80x128xf32, #tpu.memory_space<hbm>>
      %dma_wait3A_45 = arith.constant 0 : i32
      %dma_wait3A_46 = tpu.memref_slice %arg5[%mul3A_28, %dma_wait3A_45] : memref<2560x128xf32, #tpu.memory_space<hbm>> -> memref<80x128xf32, #tpu.memory_space<hbm>>
      tpu.wait_dma2 semaphore(%run_scoped3A : memref<!tpu.dma_semaphore, #tpu.memory_space<semaphore_mem>>) src(%dma_wait3A_46 : memref<80x128xf32, #tpu.memory_space<hbm>>) dst(%arg9 : memref<80x128xf32, #tpu.memory_space<vmem>>)
      tpu.yield
    }) : () -> ()
    %barrier3A = arith.constant 0 : index
    tpu.barrier barrier_id(%barrier3A)
    %scan3A_29 = arith.constant 0 : i32
    %scan3A_30 = arith.constant 0 : i32
    %scan3A_31 = arith.constant 80 : i32
    %scan3A_32 = arith.addi %scan3A_30, %scan3A_31 : i32
    %scan3A_33 = arith.constant 1 : i32
    %scan3A_34 = scf.for %scan3A_41 = %scan3A_30 to %scan3A_32 step %scan3A_33 iter_args(%scan3A_42 = %scan3A_29) -> (i32)  : i32 {
      %dma_start3A = arith.constant 0 : i32
      %dma_start3A_43 = tpu.memref_slice %arg7[%scan3A_41, %dma_start3A] : memref<80x128xi32, #tpu.memory_space<vmem>> -> memref<1x128xi32, #tpu.memory_space<vmem>>
      %dma_start3A_44 = tpu.memref_squeeze %dma_start3A_43 : memref<1x128xi32, #tpu.memory_space<vmem>> -> memref<128xi32, #tpu.memory_space<vmem>>
      %dma_start3A_45 = arith.constant 0 : i32
      %dma_start3A_46 = arith.constant 0 : i32
      %dma_start3A_47 = tpu.memref_slice %arg2[%dma_start3A_45, %dma_start3A_46] : memref<10240x128xf32, #tpu.memory_space<hbm>> -> memref<10240x128xf32, #tpu.memory_space<hbm>>
      tpu.enqueue_indirect_dma source(%dma_start3A_47 : memref<10240x128xf32, #tpu.memory_space<hbm>>) target(%arg10 : memref<128x128xf32, #tpu.memory_space<vmem>>) offsets(%dma_start3A_44 : memref<128xi32, #tpu.memory_space<vmem>>) semaphore(%arg12 : memref<!tpu.dma_semaphore, #tpu.memory_space<semaphore_mem>>)
      %dma_wait3A = arith.constant 0 : i32
      %dma_wait3A_48 = tpu.memref_slice %arg7[%scan3A_41, %dma_wait3A] : memref<80x128xi32, #tpu.memory_space<vmem>> -> memref<1x128xi32, #tpu.memory_space<vmem>>
      %dma_wait3A_49 = tpu.memref_squeeze %dma_wait3A_48 : memref<1x128xi32, #tpu.memory_space<vmem>> -> memref<128xi32, #tpu.memory_space<vmem>>
      %dma_wait3A_50 = arith.constant 0 : i32
      %dma_wait3A_51 = arith.constant 0 : i32
      %dma_wait3A_52 = tpu.memref_slice %arg2[%dma_wait3A_50, %dma_wait3A_51] : memref<10240x128xf32, #tpu.memory_space<hbm>> -> memref<10240x128xf32, #tpu.memory_space<hbm>>
      tpu.wait_indirect_dma semaphore(%arg12 : memref<!tpu.dma_semaphore, #tpu.memory_space<semaphore_mem>>) src(%dma_wait3A_52 : memref<10240x128xf32, #tpu.memory_space<hbm>>) dst(%arg10 : memref<128x128xf32, #tpu.memory_space<vmem>>)
      %scan3A_53 = arith.constant 0 : i32
      %scan3A_54 = arith.constant 0 : i32
      %scan3A_55 = arith.constant 8 : i32
      %scan3A_56 = arith.addi %scan3A_54, %scan3A_55 : i32
      %scan3A_57 = arith.constant 1 : i32
      %scan3A_58 = scf.for %scan3A_61 = %scan3A_54 to %scan3A_56 step %scan3A_57 iter_args(%scan3A_62 = %scan3A_53) -> (i32)  : i32 {
        %mul3A_63 = arith.constant 16 : i32
        %mul3A_64 = arith.muli %scan3A_61, %mul3A_63 : i32
        %add3A_65 = arith.constant 0 : i32
        %add3A_66 = arith.addi %mul3A_64, %add3A_65 : i32
        %broadcast_in_dim3A = vector.broadcast %scan3A_41 : i32 to vector<16xi32>
        %broadcast_in_dim3A_67 = vector.broadcast %add3A_66 : i32 to vector<16xi32>
        %gather3A = tpu.vector_load_idx %arg9[%broadcast_in_dim3A, %broadcast_in_dim3A_67] : memref<80x128xf32, #tpu.memory_space<vmem>>[vector<16xi32>, vector<16xi32>], vector<16xf32>,
        %get3A = arith.index_cast %add3A_66 : i32 to index
        %get3A_68 = arith.constant 0 : index
        %get3A_69 = tpu.vector_load %arg10[%get3A, %get3A_68] {strides = array<i32>} : memref<128x128xf32, #tpu.memory_space<vmem>>, vector<16xf32>,
        %mul3A_70 = arith.mulf %get3A_69, %gather3A : vector<16xf32>
        %swap3A = arith.index_cast %add3A_66 : i32 to index
        %swap3A_71 = arith.constant 0 : index
        %swap3A_72 = tpu.vector_load %arg10[%swap3A, %swap3A_71] {strides = array<i32>} : memref<128x128xf32, #tpu.memory_space<vmem>>, vector<16xf32>,
        tpu.vector_store %arg10[%swap3A, %swap3A_71], %mul3A_70 {strides = array<i32>} : memref<128x128xf32, #tpu.memory_space<vmem>>, vector<16xf32>,
        %get3A_73 = arith.index_cast %add3A_66 : i32 to index
        %get3A_74 = arith.constant 16 : index
        %get3A_75 = tpu.vector_load %arg10[%get3A_73, %get3A_74] {strides = array<i32>} : memref<128x128xf32, #tpu.memory_space<vmem>>, vector<16xf32>,
        %mul3A_76 = arith.mulf %get3A_75, %gather3A : vector<16xf32>
        %swap3A_77 = arith.index_cast %add3A_66 : i32 to index
        %swap3A_78 = arith.constant 16 : index
        %swap3A_79 = tpu.vector_load %arg10[%swap3A_77, %swap3A_78] {strides = array<i32>} : memref<128x128xf32, #tpu.memory_space<vmem>>, vector<16xf32>,
        tpu.vector_store %arg10[%swap3A_77, %swap3A_78], %mul3A_76 {strides = array<i32>} : memref<128x128xf32, #tpu.memory_space<vmem>>, vector<16xf32>,
        %get3A_80 = arith.index_cast %add3A_66 : i32 to index
        %get3A_81 = arith.constant 32 : index
        %get3A_82 = tpu.vector_load %arg10[%get3A_80, %get3A_81] {strides = array<i32>} : memref<128x128xf32, #tpu.memory_space<vmem>>, vector<16xf32>,
        %mul3A_83 = arith.mulf %get3A_82, %gather3A : vector<16xf32>
        %swap3A_84 = arith.index_cast %add3A_66 : i32 to index
        %swap3A_85 = arith.constant 32 : index
        %swap3A_86 = tpu.vector_load %arg10[%swap3A_84, %swap3A_85] {strides = array<i32>} : memref<128x128xf32, #tpu.memory_space<vmem>>, vector<16xf32>,
        tpu.vector_store %arg10[%swap3A_84, %swap3A_85], %mul3A_83 {strides = array<i32>} : memref<128x128xf32, #tpu.memory_space<vmem>>, vector<16xf32>,
        %get3A_87 = arith.index_cast %add3A_66 : i32 to index
        %get3A_88 = arith.constant 48 : index
        %get3A_89 = tpu.vector_load %arg10[%get3A_87, %get3A_88] {strides = array<i32>} : memref<128x128xf32, #tpu.memory_space<vmem>>, vector<16xf32>,
        %mul3A_90 = arith.mulf %get3A_89, %gather3A : vector<16xf32>
        %swap3A_91 = arith.index_cast %add3A_66 : i32 to index
        %swap3A_92 = arith.constant 48 : index
        %swap3A_93 = tpu.vector_load %arg10[%swap3A_91, %swap3A_92] {strides = array<i32>} : memref<128x128xf32, #tpu.memory_space<vmem>>, vector<16xf32>,
        tpu.vector_store %arg10[%swap3A_91, %swap3A_92], %mul3A_90 {strides = array<i32>} : memref<128x128xf32, #tpu.memory_space<vmem>>, vector<16xf32>,
        %get3A_94 = arith.index_cast %add3A_66 : i32 to index
        %get3A_95 = arith.constant 64 : index
        %get3A_96 = tpu.vector_load %arg10[%get3A_94, %get3A_95] {strides = array<i32>} : memref<128x128xf32, #tpu.memory_space<vmem>>, vector<16xf32>,
        %mul3A_97 = arith.mulf %get3A_96, %gather3A : vector<16xf32>
        %swap3A_98 = arith.index_cast %add3A_66 : i32 to index
        %swap3A_99 = arith.constant 64 : index
        %swap3A_100 = tpu.vector_load %arg10[%swap3A_98, %swap3A_99] {strides = array<i32>} : memref<128x128xf32, #tpu.memory_space<vmem>>, vector<16xf32>,
        tpu.vector_store %arg10[%swap3A_98, %swap3A_99], %mul3A_97 {strides = array<i32>} : memref<128x128xf32, #tpu.memory_space<vmem>>, vector<16xf32>,
        %get3A_101 = arith.index_cast %add3A_66 : i32 to index
        %get3A_102 = arith.constant 80 : index
        %get3A_103 = tpu.vector_load %arg10[%get3A_101, %get3A_102] {strides = array<i32>} : memref<128x128xf32, #tpu.memory_space<vmem>>, vector<16xf32>,
        %mul3A_104 = arith.mulf %get3A_103, %gather3A : vector<16xf32>
        %swap3A_105 = arith.index_cast %add3A_66 : i32 to index
        %swap3A_106 = arith.constant 80 : index
        %swap3A_107 = tpu.vector_load %arg10[%swap3A_105, %swap3A_106] {strides = array<i32>} : memref<128x128xf32, #tpu.memory_space<vmem>>, vector<16xf32>,
        tpu.vector_store %arg10[%swap3A_105, %swap3A_106], %mul3A_104 {strides = array<i32>} : memref<128x128xf32, #tpu.memory_space<vmem>>, vector<16xf32>,
        %get3A_108 = arith.index_cast %add3A_66 : i32 to index
        %get3A_109 = arith.constant 96 : index
        %get3A_110 = tpu.vector_load %arg10[%get3A_108, %get3A_109] {strides = array<i32>} : memref<128x128xf32, #tpu.memory_space<vmem>>, vector<16xf32>,
        %mul3A_111 = arith.mulf %get3A_110, %gather3A : vector<16xf32>
        %swap3A_112 = arith.index_cast %add3A_66 : i32 to index
        %swap3A_113 = arith.constant 96 : index
        %swap3A_114 = tpu.vector_load %arg10[%swap3A_112, %swap3A_113] {strides = array<i32>} : memref<128x128xf32, #tpu.memory_space<vmem>>, vector<16xf32>,
        tpu.vector_store %arg10[%swap3A_112, %swap3A_113], %mul3A_111 {strides = array<i32>} : memref<128x128xf32, #tpu.memory_space<vmem>>, vector<16xf32>,
        %get3A_115 = arith.index_cast %add3A_66 : i32 to index
        %get3A_116 = arith.constant 112 : index
        %get3A_117 = tpu.vector_load %arg10[%get3A_115, %get3A_116] {strides = array<i32>} : memref<128x128xf32, #tpu.memory_space<vmem>>, vector<16xf32>,
        %mul3A_118 = arith.mulf %get3A_117, %gather3A : vector<16xf32>
        %swap3A_119 = arith.index_cast %add3A_66 : i32 to index
        %swap3A_120 = arith.constant 112 : index
        %swap3A_121 = tpu.vector_load %arg10[%swap3A_119, %swap3A_120] {strides = array<i32>} : memref<128x128xf32, #tpu.memory_space<vmem>>, vector<16xf32>,
        tpu.vector_store %arg10[%swap3A_119, %swap3A_120], %mul3A_118 {strides = array<i32>} : memref<128x128xf32, #tpu.memory_space<vmem>>, vector<16xf32>,
        %mul3A_122 = arith.constant 16 : i32
        %mul3A_123 = arith.muli %scan3A_61, %mul3A_122 : i32
        %add3A_124 = arith.constant 1 : i32
        %add3A_125 = arith.addi %mul3A_123, %add3A_124 : i32
        %broadcast_in_dim3A_126 = vector.broadcast %scan3A_41 : i32 to vector<16xi32>
        %broadcast_in_dim3A_127 = vector.broadcast %add3A_125 : i32 to vector<16xi32>
        %gather3A_128 = tpu.vector_load_idx %arg9[%broadcast_in_dim3A_126, %broadcast_in_dim3A_127] : memref<80x128xf32, #tpu.memory_space<vmem>>[vector<16xi32>, vector<16xi32>], vector<16xf32>,
        %get3A_129 = arith.index_cast %add3A_125 : i32 to index
        %get3A_130 = arith.constant 0 : index
        %get3A_131 = tpu.vector_load %arg10[%get3A_129, %get3A_130] {strides = array<i32>} : memref<128x128xf32, #tpu.memory_space<vmem>>, vector<16xf32>,
        %mul3A_132 = arith.mulf %get3A_131, %gather3A_128 : vector<16xf32>
        %swap3A_133 = arith.index_cast %add3A_125 : i32 to index
        %swap3A_134 = arith.constant 0 : index
        %swap3A_135 = tpu.vector_load %arg10[%swap3A_133, %swap3A_134] {strides = array<i32>} : memref<128x128xf32, #tpu.memory_space<vmem>>, vector<16xf32>,
        tpu.vector_store %arg10[%swap3A_133, %swap3A_134], %mul3A_132 {strides = array<i32>} : memref<128x128xf32, #tpu.memory_space<vmem>>, vector<16xf32>,
        %get3A_136 = arith.index_cast %add3A_125 : i32 to index
        %get3A_137 = arith.constant 16 : index
        %get3A_138 = tpu.vector_load %arg10[%get3A_136, %get3A_137] {strides = array<i32>} : memref<128x128xf32, #tpu.memory_space<vmem>>, vector<16xf32>,
        %mul3A_139 = arith.mulf %get3A_138, %gather3A_128 : vector<16xf32>
        %swap3A_140 = arith.index_cast %add3A_125 : i32 to index
        %swap3A_141 = arith.constant 16 : index
        %swap3A_142 = tpu.vector_load %arg10[%swap3A_140, %swap3A_141] {strides = array<i32>} : memref<128x128xf32, #tpu.memory_space<vmem>>, vector<16xf32>,
        tpu.vector_store %arg10[%swap3A_140, %swap3A_141], %mul3A_139 {strides = array<i32>} : memref<128x128xf32, #tpu.memory_space<vmem>>, vector<16xf32>,
        %get3A_143 = arith.index_cast %add3A_125 : i32 to index
        %get3A_144 = arith.constant 32 : index
        %get3A_145 = tpu.vector_load %arg10[%get3A_143, %get3A_144] {strides = array<i32>} : memref<128x128xf32, #tpu.memory_space<vmem>>, vector<16xf32>,
        %mul3A_146 = arith.mulf %get3A_145, %gather3A_128 : vector<16xf32>
        %swap3A_147 = arith.index_cast %add3A_125 : i32 to index
        %swap3A_148 = arith.constant 32 : index
        %swap3A_149 = tpu.vector_load %arg10[%swap3A_147, %swap3A_148] {strides = array<i32>} : memref<128x128xf32, #tpu.memory_space<vmem>>, vector<16xf32>,
        tpu.vector_store %arg10[%swap3A_147, %swap3A_148], %mul3A_146 {strides = array<i32>} : memref<128x128xf32, #tpu.memory_space<vmem>>, vector<16xf32>,
        %get3A_150 = arith.index_cast %add3A_125 : i32 to index
        %get3A_151 = arith.constant 48 : index
        %get3A_152 = tpu.vector_load %arg10[%get3A_150, %get3A_151] {strides = array<i32>} : memref<128x128xf32, #tpu.memory_space<vmem>>, vector<16xf32>,
        %mul3A_153 = arith.mulf %get3A_152, %gather3A_128 : vector<16xf32>
        %swap3A_154 = arith.index_cast %add3A_125 : i32 to index
        %swap3A_155 = arith.constant 48 : index
        %swap3A_156 = tpu.vector_load %arg10[%swap3A_154, %swap3A_155] {strides = array<i32>} : memref<128x128xf32, #tpu.memory_space<vmem>>, vector<16xf32>,
        tpu.vector_store %arg10[%swap3A_154, %swap3A_155], %mul3A_153 {strides = array<i32>} : memref<128x128xf32, #tpu.memory_space<vmem>>, vector<16xf32>,
        %get3A_157 = arith.index_cast %add3A_125 : i32 to index
        %get3A_158 = arith.constant 64 : index
        %get3A_159 = tpu.vector_load %arg10[%get3A_157, %get3A_158] {strides = array<i32>} : memref<128x128xf32, #tpu.memory_space<vmem>>, vector<16xf32>,
        %mul3A_160 = arith.mulf %get3A_159, %gather3A_128 : vector<16xf32>
        %swap3A_161 = arith.index_cast %add3A_125 : i32 to index
        %swap3A_162 = arith.constant 64 : index
        %swap3A_163 = tpu.vector_load %arg10[%swap3A_161, %swap3A_162] {strides = array<i32>} : memref<128x128xf32, #tpu.memory_space<vmem>>, vector<16xf32>,
        tpu.vector_store %arg10[%swap3A_161, %swap3A_162], %mul3A_160 {strides = array<i32>} : memref<128x128xf32, #tpu.memory_space<vmem>>, vector<16xf32>,
        %get3A_164 = arith.index_cast %add3A_125 : i32 to index
        %get3A_165 = arith.constant 80 : index
        %get3A_166 = tpu.vector_load %arg10[%get3A_164, %get3A_165] {strides = array<i32>} : memref<128x128xf32, #tpu.memory_space<vmem>>, vector<16xf32>,
        %mul3A_167 = arith.mulf %get3A_166, %gather3A_128 : vector<16xf32>
        %swap3A_168 = arith.index_cast %add3A_125 : i32 to index
        %swap3A_169 = arith.constant 80 : index
        %swap3A_170 = tpu.vector_load %arg10[%swap3A_168, %swap3A_169] {strides = array<i32>} : memref<128x128xf32, #tpu.memory_space<vmem>>, vector<16xf32>,
        tpu.vector_store %arg10[%swap3A_168, %swap3A_169], %mul3A_167 {strides = array<i32>} : memref<128x128xf32, #tpu.memory_space<vmem>>, vector<16xf32>,
        %get3A_171 = arith.index_cast %add3A_125 : i32 to index
        %get3A_172 = arith.constant 96 : index
        %get3A_173 = tpu.vector_load %arg10[%get3A_171, %get3A_172] {strides = array<i32>} : memref<128x128xf32, #tpu.memory_space<vmem>>, vector<16xf32>,
        %mul3A_174 = arith.mulf %get3A_173, %gather3A_128 : vector<16xf32>
        %swap3A_175 = arith.index_cast %add3A_125 : i32 to index
        %swap3A_176 = arith.constant 96 : index
        %swap3A_177 = tpu.vector_load %arg10[%swap3A_175, %swap3A_176] {strides = array<i32>} : memref<128x128xf32, #tpu.memory_space<vmem>>, vector<16xf32>,
        tpu.vector_store %arg10[%swap3A_175, %swap3A_176], %mul3A_174 {strides = array<i32>} : memref<128x128xf32, #tpu.memory_space<vmem>>, vector<16xf32>,
        %get3A_178 = arith.index_cast %add3A_125 : i32 to index
        %get3A_179 = arith.constant 112 : index
        %get3A_180 = tpu.vector_load %arg10[%get3A_178, %get3A_179] {strides = array<i32>} : memref<128x128xf32, #tpu.memory_space<vmem>>, vector<16xf32>,
        %mul3A_181 = arith.mulf %get3A_180, %gather3A_128 : vector<16xf32>
        %swap3A_182 = arith.index_cast %add3A_125 : i32 to index
        %swap3A_183 = arith.constant 112 : index
        %swap3A_184 = tpu.vector_load %arg10[%swap3A_182, %swap3A_183] {strides = array<i32>} : memref<128x128xf32, #tpu.memory_space<vmem>>, vector<16xf32>,
        tpu.vector_store %arg10[%swap3A_182, %swap3A_183], %mul3A_181 {strides = array<i32>} : memref<128x128xf32, #tpu.memory_space<vmem>>, vector<16xf32>,
        %mul3A_185 = arith.constant 16 : i32
        %mul3A_186 = arith.muli %scan3A_61, %mul3A_185 : i32
        %add3A_187 = arith.constant 2 : i32
        %add3A_188 = arith.addi %mul3A_186, %add3A_187 : i32
        %broadcast_in_dim3A_189 = vector.broadcast %scan3A_41 : i32 to vector<16xi32>
        %broadcast_in_dim3A_190 = vector.broadcast %add3A_188 : i32 to vector<16xi32>
        %gather3A_191 = tpu.vector_load_idx %arg9[%broadcast_in_dim3A_189, %broadcast_in_dim3A_190] : memref<80x128xf32, #tpu.memory_space<vmem>>[vector<16xi32>, vector<16xi32>], vector<16xf32>,
        %get3A_192 = arith.index_cast %add3A_188 : i32 to index
        %get3A_193 = arith.constant 0 : index
        %get3A_194 = tpu.vector_load %arg10[%get3A_192, %get3A_193] {strides = array<i32>} : memref<128x128xf32, #tpu.memory_space<vmem>>, vector<16xf32>,
        %mul3A_195 = arith.mulf %get3A_194, %gather3A_191 : vector<16xf32>
        %swap3A_196 = arith.index_cast %add3A_188 : i32 to index
        %swap3A_197 = arith.constant 0 : index
        %swap3A_198 = tpu.vector_load %arg10[%swap3A_196, %swap3A_197] {strides = array<i32>} : memref<128x128xf32, #tpu.memory_space<vmem>>, vector<16xf32>,
        tpu.vector_store %arg10[%swap3A_196, %swap3A_197], %mul3A_195 {strides = array<i32>} : memref<128x128xf32, #tpu.memory_space<vmem>>, vector<16xf32>,
        %get3A_199 = arith.index_cast %add3A_188 : i32 to index
        %get3A_200 = arith.constant 16 : index
        %get3A_201 = tpu.vector_load %arg10[%get3A_199, %get3A_200] {strides = array<i32>} : memref<128x128xf32, #tpu.memory_space<vmem>>, vector<16xf32>,
        %mul3A_202 = arith.mulf %get3A_201, %gather3A_191 : vector<16xf32>
        %swap3A_203 = arith.index_cast %add3A_188 : i32 to index
        %swap3A_204 = arith.constant 16 : index
        %swap3A_205 = tpu.vector_load %arg10[%swap3A_203, %swap3A_204] {strides = array<i32>} : memref<128x128xf32, #tpu.memory_space<vmem>>, vector<16xf32>,
        tpu.vector_store %arg10[%swap3A_203, %swap3A_204], %mul3A_202 {strides = array<i32>} : memref<128x128xf32, #tpu.memory_space<vmem>>, vector<16xf32>,
        %get3A_206 = arith.index_cast %add3A_188 : i32 to index
        %get3A_207 = arith.constant 32 : index
        %get3A_208 = tpu.vector_load %arg10[%get3A_206, %get3A_207] {strides = array<i32>} : memref<128x128xf32, #tpu.memory_space<vmem>>, vector<16xf32>,
        %mul3A_209 = arith.mulf %get3A_208, %gather3A_191 : vector<16xf32>
        %swap3A_210 = arith.index_cast %add3A_188 : i32 to index
        %swap3A_211 = arith.constant 32 : index
        %swap3A_212 = tpu.vector_load %arg10[%swap3A_210, %swap3A_211] {strides = array<i32>} : memref<128x128xf32, #tpu.memory_space<vmem>>, vector<16xf32>,
        tpu.vector_store %arg10[%swap3A_210, %swap3A_211], %mul3A_209 {strides = array<i32>} : memref<128x128xf32, #tpu.memory_space<vmem>>, vector<16xf32>,
        %get3A_213 = arith.index_cast %add3A_188 : i32 to index
        %get3A_214 = arith.constant 48 : index
        %get3A_215 = tpu.vector_load %arg10[%get3A_213, %get3A_214] {strides = array<i32>} : memref<128x128xf32, #tpu.memory_space<vmem>>, vector<16xf32>,
        %mul3A_216 = arith.mulf %get3A_215, %gather3A_191 : vector<16xf32>
        %swap3A_217 = arith.index_cast %add3A_188 : i32 to index
        %swap3A_218 = arith.constant 48 : index
        %swap3A_219 = tpu.vector_load %arg10[%swap3A_217, %swap3A_218] {strides = array<i32>} : memref<128x128xf32, #tpu.memory_space<vmem>>, vector<16xf32>,
        tpu.vector_store %arg10[%swap3A_217, %swap3A_218], %mul3A_216 {strides = array<i32>} : memref<128x128xf32, #tpu.memory_space<vmem>>, vector<16xf32>,
        %get3A_220 = arith.index_cast %add3A_188 : i32 to index
        %get3A_221 = arith.constant 64 : index
        %get3A_222 = tpu.vector_load %arg10[%get3A_220, %get3A_221] {strides = array<i32>} : memref<128x128xf32, #tpu.memory_space<vmem>>, vector<16xf32>,
        %mul3A_223 = arith.mulf %get3A_222, %gather3A_191 : vector<16xf32>
        %swap3A_224 = arith.index_cast %add3A_188 : i32 to index
        %swap3A_225 = arith.constant 64 : index
        %swap3A_226 = tpu.vector_load %arg10[%swap3A_224, %swap3A_225] {strides = array<i32>} : memref<128x128xf32, #tpu.memory_space<vmem>>, vector<16xf32>,
        tpu.vector_store %arg10[%swap3A_224, %swap3A_225], %mul3A_223 {strides = array<i32>} : memref<128x128xf32, #tpu.memory_space<vmem>>, vector<16xf32>,
        %get3A_227 = arith.index_cast %add3A_188 : i32 to index
        %get3A_228 = arith.constant 80 : index
        %get3A_229 = tpu.vector_load %arg10[%get3A_227, %get3A_228] {strides = array<i32>} : memref<128x128xf32, #tpu.memory_space<vmem>>, vector<16xf32>,
        %mul3A_230 = arith.mulf %get3A_229, %gather3A_191 : vector<16xf32>
        %swap3A_231 = arith.index_cast %add3A_188 : i32 to index
        %swap3A_232 = arith.constant 80 : index
        %swap3A_233 = tpu.vector_load %arg10[%swap3A_231, %swap3A_232] {strides = array<i32>} : memref<128x128xf32, #tpu.memory_space<vmem>>, vector<16xf32>,
        tpu.vector_store %arg10[%swap3A_231, %swap3A_232], %mul3A_230 {strides = array<i32>} : memref<128x128xf32, #tpu.memory_space<vmem>>, vector<16xf32>,
        %get3A_234 = arith.index_cast %add3A_188 : i32 to index
        %get3A_235 = arith.constant 96 : index
        %get3A_236 = tpu.vector_load %arg10[%get3A_234, %get3A_235] {strides = array<i32>} : memref<128x128xf32, #tpu.memory_space<vmem>>, vector<16xf32>,
        %mul3A_237 = arith.mulf %get3A_236, %gather3A_191 : vector<16xf32>
        %swap3A_238 = arith.index_cast %add3A_188 : i32 to index
        %swap3A_239 = arith.constant 96 : index
        %swap3A_240 = tpu.vector_load %arg10[%swap3A_238, %swap3A_239] {strides = array<i32>} : memref<128x128xf32, #tpu.memory_space<vmem>>, vector<16xf32>,
        tpu.vector_store %arg10[%swap3A_238, %swap3A_239], %mul3A_237 {strides = array<i32>} : memref<128x128xf32, #tpu.memory_space<vmem>>, vector<16xf32>,
        %get3A_241 = arith.index_cast %add3A_188 : i32 to index
        %get3A_242 = arith.constant 112 : index
        %get3A_243 = tpu.vector_load %arg10[%get3A_241, %get3A_242] {strides = array<i32>} : memref<128x128xf32, #tpu.memory_space<vmem>>, vector<16xf32>,
        %mul3A_244 = arith.mulf %get3A_243, %gather3A_191 : vector<16xf32>
        %swap3A_245 = arith.index_cast %add3A_188 : i32 to index
        %swap3A_246 = arith.constant 112 : index
        %swap3A_247 = tpu.vector_load %arg10[%swap3A_245, %swap3A_246] {strides = array<i32>} : memref<128x128xf32, #tpu.memory_space<vmem>>, vector<16xf32>,
        tpu.vector_store %arg10[%swap3A_245, %swap3A_246], %mul3A_244 {strides = array<i32>} : memref<128x128xf32, #tpu.memory_space<vmem>>, vector<16xf32>,
        %mul3A_248 = arith.constant 16 : i32
        %mul3A_249 = arith.muli %scan3A_61, %mul3A_248 : i32
        %add3A_250 = arith.constant 3 : i32
        %add3A_251 = arith.addi %mul3A_249, %add3A_250 : i32
        %broadcast_in_dim3A_252 = vector.broadcast %scan3A_41 : i32 to vector<16xi32>
        %broadcast_in_dim3A_253 = vector.broadcast %add3A_251 : i32 to vector<16xi32>
        %gather3A_254 = tpu.vector_load_idx %arg9[%broadcast_in_dim3A_252, %broadcast_in_dim3A_253] : memref<80x128xf32, #tpu.memory_space<vmem>>[vector<16xi32>, vector<16xi32>], vector<16xf32>,
        %get3A_255 = arith.index_cast %add3A_251 : i32 to index
        %get3A_256 = arith.constant 0 : index
        %get3A_257 = tpu.vector_load %arg10[%get3A_255, %get3A_256] {strides = array<i32>} : memref<128x128xf32, #tpu.memory_space<vmem>>, vector<16xf32>,
        %mul3A_258 = arith.mulf %get3A_257, %gather3A_254 : vector<16xf32>
        %swap3A_259 = arith.index_cast %add3A_251 : i32 to index
        %swap3A_260 = arith.constant 0 : index
        %swap3A_261 = tpu.vector_load %arg10[%swap3A_259, %swap3A_260] {strides = array<i32>} : memref<128x128xf32, #tpu.memory_space<vmem>>, vector<16xf32>,
        tpu.vector_store %arg10[%swap3A_259, %swap3A_260], %mul3A_258 {strides = array<i32>} : memref<128x128xf32, #tpu.memory_space<vmem>>, vector<16xf32>,
        %get3A_262 = arith.index_cast %add3A_251 : i32 to index
        %get3A_263 = arith.constant 16 : index
        %get3A_264 = tpu.vector_load %arg10[%get3A_262, %get3A_263] {strides = array<i32>} : memref<128x128xf32, #tpu.memory_space<vmem>>, vector<16xf32>,
        %mul3A_265 = arith.mulf %get3A_264, %gather3A_254 : vector<16xf32>
        %swap3A_266 = arith.index_cast %add3A_251 : i32 to index
        %swap3A_267 = arith.constant 16 : index
        %swap3A_268 = tpu.vector_load %arg10[%swap3A_266, %swap3A_267] {strides = array<i32>} : memref<128x128xf32, #tpu.memory_space<vmem>>, vector<16xf32>,
        tpu.vector_store %arg10[%swap3A_266, %swap3A_267], %mul3A_265 {strides = array<i32>} : memref<128x128xf32, #tpu.memory_space<vmem>>, vector<16xf32>,
        %get3A_269 = arith.index_cast %add3A_251 : i32 to index
        %get3A_270 = arith.constant 32 : index
        %get3A_271 = tpu.vector_load %arg10[%get3A_269, %get3A_270] {strides = array<i32>} : memref<128x128xf32, #tpu.memory_space<vmem>>, vector<16xf32>,
        %mul3A_272 = arith.mulf %get3A_271, %gather3A_254 : vector<16xf32>
        %swap3A_273 = arith.index_cast %add3A_251 : i32 to index
        %swap3A_274 = arith.constant 32 : index
        %swap3A_275 = tpu.vector_load %arg10[%swap3A_273, %swap3A_274] {strides = array<i32>} : memref<128x128xf32, #tpu.memory_space<vmem>>, vector<16xf32>,
        tpu.vector_store %arg10[%swap3A_273, %swap3A_274], %mul3A_272 {strides = array<i32>} : memref<128x128xf32, #tpu.memory_space<vmem>>, vector<16xf32>,
        %get3A_276 = arith.index_cast %add3A_251 : i32 to index
        %get3A_277 = arith.constant 48 : index
        %get3A_278 = tpu.vector_load %arg10[%get3A_276, %get3A_277] {strides = array<i32>} : memref<128x128xf32, #tpu.memory_space<vmem>>, vector<16xf32>,
        %mul3A_279 = arith.mulf %get3A_278, %gather3A_254 : vector<16xf32>
        %swap3A_280 = arith.index_cast %add3A_251 : i32 to index
        %swap3A_281 = arith.constant 48 : index
        %swap3A_282 = tpu.vector_load %arg10[%swap3A_280, %swap3A_281] {strides = array<i32>} : memref<128x128xf32, #tpu.memory_space<vmem>>, vector<16xf32>,
        tpu.vector_store %arg10[%swap3A_280, %swap3A_281], %mul3A_279 {strides = array<i32>} : memref<128x128xf32, #tpu.memory_space<vmem>>, vector<16xf32>,
        %get3A_283 = arith.index_cast %add3A_251 : i32 to index
        %get3A_284 = arith.constant 64 : index
        %get3A_285 = tpu.vector_load %arg10[%get3A_283, %get3A_284] {strides = array<i32>} : memref<128x128xf32, #tpu.memory_space<vmem>>, vector<16xf32>,
        %mul3A_286 = arith.mulf %get3A_285, %gather3A_254 : vector<16xf32>
        %swap3A_287 = arith.index_cast %add3A_251 : i32 to index
        %swap3A_288 = arith.constant 64 : index
        %swap3A_289 = tpu.vector_load %arg10[%swap3A_287, %swap3A_288] {strides = array<i32>} : memref<128x128xf32, #tpu.memory_space<vmem>>, vector<16xf32>,
        tpu.vector_store %arg10[%swap3A_287, %swap3A_288], %mul3A_286 {strides = array<i32>} : memref<128x128xf32, #tpu.memory_space<vmem>>, vector<16xf32>,
        %get3A_290 = arith.index_cast %add3A_251 : i32 to index
        %get3A_291 = arith.constant 80 : index
        %get3A_292 = tpu.vector_load %arg10[%get3A_290, %get3A_291] {strides = array<i32>} : memref<128x128xf32, #tpu.memory_space<vmem>>, vector<16xf32>,
        %mul3A_293 = arith.mulf %get3A_292, %gather3A_254 : vector<16xf32>
        %swap3A_294 = arith.index_cast %add3A_251 : i32 to index
        %swap3A_295 = arith.constant 80 : index
        %swap3A_296 = tpu.vector_load %arg10[%swap3A_294, %swap3A_295] {strides = array<i32>} : memref<128x128xf32, #tpu.memory_space<vmem>>, vector<16xf32>,
        tpu.vector_store %arg10[%swap3A_294, %swap3A_295], %mul3A_293 {strides = array<i32>} : memref<128x128xf32, #tpu.memory_space<vmem>>, vector<16xf32>,
        %get3A_297 = arith.index_cast %add3A_251 : i32 to index
        %get3A_298 = arith.constant 96 : index
        %get3A_299 = tpu.vector_load %arg10[%get3A_297, %get3A_298] {strides = array<i32>} : memref<128x128xf32, #tpu.memory_space<vmem>>, vector<16xf32>,
        %mul3A_300 = arith.mulf %get3A_299, %gather3A_254 : vector<16xf32>
        %swap3A_301 = arith.index_cast %add3A_251 : i32 to index
        %swap3A_302 = arith.constant 96 : index
        %swap3A_303 = tpu.vector_load %arg10[%swap3A_301, %swap3A_302] {strides = array<i32>} : memref<128x128xf32, #tpu.memory_space<vmem>>, vector<16xf32>,
        tpu.vector_store %arg10[%swap3A_301, %swap3A_302], %mul3A_300 {strides = array<i32>} : memref<128x128xf32, #tpu.memory_space<vmem>>, vector<16xf32>,
        %get3A_304 = arith.index_cast %add3A_251 : i32 to index
        %get3A_305 = arith.constant 112 : index
        %get3A_306 = tpu.vector_load %arg10[%get3A_304, %get3A_305] {strides = array<i32>} : memref<128x128xf32, #tpu.memory_space<vmem>>, vector<16xf32>,
        %mul3A_307 = arith.mulf %get3A_306, %gather3A_254 : vector<16xf32>
        %swap3A_308 = arith.index_cast %add3A_251 : i32 to index
        %swap3A_309 = arith.constant 112 : index
        %swap3A_310 = tpu.vector_load %arg10[%swap3A_308, %swap3A_309] {strides = array<i32>} : memref<128x128xf32, #tpu.memory_space<vmem>>, vector<16xf32>,
        tpu.vector_store %arg10[%swap3A_308, %swap3A_309], %mul3A_307 {strides = array<i32>} : memref<128x128xf32, #tpu.memory_space<vmem>>, vector<16xf32>,
        %mul3A_311 = arith.constant 16 : i32
        %mul3A_312 = arith.muli %scan3A_61, %mul3A_311 : i32
        %add3A_313 = arith.constant 4 : i32
        %add3A_314 = arith.addi %mul3A_312, %add3A_313 : i32
        %broadcast_in_dim3A_315 = vector.broadcast %scan3A_41 : i32 to vector<16xi32>
        %broadcast_in_dim3A_316 = vector.broadcast %add3A_314 : i32 to vector<16xi32>
        %gather3A_317 = tpu.vector_load_idx %arg9[%broadcast_in_dim3A_315, %broadcast_in_dim3A_316] : memref<80x128xf32, #tpu.memory_space<vmem>>[vector<16xi32>, vector<16xi32>], vector<16xf32>,
        %get3A_318 = arith.index_cast %add3A_314 : i32 to index
        %get3A_319 = arith.constant 0 : index
        %get3A_320 = tpu.vector_load %arg10[%get3A_318, %get3A_319] {strides = array<i32>} : memref<128x128xf32, #tpu.memory_space<vmem>>, vector<16xf32>,
        %mul3A_321 = arith.mulf %get3A_320, %gather3A_317 : vector<16xf32>
        %swap3A_322 = arith.index_cast %add3A_314 : i32 to index
        %swap3A_323 = arith.constant 0 : index
        %swap3A_324 = tpu.vector_load %arg10[%swap3A_322, %swap3A_323] {strides = array<i32>} : memref<128x128xf32, #tpu.memory_space<vmem>>, vector<16xf32>,
        tpu.vector_store %arg10[%swap3A_322, %swap3A_323], %mul3A_321 {strides = array<i32>} : memref<128x128xf32, #tpu.memory_space<vmem>>, vector<16xf32>,
        %get3A_325 = arith.index_cast %add3A_314 : i32 to index
        %get3A_326 = arith.constant 16 : index
        %get3A_327 = tpu.vector_load %arg10[%get3A_325, %get3A_326] {strides = array<i32>} : memref<128x128xf32, #tpu.memory_space<vmem>>, vector<16xf32>,
        %mul3A_328 = arith.mulf %get3A_327, %gather3A_317 : vector<16xf32>
        %swap3A_329 = arith.index_cast %add3A_314 : i32 to index
        %swap3A_330 = arith.constant 16 : index
        %swap3A_331 = tpu.vector_load %arg10[%swap3A_329, %swap3A_330] {strides = array<i32>} : memref<128x128xf32, #tpu.memory_space<vmem>>, vector<16xf32>,
        tpu.vector_store %arg10[%swap3A_329, %swap3A_330], %mul3A_328 {strides = array<i32>} : memref<128x128xf32, #tpu.memory_space<vmem>>, vector<16xf32>,
        %get3A_332 = arith.index_cast %add3A_314 : i32 to index
        %get3A_333 = arith.constant 32 : index
        %get3A_334 = tpu.vector_load %arg10[%get3A_332, %get3A_333] {strides = array<i32>} : memref<128x128xf32, #tpu.memory_space<vmem>>, vector<16xf32>,
        %mul3A_335 = arith.mulf %get3A_334, %gather3A_317 : vector<16xf32>
        %swap3A_336 = arith.index_cast %add3A_314 : i32 to index
        %swap3A_337 = arith.constant 32 : index
        %swap3A_338 = tpu.vector_load %arg10[%swap3A_336, %swap3A_337] {strides = array<i32>} : memref<128x128xf32, #tpu.memory_space<vmem>>, vector<16xf32>,
        tpu.vector_store %arg10[%swap3A_336, %swap3A_337], %mul3A_335 {strides = array<i32>} : memref<128x128xf32, #tpu.memory_space<vmem>>, vector<16xf32>,
        %get3A_339 = arith.index_cast %add3A_314 : i32 to index
        %get3A_340 = arith.constant 48 : index
        %get3A_341 = tpu.vector_load %arg10[%get3A_339, %get3A_340] {strides = array<i32>} : memref<128x128xf32, #tpu.memory_space<vmem>>, vector<16xf32>,
        %mul3A_342 = arith.mulf %get3A_341, %gather3A_317 : vector<16xf32>
        %swap3A_343 = arith.index_cast %add3A_314 : i32 to index
        %swap3A_344 = arith.constant 48 : index
        %swap3A_345 = tpu.vector_load %arg10[%swap3A_343, %swap3A_344] {strides = array<i32>} : memref<128x128xf32, #tpu.memory_space<vmem>>, vector<16xf32>,
        tpu.vector_store %arg10[%swap3A_343, %swap3A_344], %mul3A_342 {strides = array<i32>} : memref<128x128xf32, #tpu.memory_space<vmem>>, vector<16xf32>,
        %get3A_346 = arith.index_cast %add3A_314 : i32 to index
        %get3A_347 = arith.constant 64 : index
        %get3A_348 = tpu.vector_load %arg10[%get3A_346, %get3A_347] {strides = array<i32>} : memref<128x128xf32, #tpu.memory_space<vmem>>, vector<16xf32>,
        %mul3A_349 = arith.mulf %get3A_348, %gather3A_317 : vector<16xf32>
        %swap3A_350 = arith.index_cast %add3A_314 : i32 to index
        %swap3A_351 = arith.constant 64 : index
        %swap3A_352 = tpu.vector_load %arg10[%swap3A_350, %swap3A_351] {strides = array<i32>} : memref<128x128xf32, #tpu.memory_space<vmem>>, vector<16xf32>,
        tpu.vector_store %arg10[%swap3A_350, %swap3A_351], %mul3A_349 {strides = array<i32>} : memref<128x128xf32, #tpu.memory_space<vmem>>, vector<16xf32>,
        %get3A_353 = arith.index_cast %add3A_314 : i32 to index
        %get3A_354 = arith.constant 80 : index
        %get3A_355 = tpu.vector_load %arg10[%get3A_353, %get3A_354] {strides = array<i32>} : memref<128x128xf32, #tpu.memory_space<vmem>>, vector<16xf32>,
        %mul3A_356 = arith.mulf %get3A_355, %gather3A_317 : vector<16xf32>
        %swap3A_357 = arith.index_cast %add3A_314 : i32 to index
        %swap3A_358 = arith.constant 80 : index
        %swap3A_359 = tpu.vector_load %arg10[%swap3A_357, %swap3A_358] {strides = array<i32>} : memref<128x128xf32, #tpu.memory_space<vmem>>, vector<16xf32>,
        tpu.vector_store %arg10[%swap3A_357, %swap3A_358], %mul3A_356 {strides = array<i32>} : memref<128x128xf32, #tpu.memory_space<vmem>>, vector<16xf32>,
        %get3A_360 = arith.index_cast %add3A_314 : i32 to index
        %get3A_361 = arith.constant 96 : index
        %get3A_362 = tpu.vector_load %arg10[%get3A_360, %get3A_361] {strides = array<i32>} : memref<128x128xf32, #tpu.memory_space<vmem>>, vector<16xf32>,
        %mul3A_363 = arith.mulf %get3A_362, %gather3A_317 : vector<16xf32>
        %swap3A_364 = arith.index_cast %add3A_314 : i32 to index
        %swap3A_365 = arith.constant 96 : index
        %swap3A_366 = tpu.vector_load %arg10[%swap3A_364, %swap3A_365] {strides = array<i32>} : memref<128x128xf32, #tpu.memory_space<vmem>>, vector<16xf32>,
        tpu.vector_store %arg10[%swap3A_364, %swap3A_365], %mul3A_363 {strides = array<i32>} : memref<128x128xf32, #tpu.memory_space<vmem>>, vector<16xf32>,
        %get3A_367 = arith.index_cast %add3A_314 : i32 to index
        %get3A_368 = arith.constant 112 : index
        %get3A_369 = tpu.vector_load %arg10[%get3A_367, %get3A_368] {strides = array<i32>} : memref<128x128xf32, #tpu.memory_space<vmem>>, vector<16xf32>,
        %mul3A_370 = arith.mulf %get3A_369, %gather3A_317 : vector<16xf32>
        %swap3A_371 = arith.index_cast %add3A_314 : i32 to index
        %swap3A_372 = arith.constant 112 : index
        %swap3A_373 = tpu.vector_load %arg10[%swap3A_371, %swap3A_372] {strides = array<i32>} : memref<128x128xf32, #tpu.memory_space<vmem>>, vector<16xf32>,
        tpu.vector_store %arg10[%swap3A_371, %swap3A_372], %mul3A_370 {strides = array<i32>} : memref<128x128xf32, #tpu.memory_space<vmem>>, vector<16xf32>,
        %mul3A_374 = arith.constant 16 : i32
        %mul3A_375 = arith.muli %scan3A_61, %mul3A_374 : i32
        %add3A_376 = arith.constant 5 : i32
        %add3A_377 = arith.addi %mul3A_375, %add3A_376 : i32
        %broadcast_in_dim3A_378 = vector.broadcast %scan3A_41 : i32 to vector<16xi32>
        %broadcast_in_dim3A_379 = vector.broadcast %add3A_377 : i32 to vector<16xi32>
        %gather3A_380 = tpu.vector_load_idx %arg9[%broadcast_in_dim3A_378, %broadcast_in_dim3A_379] : memref<80x128xf32, #tpu.memory_space<vmem>>[vector<16xi32>, vector<16xi32>], vector<16xf32>,
        %get3A_381 = arith.index_cast %add3A_377 : i32 to index
        %get3A_382 = arith.constant 0 : index
        %get3A_383 = tpu.vector_load %arg10[%get3A_381, %get3A_382] {strides = array<i32>} : memref<128x128xf32, #tpu.memory_space<vmem>>, vector<16xf32>,
        %mul3A_384 = arith.mulf %get3A_383, %gather3A_380 : vector<16xf32>
        %swap3A_385 = arith.index_cast %add3A_377 : i32 to index
        %swap3A_386 = arith.constant 0 : index
        %swap3A_387 = tpu.vector_load %arg10[%swap3A_385, %swap3A_386] {strides = array<i32>} : memref<128x128xf32, #tpu.memory_space<vmem>>, vector<16xf32>,
        tpu.vector_store %arg10[%swap3A_385, %swap3A_386], %mul3A_384 {strides = array<i32>} : memref<128x128xf32, #tpu.memory_space<vmem>>, vector<16xf32>,
        %get3A_388 = arith.index_cast %add3A_377 : i32 to index
        %get3A_389 = arith.constant 16 : index
        %get3A_390 = tpu.vector_load %arg10[%get3A_388, %get3A_389] {strides = array<i32>} : memref<128x128xf32, #tpu.memory_space<vmem>>, vector<16xf32>,
        %mul3A_391 = arith.mulf %get3A_390, %gather3A_380 : vector<16xf32>
        %swap3A_392 = arith.index_cast %add3A_377 : i32 to index
        %swap3A_393 = arith.constant 16 : index
        %swap3A_394 = tpu.vector_load %arg10[%swap3A_392, %swap3A_393] {strides = array<i32>} : memref<128x128xf32, #tpu.memory_space<vmem>>, vector<16xf32>,
        tpu.vector_store %arg10[%swap3A_392, %swap3A_393], %mul3A_391 {strides = array<i32>} : memref<128x128xf32, #tpu.memory_space<vmem>>, vector<16xf32>,
        %get3A_395 = arith.index_cast %add3A_377 : i32 to index
        %get3A_396 = arith.constant 32 : index
        %get3A_397 = tpu.vector_load %arg10[%get3A_395, %get3A_396] {strides = array<i32>} : memref<128x128xf32, #tpu.memory_space<vmem>>, vector<16xf32>,
        %mul3A_398 = arith.mulf %get3A_397, %gather3A_380 : vector<16xf32>
        %swap3A_399 = arith.index_cast %add3A_377 : i32 to index
        %swap3A_400 = arith.constant 32 : index
        %swap3A_401 = tpu.vector_load %arg10[%swap3A_399, %swap3A_400] {strides = array<i32>} : memref<128x128xf32, #tpu.memory_space<vmem>>, vector<16xf32>,
        tpu.vector_store %arg10[%swap3A_399, %swap3A_400], %mul3A_398 {strides = array<i32>} : memref<128x128xf32, #tpu.memory_space<vmem>>, vector<16xf32>,
        %get3A_402 = arith.index_cast %add3A_377 : i32 to index
        %get3A_403 = arith.constant 48 : index
        %get3A_404 = tpu.vector_load %arg10[%get3A_402, %get3A_403] {strides = array<i32>} : memref<128x128xf32, #tpu.memory_space<vmem>>, vector<16xf32>,
        %mul3A_405 = arith.mulf %get3A_404, %gather3A_380 : vector<16xf32>
        %swap3A_406 = arith.index_cast %add3A_377 : i32 to index
        %swap3A_407 = arith.constant 48 : index
        %swap3A_408 = tpu.vector_load %arg10[%swap3A_406, %swap3A_407] {strides = array<i32>} : memref<128x128xf32, #tpu.memory_space<vmem>>, vector<16xf32>,
        tpu.vector_store %arg10[%swap3A_406, %swap3A_407], %mul3A_405 {strides = array<i32>} : memref<128x128xf32, #tpu.memory_space<vmem>>, vector<16xf32>,
        %get3A_409 = arith.index_cast %add3A_377 : i32 to index
        %get3A_410 = arith.constant 64 : index
        %get3A_411 = tpu.vector_load %arg10[%get3A_409, %get3A_410] {strides = array<i32>} : memref<128x128xf32, #tpu.memory_space<vmem>>, vector<16xf32>,
        %mul3A_412 = arith.mulf %get3A_411, %gather3A_380 : vector<16xf32>
        %swap3A_413 = arith.index_cast %add3A_377 : i32 to index
        %swap3A_414 = arith.constant 64 : index
        %swap3A_415 = tpu.vector_load %arg10[%swap3A_413, %swap3A_414] {strides = array<i32>} : memref<128x128xf32, #tpu.memory_space<vmem>>, vector<16xf32>,
        tpu.vector_store %arg10[%swap3A_413, %swap3A_414], %mul3A_412 {strides = array<i32>} : memref<128x128xf32, #tpu.memory_space<vmem>>, vector<16xf32>,
        %get3A_416 = arith.index_cast %add3A_377 : i32 to index
        %get3A_417 = arith.constant 80 : index
        %get3A_418 = tpu.vector_load %arg10[%get3A_416, %get3A_417] {strides = array<i32>} : memref<128x128xf32, #tpu.memory_space<vmem>>, vector<16xf32>,
        %mul3A_419 = arith.mulf %get3A_418, %gather3A_380 : vector<16xf32>
        %swap3A_420 = arith.index_cast %add3A_377 : i32 to index
        %swap3A_421 = arith.constant 80 : index
        %swap3A_422 = tpu.vector_load %arg10[%swap3A_420, %swap3A_421] {strides = array<i32>} : memref<128x128xf32, #tpu.memory_space<vmem>>, vector<16xf32>,
        tpu.vector_store %arg10[%swap3A_420, %swap3A_421], %mul3A_419 {strides = array<i32>} : memref<128x128xf32, #tpu.memory_space<vmem>>, vector<16xf32>,
        %get3A_423 = arith.index_cast %add3A_377 : i32 to index
        %get3A_424 = arith.constant 96 : index
        %get3A_425 = tpu.vector_load %arg10[%get3A_423, %get3A_424] {strides = array<i32>} : memref<128x128xf32, #tpu.memory_space<vmem>>, vector<16xf32>,
        %mul3A_426 = arith.mulf %get3A_425, %gather3A_380 : vector<16xf32>
        %swap3A_427 = arith.index_cast %add3A_377 : i32 to index
        %swap3A_428 = arith.constant 96 : index
        %swap3A_429 = tpu.vector_load %arg10[%swap3A_427, %swap3A_428] {strides = array<i32>} : memref<128x128xf32, #tpu.memory_space<vmem>>, vector<16xf32>,
        tpu.vector_store %arg10[%swap3A_427, %swap3A_428], %mul3A_426 {strides = array<i32>} : memref<128x128xf32, #tpu.memory_space<vmem>>, vector<16xf32>,
        %get3A_430 = arith.index_cast %add3A_377 : i32 to index
        %get3A_431 = arith.constant 112 : index
        %get3A_432 = tpu.vector_load %arg10[%get3A_430, %get3A_431] {strides = array<i32>} : memref<128x128xf32, #tpu.memory_space<vmem>>, vector<16xf32>,
        %mul3A_433 = arith.mulf %get3A_432, %gather3A_380 : vector<16xf32>
        %swap3A_434 = arith.index_cast %add3A_377 : i32 to index
        %swap3A_435 = arith.constant 112 : index
        %swap3A_436 = tpu.vector_load %arg10[%swap3A_434, %swap3A_435] {strides = array<i32>} : memref<128x128xf32, #tpu.memory_space<vmem>>, vector<16xf32>,
        tpu.vector_store %arg10[%swap3A_434, %swap3A_435], %mul3A_433 {strides = array<i32>} : memref<128x128xf32, #tpu.memory_space<vmem>>, vector<16xf32>,
        %mul3A_437 = arith.constant 16 : i32
        %mul3A_438 = arith.muli %scan3A_61, %mul3A_437 : i32
        %add3A_439 = arith.constant 6 : i32
        %add3A_440 = arith.addi %mul3A_438, %add3A_439 : i32
        %broadcast_in_dim3A_441 = vector.broadcast %scan3A_41 : i32 to vector<16xi32>
        %broadcast_in_dim3A_442 = vector.broadcast %add3A_440 : i32 to vector<16xi32>
        %gather3A_443 = tpu.vector_load_idx %arg9[%broadcast_in_dim3A_441, %broadcast_in_dim3A_442] : memref<80x128xf32, #tpu.memory_space<vmem>>[vector<16xi32>, vector<16xi32>], vector<16xf32>,
        %get3A_444 = arith.index_cast %add3A_440 : i32 to index
        %get3A_445 = arith.constant 0 : index
        %get3A_446 = tpu.vector_load %arg10[%get3A_444, %get3A_445] {strides = array<i32>} : memref<128x128xf32, #tpu.memory_space<vmem>>, vector<16xf32>,
        %mul3A_447 = arith.mulf %get3A_446, %gather3A_443 : vector<16xf32>
        %swap3A_448 = arith.index_cast %add3A_440 : i32 to index
        %swap3A_449 = arith.constant 0 : index
        %swap3A_450 = tpu.vector_load %arg10[%swap3A_448, %swap3A_449] {strides = array<i32>} : memref<128x128xf32, #tpu.memory_space<vmem>>, vector<16xf32>,
        tpu.vector_store %arg10[%swap3A_448, %swap3A_449], %mul3A_447 {strides = array<i32>} : memref<128x128xf32, #tpu.memory_space<vmem>>, vector<16xf32>,
        %get3A_451 = arith.index_cast %add3A_440 : i32 to index
        %get3A_452 = arith.constant 16 : index
        %get3A_453 = tpu.vector_load %arg10[%get3A_451, %get3A_452] {strides = array<i32>} : memref<128x128xf32, #tpu.memory_space<vmem>>, vector<16xf32>,
        %mul3A_454 = arith.mulf %get3A_453, %gather3A_443 : vector<16xf32>
        %swap3A_455 = arith.index_cast %add3A_440 : i32 to index
        %swap3A_456 = arith.constant 16 : index
        %swap3A_457 = tpu.vector_load %arg10[%swap3A_455, %swap3A_456] {strides = array<i32>} : memref<128x128xf32, #tpu.memory_space<vmem>>, vector<16xf32>,
        tpu.vector_store %arg10[%swap3A_455, %swap3A_456], %mul3A_454 {strides = array<i32>} : memref<128x128xf32, #tpu.memory_space<vmem>>, vector<16xf32>,
        %get3A_458 = arith.index_cast %add3A_440 : i32 to index
        %get3A_459 = arith.constant 32 : index
        %get3A_460 = tpu.vector_load %arg10[%get3A_458, %get3A_459] {strides = array<i32>} : memref<128x128xf32, #tpu.memory_space<vmem>>, vector<16xf32>,
        %mul3A_461 = arith.mulf %get3A_460, %gather3A_443 : vector<16xf32>
        %swap3A_462 = arith.index_cast %add3A_440 : i32 to index
        %swap3A_463 = arith.constant 32 : index
        %swap3A_464 = tpu.vector_load %arg10[%swap3A_462, %swap3A_463] {strides = array<i32>} : memref<128x128xf32, #tpu.memory_space<vmem>>, vector<16xf32>,
        tpu.vector_store %arg10[%swap3A_462, %swap3A_463], %mul3A_461 {strides = array<i32>} : memref<128x128xf32, #tpu.memory_space<vmem>>, vector<16xf32>,
        %get3A_465 = arith.index_cast %add3A_440 : i32 to index
        %get3A_466 = arith.constant 48 : index
        %get3A_467 = tpu.vector_load %arg10[%get3A_465, %get3A_466] {strides = array<i32>} : memref<128x128xf32, #tpu.memory_space<vmem>>, vector<16xf32>,
        %mul3A_468 = arith.mulf %get3A_467, %gather3A_443 : vector<16xf32>
        %swap3A_469 = arith.index_cast %add3A_440 : i32 to index
        %swap3A_470 = arith.constant 48 : index
        %swap3A_471 = tpu.vector_load %arg10[%swap3A_469, %swap3A_470] {strides = array<i32>} : memref<128x128xf32, #tpu.memory_space<vmem>>, vector<16xf32>,
        tpu.vector_store %arg10[%swap3A_469, %swap3A_470], %mul3A_468 {strides = array<i32>} : memref<128x128xf32, #tpu.memory_space<vmem>>, vector<16xf32>,
        %get3A_472 = arith.index_cast %add3A_440 : i32 to index
        %get3A_473 = arith.constant 64 : index
        %get3A_474 = tpu.vector_load %arg10[%get3A_472, %get3A_473] {strides = array<i32>} : memref<128x128xf32, #tpu.memory_space<vmem>>, vector<16xf32>,
        %mul3A_475 = arith.mulf %get3A_474, %gather3A_443 : vector<16xf32>
        %swap3A_476 = arith.index_cast %add3A_440 : i32 to index
        %swap3A_477 = arith.constant 64 : index
        %swap3A_478 = tpu.vector_load %arg10[%swap3A_476, %swap3A_477] {strides = array<i32>} : memref<128x128xf32, #tpu.memory_space<vmem>>, vector<16xf32>,
        tpu.vector_store %arg10[%swap3A_476, %swap3A_477], %mul3A_475 {strides = array<i32>} : memref<128x128xf32, #tpu.memory_space<vmem>>, vector<16xf32>,
        %get3A_479 = arith.index_cast %add3A_440 : i32 to index
        %get3A_480 = arith.constant 80 : index
        %get3A_481 = tpu.vector_load %arg10[%get3A_479, %get3A_480] {strides = array<i32>} : memref<128x128xf32, #tpu.memory_space<vmem>>, vector<16xf32>,
        %mul3A_482 = arith.mulf %get3A_481, %gather3A_443 : vector<16xf32>
        %swap3A_483 = arith.index_cast %add3A_440 : i32 to index
        %swap3A_484 = arith.constant 80 : index
        %swap3A_485 = tpu.vector_load %arg10[%swap3A_483, %swap3A_484] {strides = array<i32>} : memref<128x128xf32, #tpu.memory_space<vmem>>, vector<16xf32>,
        tpu.vector_store %arg10[%swap3A_483, %swap3A_484], %mul3A_482 {strides = array<i32>} : memref<128x128xf32, #tpu.memory_space<vmem>>, vector<16xf32>,
        %get3A_486 = arith.index_cast %add3A_440 : i32 to index
        %get3A_487 = arith.constant 96 : index
        %get3A_488 = tpu.vector_load %arg10[%get3A_486, %get3A_487] {strides = array<i32>} : memref<128x128xf32, #tpu.memory_space<vmem>>, vector<16xf32>,
        %mul3A_489 = arith.mulf %get3A_488, %gather3A_443 : vector<16xf32>
        %swap3A_490 = arith.index_cast %add3A_440 : i32 to index
        %swap3A_491 = arith.constant 96 : index
        %swap3A_492 = tpu.vector_load %arg10[%swap3A_490, %swap3A_491] {strides = array<i32>} : memref<128x128xf32, #tpu.memory_space<vmem>>, vector<16xf32>,
        tpu.vector_store %arg10[%swap3A_490, %swap3A_491], %mul3A_489 {strides = array<i32>} : memref<128x128xf32, #tpu.memory_space<vmem>>, vector<16xf32>,
        %get3A_493 = arith.index_cast %add3A_440 : i32 to index
        %get3A_494 = arith.constant 112 : index
        %get3A_495 = tpu.vector_load %arg10[%get3A_493, %get3A_494] {strides = array<i32>} : memref<128x128xf32, #tpu.memory_space<vmem>>, vector<16xf32>,
        %mul3A_496 = arith.mulf %get3A_495, %gather3A_443 : vector<16xf32>
        %swap3A_497 = arith.index_cast %add3A_440 : i32 to index
        %swap3A_498 = arith.constant 112 : index
        %swap3A_499 = tpu.vector_load %arg10[%swap3A_497, %swap3A_498] {strides = array<i32>} : memref<128x128xf32, #tpu.memory_space<vmem>>, vector<16xf32>,
        tpu.vector_store %arg10[%swap3A_497, %swap3A_498], %mul3A_496 {strides = array<i32>} : memref<128x128xf32, #tpu.memory_space<vmem>>, vector<16xf32>,
        %mul3A_500 = arith.constant 16 : i32
        %mul3A_501 = arith.muli %scan3A_61, %mul3A_500 : i32
        %add3A_502 = arith.constant 7 : i32
        %add3A_503 = arith.addi %mul3A_501, %add3A_502 : i32
        %broadcast_in_dim3A_504 = vector.broadcast %scan3A_41 : i32 to vector<16xi32>
        %broadcast_in_dim3A_505 = vector.broadcast %add3A_503 : i32 to vector<16xi32>
        %gather3A_506 = tpu.vector_load_idx %arg9[%broadcast_in_dim3A_504, %broadcast_in_dim3A_505] : memref<80x128xf32, #tpu.memory_space<vmem>>[vector<16xi32>, vector<16xi32>], vector<16xf32>,
        %get3A_507 = arith.index_cast %add3A_503 : i32 to index
        %get3A_508 = arith.constant 0 : index
        %get3A_509 = tpu.vector_load %arg10[%get3A_507, %get3A_508] {strides = array<i32>} : memref<128x128xf32, #tpu.memory_space<vmem>>, vector<16xf32>,
        %mul3A_510 = arith.mulf %get3A_509, %gather3A_506 : vector<16xf32>
        %swap3A_511 = arith.index_cast %add3A_503 : i32 to index
        %swap3A_512 = arith.constant 0 : index
        %swap3A_513 = tpu.vector_load %arg10[%swap3A_511, %swap3A_512] {strides = array<i32>} : memref<128x128xf32, #tpu.memory_space<vmem>>, vector<16xf32>,
        tpu.vector_store %arg10[%swap3A_511, %swap3A_512], %mul3A_510 {strides = array<i32>} : memref<128x128xf32, #tpu.memory_space<vmem>>, vector<16xf32>,
        %get3A_514 = arith.index_cast %add3A_503 : i32 to index
        %get3A_515 = arith.constant 16 : index
        %get3A_516 = tpu.vector_load %arg10[%get3A_514, %get3A_515] {strides = array<i32>} : memref<128x128xf32, #tpu.memory_space<vmem>>, vector<16xf32>,
        %mul3A_517 = arith.mulf %get3A_516, %gather3A_506 : vector<16xf32>
        %swap3A_518 = arith.index_cast %add3A_503 : i32 to index
        %swap3A_519 = arith.constant 16 : index
        %swap3A_520 = tpu.vector_load %arg10[%swap3A_518, %swap3A_519] {strides = array<i32>} : memref<128x128xf32, #tpu.memory_space<vmem>>, vector<16xf32>,
        tpu.vector_store %arg10[%swap3A_518, %swap3A_519], %mul3A_517 {strides = array<i32>} : memref<128x128xf32, #tpu.memory_space<vmem>>, vector<16xf32>,
        %get3A_521 = arith.index_cast %add3A_503 : i32 to index
        %get3A_522 = arith.constant 32 : index
        %get3A_523 = tpu.vector_load %arg10[%get3A_521, %get3A_522] {strides = array<i32>} : memref<128x128xf32, #tpu.memory_space<vmem>>, vector<16xf32>,
        %mul3A_524 = arith.mulf %get3A_523, %gather3A_506 : vector<16xf32>
        %swap3A_525 = arith.index_cast %add3A_503 : i32 to index
        %swap3A_526 = arith.constant 32 : index
        %swap3A_527 = tpu.vector_load %arg10[%swap3A_525, %swap3A_526] {strides = array<i32>} : memref<128x128xf32, #tpu.memory_space<vmem>>, vector<16xf32>,
        tpu.vector_store %arg10[%swap3A_525, %swap3A_526], %mul3A_524 {strides = array<i32>} : memref<128x128xf32, #tpu.memory_space<vmem>>, vector<16xf32>,
        %get3A_528 = arith.index_cast %add3A_503 : i32 to index
        %get3A_529 = arith.constant 48 : index
        %get3A_530 = tpu.vector_load %arg10[%get3A_528, %get3A_529] {strides = array<i32>} : memref<128x128xf32, #tpu.memory_space<vmem>>, vector<16xf32>,
        %mul3A_531 = arith.mulf %get3A_530, %gather3A_506 : vector<16xf32>
        %swap3A_532 = arith.index_cast %add3A_503 : i32 to index
        %swap3A_533 = arith.constant 48 : index
        %swap3A_534 = tpu.vector_load %arg10[%swap3A_532, %swap3A_533] {strides = array<i32>} : memref<128x128xf32, #tpu.memory_space<vmem>>, vector<16xf32>,
        tpu.vector_store %arg10[%swap3A_532, %swap3A_533], %mul3A_531 {strides = array<i32>} : memref<128x128xf32, #tpu.memory_space<vmem>>, vector<16xf32>,
        %get3A_535 = arith.index_cast %add3A_503 : i32 to index
        %get3A_536 = arith.constant 64 : index
        %get3A_537 = tpu.vector_load %arg10[%get3A_535, %get3A_536] {strides = array<i32>} : memref<128x128xf32, #tpu.memory_space<vmem>>, vector<16xf32>,
        %mul3A_538 = arith.mulf %get3A_537, %gather3A_506 : vector<16xf32>
        %swap3A_539 = arith.index_cast %add3A_503 : i32 to index
        %swap3A_540 = arith.constant 64 : index
        %swap3A_541 = tpu.vector_load %arg10[%swap3A_539, %swap3A_540] {strides = array<i32>} : memref<128x128xf32, #tpu.memory_space<vmem>>, vector<16xf32>,
        tpu.vector_store %arg10[%swap3A_539, %swap3A_540], %mul3A_538 {strides = array<i32>} : memref<128x128xf32, #tpu.memory_space<vmem>>, vector<16xf32>,
        %get3A_542 = arith.index_cast %add3A_503 : i32 to index
        %get3A_543 = arith.constant 80 : index
        %get3A_544 = tpu.vector_load %arg10[%get3A_542, %get3A_543] {strides = array<i32>} : memref<128x128xf32, #tpu.memory_space<vmem>>, vector<16xf32>,
        %mul3A_545 = arith.mulf %get3A_544, %gather3A_506 : vector<16xf32>
        %swap3A_546 = arith.index_cast %add3A_503 : i32 to index
        %swap3A_547 = arith.constant 80 : index
        %swap3A_548 = tpu.vector_load %arg10[%swap3A_546, %swap3A_547] {strides = array<i32>} : memref<128x128xf32, #tpu.memory_space<vmem>>, vector<16xf32>,
        tpu.vector_store %arg10[%swap3A_546, %swap3A_547], %mul3A_545 {strides = array<i32>} : memref<128x128xf32, #tpu.memory_space<vmem>>, vector<16xf32>,
        %get3A_549 = arith.index_cast %add3A_503 : i32 to index
        %get3A_550 = arith.constant 96 : index
        %get3A_551 = tpu.vector_load %arg10[%get3A_549, %get3A_550] {strides = array<i32>} : memref<128x128xf32, #tpu.memory_space<vmem>>, vector<16xf32>,
        %mul3A_552 = arith.mulf %get3A_551, %gather3A_506 : vector<16xf32>
        %swap3A_553 = arith.index_cast %add3A_503 : i32 to index
        %swap3A_554 = arith.constant 96 : index
        %swap3A_555 = tpu.vector_load %arg10[%swap3A_553, %swap3A_554] {strides = array<i32>} : memref<128x128xf32, #tpu.memory_space<vmem>>, vector<16xf32>,
        tpu.vector_store %arg10[%swap3A_553, %swap3A_554], %mul3A_552 {strides = array<i32>} : memref<128x128xf32, #tpu.memory_space<vmem>>, vector<16xf32>,
        %get3A_556 = arith.index_cast %add3A_503 : i32 to index
        %get3A_557 = arith.constant 112 : index
        %get3A_558 = tpu.vector_load %arg10[%get3A_556, %get3A_557] {strides = array<i32>} : memref<128x128xf32, #tpu.memory_space<vmem>>, vector<16xf32>,
        %mul3A_559 = arith.mulf %get3A_558, %gather3A_506 : vector<16xf32>
        %swap3A_560 = arith.index_cast %add3A_503 : i32 to index
        %swap3A_561 = arith.constant 112 : index
        %swap3A_562 = tpu.vector_load %arg10[%swap3A_560, %swap3A_561] {strides = array<i32>} : memref<128x128xf32, #tpu.memory_space<vmem>>, vector<16xf32>,
        tpu.vector_store %arg10[%swap3A_560, %swap3A_561], %mul3A_559 {strides = array<i32>} : memref<128x128xf32, #tpu.memory_space<vmem>>, vector<16xf32>,
        %mul3A_563 = arith.constant 16 : i32
        %mul3A_564 = arith.muli %scan3A_61, %mul3A_563 : i32
        %add3A_565 = arith.constant 8 : i32
        %add3A_566 = arith.addi %mul3A_564, %add3A_565 : i32
        %broadcast_in_dim3A_567 = vector.broadcast %scan3A_41 : i32 to vector<16xi32>
        %broadcast_in_dim3A_568 = vector.broadcast %add3A_566 : i32 to vector<16xi32>
        %gather3A_569 = tpu.vector_load_idx %arg9[%broadcast_in_dim3A_567, %broadcast_in_dim3A_568] : memref<80x128xf32, #tpu.memory_space<vmem>>[vector<16xi32>, vector<16xi32>], vector<16xf32>,
        %get3A_570 = arith.index_cast %add3A_566 : i32 to index
        %get3A_571 = arith.constant 0 : index
        %get3A_572 = tpu.vector_load %arg10[%get3A_570, %get3A_571] {strides = array<i32>} : memref<128x128xf32, #tpu.memory_space<vmem>>, vector<16xf32>,
        %mul3A_573 = arith.mulf %get3A_572, %gather3A_569 : vector<16xf32>
        %swap3A_574 = arith.index_cast %add3A_566 : i32 to index
        %swap3A_575 = arith.constant 0 : index
        %swap3A_576 = tpu.vector_load %arg10[%swap3A_574, %swap3A_575] {strides = array<i32>} : memref<128x128xf32, #tpu.memory_space<vmem>>, vector<16xf32>,
        tpu.vector_store %arg10[%swap3A_574, %swap3A_575], %mul3A_573 {strides = array<i32>} : memref<128x128xf32, #tpu.memory_space<vmem>>, vector<16xf32>,
        %get3A_577 = arith.index_cast %add3A_566 : i32 to index
        %get3A_578 = arith.constant 16 : index
        %get3A_579 = tpu.vector_load %arg10[%get3A_577, %get3A_578] {strides = array<i32>} : memref<128x128xf32, #tpu.memory_space<vmem>>, vector<16xf32>,
        %mul3A_580 = arith.mulf %get3A_579, %gather3A_569 : vector<16xf32>
        %swap3A_581 = arith.index_cast %add3A_566 : i32 to index
        %swap3A_582 = arith.constant 16 : index
        %swap3A_583 = tpu.vector_load %arg10[%swap3A_581, %swap3A_582] {strides = array<i32>} : memref<128x128xf32, #tpu.memory_space<vmem>>, vector<16xf32>,
        tpu.vector_store %arg10[%swap3A_581, %swap3A_582], %mul3A_580 {strides = array<i32>} : memref<128x128xf32, #tpu.memory_space<vmem>>, vector<16xf32>,
        %get3A_584 = arith.index_cast %add3A_566 : i32 to index
        %get3A_585 = arith.constant 32 : index
        %get3A_586 = tpu.vector_load %arg10[%get3A_584, %get3A_585] {strides = array<i32>} : memref<128x128xf32, #tpu.memory_space<vmem>>, vector<16xf32>,
        %mul3A_587 = arith.mulf %get3A_586, %gather3A_569 : vector<16xf32>
        %swap3A_588 = arith.index_cast %add3A_566 : i32 to index
        %swap3A_589 = arith.constant 32 : index
        %swap3A_590 = tpu.vector_load %arg10[%swap3A_588, %swap3A_589] {strides = array<i32>} : memref<128x128xf32, #tpu.memory_space<vmem>>, vector<16xf32>,
        tpu.vector_store %arg10[%swap3A_588, %swap3A_589], %mul3A_587 {strides = array<i32>} : memref<128x128xf32, #tpu.memory_space<vmem>>, vector<16xf32>,
        %get3A_591 = arith.index_cast %add3A_566 : i32 to index
        %get3A_592 = arith.constant 48 : index
        %get3A_593 = tpu.vector_load %arg10[%get3A_591, %get3A_592] {strides = array<i32>} : memref<128x128xf32, #tpu.memory_space<vmem>>, vector<16xf32>,
        %mul3A_594 = arith.mulf %get3A_593, %gather3A_569 : vector<16xf32>
        %swap3A_595 = arith.index_cast %add3A_566 : i32 to index
        %swap3A_596 = arith.constant 48 : index
        %swap3A_597 = tpu.vector_load %arg10[%swap3A_595, %swap3A_596] {strides = array<i32>} : memref<128x128xf32, #tpu.memory_space<vmem>>, vector<16xf32>,
        tpu.vector_store %arg10[%swap3A_595, %swap3A_596], %mul3A_594 {strides = array<i32>} : memref<128x128xf32, #tpu.memory_space<vmem>>, vector<16xf32>,
        %get3A_598 = arith.index_cast %add3A_566 : i32 to index
        %get3A_599 = arith.constant 64 : index
        %get3A_600 = tpu.vector_load %arg10[%get3A_598, %get3A_599] {strides = array<i32>} : memref<128x128xf32, #tpu.memory_space<vmem>>, vector<16xf32>,
        %mul3A_601 = arith.mulf %get3A_600, %gather3A_569 : vector<16xf32>
        %swap3A_602 = arith.index_cast %add3A_566 : i32 to index
        %swap3A_603 = arith.constant 64 : index
        %swap3A_604 = tpu.vector_load %arg10[%swap3A_602, %swap3A_603] {strides = array<i32>} : memref<128x128xf32, #tpu.memory_space<vmem>>, vector<16xf32>,
        tpu.vector_store %arg10[%swap3A_602, %swap3A_603], %mul3A_601 {strides = array<i32>} : memref<128x128xf32, #tpu.memory_space<vmem>>, vector<16xf32>,
        %get3A_605 = arith.index_cast %add3A_566 : i32 to index
        %get3A_606 = arith.constant 80 : index
        %get3A_607 = tpu.vector_load %arg10[%get3A_605, %get3A_606] {strides = array<i32>} : memref<128x128xf32, #tpu.memory_space<vmem>>, vector<16xf32>,
        %mul3A_608 = arith.mulf %get3A_607, %gather3A_569 : vector<16xf32>
        %swap3A_609 = arith.index_cast %add3A_566 : i32 to index
        %swap3A_610 = arith.constant 80 : index
        %swap3A_611 = tpu.vector_load %arg10[%swap3A_609, %swap3A_610] {strides = array<i32>} : memref<128x128xf32, #tpu.memory_space<vmem>>, vector<16xf32>,
        tpu.vector_store %arg10[%swap3A_609, %swap3A_610], %mul3A_608 {strides = array<i32>} : memref<128x128xf32, #tpu.memory_space<vmem>>, vector<16xf32>,
        %get3A_612 = arith.index_cast %add3A_566 : i32 to index
        %get3A_613 = arith.constant 96 : index
        %get3A_614 = tpu.vector_load %arg10[%get3A_612, %get3A_613] {strides = array<i32>} : memref<128x128xf32, #tpu.memory_space<vmem>>, vector<16xf32>,
        %mul3A_615 = arith.mulf %get3A_614, %gather3A_569 : vector<16xf32>
        %swap3A_616 = arith.index_cast %add3A_566 : i32 to index
        %swap3A_617 = arith.constant 96 : index
        %swap3A_618 = tpu.vector_load %arg10[%swap3A_616, %swap3A_617] {strides = array<i32>} : memref<128x128xf32, #tpu.memory_space<vmem>>, vector<16xf32>,
        tpu.vector_store %arg10[%swap3A_616, %swap3A_617], %mul3A_615 {strides = array<i32>} : memref<128x128xf32, #tpu.memory_space<vmem>>, vector<16xf32>,
        %get3A_619 = arith.index_cast %add3A_566 : i32 to index
        %get3A_620 = arith.constant 112 : index
        %get3A_621 = tpu.vector_load %arg10[%get3A_619, %get3A_620] {strides = array<i32>} : memref<128x128xf32, #tpu.memory_space<vmem>>, vector<16xf32>,
        %mul3A_622 = arith.mulf %get3A_621, %gather3A_569 : vector<16xf32>
        %swap3A_623 = arith.index_cast %add3A_566 : i32 to index
        %swap3A_624 = arith.constant 112 : index
        %swap3A_625 = tpu.vector_load %arg10[%swap3A_623, %swap3A_624] {strides = array<i32>} : memref<128x128xf32, #tpu.memory_space<vmem>>, vector<16xf32>,
        tpu.vector_store %arg10[%swap3A_623, %swap3A_624], %mul3A_622 {strides = array<i32>} : memref<128x128xf32, #tpu.memory_space<vmem>>, vector<16xf32>,
        %mul3A_626 = arith.constant 16 : i32
        %mul3A_627 = arith.muli %scan3A_61, %mul3A_626 : i32
        %add3A_628 = arith.constant 9 : i32
        %add3A_629 = arith.addi %mul3A_627, %add3A_628 : i32
        %broadcast_in_dim3A_630 = vector.broadcast %scan3A_41 : i32 to vector<16xi32>
        %broadcast_in_dim3A_631 = vector.broadcast %add3A_629 : i32 to vector<16xi32>
        %gather3A_632 = tpu.vector_load_idx %arg9[%broadcast_in_dim3A_630, %broadcast_in_dim3A_631] : memref<80x128xf32, #tpu.memory_space<vmem>>[vector<16xi32>, vector<16xi32>], vector<16xf32>,
        %get3A_633 = arith.index_cast %add3A_629 : i32 to index
        %get3A_634 = arith.constant 0 : index
        %get3A_635 = tpu.vector_load %arg10[%get3A_633, %get3A_634] {strides = array<i32>} : memref<128x128xf32, #tpu.memory_space<vmem>>, vector<16xf32>,
        %mul3A_636 = arith.mulf %get3A_635, %gather3A_632 : vector<16xf32>
        %swap3A_637 = arith.index_cast %add3A_629 : i32 to index
        %swap3A_638 = arith.constant 0 : index
        %swap3A_639 = tpu.vector_load %arg10[%swap3A_637, %swap3A_638] {strides = array<i32>} : memref<128x128xf32, #tpu.memory_space<vmem>>, vector<16xf32>,
        tpu.vector_store %arg10[%swap3A_637, %swap3A_638], %mul3A_636 {strides = array<i32>} : memref<128x128xf32, #tpu.memory_space<vmem>>, vector<16xf32>,
        %get3A_640 = arith.index_cast %add3A_629 : i32 to index
        %get3A_641 = arith.constant 16 : index
        %get3A_642 = tpu.vector_load %arg10[%get3A_640, %get3A_641] {strides = array<i32>} : memref<128x128xf32, #tpu.memory_space<vmem>>, vector<16xf32>,
        %mul3A_643 = arith.mulf %get3A_642, %gather3A_632 : vector<16xf32>
        %swap3A_644 = arith.index_cast %add3A_629 : i32 to index
        %swap3A_645 = arith.constant 16 : index
        %swap3A_646 = tpu.vector_load %arg10[%swap3A_644, %swap3A_645] {strides = array<i32>} : memref<128x128xf32, #tpu.memory_space<vmem>>, vector<16xf32>,
        tpu.vector_store %arg10[%swap3A_644, %swap3A_645], %mul3A_643 {strides = array<i32>} : memref<128x128xf32, #tpu.memory_space<vmem>>, vector<16xf32>,
        %get3A_647 = arith.index_cast %add3A_629 : i32 to index
        %get3A_648 = arith.constant 32 : index
        %get3A_649 = tpu.vector_load %arg10[%get3A_647, %get3A_648] {strides = array<i32>} : memref<128x128xf32, #tpu.memory_space<vmem>>, vector<16xf32>,
        %mul3A_650 = arith.mulf %get3A_649, %gather3A_632 : vector<16xf32>
        %swap3A_651 = arith.index_cast %add3A_629 : i32 to index
        %swap3A_652 = arith.constant 32 : index
        %swap3A_653 = tpu.vector_load %arg10[%swap3A_651, %swap3A_652] {strides = array<i32>} : memref<128x128xf32, #tpu.memory_space<vmem>>, vector<16xf32>,
        tpu.vector_store %arg10[%swap3A_651, %swap3A_652], %mul3A_650 {strides = array<i32>} : memref<128x128xf32, #tpu.memory_space<vmem>>, vector<16xf32>,
        %get3A_654 = arith.index_cast %add3A_629 : i32 to index
        %get3A_655 = arith.constant 48 : index
        %get3A_656 = tpu.vector_load %arg10[%get3A_654, %get3A_655] {strides = array<i32>} : memref<128x128xf32, #tpu.memory_space<vmem>>, vector<16xf32>,
        %mul3A_657 = arith.mulf %get3A_656, %gather3A_632 : vector<16xf32>
        %swap3A_658 = arith.index_cast %add3A_629 : i32 to index
        %swap3A_659 = arith.constant 48 : index
        %swap3A_660 = tpu.vector_load %arg10[%swap3A_658, %swap3A_659] {strides = array<i32>} : memref<128x128xf32, #tpu.memory_space<vmem>>, vector<16xf32>,
        tpu.vector_store %arg10[%swap3A_658, %swap3A_659], %mul3A_657 {strides = array<i32>} : memref<128x128xf32, #tpu.memory_space<vmem>>, vector<16xf32>,
        %get3A_661 = arith.index_cast %add3A_629 : i32 to index
        %get3A_662 = arith.constant 64 : index
        %get3A_663 = tpu.vector_load %arg10[%get3A_661, %get3A_662] {strides = array<i32>} : memref<128x128xf32, #tpu.memory_space<vmem>>, vector<16xf32>,
        %mul3A_664 = arith.mulf %get3A_663, %gather3A_632 : vector<16xf32>
        %swap3A_665 = arith.index_cast %add3A_629 : i32 to index
        %swap3A_666 = arith.constant 64 : index
        %swap3A_667 = tpu.vector_load %arg10[%swap3A_665, %swap3A_666] {strides = array<i32>} : memref<128x128xf32, #tpu.memory_space<vmem>>, vector<16xf32>,
        tpu.vector_store %arg10[%swap3A_665, %swap3A_666], %mul3A_664 {strides = array<i32>} : memref<128x128xf32, #tpu.memory_space<vmem>>, vector<16xf32>,
        %get3A_668 = arith.index_cast %add3A_629 : i32 to index
        %get3A_669 = arith.constant 80 : index
        %get3A_670 = tpu.vector_load %arg10[%get3A_668, %get3A_669] {strides = array<i32>} : memref<128x128xf32, #tpu.memory_space<vmem>>, vector<16xf32>,
        %mul3A_671 = arith.mulf %get3A_670, %gather3A_632 : vector<16xf32>
        %swap3A_672 = arith.index_cast %add3A_629 : i32 to index
        %swap3A_673 = arith.constant 80 : index
        %swap3A_674 = tpu.vector_load %arg10[%swap3A_672, %swap3A_673] {strides = array<i32>} : memref<128x128xf32, #tpu.memory_space<vmem>>, vector<16xf32>,
        tpu.vector_store %arg10[%swap3A_672, %swap3A_673], %mul3A_671 {strides = array<i32>} : memref<128x128xf32, #tpu.memory_space<vmem>>, vector<16xf32>,
        %get3A_675 = arith.index_cast %add3A_629 : i32 to index
        %get3A_676 = arith.constant 96 : index
        %get3A_677 = tpu.vector_load %arg10[%get3A_675, %get3A_676] {strides = array<i32>} : memref<128x128xf32, #tpu.memory_space<vmem>>, vector<16xf32>,
        %mul3A_678 = arith.mulf %get3A_677, %gather3A_632 : vector<16xf32>
        %swap3A_679 = arith.index_cast %add3A_629 : i32 to index
        %swap3A_680 = arith.constant 96 : index
        %swap3A_681 = tpu.vector_load %arg10[%swap3A_679, %swap3A_680] {strides = array<i32>} : memref<128x128xf32, #tpu.memory_space<vmem>>, vector<16xf32>,
        tpu.vector_store %arg10[%swap3A_679, %swap3A_680], %mul3A_678 {strides = array<i32>} : memref<128x128xf32, #tpu.memory_space<vmem>>, vector<16xf32>,
        %get3A_682 = arith.index_cast %add3A_629 : i32 to index
        %get3A_683 = arith.constant 112 : index
        %get3A_684 = tpu.vector_load %arg10[%get3A_682, %get3A_683] {strides = array<i32>} : memref<128x128xf32, #tpu.memory_space<vmem>>, vector<16xf32>,
        %mul3A_685 = arith.mulf %get3A_684, %gather3A_632 : vector<16xf32>
        %swap3A_686 = arith.index_cast %add3A_629 : i32 to index
        %swap3A_687 = arith.constant 112 : index
        %swap3A_688 = tpu.vector_load %arg10[%swap3A_686, %swap3A_687] {strides = array<i32>} : memref<128x128xf32, #tpu.memory_space<vmem>>, vector<16xf32>,
        tpu.vector_store %arg10[%swap3A_686, %swap3A_687], %mul3A_685 {strides = array<i32>} : memref<128x128xf32, #tpu.memory_space<vmem>>, vector<16xf32>,
        %mul3A_689 = arith.constant 16 : i32
        %mul3A_690 = arith.muli %scan3A_61, %mul3A_689 : i32
        %add3A_691 = arith.constant 10 : i32
        %add3A_692 = arith.addi %mul3A_690, %add3A_691 : i32
        %broadcast_in_dim3A_693 = vector.broadcast %scan3A_41 : i32 to vector<16xi32>
        %broadcast_in_dim3A_694 = vector.broadcast %add3A_692 : i32 to vector<16xi32>
        %gather3A_695 = tpu.vector_load_idx %arg9[%broadcast_in_dim3A_693, %broadcast_in_dim3A_694] : memref<80x128xf32, #tpu.memory_space<vmem>>[vector<16xi32>, vector<16xi32>], vector<16xf32>,
        %get3A_696 = arith.index_cast %add3A_692 : i32 to index
        %get3A_697 = arith.constant 0 : index
        %get3A_698 = tpu.vector_load %arg10[%get3A_696, %get3A_697] {strides = array<i32>} : memref<128x128xf32, #tpu.memory_space<vmem>>, vector<16xf32>,
        %mul3A_699 = arith.mulf %get3A_698, %gather3A_695 : vector<16xf32>
        %swap3A_700 = arith.index_cast %add3A_692 : i32 to index
        %swap3A_701 = arith.constant 0 : index
        %swap3A_702 = tpu.vector_load %arg10[%swap3A_700, %swap3A_701] {strides = array<i32>} : memref<128x128xf32, #tpu.memory_space<vmem>>, vector<16xf32>,
        tpu.vector_store %arg10[%swap3A_700, %swap3A_701], %mul3A_699 {strides = array<i32>} : memref<128x128xf32, #tpu.memory_space<vmem>>, vector<16xf32>,
        %get3A_703 = arith.index_cast %add3A_692 : i32 to index
        %get3A_704 = arith.constant 16 : index
        %get3A_705 = tpu.vector_load %arg10[%get3A_703, %get3A_704] {strides = array<i32>} : memref<128x128xf32, #tpu.memory_space<vmem>>, vector<16xf32>,
        %mul3A_706 = arith.mulf %get3A_705, %gather3A_695 : vector<16xf32>
        %swap3A_707 = arith.index_cast %add3A_692 : i32 to index
        %swap3A_708 = arith.constant 16 : index
        %swap3A_709 = tpu.vector_load %arg10[%swap3A_707, %swap3A_708] {strides = array<i32>} : memref<128x128xf32, #tpu.memory_space<vmem>>, vector<16xf32>,
        tpu.vector_store %arg10[%swap3A_707, %swap3A_708], %mul3A_706 {strides = array<i32>} : memref<128x128xf32, #tpu.memory_space<vmem>>, vector<16xf32>,
        %get3A_710 = arith.index_cast %add3A_692 : i32 to index
        %get3A_711 = arith.constant 32 : index
        %get3A_712 = tpu.vector_load %arg10[%get3A_710, %get3A_711] {strides = array<i32>} : memref<128x128xf32, #tpu.memory_space<vmem>>, vector<16xf32>,
        %mul3A_713 = arith.mulf %get3A_712, %gather3A_695 : vector<16xf32>
        %swap3A_714 = arith.index_cast %add3A_692 : i32 to index
        %swap3A_715 = arith.constant 32 : index
        %swap3A_716 = tpu.vector_load %arg10[%swap3A_714, %swap3A_715] {strides = array<i32>} : memref<128x128xf32, #tpu.memory_space<vmem>>, vector<16xf32>,
        tpu.vector_store %arg10[%swap3A_714, %swap3A_715], %mul3A_713 {strides = array<i32>} : memref<128x128xf32, #tpu.memory_space<vmem>>, vector<16xf32>,
        %get3A_717 = arith.index_cast %add3A_692 : i32 to index
        %get3A_718 = arith.constant 48 : index
        %get3A_719 = tpu.vector_load %arg10[%get3A_717, %get3A_718] {strides = array<i32>} : memref<128x128xf32, #tpu.memory_space<vmem>>, vector<16xf32>,
        %mul3A_720 = arith.mulf %get3A_719, %gather3A_695 : vector<16xf32>
        %swap3A_721 = arith.index_cast %add3A_692 : i32 to index
        %swap3A_722 = arith.constant 48 : index
        %swap3A_723 = tpu.vector_load %arg10[%swap3A_721, %swap3A_722] {strides = array<i32>} : memref<128x128xf32, #tpu.memory_space<vmem>>, vector<16xf32>,
        tpu.vector_store %arg10[%swap3A_721, %swap3A_722], %mul3A_720 {strides = array<i32>} : memref<128x128xf32, #tpu.memory_space<vmem>>, vector<16xf32>,
        %get3A_724 = arith.index_cast %add3A_692 : i32 to index
        %get3A_725 = arith.constant 64 : index
        %get3A_726 = tpu.vector_load %arg10[%get3A_724, %get3A_725] {strides = array<i32>} : memref<128x128xf32, #tpu.memory_space<vmem>>, vector<16xf32>,
        %mul3A_727 = arith.mulf %get3A_726, %gather3A_695 : vector<16xf32>
        %swap3A_728 = arith.index_cast %add3A_692 : i32 to index
        %swap3A_729 = arith.constant 64 : index
        %swap3A_730 = tpu.vector_load %arg10[%swap3A_728, %swap3A_729] {strides = array<i32>} : memref<128x128xf32, #tpu.memory_space<vmem>>, vector<16xf32>,
        tpu.vector_store %arg10[%swap3A_728, %swap3A_729], %mul3A_727 {strides = array<i32>} : memref<128x128xf32, #tpu.memory_space<vmem>>, vector<16xf32>,
        %get3A_731 = arith.index_cast %add3A_692 : i32 to index
        %get3A_732 = arith.constant 80 : index
        %get3A_733 = tpu.vector_load %arg10[%get3A_731, %get3A_732] {strides = array<i32>} : memref<128x128xf32, #tpu.memory_space<vmem>>, vector<16xf32>,
        %mul3A_734 = arith.mulf %get3A_733, %gather3A_695 : vector<16xf32>
        %swap3A_735 = arith.index_cast %add3A_692 : i32 to index
        %swap3A_736 = arith.constant 80 : index
        %swap3A_737 = tpu.vector_load %arg10[%swap3A_735, %swap3A_736] {strides = array<i32>} : memref<128x128xf32, #tpu.memory_space<vmem>>, vector<16xf32>,
        tpu.vector_store %arg10[%swap3A_735, %swap3A_736], %mul3A_734 {strides = array<i32>} : memref<128x128xf32, #tpu.memory_space<vmem>>, vector<16xf32>,
        %get3A_738 = arith.index_cast %add3A_692 : i32 to index
        %get3A_739 = arith.constant 96 : index
        %get3A_740 = tpu.vector_load %arg10[%get3A_738, %get3A_739] {strides = array<i32>} : memref<128x128xf32, #tpu.memory_space<vmem>>, vector<16xf32>,
        %mul3A_741 = arith.mulf %get3A_740, %gather3A_695 : vector<16xf32>
        %swap3A_742 = arith.index_cast %add3A_692 : i32 to index
        %swap3A_743 = arith.constant 96 : index
        %swap3A_744 = tpu.vector_load %arg10[%swap3A_742, %swap3A_743] {strides = array<i32>} : memref<128x128xf32, #tpu.memory_space<vmem>>, vector<16xf32>,
        tpu.vector_store %arg10[%swap3A_742, %swap3A_743], %mul3A_741 {strides = array<i32>} : memref<128x128xf32, #tpu.memory_space<vmem>>, vector<16xf32>,
        %get3A_745 = arith.index_cast %add3A_692 : i32 to index
        %get3A_746 = arith.constant 112 : index
        %get3A_747 = tpu.vector_load %arg10[%get3A_745, %get3A_746] {strides = array<i32>} : memref<128x128xf32, #tpu.memory_space<vmem>>, vector<16xf32>,
        %mul3A_748 = arith.mulf %get3A_747, %gather3A_695 : vector<16xf32>
        %swap3A_749 = arith.index_cast %add3A_692 : i32 to index
        %swap3A_750 = arith.constant 112 : index
        %swap3A_751 = tpu.vector_load %arg10[%swap3A_749, %swap3A_750] {strides = array<i32>} : memref<128x128xf32, #tpu.memory_space<vmem>>, vector<16xf32>,
        tpu.vector_store %arg10[%swap3A_749, %swap3A_750], %mul3A_748 {strides = array<i32>} : memref<128x128xf32, #tpu.memory_space<vmem>>, vector<16xf32>,
        %mul3A_752 = arith.constant 16 : i32
        %mul3A_753 = arith.muli %scan3A_61, %mul3A_752 : i32
        %add3A_754 = arith.constant 11 : i32
        %add3A_755 = arith.addi %mul3A_753, %add3A_754 : i32
        %broadcast_in_dim3A_756 = vector.broadcast %scan3A_41 : i32 to vector<16xi32>
        %broadcast_in_dim3A_757 = vector.broadcast %add3A_755 : i32 to vector<16xi32>
        %gather3A_758 = tpu.vector_load_idx %arg9[%broadcast_in_dim3A_756, %broadcast_in_dim3A_757] : memref<80x128xf32, #tpu.memory_space<vmem>>[vector<16xi32>, vector<16xi32>], vector<16xf32>,
        %get3A_759 = arith.index_cast %add3A_755 : i32 to index
        %get3A_760 = arith.constant 0 : index
        %get3A_761 = tpu.vector_load %arg10[%get3A_759, %get3A_760] {strides = array<i32>} : memref<128x128xf32, #tpu.memory_space<vmem>>, vector<16xf32>,
        %mul3A_762 = arith.mulf %get3A_761, %gather3A_758 : vector<16xf32>
        %swap3A_763 = arith.index_cast %add3A_755 : i32 to index
        %swap3A_764 = arith.constant 0 : index
        %swap3A_765 = tpu.vector_load %arg10[%swap3A_763, %swap3A_764] {strides = array<i32>} : memref<128x128xf32, #tpu.memory_space<vmem>>, vector<16xf32>,
        tpu.vector_store %arg10[%swap3A_763, %swap3A_764], %mul3A_762 {strides = array<i32>} : memref<128x128xf32, #tpu.memory_space<vmem>>, vector<16xf32>,
        %get3A_766 = arith.index_cast %add3A_755 : i32 to index
        %get3A_767 = arith.constant 16 : index
        %get3A_768 = tpu.vector_load %arg10[%get3A_766, %get3A_767] {strides = array<i32>} : memref<128x128xf32, #tpu.memory_space<vmem>>, vector<16xf32>,
        %mul3A_769 = arith.mulf %get3A_768, %gather3A_758 : vector<16xf32>
        %swap3A_770 = arith.index_cast %add3A_755 : i32 to index
        %swap3A_771 = arith.constant 16 : index
        %swap3A_772 = tpu.vector_load %arg10[%swap3A_770, %swap3A_771] {strides = array<i32>} : memref<128x128xf32, #tpu.memory_space<vmem>>, vector<16xf32>,
        tpu.vector_store %arg10[%swap3A_770, %swap3A_771], %mul3A_769 {strides = array<i32>} : memref<128x128xf32, #tpu.memory_space<vmem>>, vector<16xf32>,
        %get3A_773 = arith.index_cast %add3A_755 : i32 to index
        %get3A_774 = arith.constant 32 : index
        %get3A_775 = tpu.vector_load %arg10[%get3A_773, %get3A_774] {strides = array<i32>} : memref<128x128xf32, #tpu.memory_space<vmem>>, vector<16xf32>,
        %mul3A_776 = arith.mulf %get3A_775, %gather3A_758 : vector<16xf32>
        %swap3A_777 = arith.index_cast %add3A_755 : i32 to index
        %swap3A_778 = arith.constant 32 : index
        %swap3A_779 = tpu.vector_load %arg10[%swap3A_777, %swap3A_778] {strides = array<i32>} : memref<128x128xf32, #tpu.memory_space<vmem>>, vector<16xf32>,
        tpu.vector_store %arg10[%swap3A_777, %swap3A_778], %mul3A_776 {strides = array<i32>} : memref<128x128xf32, #tpu.memory_space<vmem>>, vector<16xf32>,
        %get3A_780 = arith.index_cast %add3A_755 : i32 to index
        %get3A_781 = arith.constant 48 : index
        %get3A_782 = tpu.vector_load %arg10[%get3A_780, %get3A_781] {strides = array<i32>} : memref<128x128xf32, #tpu.memory_space<vmem>>, vector<16xf32>,
        %mul3A_783 = arith.mulf %get3A_782, %gather3A_758 : vector<16xf32>
        %swap3A_784 = arith.index_cast %add3A_755 : i32 to index
        %swap3A_785 = arith.constant 48 : index
        %swap3A_786 = tpu.vector_load %arg10[%swap3A_784, %swap3A_785] {strides = array<i32>} : memref<128x128xf32, #tpu.memory_space<vmem>>, vector<16xf32>,
        tpu.vector_store %arg10[%swap3A_784, %swap3A_785], %mul3A_783 {strides = array<i32>} : memref<128x128xf32, #tpu.memory_space<vmem>>, vector<16xf32>,
        %get3A_787 = arith.index_cast %add3A_755 : i32 to index
        %get3A_788 = arith.constant 64 : index
        %get3A_789 = tpu.vector_load %arg10[%get3A_787, %get3A_788] {strides = array<i32>} : memref<128x128xf32, #tpu.memory_space<vmem>>, vector<16xf32>,
        %mul3A_790 = arith.mulf %get3A_789, %gather3A_758 : vector<16xf32>
        %swap3A_791 = arith.index_cast %add3A_755 : i32 to index
        %swap3A_792 = arith.constant 64 : index
        %swap3A_793 = tpu.vector_load %arg10[%swap3A_791, %swap3A_792] {strides = array<i32>} : memref<128x128xf32, #tpu.memory_space<vmem>>, vector<16xf32>,
        tpu.vector_store %arg10[%swap3A_791, %swap3A_792], %mul3A_790 {strides = array<i32>} : memref<128x128xf32, #tpu.memory_space<vmem>>, vector<16xf32>,
        %get3A_794 = arith.index_cast %add3A_755 : i32 to index
        %get3A_795 = arith.constant 80 : index
        %get3A_796 = tpu.vector_load %arg10[%get3A_794, %get3A_795] {strides = array<i32>} : memref<128x128xf32, #tpu.memory_space<vmem>>, vector<16xf32>,
        %mul3A_797 = arith.mulf %get3A_796, %gather3A_758 : vector<16xf32>
        %swap3A_798 = arith.index_cast %add3A_755 : i32 to index
        %swap3A_799 = arith.constant 80 : index
        %swap3A_800 = tpu.vector_load %arg10[%swap3A_798, %swap3A_799] {strides = array<i32>} : memref<128x128xf32, #tpu.memory_space<vmem>>, vector<16xf32>,
        tpu.vector_store %arg10[%swap3A_798, %swap3A_799], %mul3A_797 {strides = array<i32>} : memref<128x128xf32, #tpu.memory_space<vmem>>, vector<16xf32>,
        %get3A_801 = arith.index_cast %add3A_755 : i32 to index
        %get3A_802 = arith.constant 96 : index
        %get3A_803 = tpu.vector_load %arg10[%get3A_801, %get3A_802] {strides = array<i32>} : memref<128x128xf32, #tpu.memory_space<vmem>>, vector<16xf32>,
        %mul3A_804 = arith.mulf %get3A_803, %gather3A_758 : vector<16xf32>
        %swap3A_805 = arith.index_cast %add3A_755 : i32 to index
        %swap3A_806 = arith.constant 96 : index
        %swap3A_807 = tpu.vector_load %arg10[%swap3A_805, %swap3A_806] {strides = array<i32>} : memref<128x128xf32, #tpu.memory_space<vmem>>, vector<16xf32>,
        tpu.vector_store %arg10[%swap3A_805, %swap3A_806], %mul3A_804 {strides = array<i32>} : memref<128x128xf32, #tpu.memory_space<vmem>>, vector<16xf32>,
        %get3A_808 = arith.index_cast %add3A_755 : i32 to index
        %get3A_809 = arith.constant 112 : index
        %get3A_810 = tpu.vector_load %arg10[%get3A_808, %get3A_809] {strides = array<i32>} : memref<128x128xf32, #tpu.memory_space<vmem>>, vector<16xf32>,
        %mul3A_811 = arith.mulf %get3A_810, %gather3A_758 : vector<16xf32>
        %swap3A_812 = arith.index_cast %add3A_755 : i32 to index
        %swap3A_813 = arith.constant 112 : index
        %swap3A_814 = tpu.vector_load %arg10[%swap3A_812, %swap3A_813] {strides = array<i32>} : memref<128x128xf32, #tpu.memory_space<vmem>>, vector<16xf32>,
        tpu.vector_store %arg10[%swap3A_812, %swap3A_813], %mul3A_811 {strides = array<i32>} : memref<128x128xf32, #tpu.memory_space<vmem>>, vector<16xf32>,
        %mul3A_815 = arith.constant 16 : i32
        %mul3A_816 = arith.muli %scan3A_61, %mul3A_815 : i32
        %add3A_817 = arith.constant 12 : i32
        %add3A_818 = arith.addi %mul3A_816, %add3A_817 : i32
        %broadcast_in_dim3A_819 = vector.broadcast %scan3A_41 : i32 to vector<16xi32>
        %broadcast_in_dim3A_820 = vector.broadcast %add3A_818 : i32 to vector<16xi32>
        %gather3A_821 = tpu.vector_load_idx %arg9[%broadcast_in_dim3A_819, %broadcast_in_dim3A_820] : memref<80x128xf32, #tpu.memory_space<vmem>>[vector<16xi32>, vector<16xi32>], vector<16xf32>,
        %get3A_822 = arith.index_cast %add3A_818 : i32 to index
        %get3A_823 = arith.constant 0 : index
        %get3A_824 = tpu.vector_load %arg10[%get3A_822, %get3A_823] {strides = array<i32>} : memref<128x128xf32, #tpu.memory_space<vmem>>, vector<16xf32>,
        %mul3A_825 = arith.mulf %get3A_824, %gather3A_821 : vector<16xf32>
        %swap3A_826 = arith.index_cast %add3A_818 : i32 to index
        %swap3A_827 = arith.constant 0 : index
        %swap3A_828 = tpu.vector_load %arg10[%swap3A_826, %swap3A_827] {strides = array<i32>} : memref<128x128xf32, #tpu.memory_space<vmem>>, vector<16xf32>,
        tpu.vector_store %arg10[%swap3A_826, %swap3A_827], %mul3A_825 {strides = array<i32>} : memref<128x128xf32, #tpu.memory_space<vmem>>, vector<16xf32>,
        %get3A_829 = arith.index_cast %add3A_818 : i32 to index
        %get3A_830 = arith.constant 16 : index
        %get3A_831 = tpu.vector_load %arg10[%get3A_829, %get3A_830] {strides = array<i32>} : memref<128x128xf32, #tpu.memory_space<vmem>>, vector<16xf32>,
        %mul3A_832 = arith.mulf %get3A_831, %gather3A_821 : vector<16xf32>
        %swap3A_833 = arith.index_cast %add3A_818 : i32 to index
        %swap3A_834 = arith.constant 16 : index
        %swap3A_835 = tpu.vector_load %arg10[%swap3A_833, %swap3A_834] {strides = array<i32>} : memref<128x128xf32, #tpu.memory_space<vmem>>, vector<16xf32>,
        tpu.vector_store %arg10[%swap3A_833, %swap3A_834], %mul3A_832 {strides = array<i32>} : memref<128x128xf32, #tpu.memory_space<vmem>>, vector<16xf32>,
        %get3A_836 = arith.index_cast %add3A_818 : i32 to index
        %get3A_837 = arith.constant 32 : index
        %get3A_838 = tpu.vector_load %arg10[%get3A_836, %get3A_837] {strides = array<i32>} : memref<128x128xf32, #tpu.memory_space<vmem>>, vector<16xf32>,
        %mul3A_839 = arith.mulf %get3A_838, %gather3A_821 : vector<16xf32>
        %swap3A_840 = arith.index_cast %add3A_818 : i32 to index
        %swap3A_841 = arith.constant 32 : index
        %swap3A_842 = tpu.vector_load %arg10[%swap3A_840, %swap3A_841] {strides = array<i32>} : memref<128x128xf32, #tpu.memory_space<vmem>>, vector<16xf32>,
        tpu.vector_store %arg10[%swap3A_840, %swap3A_841], %mul3A_839 {strides = array<i32>} : memref<128x128xf32, #tpu.memory_space<vmem>>, vector<16xf32>,
        %get3A_843 = arith.index_cast %add3A_818 : i32 to index
        %get3A_844 = arith.constant 48 : index
        %get3A_845 = tpu.vector_load %arg10[%get3A_843, %get3A_844] {strides = array<i32>} : memref<128x128xf32, #tpu.memory_space<vmem>>, vector<16xf32>,
        %mul3A_846 = arith.mulf %get3A_845, %gather3A_821 : vector<16xf32>
        %swap3A_847 = arith.index_cast %add3A_818 : i32 to index
        %swap3A_848 = arith.constant 48 : index
        %swap3A_849 = tpu.vector_load %arg10[%swap3A_847, %swap3A_848] {strides = array<i32>} : memref<128x128xf32, #tpu.memory_space<vmem>>, vector<16xf32>,
        tpu.vector_store %arg10[%swap3A_847, %swap3A_848], %mul3A_846 {strides = array<i32>} : memref<128x128xf32, #tpu.memory_space<vmem>>, vector<16xf32>,
        %get3A_850 = arith.index_cast %add3A_818 : i32 to index
        %get3A_851 = arith.constant 64 : index
        %get3A_852 = tpu.vector_load %arg10[%get3A_850, %get3A_851] {strides = array<i32>} : memref<128x128xf32, #tpu.memory_space<vmem>>, vector<16xf32>,
        %mul3A_853 = arith.mulf %get3A_852, %gather3A_821 : vector<16xf32>
        %swap3A_854 = arith.index_cast %add3A_818 : i32 to index
        %swap3A_855 = arith.constant 64 : index
        %swap3A_856 = tpu.vector_load %arg10[%swap3A_854, %swap3A_855] {strides = array<i32>} : memref<128x128xf32, #tpu.memory_space<vmem>>, vector<16xf32>,
        tpu.vector_store %arg10[%swap3A_854, %swap3A_855], %mul3A_853 {strides = array<i32>} : memref<128x128xf32, #tpu.memory_space<vmem>>, vector<16xf32>,
        %get3A_857 = arith.index_cast %add3A_818 : i32 to index
        %get3A_858 = arith.constant 80 : index
        %get3A_859 = tpu.vector_load %arg10[%get3A_857, %get3A_858] {strides = array<i32>} : memref<128x128xf32, #tpu.memory_space<vmem>>, vector<16xf32>,
        %mul3A_860 = arith.mulf %get3A_859, %gather3A_821 : vector<16xf32>
        %swap3A_861 = arith.index_cast %add3A_818 : i32 to index
        %swap3A_862 = arith.constant 80 : index
        %swap3A_863 = tpu.vector_load %arg10[%swap3A_861, %swap3A_862] {strides = array<i32>} : memref<128x128xf32, #tpu.memory_space<vmem>>, vector<16xf32>,
        tpu.vector_store %arg10[%swap3A_861, %swap3A_862], %mul3A_860 {strides = array<i32>} : memref<128x128xf32, #tpu.memory_space<vmem>>, vector<16xf32>,
        %get3A_864 = arith.index_cast %add3A_818 : i32 to index
        %get3A_865 = arith.constant 96 : index
        %get3A_866 = tpu.vector_load %arg10[%get3A_864, %get3A_865] {strides = array<i32>} : memref<128x128xf32, #tpu.memory_space<vmem>>, vector<16xf32>,
        %mul3A_867 = arith.mulf %get3A_866, %gather3A_821 : vector<16xf32>
        %swap3A_868 = arith.index_cast %add3A_818 : i32 to index
        %swap3A_869 = arith.constant 96 : index
        %swap3A_870 = tpu.vector_load %arg10[%swap3A_868, %swap3A_869] {strides = array<i32>} : memref<128x128xf32, #tpu.memory_space<vmem>>, vector<16xf32>,
        tpu.vector_store %arg10[%swap3A_868, %swap3A_869], %mul3A_867 {strides = array<i32>} : memref<128x128xf32, #tpu.memory_space<vmem>>, vector<16xf32>,
        %get3A_871 = arith.index_cast %add3A_818 : i32 to index
        %get3A_872 = arith.constant 112 : index
        %get3A_873 = tpu.vector_load %arg10[%get3A_871, %get3A_872] {strides = array<i32>} : memref<128x128xf32, #tpu.memory_space<vmem>>, vector<16xf32>,
        %mul3A_874 = arith.mulf %get3A_873, %gather3A_821 : vector<16xf32>
        %swap3A_875 = arith.index_cast %add3A_818 : i32 to index
        %swap3A_876 = arith.constant 112 : index
        %swap3A_877 = tpu.vector_load %arg10[%swap3A_875, %swap3A_876] {strides = array<i32>} : memref<128x128xf32, #tpu.memory_space<vmem>>, vector<16xf32>,
        tpu.vector_store %arg10[%swap3A_875, %swap3A_876], %mul3A_874 {strides = array<i32>} : memref<128x128xf32, #tpu.memory_space<vmem>>, vector<16xf32>,
        %mul3A_878 = arith.constant 16 : i32
        %mul3A_879 = arith.muli %scan3A_61, %mul3A_878 : i32
        %add3A_880 = arith.constant 13 : i32
        %add3A_881 = arith.addi %mul3A_879, %add3A_880 : i32
        %broadcast_in_dim3A_882 = vector.broadcast %scan3A_41 : i32 to vector<16xi32>
        %broadcast_in_dim3A_883 = vector.broadcast %add3A_881 : i32 to vector<16xi32>
        %gather3A_884 = tpu.vector_load_idx %arg9[%broadcast_in_dim3A_882, %broadcast_in_dim3A_883] : memref<80x128xf32, #tpu.memory_space<vmem>>[vector<16xi32>, vector<16xi32>], vector<16xf32>,
        %get3A_885 = arith.index_cast %add3A_881 : i32 to index
        %get3A_886 = arith.constant 0 : index
        %get3A_887 = tpu.vector_load %arg10[%get3A_885, %get3A_886] {strides = array<i32>} : memref<128x128xf32, #tpu.memory_space<vmem>>, vector<16xf32>,
        %mul3A_888 = arith.mulf %get3A_887, %gather3A_884 : vector<16xf32>
        %swap3A_889 = arith.index_cast %add3A_881 : i32 to index
        %swap3A_890 = arith.constant 0 : index
        %swap3A_891 = tpu.vector_load %arg10[%swap3A_889, %swap3A_890] {strides = array<i32>} : memref<128x128xf32, #tpu.memory_space<vmem>>, vector<16xf32>,
        tpu.vector_store %arg10[%swap3A_889, %swap3A_890], %mul3A_888 {strides = array<i32>} : memref<128x128xf32, #tpu.memory_space<vmem>>, vector<16xf32>,
        %get3A_892 = arith.index_cast %add3A_881 : i32 to index
        %get3A_893 = arith.constant 16 : index
        %get3A_894 = tpu.vector_load %arg10[%get3A_892, %get3A_893] {strides = array<i32>} : memref<128x128xf32, #tpu.memory_space<vmem>>, vector<16xf32>,
        %mul3A_895 = arith.mulf %get3A_894, %gather3A_884 : vector<16xf32>
        %swap3A_896 = arith.index_cast %add3A_881 : i32 to index
        %swap3A_897 = arith.constant 16 : index
        %swap3A_898 = tpu.vector_load %arg10[%swap3A_896, %swap3A_897] {strides = array<i32>} : memref<128x128xf32, #tpu.memory_space<vmem>>, vector<16xf32>,
        tpu.vector_store %arg10[%swap3A_896, %swap3A_897], %mul3A_895 {strides = array<i32>} : memref<128x128xf32, #tpu.memory_space<vmem>>, vector<16xf32>,
        %get3A_899 = arith.index_cast %add3A_881 : i32 to index
        %get3A_900 = arith.constant 32 : index
        %get3A_901 = tpu.vector_load %arg10[%get3A_899, %get3A_900] {strides = array<i32>} : memref<128x128xf32, #tpu.memory_space<vmem>>, vector<16xf32>,
        %mul3A_902 = arith.mulf %get3A_901, %gather3A_884 : vector<16xf32>
        %swap3A_903 = arith.index_cast %add3A_881 : i32 to index
        %swap3A_904 = arith.constant 32 : index
        %swap3A_905 = tpu.vector_load %arg10[%swap3A_903, %swap3A_904] {strides = array<i32>} : memref<128x128xf32, #tpu.memory_space<vmem>>, vector<16xf32>,
        tpu.vector_store %arg10[%swap3A_903, %swap3A_904], %mul3A_902 {strides = array<i32>} : memref<128x128xf32, #tpu.memory_space<vmem>>, vector<16xf32>,
        %get3A_906 = arith.index_cast %add3A_881 : i32 to index
        %get3A_907 = arith.constant 48 : index
        %get3A_908 = tpu.vector_load %arg10[%get3A_906, %get3A_907] {strides = array<i32>} : memref<128x128xf32, #tpu.memory_space<vmem>>, vector<16xf32>,
        %mul3A_909 = arith.mulf %get3A_908, %gather3A_884 : vector<16xf32>
        %swap3A_910 = arith.index_cast %add3A_881 : i32 to index
        %swap3A_911 = arith.constant 48 : index
        %swap3A_912 = tpu.vector_load %arg10[%swap3A_910, %swap3A_911] {strides = array<i32>} : memref<128x128xf32, #tpu.memory_space<vmem>>, vector<16xf32>,
        tpu.vector_store %arg10[%swap3A_910, %swap3A_911], %mul3A_909 {strides = array<i32>} : memref<128x128xf32, #tpu.memory_space<vmem>>, vector<16xf32>,
        %get3A_913 = arith.index_cast %add3A_881 : i32 to index
        %get3A_914 = arith.constant 64 : index
        %get3A_915 = tpu.vector_load %arg10[%get3A_913, %get3A_914] {strides = array<i32>} : memref<128x128xf32, #tpu.memory_space<vmem>>, vector<16xf32>,
        %mul3A_916 = arith.mulf %get3A_915, %gather3A_884 : vector<16xf32>
        %swap3A_917 = arith.index_cast %add3A_881 : i32 to index
        %swap3A_918 = arith.constant 64 : index
        %swap3A_919 = tpu.vector_load %arg10[%swap3A_917, %swap3A_918] {strides = array<i32>} : memref<128x128xf32, #tpu.memory_space<vmem>>, vector<16xf32>,
        tpu.vector_store %arg10[%swap3A_917, %swap3A_918], %mul3A_916 {strides = array<i32>} : memref<128x128xf32, #tpu.memory_space<vmem>>, vector<16xf32>,
        %get3A_920 = arith.index_cast %add3A_881 : i32 to index
        %get3A_921 = arith.constant 80 : index
        %get3A_922 = tpu.vector_load %arg10[%get3A_920, %get3A_921] {strides = array<i32>} : memref<128x128xf32, #tpu.memory_space<vmem>>, vector<16xf32>,
        %mul3A_923 = arith.mulf %get3A_922, %gather3A_884 : vector<16xf32>
        %swap3A_924 = arith.index_cast %add3A_881 : i32 to index
        %swap3A_925 = arith.constant 80 : index
        %swap3A_926 = tpu.vector_load %arg10[%swap3A_924, %swap3A_925] {strides = array<i32>} : memref<128x128xf32, #tpu.memory_space<vmem>>, vector<16xf32>,
        tpu.vector_store %arg10[%swap3A_924, %swap3A_925], %mul3A_923 {strides = array<i32>} : memref<128x128xf32, #tpu.memory_space<vmem>>, vector<16xf32>,
        %get3A_927 = arith.index_cast %add3A_881 : i32 to index
        %get3A_928 = arith.constant 96 : index
        %get3A_929 = tpu.vector_load %arg10[%get3A_927, %get3A_928] {strides = array<i32>} : memref<128x128xf32, #tpu.memory_space<vmem>>, vector<16xf32>,
        %mul3A_930 = arith.mulf %get3A_929, %gather3A_884 : vector<16xf32>
        %swap3A_931 = arith.index_cast %add3A_881 : i32 to index
        %swap3A_932 = arith.constant 96 : index
        %swap3A_933 = tpu.vector_load %arg10[%swap3A_931, %swap3A_932] {strides = array<i32>} : memref<128x128xf32, #tpu.memory_space<vmem>>, vector<16xf32>,
        tpu.vector_store %arg10[%swap3A_931, %swap3A_932], %mul3A_930 {strides = array<i32>} : memref<128x128xf32, #tpu.memory_space<vmem>>, vector<16xf32>,
        %get3A_934 = arith.index_cast %add3A_881 : i32 to index
        %get3A_935 = arith.constant 112 : index
        %get3A_936 = tpu.vector_load %arg10[%get3A_934, %get3A_935] {strides = array<i32>} : memref<128x128xf32, #tpu.memory_space<vmem>>, vector<16xf32>,
        %mul3A_937 = arith.mulf %get3A_936, %gather3A_884 : vector<16xf32>
        %swap3A_938 = arith.index_cast %add3A_881 : i32 to index
        %swap3A_939 = arith.constant 112 : index
        %swap3A_940 = tpu.vector_load %arg10[%swap3A_938, %swap3A_939] {strides = array<i32>} : memref<128x128xf32, #tpu.memory_space<vmem>>, vector<16xf32>,
        tpu.vector_store %arg10[%swap3A_938, %swap3A_939], %mul3A_937 {strides = array<i32>} : memref<128x128xf32, #tpu.memory_space<vmem>>, vector<16xf32>,
        %mul3A_941 = arith.constant 16 : i32
        %mul3A_942 = arith.muli %scan3A_61, %mul3A_941 : i32
        %add3A_943 = arith.constant 14 : i32
        %add3A_944 = arith.addi %mul3A_942, %add3A_943 : i32
        %broadcast_in_dim3A_945 = vector.broadcast %scan3A_41 : i32 to vector<16xi32>
        %broadcast_in_dim3A_946 = vector.broadcast %add3A_944 : i32 to vector<16xi32>
        %gather3A_947 = tpu.vector_load_idx %arg9[%broadcast_in_dim3A_945, %broadcast_in_dim3A_946] : memref<80x128xf32, #tpu.memory_space<vmem>>[vector<16xi32>, vector<16xi32>], vector<16xf32>,
        %get3A_948 = arith.index_cast %add3A_944 : i32 to index
        %get3A_949 = arith.constant 0 : index
        %get3A_950 = tpu.vector_load %arg10[%get3A_948, %get3A_949] {strides = array<i32>} : memref<128x128xf32, #tpu.memory_space<vmem>>, vector<16xf32>,
        %mul3A_951 = arith.mulf %get3A_950, %gather3A_947 : vector<16xf32>
        %swap3A_952 = arith.index_cast %add3A_944 : i32 to index
        %swap3A_953 = arith.constant 0 : index
        %swap3A_954 = tpu.vector_load %arg10[%swap3A_952, %swap3A_953] {strides = array<i32>} : memref<128x128xf32, #tpu.memory_space<vmem>>, vector<16xf32>,
        tpu.vector_store %arg10[%swap3A_952, %swap3A_953], %mul3A_951 {strides = array<i32>} : memref<128x128xf32, #tpu.memory_space<vmem>>, vector<16xf32>,
        %get3A_955 = arith.index_cast %add3A_944 : i32 to index
        %get3A_956 = arith.constant 16 : index
        %get3A_957 = tpu.vector_load %arg10[%get3A_955, %get3A_956] {strides = array<i32>} : memref<128x128xf32, #tpu.memory_space<vmem>>, vector<16xf32>,
        %mul3A_958 = arith.mulf %get3A_957, %gather3A_947 : vector<16xf32>
        %swap3A_959 = arith.index_cast %add3A_944 : i32 to index
        %swap3A_960 = arith.constant 16 : index
        %swap3A_961 = tpu.vector_load %arg10[%swap3A_959, %swap3A_960] {strides = array<i32>} : memref<128x128xf32, #tpu.memory_space<vmem>>, vector<16xf32>,
        tpu.vector_store %arg10[%swap3A_959, %swap3A_960], %mul3A_958 {strides = array<i32>} : memref<128x128xf32, #tpu.memory_space<vmem>>, vector<16xf32>,
        %get3A_962 = arith.index_cast %add3A_944 : i32 to index
        %get3A_963 = arith.constant 32 : index
        %get3A_964 = tpu.vector_load %arg10[%get3A_962, %get3A_963] {strides = array<i32>} : memref<128x128xf32, #tpu.memory_space<vmem>>, vector<16xf32>,
        %mul3A_965 = arith.mulf %get3A_964, %gather3A_947 : vector<16xf32>
        %swap3A_966 = arith.index_cast %add3A_944 : i32 to index
        %swap3A_967 = arith.constant 32 : index
        %swap3A_968 = tpu.vector_load %arg10[%swap3A_966, %swap3A_967] {strides = array<i32>} : memref<128x128xf32, #tpu.memory_space<vmem>>, vector<16xf32>,
        tpu.vector_store %arg10[%swap3A_966, %swap3A_967], %mul3A_965 {strides = array<i32>} : memref<128x128xf32, #tpu.memory_space<vmem>>, vector<16xf32>,
        %get3A_969 = arith.index_cast %add3A_944 : i32 to index
        %get3A_970 = arith.constant 48 : index
        %get3A_971 = tpu.vector_load %arg10[%get3A_969, %get3A_970] {strides = array<i32>} : memref<128x128xf32, #tpu.memory_space<vmem>>, vector<16xf32>,
        %mul3A_972 = arith.mulf %get3A_971, %gather3A_947 : vector<16xf32>
        %swap3A_973 = arith.index_cast %add3A_944 : i32 to index
        %swap3A_974 = arith.constant 48 : index
        %swap3A_975 = tpu.vector_load %arg10[%swap3A_973, %swap3A_974] {strides = array<i32>} : memref<128x128xf32, #tpu.memory_space<vmem>>, vector<16xf32>,
        tpu.vector_store %arg10[%swap3A_973, %swap3A_974], %mul3A_972 {strides = array<i32>} : memref<128x128xf32, #tpu.memory_space<vmem>>, vector<16xf32>,
        %get3A_976 = arith.index_cast %add3A_944 : i32 to index
        %get3A_977 = arith.constant 64 : index
        %get3A_978 = tpu.vector_load %arg10[%get3A_976, %get3A_977] {strides = array<i32>} : memref<128x128xf32, #tpu.memory_space<vmem>>, vector<16xf32>,
        %mul3A_979 = arith.mulf %get3A_978, %gather3A_947 : vector<16xf32>
        %swap3A_980 = arith.index_cast %add3A_944 : i32 to index
        %swap3A_981 = arith.constant 64 : index
        %swap3A_982 = tpu.vector_load %arg10[%swap3A_980, %swap3A_981] {strides = array<i32>} : memref<128x128xf32, #tpu.memory_space<vmem>>, vector<16xf32>,
        tpu.vector_store %arg10[%swap3A_980, %swap3A_981], %mul3A_979 {strides = array<i32>} : memref<128x128xf32, #tpu.memory_space<vmem>>, vector<16xf32>,
        %get3A_983 = arith.index_cast %add3A_944 : i32 to index
        %get3A_984 = arith.constant 80 : index
        %get3A_985 = tpu.vector_load %arg10[%get3A_983, %get3A_984] {strides = array<i32>} : memref<128x128xf32, #tpu.memory_space<vmem>>, vector<16xf32>,
        %mul3A_986 = arith.mulf %get3A_985, %gather3A_947 : vector<16xf32>
        %swap3A_987 = arith.index_cast %add3A_944 : i32 to index
        %swap3A_988 = arith.constant 80 : index
        %swap3A_989 = tpu.vector_load %arg10[%swap3A_987, %swap3A_988] {strides = array<i32>} : memref<128x128xf32, #tpu.memory_space<vmem>>, vector<16xf32>,
        tpu.vector_store %arg10[%swap3A_987, %swap3A_988], %mul3A_986 {strides = array<i32>} : memref<128x128xf32, #tpu.memory_space<vmem>>, vector<16xf32>,
        %get3A_990 = arith.index_cast %add3A_944 : i32 to index
        %get3A_991 = arith.constant 96 : index
        %get3A_992 = tpu.vector_load %arg10[%get3A_990, %get3A_991] {strides = array<i32>} : memref<128x128xf32, #tpu.memory_space<vmem>>, vector<16xf32>,
        %mul3A_993 = arith.mulf %get3A_992, %gather3A_947 : vector<16xf32>
        %swap3A_994 = arith.index_cast %add3A_944 : i32 to index
        %swap3A_995 = arith.constant 96 : index
        %swap3A_996 = tpu.vector_load %arg10[%swap3A_994, %swap3A_995] {strides = array<i32>} : memref<128x128xf32, #tpu.memory_space<vmem>>, vector<16xf32>,
        tpu.vector_store %arg10[%swap3A_994, %swap3A_995], %mul3A_993 {strides = array<i32>} : memref<128x128xf32, #tpu.memory_space<vmem>>, vector<16xf32>,
        %get3A_997 = arith.index_cast %add3A_944 : i32 to index
        %get3A_998 = arith.constant 112 : index
        %get3A_999 = tpu.vector_load %arg10[%get3A_997, %get3A_998] {strides = array<i32>} : memref<128x128xf32, #tpu.memory_space<vmem>>, vector<16xf32>,
        %mul3A_1000 = arith.mulf %get3A_999, %gather3A_947 : vector<16xf32>
        %swap3A_1001 = arith.index_cast %add3A_944 : i32 to index
        %swap3A_1002 = arith.constant 112 : index
        %swap3A_1003 = tpu.vector_load %arg10[%swap3A_1001, %swap3A_1002] {strides = array<i32>} : memref<128x128xf32, #tpu.memory_space<vmem>>, vector<16xf32>,
        tpu.vector_store %arg10[%swap3A_1001, %swap3A_1002], %mul3A_1000 {strides = array<i32>} : memref<128x128xf32, #tpu.memory_space<vmem>>, vector<16xf32>,
        %mul3A_1004 = arith.constant 16 : i32
        %mul3A_1005 = arith.muli %scan3A_61, %mul3A_1004 : i32
        %add3A_1006 = arith.constant 15 : i32
        %add3A_1007 = arith.addi %mul3A_1005, %add3A_1006 : i32
        %broadcast_in_dim3A_1008 = vector.broadcast %scan3A_41 : i32 to vector<16xi32>
        %broadcast_in_dim3A_1009 = vector.broadcast %add3A_1007 : i32 to vector<16xi32>
        %gather3A_1010 = tpu.vector_load_idx %arg9[%broadcast_in_dim3A_1008, %broadcast_in_dim3A_1009] : memref<80x128xf32, #tpu.memory_space<vmem>>[vector<16xi32>, vector<16xi32>], vector<16xf32>,
        %get3A_1011 = arith.index_cast %add3A_1007 : i32 to index
        %get3A_1012 = arith.constant 0 : index
        %get3A_1013 = tpu.vector_load %arg10[%get3A_1011, %get3A_1012] {strides = array<i32>} : memref<128x128xf32, #tpu.memory_space<vmem>>, vector<16xf32>,
        %mul3A_1014 = arith.mulf %get3A_1013, %gather3A_1010 : vector<16xf32>
        %swap3A_1015 = arith.index_cast %add3A_1007 : i32 to index
        %swap3A_1016 = arith.constant 0 : index
        %swap3A_1017 = tpu.vector_load %arg10[%swap3A_1015, %swap3A_1016] {strides = array<i32>} : memref<128x128xf32, #tpu.memory_space<vmem>>, vector<16xf32>,
        tpu.vector_store %arg10[%swap3A_1015, %swap3A_1016], %mul3A_1014 {strides = array<i32>} : memref<128x128xf32, #tpu.memory_space<vmem>>, vector<16xf32>,
        %get3A_1018 = arith.index_cast %add3A_1007 : i32 to index
        %get3A_1019 = arith.constant 16 : index
        %get3A_1020 = tpu.vector_load %arg10[%get3A_1018, %get3A_1019] {strides = array<i32>} : memref<128x128xf32, #tpu.memory_space<vmem>>, vector<16xf32>,
        %mul3A_1021 = arith.mulf %get3A_1020, %gather3A_1010 : vector<16xf32>
        %swap3A_1022 = arith.index_cast %add3A_1007 : i32 to index
        %swap3A_1023 = arith.constant 16 : index
        %swap3A_1024 = tpu.vector_load %arg10[%swap3A_1022, %swap3A_1023] {strides = array<i32>} : memref<128x128xf32, #tpu.memory_space<vmem>>, vector<16xf32>,
        tpu.vector_store %arg10[%swap3A_1022, %swap3A_1023], %mul3A_1021 {strides = array<i32>} : memref<128x128xf32, #tpu.memory_space<vmem>>, vector<16xf32>,
        %get3A_1025 = arith.index_cast %add3A_1007 : i32 to index
        %get3A_1026 = arith.constant 32 : index
        %get3A_1027 = tpu.vector_load %arg10[%get3A_1025, %get3A_1026] {strides = array<i32>} : memref<128x128xf32, #tpu.memory_space<vmem>>, vector<16xf32>,
        %mul3A_1028 = arith.mulf %get3A_1027, %gather3A_1010 : vector<16xf32>
        %swap3A_1029 = arith.index_cast %add3A_1007 : i32 to index
        %swap3A_1030 = arith.constant 32 : index
        %swap3A_1031 = tpu.vector_load %arg10[%swap3A_1029, %swap3A_1030] {strides = array<i32>} : memref<128x128xf32, #tpu.memory_space<vmem>>, vector<16xf32>,
        tpu.vector_store %arg10[%swap3A_1029, %swap3A_1030], %mul3A_1028 {strides = array<i32>} : memref<128x128xf32, #tpu.memory_space<vmem>>, vector<16xf32>,
        %get3A_1032 = arith.index_cast %add3A_1007 : i32 to index
        %get3A_1033 = arith.constant 48 : index
        %get3A_1034 = tpu.vector_load %arg10[%get3A_1032, %get3A_1033] {strides = array<i32>} : memref<128x128xf32, #tpu.memory_space<vmem>>, vector<16xf32>,
        %mul3A_1035 = arith.mulf %get3A_1034, %gather3A_1010 : vector<16xf32>
        %swap3A_1036 = arith.index_cast %add3A_1007 : i32 to index
        %swap3A_1037 = arith.constant 48 : index
        %swap3A_1038 = tpu.vector_load %arg10[%swap3A_1036, %swap3A_1037] {strides = array<i32>} : memref<128x128xf32, #tpu.memory_space<vmem>>, vector<16xf32>,
        tpu.vector_store %arg10[%swap3A_1036, %swap3A_1037], %mul3A_1035 {strides = array<i32>} : memref<128x128xf32, #tpu.memory_space<vmem>>, vector<16xf32>,
        %get3A_1039 = arith.index_cast %add3A_1007 : i32 to index
        %get3A_1040 = arith.constant 64 : index
        %get3A_1041 = tpu.vector_load %arg10[%get3A_1039, %get3A_1040] {strides = array<i32>} : memref<128x128xf32, #tpu.memory_space<vmem>>, vector<16xf32>,
        %mul3A_1042 = arith.mulf %get3A_1041, %gather3A_1010 : vector<16xf32>
        %swap3A_1043 = arith.index_cast %add3A_1007 : i32 to index
        %swap3A_1044 = arith.constant 64 : index
        %swap3A_1045 = tpu.vector_load %arg10[%swap3A_1043, %swap3A_1044] {strides = array<i32>} : memref<128x128xf32, #tpu.memory_space<vmem>>, vector<16xf32>,
        tpu.vector_store %arg10[%swap3A_1043, %swap3A_1044], %mul3A_1042 {strides = array<i32>} : memref<128x128xf32, #tpu.memory_space<vmem>>, vector<16xf32>,
        %get3A_1046 = arith.index_cast %add3A_1007 : i32 to index
        %get3A_1047 = arith.constant 80 : index
        %get3A_1048 = tpu.vector_load %arg10[%get3A_1046, %get3A_1047] {strides = array<i32>} : memref<128x128xf32, #tpu.memory_space<vmem>>, vector<16xf32>,
        %mul3A_1049 = arith.mulf %get3A_1048, %gather3A_1010 : vector<16xf32>
        %swap3A_1050 = arith.index_cast %add3A_1007 : i32 to index
        %swap3A_1051 = arith.constant 80 : index
        %swap3A_1052 = tpu.vector_load %arg10[%swap3A_1050, %swap3A_1051] {strides = array<i32>} : memref<128x128xf32, #tpu.memory_space<vmem>>, vector<16xf32>,
        tpu.vector_store %arg10[%swap3A_1050, %swap3A_1051], %mul3A_1049 {strides = array<i32>} : memref<128x128xf32, #tpu.memory_space<vmem>>, vector<16xf32>,
        %get3A_1053 = arith.index_cast %add3A_1007 : i32 to index
        %get3A_1054 = arith.constant 96 : index
        %get3A_1055 = tpu.vector_load %arg10[%get3A_1053, %get3A_1054] {strides = array<i32>} : memref<128x128xf32, #tpu.memory_space<vmem>>, vector<16xf32>,
        %mul3A_1056 = arith.mulf %get3A_1055, %gather3A_1010 : vector<16xf32>
        %swap3A_1057 = arith.index_cast %add3A_1007 : i32 to index
        %swap3A_1058 = arith.constant 96 : index
        %swap3A_1059 = tpu.vector_load %arg10[%swap3A_1057, %swap3A_1058] {strides = array<i32>} : memref<128x128xf32, #tpu.memory_space<vmem>>, vector<16xf32>,
        tpu.vector_store %arg10[%swap3A_1057, %swap3A_1058], %mul3A_1056 {strides = array<i32>} : memref<128x128xf32, #tpu.memory_space<vmem>>, vector<16xf32>,
        %get3A_1060 = arith.index_cast %add3A_1007 : i32 to index
        %get3A_1061 = arith.constant 112 : index
        %get3A_1062 = tpu.vector_load %arg10[%get3A_1060, %get3A_1061] {strides = array<i32>} : memref<128x128xf32, #tpu.memory_space<vmem>>, vector<16xf32>,
        %mul3A_1063 = arith.mulf %get3A_1062, %gather3A_1010 : vector<16xf32>
        %swap3A_1064 = arith.index_cast %add3A_1007 : i32 to index
        %swap3A_1065 = arith.constant 112 : index
        %swap3A_1066 = tpu.vector_load %arg10[%swap3A_1064, %swap3A_1065] {strides = array<i32>} : memref<128x128xf32, #tpu.memory_space<vmem>>, vector<16xf32>,
        tpu.vector_store %arg10[%swap3A_1064, %swap3A_1065], %mul3A_1063 {strides = array<i32>} : memref<128x128xf32, #tpu.memory_space<vmem>>, vector<16xf32>,
        %scan3A_1067 = arith.constant 0 : i32
        scf.yield %scan3A_1067 : i32
      }
      %scan3A_59 = arith.constant 8 : i32
      "tpu.region"() ({
        %run_scoped3A = tpu.sem_alloc : memref<!tpu.dma_semaphore, #tpu.memory_space<semaphore_mem>>
        %dma_start3A_61 = arith.constant 0 : i32
        %dma_start3A_62 = tpu.memref_slice %arg8[%scan3A_41, %dma_start3A_61] : memref<80x128xi32, #tpu.memory_space<vmem>> -> memref<1x128xi32, #tpu.memory_space<vmem>>
        %dma_start3A_63 = tpu.memref_squeeze %dma_start3A_62 : memref<1x128xi32, #tpu.memory_space<vmem>> -> memref<128xi32, #tpu.memory_space<vmem>>
        %dma_start3A_64 = arith.constant 0 : i32
        %dma_start3A_65 = arith.constant 0 : i32
        %dma_start3A_66 = tpu.memref_slice %arg11[%dma_start3A_64, %dma_start3A_65] : memref<10240x128xf32, #tpu.memory_space<vmem_shared>> -> memref<10240x128xf32, #tpu.memory_space<vmem_shared>>
        tpu.enqueue_indirect_dma source(%arg10 : memref<128x128xf32, #tpu.memory_space<vmem>>) target(%dma_start3A_66 : memref<10240x128xf32, #tpu.memory_space<vmem_shared>>) offsets(%dma_start3A_63 : memref<128xi32, #tpu.memory_space<vmem>>) semaphore(%run_scoped3A : memref<!tpu.dma_semaphore, #tpu.memory_space<semaphore_mem>>) {add = true}
        %dma_wait3A_67 = arith.constant 0 : i32
        %dma_wait3A_68 = tpu.memref_slice %arg8[%scan3A_41, %dma_wait3A_67] : memref<80x128xi32, #tpu.memory_space<vmem>> -> memref<1x128xi32, #tpu.memory_space<vmem>>
        %dma_wait3A_69 = tpu.memref_squeeze %dma_wait3A_68 : memref<1x128xi32, #tpu.memory_space<vmem>> -> memref<128xi32, #tpu.memory_space<vmem>>
        %dma_wait3A_70 = arith.constant 0 : i32
        %dma_wait3A_71 = arith.constant 0 : i32
        %dma_wait3A_72 = tpu.memref_slice %arg11[%dma_wait3A_70, %dma_wait3A_71] : memref<10240x128xf32, #tpu.memory_space<vmem_shared>> -> memref<10240x128xf32, #tpu.memory_space<vmem_shared>>
        tpu.wait_indirect_dma semaphore(%run_scoped3A : memref<!tpu.dma_semaphore, #tpu.memory_space<semaphore_mem>>) src(%arg10 : memref<128x128xf32, #tpu.memory_space<vmem>>) dst(%dma_wait3A_72 : memref<10240x128xf32, #tpu.memory_space<vmem_shared>>)
        tpu.yield
      }) : () -> ()
      %scan3A_60 = arith.constant 0 : i32
      scf.yield %scan3A_60 : i32
    }
    %scan3A_35 = arith.constant 80 : i32
    %barrier3A_36 = arith.constant 0 : index
    tpu.barrier barrier_id(%barrier3A_36)
    %mul3A_37 = arith.constant 640 : i32
    %mul3A_38 = arith.muli %arg1, %mul3A_37 : i32
    %mul3A_39 = arith.constant 640 : i32
    %mul3A_40 = arith.muli %arg1, %mul3A_39 : i32
    "tpu.region"() ({
      %run_scoped3A = tpu.sem_alloc : memref<!tpu.dma_semaphore, #tpu.memory_space<semaphore_mem>>
      %dma_start3A = arith.constant 0 : i32
      %dma_start3A_41 = arith.constant 0 : i32
      %dma_start3A_42 = tpu.memref_slice %arg6[%arg0, %dma_start3A, %dma_start3A_41] : memref<2x10240x128xf32, #tpu.memory_space<hbm>> -> memref<1x10240x128xf32, #tpu.memory_space<hbm>>
      %dma_start3A_43 = tpu.memref_squeeze %dma_start3A_42 : memref<1x10240x128xf32, #tpu.memory_space<hbm>> -> memref<10240x128xf32, #tpu.memory_space<hbm>>
      %dma_start3A_44 = arith.constant 0 : i32
      %dma_start3A_45 = tpu.memref_slice %dma_start3A_43[%mul3A_40, %dma_start3A_44] : memref<10240x128xf32, #tpu.memory_space<hbm>> -> memref<640x128xf32, #tpu.memory_space<hbm>>
      %dma_start3A_46 = arith.constant 0 : i32
      %dma_start3A_47 = tpu.memref_slice %arg11[%mul3A_38, %dma_start3A_46] : memref<10240x128xf32, #tpu.memory_space<vmem_shared>> -> memref<640x128xf32, #tpu.memory_space<vmem_shared>>
      tpu.enqueue_dma source(%dma_start3A_47 : memref<640x128xf32, #tpu.memory_space<vmem_shared>>) target(%dma_start3A_45 : memref<640x128xf32, #tpu.memory_space<hbm>>) target_semaphore(%run_scoped3A : memref<!tpu.dma_semaphore, #tpu.memory_space<semaphore_mem>>)
      %dma_wait3A = arith.constant 0 : i32
      %dma_wait3A_48 = arith.constant 0 : i32
      %dma_wait3A_49 = tpu.memref_slice %arg6[%arg0, %dma_wait3A, %dma_wait3A_48] : memref<2x10240x128xf32, #tpu.memory_space<hbm>> -> memref<1x10240x128xf32, #tpu.memory_space<hbm>>
      %dma_wait3A_50 = tpu.memref_squeeze %dma_wait3A_49 : memref<1x10240x128xf32, #tpu.memory_space<hbm>> -> memref<10240x128xf32, #tpu.memory_space<hbm>>
      %dma_wait3A_51 = arith.constant 0 : i32
      %dma_wait3A_52 = tpu.memref_slice %dma_wait3A_50[%mul3A_40, %dma_wait3A_51] : memref<10240x128xf32, #tpu.memory_space<hbm>> -> memref<640x128xf32, #tpu.memory_space<hbm>>
      %dma_wait3A_53 = arith.constant 0 : i32
      %dma_wait3A_54 = tpu.memref_slice %arg11[%mul3A_38, %dma_wait3A_53] : memref<10240x128xf32, #tpu.memory_space<vmem_shared>> -> memref<640x128xf32, #tpu.memory_space<vmem_shared>>
      tpu.wait_dma2 semaphore(%run_scoped3A : memref<!tpu.dma_semaphore, #tpu.memory_space<semaphore_mem>>) src(%dma_wait3A_54 : memref<640x128xf32, #tpu.memory_space<vmem_shared>>) dst(%dma_wait3A_52 : memref<640x128xf32, #tpu.memory_space<hbm>>)
      tpu.yield
    }) : () -> ()
    return
  }
}

module attributes {stable_mosaic.version = 14 : i64} {
  func.func @_mm_kernel(%arg0: i32, %arg1: memref<128x128xf32, #tpu.memory_space<vmem>>, %arg2: memref<128x128xf32, #tpu.memory_space<vmem>>, %arg3: memref<128x128xf32, #tpu.memory_space<vmem>>) attributes {dimension_semantics = [#tpu.dimension_semantics<arbitrary>], iteration_bounds = array<i64: 80>, scalar_prefetch = 0 : i64, scratch_operands = 0 : i64, tpu.core_type = #tpu.core_type<tc>, window_params = [{transform_indices = @transform_0, window_bounds = array<i64: 128, 128>}, {pipeline_mode = #tpu.pipeline_mode<synchronous>, transform_indices = @transform_1, window_bounds = array<i64: 128, 128>}, {transform_indices = @transform_2, window_bounds = array<i64: 128, 128>}]} {
    %get3A = arith.constant 0 : index
    %get3A_0 = arith.constant 0 : index
    %get3A_1 = vector.load %arg1[%get3A, %get3A_0] : memref<128x128xf32, #tpu.memory_space<vmem>>, vector<128x128xf32>
    %get3A_2 = arith.constant 0 : index
    %get3A_3 = arith.constant 0 : index
    %get3A_4 = vector.load %arg2[%get3A_2, %get3A_3] : memref<128x128xf32, #tpu.memory_space<vmem>>, vector<128x128xf32>
    %dot_general3A = arith.constant dense<0.000000e+00> : vector<128x128xf32>
    %dot_general3A_5 = tpu.matmul %get3A_1, %get3A_4, %dot_general3A {dimension_numbers = #tpu.dot_dimension_numbers<[1], [0], [0], [1], [0, 0, 1, 1], [], []>, transpose_lhs_hint = false} : vector<128x128xf32>, vector<128x128xf32>, vector<128x128xf32> -> vector<128x128xf32>
    %swap3A = arith.constant 0 : index
    %swap3A_6 = arith.constant 0 : index
    %swap3A_7 = vector.load %arg3[%swap3A, %swap3A_6] : memref<128x128xf32, #tpu.memory_space<vmem>>, vector<128x128xf32>
    tpu.vector_store %arg3[%swap3A, %swap3A_6], %dot_general3A_5 {strides = array<i32>} : memref<128x128xf32, #tpu.memory_space<vmem>>, vector<128x128xf32>,
    return
  }
  func.func @transform_0(%arg0: i32) -> (i32, i32) {
    %c0_i32 = arith.constant 0 : i32
    %c0_i32_0 = arith.constant 0 : i32
    return %arg0, %c0_i32 : i32, i32
  }
  func.func @transform_1(%arg0: i32) -> (i32, i32) {
    %c0_i32 = arith.constant 0 : i32
    %c0_i32_0 = arith.constant 0 : i32
    %c0_i32_1 = arith.constant 0 : i32
    return %c0_i32, %c0_i32_0 : i32, i32
  }
  func.func @transform_2(%arg0: i32) -> (i32, i32) {
    %c0_i32 = arith.constant 0 : i32
    %c0_i32_0 = arith.constant 0 : i32
    return %arg0, %c0_i32 : i32, i32
  }
}

module attributes {stable_mosaic.version = 14 : i64} {
  func.func @_mm2_kernel(%arg0: i32, %arg1: memref<128x128xf32, #tpu.memory_space<vmem>>, %arg2: memref<128x128xf32, #tpu.memory_space<vmem>>, %arg3: memref<1x128xf32, #tpu.memory_space<vmem>>, %arg4: memref<128x128xf32, #tpu.memory_space<vmem>>, %arg5: memref<128x128xf32, #tpu.memory_space<vmem>>) attributes {dimension_semantics = [#tpu.dimension_semantics<arbitrary>], iteration_bounds = array<i64: 80>, scalar_prefetch = 0 : i64, scratch_operands = 0 : i64, tpu.core_type = #tpu.core_type<tc>, window_params = [{transform_indices = @transform_0, window_bounds = array<i64: 128, 128>}, {transform_indices = @transform_1, window_bounds = array<i64: 128, 128>}, {pipeline_mode = #tpu.pipeline_mode<synchronous>, transform_indices = @transform_2, window_bounds = array<i64: 1, 128>}, {pipeline_mode = #tpu.pipeline_mode<synchronous>, transform_indices = @transform_3, window_bounds = array<i64: 128, 128>}, {transform_indices = @transform_4, window_bounds = array<i64: 128, 128>}]} {
    %get3A = arith.constant 0 : index
    %get3A_0 = arith.constant 0 : index
    %get3A_1 = vector.load %arg1[%get3A, %get3A_0] : memref<128x128xf32, #tpu.memory_space<vmem>>, vector<128x128xf32>
    %get3A_2 = arith.constant 0 : index
    %get3A_3 = arith.constant 0 : index
    %get3A_4 = vector.load %arg2[%get3A_2, %get3A_3] : memref<128x128xf32, #tpu.memory_space<vmem>>, vector<128x128xf32>
    %add3A = arith.addf %get3A_1, %get3A_4 : vector<128x128xf32>
    %get3A_5 = arith.constant 0 : index
    %get3A_6 = arith.constant 0 : index
    %get3A_7 = vector.load %arg3[%get3A_5, %get3A_6] : memref<1x128xf32, #tpu.memory_space<vmem>>, vector<1x128xf32>
    %add3A_8 = vector.broadcast %get3A_7 : vector<1x128xf32> to vector<128x128xf32>
    %add3A_9 = arith.addf %add3A, %add3A_8 : vector<128x128xf32>
    %get3A_10 = arith.constant 0 : index
    %get3A_11 = arith.constant 0 : index
    %get3A_12 = vector.load %arg4[%get3A_10, %get3A_11] : memref<128x128xf32, #tpu.memory_space<vmem>>, vector<128x128xf32>
    %dot_general3A = arith.constant dense<0.000000e+00> : vector<128x128xf32>
    %dot_general3A_13 = tpu.matmul %add3A_9, %get3A_12, %dot_general3A {dimension_numbers = #tpu.dot_dimension_numbers<[1], [0], [0], [1], [0, 0, 1, 1], [], []>, transpose_lhs_hint = false} : vector<128x128xf32>, vector<128x128xf32>, vector<128x128xf32> -> vector<128x128xf32>
    %swap3A = arith.constant 0 : index
    %swap3A_14 = arith.constant 0 : index
    %swap3A_15 = vector.load %arg5[%swap3A, %swap3A_14] : memref<128x128xf32, #tpu.memory_space<vmem>>, vector<128x128xf32>
    tpu.vector_store %arg5[%swap3A, %swap3A_14], %dot_general3A_13 {strides = array<i32>} : memref<128x128xf32, #tpu.memory_space<vmem>>, vector<128x128xf32>,
    return
  }
  func.func @transform_0(%arg0: i32) -> (i32, i32) {
    %c0_i32 = arith.constant 0 : i32
    %c0_i32_0 = arith.constant 0 : i32
    return %arg0, %c0_i32 : i32, i32
  }
  func.func @transform_1(%arg0: i32) -> (i32, i32) {
    %c0_i32 = arith.constant 0 : i32
    %c0_i32_0 = arith.constant 0 : i32
    return %arg0, %c0_i32 : i32, i32
  }
  func.func @transform_2(%arg0: i32) -> (i32, i32) {
    %c0_i32 = arith.constant 0 : i32
    %c0_i32_0 = arith.constant 0 : i32
    %c0_i32_1 = arith.constant 0 : i32
    return %c0_i32, %c0_i32_0 : i32, i32
  }
  func.func @transform_3(%arg0: i32) -> (i32, i32) {
    %c0_i32 = arith.constant 0 : i32
    %c0_i32_0 = arith.constant 0 : i32
    %c0_i32_1 = arith.constant 0 : i32
    return %c0_i32, %c0_i32_0 : i32, i32
  }
  func.func @transform_4(%arg0: i32) -> (i32, i32) {
    %c0_i32 = arith.constant 0 : i32
    %c0_i32_0 = arith.constant 0 : i32
    return %arg0, %c0_i32 : i32, i32
  }
}

module attributes {stable_mosaic.version = 14 : i64} {
  func.func @_mm3_kernel(%arg0: i32, %arg1: memref<128x128xf32, #tpu.memory_space<vmem>>, %arg2: memref<128x128xf32, #tpu.memory_space<vmem>>, %arg3: memref<1x128xf32, #tpu.memory_space<vmem>>, %arg4: memref<128x512xf32, #tpu.memory_space<vmem>>, %arg5: memref<1x512xf32, #tpu.memory_space<vmem>>, %arg6: memref<128x512xf32, #tpu.memory_space<vmem>>) attributes {dimension_semantics = [#tpu.dimension_semantics<arbitrary>], iteration_bounds = array<i64: 80>, scalar_prefetch = 0 : i64, scratch_operands = 0 : i64, tpu.core_type = #tpu.core_type<tc>, window_params = [{transform_indices = @transform_0, window_bounds = array<i64: 128, 128>}, {transform_indices = @transform_1, window_bounds = array<i64: 128, 128>}, {pipeline_mode = #tpu.pipeline_mode<synchronous>, transform_indices = @transform_2, window_bounds = array<i64: 1, 128>}, {pipeline_mode = #tpu.pipeline_mode<synchronous>, transform_indices = @transform_3, window_bounds = array<i64: 128, 512>}, {pipeline_mode = #tpu.pipeline_mode<synchronous>, transform_indices = @transform_4, window_bounds = array<i64: 1, 512>}, {transform_indices = @transform_5, window_bounds = array<i64: 128, 512>}]} {
    %get3A = arith.constant 0 : index
    %get3A_0 = arith.constant 0 : index
    %get3A_1 = vector.load %arg1[%get3A, %get3A_0] : memref<128x128xf32, #tpu.memory_space<vmem>>, vector<128x128xf32>
    %get3A_2 = arith.constant 0 : index
    %get3A_3 = arith.constant 0 : index
    %get3A_4 = vector.load %arg2[%get3A_2, %get3A_3] : memref<128x128xf32, #tpu.memory_space<vmem>>, vector<128x128xf32>
    %add3A = arith.addf %get3A_1, %get3A_4 : vector<128x128xf32>
    %get3A_5 = arith.constant 0 : index
    %get3A_6 = arith.constant 0 : index
    %get3A_7 = vector.load %arg3[%get3A_5, %get3A_6] : memref<1x128xf32, #tpu.memory_space<vmem>>, vector<1x128xf32>
    %add3A_8 = vector.broadcast %get3A_7 : vector<1x128xf32> to vector<128x128xf32>
    %add3A_9 = arith.addf %add3A, %add3A_8 : vector<128x128xf32>
    %get3A_10 = arith.constant 0 : index
    %get3A_11 = arith.constant 0 : index
    %get3A_12 = vector.load %arg4[%get3A_10, %get3A_11] : memref<128x512xf32, #tpu.memory_space<vmem>>, vector<128x512xf32>
    %dot_general3A = arith.constant dense<0.000000e+00> : vector<128x512xf32>
    %dot_general3A_13 = tpu.matmul %add3A_9, %get3A_12, %dot_general3A {dimension_numbers = #tpu.dot_dimension_numbers<[1], [0], [0], [1], [0, 0, 1, 1], [], []>, transpose_lhs_hint = false} : vector<128x128xf32>, vector<128x512xf32>, vector<128x512xf32> -> vector<128x512xf32>
    %get3A_14 = arith.constant 0 : index
    %get3A_15 = arith.constant 0 : index
    %get3A_16 = vector.load %arg5[%get3A_14, %get3A_15] : memref<1x512xf32, #tpu.memory_space<vmem>>, vector<1x512xf32>
    %add3A_17 = vector.broadcast %get3A_16 : vector<1x512xf32> to vector<128x512xf32>
    %add3A_18 = arith.addf %dot_general3A_13, %add3A_17 : vector<128x512xf32>
    %swap3A = arith.constant 0 : index
    %swap3A_19 = arith.constant 0 : index
    %swap3A_20 = vector.load %arg6[%swap3A, %swap3A_19] : memref<128x512xf32, #tpu.memory_space<vmem>>, vector<128x512xf32>
    tpu.vector_store %arg6[%swap3A, %swap3A_19], %add3A_18 {strides = array<i32>} : memref<128x512xf32, #tpu.memory_space<vmem>>, vector<128x512xf32>,
    return
  }
  func.func @transform_0(%arg0: i32) -> (i32, i32) {
    %c0_i32 = arith.constant 0 : i32
    %c0_i32_0 = arith.constant 0 : i32
    return %arg0, %c0_i32 : i32, i32
  }
  func.func @transform_1(%arg0: i32) -> (i32, i32) {
    %c0_i32 = arith.constant 0 : i32
    %c0_i32_0 = arith.constant 0 : i32
    return %arg0, %c0_i32 : i32, i32
  }
  func.func @transform_2(%arg0: i32) -> (i32, i32) {
    %c0_i32 = arith.constant 0 : i32
    %c0_i32_0 = arith.constant 0 : i32
    %c0_i32_1 = arith.constant 0 : i32
    return %c0_i32, %c0_i32_0 : i32, i32
  }
  func.func @transform_3(%arg0: i32) -> (i32, i32) {
    %c0_i32 = arith.constant 0 : i32
    %c0_i32_0 = arith.constant 0 : i32
    %c0_i32_1 = arith.constant 0 : i32
    return %c0_i32, %c0_i32_0 : i32, i32
  }
  func.func @transform_4(%arg0: i32) -> (i32, i32) {
    %c0_i32 = arith.constant 0 : i32
    %c0_i32_0 = arith.constant 0 : i32
    %c0_i32_1 = arith.constant 0 : i32
    return %c0_i32, %c0_i32_0 : i32, i32
  }
  func.func @transform_5(%arg0: i32) -> (i32, i32) {
    %c0_i32 = arith.constant 0 : i32
    %c0_i32_0 = arith.constant 0 : i32
    return %arg0, %c0_i32 : i32, i32
  }
}

</mosaic_0001>

<sc_bundles>
// kernel: kernel.11.cloned.1.call-start
scs
__scs_entry_jumppad:
0x0: {  	(pc) =	sbr.rel $0x88, $3  }
0x1: {  	(tag) =	ssettag $0x0;
	lr =	simm.s32 $0x1  }
0x2: {  	[smem:$0x3F98] =	sst lr;
	_ =	strace $0xD0000000  }
0x3: {  	_ = 	snop  }
0x4: {  	_ = 	snop  }
0x5: {  	_ = 	snop  }
0x6: {  	_ = 	snop  }
0x7: {  	_ = 	snop  }
__scs_overlays_trampoline_lowered:
0x8: {  	[smem:$0x3FA7] =	sst s0  }
0x9: {  	[smem:$0x3FA8] =	sst s1  }
0xa: {  	[smem:$0x3FA9] =	sst s2  }
0xb: {  	[smem:$0x3FAA] =	sst s3  }
0xc: {  	[smem:$0x3FAB] =	sst s4  }
0xd: {  	[smem:$0x3FAC] =	sst s5  }
0xe: {  	[smem:$0x3FAD] =	sst s6  }
0xf: {  	[smem:$0x3FAE] =	sst s7  }
0x10: {  	[smem:$0x3FAF] =	sst s8  }
0x11: {  	[smem:$0x3FB0] =	sst s9;
	s0 =	simm.s32 @!p0 $0x0  }
0x12: {  	s1 =	sld [smem:$0x3F96];
	s0 =	simm.s32 @p0 $0x1  }
0x13: {  	[smem:$0x3FB1] =	sst s0;
	s0 =	simm.s32 @!p1 $0x0  }
0x14: {  	s2 =	sld [smem:$0x3F95];
	s0 =	simm.s32 @p1 $0x1  }
0x15: {  	[smem:$0x3FB2] =	sst s0;
	s0 =	simm.s32 @!p2 $0x0  }
0x16: {  	s3 =	sld [smem:$0x3FDB];
	s0 =	simm.s32 @p2 $0x1  }
0x17: {  	s4 =	simm.s32 $0x1BF5;
	[smem:$0x3FB4] =	sst s0  }
0x18: {  	s0 =	sld [smem:$0x3F97];
	_ =	swait.ge [sflag:s4], $0x0  }
0x19: {  	s7 =	sld [smem:$0x3F98]  }
0x1a: {  	s8 =	sadd.s32 $0xFFFFE003, lr  }
0x1b: {  	s9 =	sadd.s32 $0xFFFFFEF7, lr;
	s5 =	simm.s32 $0xFFFFFFFF;
	p2 =	slt.u32 s8, $0xFFFFF086  }
0x1c: {  	p1 =	slt.u32 s9, $0xF7A;
	s5 =	simm.s32 @!p2 $0x0  }
0x1d: {  	s5 =	simm.s32 @p1 $0x1;
	p0 =	seq.s32 s7, s2  }
0x1e: {  	s7 =	smul.u32 @!p0 $0xF7A, s2;
	p2 =	seq.s32 @!p0 s5, $0x0  }
0x1f: {  	s9 =	smul.u32 $0xF7A, s1;
	s8 =	simm.s32 @!p0 $0x1BF5;
	p2 =	por !p2, p0  }
0x20: {  	[sflag:s8] =	ssyncset.s32 @!p0 $0xFFFFF086;
	s6 =	sadd.s32 @!p0 s3, s7;
	s7 =	simm.s32 @!p0 $0x108  }
0x21: {  	s3 =	sadd.s32 s3, s9;
	s6 =	sadd.s32 @!p0 $0x88, s6;
	s7 =	simm.s32 @p2 $0x1082  }
0x22: {  	[simem:s7], [sflag:s8] =	dma.local @!p0 [hbm:s6], $0xF7A  }
0x23: {  	s9 =	sor.u32 $0xD0000000, s2;
	s6 =	simm.s32 $0x108;
	_ =	swait.ge @!p0 [sflag:s8], $0x0  }
0x24: {  	s3 =	sadd.s32 $0x88, s3;
	s6 =	simm.s32 @!p1 $0x1082;
	[sflag:s4] =	ssyncset.s32 $0xFFFFF086  }
0x25: {  	[simem:s6], [sflag:s4] =	dma.local [hbm:s3], $0xF7A  }
0x26: {  	[smem:$0x3F98] =	sst s1;
	(tag) =	ssettag s2;
	_ =	strace s9  }
0x27: {  	s1 =	sld [smem:$0x3FA8]  }
0x28: {  	s2 =	sld [smem:$0x3FA9]  }
0x29: {  	s4 =	sld [smem:$0x3FAB]  }
0x2a: {  	p0 =	seq.s32 s5, $0x0;
	s5 =	sld [smem:$0x3FAC]  }
0x2b: {  	s6 =	sld [smem:$0x3FAD]  }
0x2c: {  	s7 =	sld [smem:$0x3FAE]  }
0x2d: {  	s3 =	simm.s32 $0x108;
	s8 =	sld [smem:$0x3FAF]  }
0x2e: {  	s3 =	simm.s32 @!p0 $0x1082;
	s9 =	sld [smem:$0x3FB0]  }
0x2f: {  	lr =	sadd.s32 s0, s3;
	s0 =	sld [smem:$0x3FA7]  }
0x30: {  	s3 =	sld [smem:$0x3FAA]  }
0x31: {  	[smem:$0x3FB3] =	sst s10  }
0x32: {  	s10 =	sld [smem:$0x3FB1];
	_ =	sdelay $0x3  }
0x33: {  	p0 =	seq.s32 s10, $0x1;
	s10 =	sld [smem:$0x3FB3];
	_ =	sdelay $0x3  }
0x34: {  	[smem:$0x3FB3] =	sst s10  }
0x35: {  	s10 =	sld [smem:$0x3FB2];
	_ =	sdelay $0x3  }
0x36: {  	p1 =	seq.s32 s10, $0x1;
	s10 =	sld [smem:$0x3FB3];
	_ =	sdelay $0x3  }
0x37: {  	[smem:$0x3FB3] =	sst s10  }
0x38: {  	s10 =	sld [smem:$0x3FB4]  }
0x39: {  	_ = 	snop;
	(pc) =	sbr.ind lr, $3  }
0x3a: {  	_ = 	snop  }
0x3b: {  	_ = 	snop  }
0x3c: {  	p2 =	seq.s32 s10, $0x1;
	s10 =	sld [smem:$0x3FB3]  }
0x3d: {  	_ =	shalt  }
0x3e: {  	_ =	shalt  }
0x3f: {  	_ =	shalt  }
0x40: {  	_ =	shalt  }
0x41: {  	_ =	shalt  }
0x42: {  	_ =	shalt  }
0x43: {  	_ =	shalt  }
0x44: {  	_ =	shalt  }
0x45: {  	_ =	shalt  }
0x46: {  	_ =	shalt  }
0x47: {  	_ =	shalt  }
0x48: {  	_ =	shalt  }
0x49: {  	_ =	shalt  }
0x4a: {  	_ =	shalt  }
0x4b: {  	_ =	shalt  }
0x4c: {  	_ =	shalt  }
0x4d: {  	_ =	shalt  }
0x4e: {  	_ =	shalt  }
0x4f: {  	_ =	shalt  }
0x50: {  	_ =	shalt  }
0x51: {  	_ =	shalt  }
0x52: {  	_ =	shalt  }
0x53: {  	_ =	shalt  }
0x54: {  	_ =	shalt  }
0x55: {  	_ =	shalt  }
0x56: {  	_ =	shalt  }
0x57: {  	_ =	shalt  }
0x58: {  	_ =	shalt  }
0x59: {  	_ =	shalt  }
0x5a: {  	_ =	shalt  }
0x5b: {  	_ =	shalt  }
0x5c: {  	_ =	shalt  }
0x5d: {  	_ =	shalt  }
0x5e: {  	_ =	shalt  }
0x5f: {  	_ =	shalt  }
0x60: {  	_ =	shalt  }
0x61: {  	_ =	shalt  }
0x62: {  	_ =	shalt  }
0x63: {  	_ =	shalt  }
0x64: {  	_ =	shalt  }
0x65: {  	_ =	shalt  }
0x66: {  	_ =	shalt  }
0x67: {  	_ =	shalt  }
0x68: {  	_ =	shalt  }
0x69: {  	_ =	shalt  }
0x6a: {  	_ =	shalt  }
0x6b: {  	_ =	shalt  }
0x6c: {  	_ =	shalt  }
0x6d: {  	_ =	shalt  }
0x6e: {  	_ =	shalt  }
0x6f: {  	_ =	shalt  }
0x70: {  	_ =	shalt  }
0x71: {  	_ =	shalt  }
0x72: {  	_ =	shalt  }
0x73: {  	_ =	shalt  }
0x74: {  	_ =	shalt  }
0x75: {  	_ =	shalt  }
0x76: {  	_ =	shalt  }
0x77: {  	_ =	shalt  }
0x78: {  	_ =	shalt  }
0x79: {  	_ =	shalt  }
0x7a: {  	_ =	shalt  }
0x7b: {  	_ =	shalt  }
0x7c: {  	_ =	shalt  }
0x7d: {  	_ =	shalt  }
0x7e: {  	_ =	shalt  }
0x7f: {  	_ =	shalt  }
0x80: {  	_ =	shalt  }
0x81: {  	_ =	shalt  }
0x82: {  	_ =	shalt  }
0x83: {  	_ =	shalt  }
0x84: {  	_ =	shalt  }
0x85: {  	_ =	shalt  }
0x86: {  	_ =	shalt  }
0x87: {  	_ =	shalt  }
.Lfunc_end0:
.L_simem_size_0:
called_computation.1_lowered:
.L_overlay_start_0:
0x88: {  	s2 =	sld [smem:$0x3FD9]  }
0x89: {  	s3 =	sld [smem:$0x3FFE];
	_ =	sdelay $0x1  }
0x8a: {  	s1 =	srdreg.scid  }
0x8b: {  	s0 =	sand.u32 $0x1, s1  }
0x8c: {  	s17 =	sshll.u32 s0, $0xA;
	s2 =	sadd.s32 s3, s2  }
0x8d: {  	s2 =	sadd.s32 s2, s17  }
0x8e: {  	[smem:$0x3FBF] =	sst s2  }
0x8f: {  	_ = 	snop  }
0x90: {  	s2 =	sld [smem:$0x3FD0];
	(tm) =	ssettm $0x1  }
0x91: {  	s18 =	sld [smem:$0x3FFB];
	_ =	sdelay $0x3  }
0x92: {  	_ =	strace s18  }
0x93: {  	s3 =	sld [smem:$0x3FFC];
	_ =	sdelay $0x3  }
0x94: {  	_ =	strace s3  }
0x95: {  	s3 =	sld [smem:$0x3FFD];
	_ =	sdelay $0x3  }
0x96: {  	_ =	strace s3  }
0x97: {  	_ =	strace $0x8FFFFFFF  }
0x98: {  	s19 =	sld [smem:$0x3FDB];
	_ =	sdelay $0x1  }
0x99: {  	s4 =	simm.s32 $_scs_section_size  }
0x9a: {  	s5 =	simm.s32 $_size__tile_overlayer_lowered;
	s6 =	simm.s32 $_tile_overlayer_lowered  }
0x9b: {  	s22 =	simm.s32 $0x1BFF;
	s21 =	sshll.u32 s6, $0x1;
	s3 =	sadd.s32 s4, s19  }
0x9c: {  	s7 =	simm.s32 $0x0;
	s20 =	sshll.u32 s5, $0x1;
	s5 =	sadd.s32 s21, s3  }
0x9d: {  	[timem:s7], [sflag:s22] =	dma.local [hbm:s5], s20  }
0x9e: {  	_ =	swait.ge [sflag:s22], s20  }
0x9f: {  	s4 =	ssub.s32 $0x0, s20;
	[sflag:s22] =	ssyncset.done $0x0  }
0xa0: {  	[sflag:s22] =	ssyncadd.s32 s4;
	_ =	sdelay $0x1  }
0xa1: {  	s23 =	simm.s32 $0x1B8B  }
0xa2: {  	_ =	swait.ge [sflag:s23], $0x1  }
0xa3: {  	[sflag:s23] =	ssyncset.done $0x0  }
0xa4: {  	s25 =	simm.s32 $0x1B8E;
	s24 =	sld [smem:$0x3FFE];
	[sflag:s23] =	ssyncadd.s32 $0xFFFFFFFF  }
0xa5: {  	s26 =	simm.s32 $execute0_lowered;
	[smem:$0x3FD2] =	sst s25  }
0xa6: {  	s5 =	sshll.u32 s26, $0x1;
	_ =	strace $0x80000049;
	[dreg:$0x1] =	wrdreg $0xFFFFFFFF  }
0xa7: {  	s28 =	simm.s32 $_size_execute0_lowered;
	s3 =	sadd.s32 s3, s5;
	[dreg:$0x0] =	wrdreg $0x0  }
0xa8: {  	s5 =	sshll.u32 s28, $0x1;
	[dreg:$0x2] =	wrdreg s3  }
0xa9: {  	[dreg:$0x3] =	wrdreg s5  }
0xaa: {  	[dreg:$0x4] =	wrdreg $0xC0  }
0xab: {  	_ =	task [dreg:s7], $0x5FFFF  }
0xac: {  	[dreg:$0x1] =	wrdreg $0xFFFFFFFF  }
0xad: {  	[dreg:$0x0] =	wrdreg $0x60  }
0xae: {  	[dreg:$0x2] =	wrdreg s24  }
0xaf: {  	[dreg:$0x3] =	wrdreg s2  }
0xb0: {  	[dreg:$0x4] =	wrdreg $0xB8000  }
0xb1: {  	[dreg:$0x5] =	wrdreg $0x9  }
0xb2: {  	_ =	task.clear_ibuf [dreg:s7], $0x6FFFF;
	_ =	strace $0x90000049  }
0xb3: {  	s29 =	simm.s32 $0x9;
	_ =	strace $0x8000004B  }
0xb4: {  	_ =	swait.ge [sflag:s29], $0x1  }
0xb5: {  	[sflag:s29] =	ssyncadd.s32 $0xFFFFFFFF  }
0xb6: {  	_ =	strace $0x9000004B  }
0xb7: {  	_ =	sfence  }
0xb8: {  	s30 =	sld [smem:$0x0];
	_ =	sdelay $0x2  }
0xb9: {  	s31 =	sshll.u32 s1, $0xD;
	s1 =	sshrl.u32 s1, $0x2  }
0xba: {  	s3 =	sand.u32 $0x4000, s31;
	s1 =	sadd.s32 s1, s30  }
0xbb: {  	s0 =	sor.u32 s3, s0;
	s1 =	sshll.u32 s1, $0x11  }
0xbc: {  	s0 =	sor.u32 s1, s0  }
0xbd: {  	s0 =	sadd.s32 $0x8F2B, s0  }
0xbe: {  	[sflag:s0] =	ssyncadd.remote.s32 $0x1  }
0xbf: {  	_ =	sfence.sel $0xFFFF  }
0xc0: {  	[dreg:$0x0] =	wrdreg $0xFFFFFFFF;
	(pc) =	sbr.abs _section_cstart, $3  }
0xc1: {  	[dreg:$0x1] =	wrdreg $0xFFFFFFFF  }
0xc2: {  	_ =	task.clear_ibuf [dreg:s7], $0x2FFFF;
	_ =	strace $0x9FFFFFFF  }
0xc3: {  	(tm) =	ssettm $0x7FFFFFFF  }
tec
execute0_lowered:
.L_overlay_start_1:
0x0: {  	(tag) =	ssettag $0x1  }
0x1: {  	s5 =	rddreg [dreg:$0x0]  }
0x2: {  	s13 =	rddreg [dreg:$0x1]  }
0x3: {  	s1 =	rddreg [dreg:$0x2]  }
0x4: {  	s2 =	srdreg.scid;
	s0 =	rddreg [dreg:$0x3];
	s3 =	simm.s32 $0x0  }
0x5: {  	s16 =	simm.s32 $0x2800;
	s17 =	simm.s32 $0x5000;
	s18 =	simm.s32 $0x80  }
0x6: {  	s19 =	simm.s32 $0x1;
	s8 =	sand.u32 $0x1, s2;
	s2 =	stileid.u32  }
0x7: {  	[smem:$0x7FF] =	sst s3;
	s4 =	sshll.u32 s8, $0x4;
	s6 =	smul.u32 $0x50000, s2  }
0x8: {  	_ =	strace $0x8000004A;
	s9 =	ssub.s32 $0x2, s8;
	s15 =	smul.u32 $0x28000, s8  }
0x9: {  	s21 =	smul.u32 $0x2800, s2;
	s4 =	sor.u32 s2, s4;
	s10 =	sshrl.u32 s9, $0x1  }
0xa: {  	s7 =	smul.u32 $0x500, s4;
	s4 =	sadd.s32 $0x20400, s5;
	s6 =	sshrl.u32 s6, $0x2  }
0xb: {  	s14 =	ssub.s32 s9, s10;
	s20 =	sadd.s32 s13, s15;
	s15 =	simm.s32 $0x2  }
0xc: {  	s13 =	smax.u32 s14, $0x1;
	s12 =	sadd.s32 s7, s5;
	s5 =	sadd.s32 s6, s1  }
0xd: {  	s14 =	simm.s32 $0x7800;
	s20 =	sadd.s32 s21, s20;
	s6 =	sadd.s32 $0x4000, s5  }
0xe: {  	s7 =	sadd.s32 $0x8000, s5;
	s8 =	sadd.s32 $0xC000, s5;
	s9 =	sadd.s32 $0x10000, s5  }
0xf: {  	v0 =	vimm.f32 $0.0e+00;
	s10 =	sadd.s32 $0xC400, s12;
	s11 =	sadd.s32 $0x2400, s12;
	s12 =	sadd.s32 $0x16400, s12  }
.LBB2_1:
0x10: {  	s21 =	simm.s32 $0x0;
	s22 =	simm.s32 $0x200  }
.LBB2_2:
0x11: {  	p0 =	sne.s32 s22, $0xFE00;
	[tilespmem:s21+$0x7870] =	vst v0  }
0x12: {  	[tilespmem:s21+$0x7800] =	vst v0  }
0x13: {  	[tilespmem:s21+$0x7810] =	vst v0  }
.Ltmp0:
0x14: {  	[tilespmem:s21+$0x7820] =	vst v0;
	(pc) =	sbr.rel @p0 .LBB2_2-.Ltmp0, $4  }
0x15: {  	[tilespmem:s21+$0x7830] =	vst v0  }
0x16: {  	[tilespmem:s21+$0x7840] =	vst v0  }
0x17: {  	[tilespmem:s21+$0x7850] =	vst v0  }
0x18: {  	[tilespmem:s21+$0x7860] =	vst v0;
	s21 =	sshra.s32 s22, $0x2;
	s22 =	sadd.s32 $0x200, s22  }
0x19: {  	[tilespmem:s21+$0x7870] =	vst v0  }
0x1a: {  	[tilespmem:s21+$0x7800] =	vst v0  }
0x1b: {  	[tilespmem:s21+$0x7810] =	vst v0  }
0x1c: {  	[tilespmem:s21+$0x7820] =	vst v0  }
0x1d: {  	[tilespmem:s21+$0x7830] =	vst v0  }
0x1e: {  	[tilespmem:s21+$0x7840] =	vst v0  }
0x1f: {  	[tilespmem:s21+$0x7850] =	vst v0  }
0x20: {  	[tilespmem:s21+$0x7860] =	vst v0  }
0x21: {  	[spmem:s5] =	stream.linear.scatter [tilespmem:s14], [sflag:$0x2], $0x4000, $0x38;
	[tilespmem:$0x1F800] =	vst v63  }
0x22: {  	_ =	swait.ge [sflag:s15], $0x4000  }
0x23: {  	[sflag:s15] =	ssyncset.done $0x0  }
0x24: {  	[sflag:s15] =	ssyncadd.s32 $0xFFFFC000  }
0x25: {  	[spmem:s6] =	stream.linear.scatter [tilespmem:s14], [sflag:$0x2], $0x4000, $0x38;
	[tilespmem:$0x1F800] =	vst v63  }
0x26: {  	_ =	swait.ge [sflag:s15], $0x4000  }
0x27: {  	[sflag:s15] =	ssyncset.done $0x0  }
0x28: {  	[sflag:s15] =	ssyncadd.s32 $0xFFFFC000  }
0x29: {  	[spmem:s7] =	stream.linear.scatter [tilespmem:s14], [sflag:$0x2], $0x4000, $0x38;
	[tilespmem:$0x1F800] =	vst v63  }
0x2a: {  	_ =	swait.ge [sflag:s15], $0x4000  }
0x2b: {  	[sflag:s15] =	ssyncset.done $0x0  }
0x2c: {  	[sflag:s15] =	ssyncadd.s32 $0xFFFFC000  }
0x2d: {  	[spmem:s8] =	stream.linear.scatter [tilespmem:s14], [sflag:$0x2], $0x4000, $0x38;
	[tilespmem:$0x1F800] =	vst v63  }
0x2e: {  	_ =	swait.ge [sflag:s15], $0x4000  }
0x2f: {  	[sflag:s15] =	ssyncset.done $0x0  }
0x30: {  	[sflag:s15] =	ssyncadd.s32 $0xFFFFC000  }
0x31: {  	[spmem:s9] =	stream.linear.scatter [tilespmem:s14], [sflag:$0x2], $0x4000, $0x38;
	[tilespmem:$0x1F800] =	vst v63  }
0x32: {  	_ =	swait.ge [sflag:s15], $0x4000  }
0x33: {  	[sflag:s15] =	ssyncset.done $0x0  }
0x34: {  	s21 =	simm.s32 $0x0;
	[sflag:s15] =	ssyncadd.s32 $0xFFFFC000  }
0x35: {  	[tilespmem:s21], [sflag:$0x2] =	stream.linear.gather [hbm4b:s10+s21], $0x2800, $0x38;
	[tilespmem:$0x1F800] =	vst v63  }
0x36: {  	_ =	swait.ge [sflag:s15], $0x2800  }
0x37: {  	[sflag:s15] =	ssyncset.done $0x0  }
0x38: {  	[sflag:s15] =	ssyncadd.s32 $0xFFFFD800  }
0x39: {  	[tilespmem:s16], [sflag:$0x2] =	stream.linear.gather [hbm4b:s11+s21], $0x2800, $0x38;
	[tilespmem:$0x1F800] =	vst v63  }
0x3a: {  	_ =	swait.ge [sflag:s15], $0x2800  }
0x3b: {  	[sflag:s15] =	ssyncset.done $0x0  }
0x3c: {  	[sflag:s15] =	ssyncadd.s32 $0xFFFFD800  }
0x3d: {  	[tilespmem:s17], [sflag:$0x2] =	stream.linear.gather [hbm4b:s12+s21], $0x2800, $0x38;
	[tilespmem:$0x1F800] =	vst v63  }
0x3e: {  	_ =	swait.ge [sflag:s15], $0x2800  }
0x3f: {  	[sflag:s15] =	ssyncset.done $0x0  }
0x40: {  	[sflag:s15] =	ssyncadd.s32 $0xFFFFD800  }
0x41: {  	[bflag:$0x0] =	sbarrier.arrive $0xFFFF  }
.LBB2_4:
0x42: {  	s22 =	sshll.u32 s21, $0x7  }
0x43: {  	[tilespmem:s14], [sflag:$0x1] =	stream.indirect.gather [hbm4b:s4+s18], $0x80, s22, s18, $0xb8;
	[tilespmem:$0x1F800] =	vst v63  }
0x44: {  	_ =	swait.ge [sflag:s19], $0x4000  }
0x45: {  	[sflag:s19] =	ssyncset.done $0x0  }
0x46: {  	s23 =	simm.s32 $0x0;
	v1 =	vmov s22;
	[sflag:s19] =	ssyncadd.s32 $0xFFFFC000  }
.LBB2_5:
0x47: {  	s24 =	sshll.u32 s23, $0x4  }
0x48: {  	v2 =	vmov s24  }
0x49: {  	v2 =	vand.u32 $0x70, v2  }
0x4a: {  	v2 =	vor.u32 v1, v2  }
0x4b: {  	v2 =	vbroadcast v2, $0x0;
	_ =	sdelay $0x2  }
0x4c: {  	s25 =	sshll.u32 s23, $0xB  }
0x4d: {  	s25 =	sand.u32 $0x3FFFF800, s25  }
0x4e: {  	v3 =	vld [tilespmem:s25+$0x7800]  }
0x4f: {  	v2 =	vld.idx.msk [tilespmem:v2+s17+$0x0], $0xffff  }
0x50: {  	v4 =	vld [tilespmem:s25+$0x7810]  }
0x51: {  	v5 =	vld [tilespmem:s25+$0x7820]  }
0x52: {  	v6 =	vld [tilespmem:s25+$0x7830]  }
0x53: {  	v7 =	vld [tilespmem:s25+$0x7840]  }
0x54: {  	s26 =	sor.u32 $0x1, s24;
	v8 =	vld [tilespmem:s25+$0x7850];
	v3 =	vmul.f32 v3, v2  }
0x55: {  	v9 =	vld [tilespmem:s25+$0x7860];
	v10 =	vmov s26;
	v4 =	vmul.f32 v4, v2  }
0x56: {  	v16 =	vld [tilespmem:s25+$0x7870];
	v10 =	vand.u32 $0x71, v10;
	[tilespmem:s25+$0x7800] =	vst v3;
	v3 =	vmul.f32 v5, v2  }
0x57: {  	v18 =	vor.u32 v1, v10;
	v17 =	vmul.f32 v6, v2;
	[tilespmem:s25+$0x7810] =	vst v4  }
0x58: {  	v6 =	vbroadcast v18, $0x0;
	[tilespmem:s25+$0x7820] =	vst v3;
	v3 =	vmul.f32 v7, v2  }
0x59: {  	v19 =	vmul.f32 v8, v2;
	[tilespmem:s25+$0x7830] =	vst v17  }
0x5a: {  	[tilespmem:s25+$0x7840] =	vst v3;
	v3 =	vmul.f32 v9, v2  }
0x5b: {  	[tilespmem:s25+$0x7850] =	vst v19;
	v2 =	vmul.f32 v16, v2  }
0x5c: {  	[tilespmem:s25+$0x7860] =	vst v3  }
0x5d: {  	s30 =	sshll.u32 s26, $0x7;
	[tilespmem:s25+$0x7870] =	vst v2  }
0x5e: {  	s25 =	sand.u32 $0x3FFFF880, s30;
	v2 =	vld.idx.msk [tilespmem:v6+s17+$0x0], $0xffff  }
0x5f: {  	v3 =	vld [tilespmem:s25+$0x7800]  }
0x60: {  	v4 =	vld [tilespmem:s25+$0x7810]  }
0x61: {  	v20 =	vld [tilespmem:s25+$0x7820]  }
0x62: {  	v21 =	vld [tilespmem:s25+$0x7830]  }
0x63: {  	v22 =	vld [tilespmem:s25+$0x7840]  }
0x64: {  	s31 =	sor.u32 $0x2, s24;
	v23 =	vld [tilespmem:s25+$0x7850];
	v3 =	vmul.f32 v3, v2  }
0x65: {  	v25 =	vmov s31;
	v24 =	vld [tilespmem:s25+$0x7860];
	v4 =	vmul.f32 v4, v2  }
0x66: {  	v10 =	vand.u32 $0x72, v25;
	v26 =	vld [tilespmem:s25+$0x7870];
	[tilespmem:s25+$0x7800] =	vst v3;
	v3 =	vmul.f32 v20, v2  }
0x67: {  	v28 =	vor.u32 v1, v10;
	v27 =	vmul.f32 v21, v2;
	[tilespmem:s25+$0x7810] =	vst v4  }
0x68: {  	v6 =	vbroadcast v28, $0x0;
	[tilespmem:s25+$0x7820] =	vst v3;
	v3 =	vmul.f32 v22, v2  }
0x69: {  	v29 =	vmul.f32 v23, v2;
	[tilespmem:s25+$0x7830] =	vst v27  }
0x6a: {  	[tilespmem:s25+$0x7840] =	vst v3;
	v3 =	vmul.f32 v24, v2  }
0x6b: {  	[tilespmem:s25+$0x7850] =	vst v29;
	v2 =	vmul.f32 v26, v2  }
0x6c: {  	[tilespmem:s25+$0x7860] =	vst v3  }
0x6d: {  	s28 =	sshll.u32 s31, $0x7;
	[tilespmem:s25+$0x7870] =	vst v2  }
0x6e: {  	s25 =	sand.u32 $0x3FFFF900, s28;
	v2 =	vld.idx.msk [tilespmem:v6+s17+$0x0], $0xffff  }
0x6f: {  	v3 =	vld [tilespmem:s25+$0x7800]  }
0x70: {  	v4 =	vld [tilespmem:s25+$0x7810]  }
0x71: {  	v30 =	vld [tilespmem:s25+$0x7820]  }
0x72: {  	v31 =	vld [tilespmem:s25+$0x7830]  }
0x73: {  	v32 =	vld [tilespmem:s25+$0x7840]  }
0x74: {  	s29 =	sor.u32 $0x3, s24;
	v33 =	vld [tilespmem:s25+$0x7850];
	v3 =	vmul.f32 v3, v2  }
0x75: {  	v35 =	vmov s29;
	v34 =	vld [tilespmem:s25+$0x7860];
	v4 =	vmul.f32 v4, v2  }
0x76: {  	v10 =	vand.u32 $0x73, v35;
	v36 =	vld [tilespmem:s25+$0x7870];
	[tilespmem:s25+$0x7800] =	vst v3;
	v3 =	vmul.f32 v30, v2  }
0x77: {  	v38 =	vor.u32 v1, v10;
	v37 =	vmul.f32 v31, v2;
	[tilespmem:s25+$0x7810] =	vst v4  }
0x78: {  	v6 =	vbroadcast v38, $0x0;
	[tilespmem:s25+$0x7820] =	vst v3;
	v3 =	vmul.f32 v32, v2  }
0x79: {  	v39 =	vmul.f32 v33, v2;
	[tilespmem:s25+$0x7830] =	vst v37  }
0x7a: {  	[tilespmem:s25+$0x7840] =	vst v3;
	v3 =	vmul.f32 v34, v2  }
0x7b: {  	[tilespmem:s25+$0x7850] =	vst v39;
	v2 =	vmul.f32 v36, v2  }
0x7c: {  	[tilespmem:s25+$0x7860] =	vst v3  }
0x7d: {  	s30 =	sshll.u32 s29, $0x7;
	[tilespmem:s25+$0x7870] =	vst v2  }
0x7e: {  	s25 =	sand.u32 $0x3FFFF980, s30;
	v2 =	vld.idx.msk [tilespmem:v6+s17+$0x0], $0xffff  }
0x7f: {  	v3 =	vld [tilespmem:s25+$0x7800]  }
0x80: {  	v4 =	vld [tilespmem:s25+$0x7810]  }
0x81: {  	v40 =	vld [tilespmem:s25+$0x7820]  }
0x82: {  	v41 =	vld [tilespmem:s25+$0x7830]  }
0x83: {  	v42 =	vld [tilespmem:s25+$0x7840]  }
0x84: {  	s31 =	sor.u32 $0x4, s24;
	v43 =	vld [tilespmem:s25+$0x7850];
	v3 =	vmul.f32 v3, v2  }
0x85: {  	v45 =	vmov s31;
	v44 =	vld [tilespmem:s25+$0x7860];
	v4 =	vmul.f32 v4, v2  }
0x86: {  	v10 =	vand.u32 $0x74, v45;
	v46 =	vld [tilespmem:s25+$0x7870];
	[tilespmem:s25+$0x7800] =	vst v3;
	v3 =	vmul.f32 v40, v2  }
0x87: {  	v48 =	vor.u32 v1, v10;
	v47 =	vmul.f32 v41, v2;
	[tilespmem:s25+$0x7810] =	vst v4  }
0x88: {  	v6 =	vbroadcast v48, $0x0;
	[tilespmem:s25+$0x7820] =	vst v3;
	v3 =	vmul.f32 v42, v2  }
0x89: {  	v49 =	vmul.f32 v43, v2;
	[tilespmem:s25+$0x7830] =	vst v47  }
0x8a: {  	[tilespmem:s25+$0x7840] =	vst v3;
	v3 =	vmul.f32 v44, v2  }
0x8b: {  	[tilespmem:s25+$0x7850] =	vst v49;
	v2 =	vmul.f32 v46, v2  }
0x8c: {  	[tilespmem:s25+$0x7860] =	vst v3  }
0x8d: {  	s28 =	sshll.u32 s31, $0x7;
	[tilespmem:s25+$0x7870] =	vst v2  }
0x8e: {  	s25 =	sand.u32 $0x3FFFFA00, s28;
	v2 =	vld.idx.msk [tilespmem:v6+s17+$0x0], $0xffff  }
0x8f: {  	v3 =	vld [tilespmem:s25+$0x7800]  }
0x90: {  	v4 =	vld [tilespmem:s25+$0x7810]  }
0x91: {  	v50 =	vld [tilespmem:s25+$0x7820]  }
0x92: {  	v51 =	vld [tilespmem:s25+$0x7830]  }
0x93: {  	v52 =	vld [tilespmem:s25+$0x7840]  }
0x94: {  	s29 =	sor.u32 $0x5, s24;
	v53 =	vld [tilespmem:s25+$0x7850];
	v3 =	vmul.f32 v3, v2  }
0x95: {  	v55 =	vmov s29;
	v54 =	vld [tilespmem:s25+$0x7860];
	v4 =	vmul.f32 v4, v2  }
0x96: {  	v10 =	vand.u32 $0x75, v55;
	v56 =	vld [tilespmem:s25+$0x7870];
	[tilespmem:s25+$0x7800] =	vst v3;
	v3 =	vmul.f32 v50, v2  }
0x97: {  	v58 =	vor.u32 v1, v10;
	v57 =	vmul.f32 v51, v2;
	[tilespmem:s25+$0x7810] =	vst v4  }
0x98: {  	v6 =	vbroadcast v58, $0x0;
	[tilespmem:s25+$0x7820] =	vst v3;
	v3 =	vmul.f32 v52, v2  }
0x99: {  	v59 =	vmul.f32 v53, v2;
	[tilespmem:s25+$0x7830] =	vst v57  }
0x9a: {  	[tilespmem:s25+$0x7840] =	vst v3;
	v3 =	vmul.f32 v54, v2  }
0x9b: {  	[tilespmem:s25+$0x7850] =	vst v59;
	v2 =	vmul.f32 v56, v2  }
0x9c: {  	[tilespmem:s25+$0x7860] =	vst v3  }
0x9d: {  	s30 =	sshll.u32 s29, $0x7;
	[tilespmem:s25+$0x7870] =	vst v2  }
0x9e: {  	s25 =	sand.u32 $0x3FFFFA80, s30;
	v2 =	vld.idx.msk [tilespmem:v6+s17+$0x0], $0xffff  }
0x9f: {  	v3 =	vld [tilespmem:s25+$0x7800]  }
0xa0: {  	v4 =	vld [tilespmem:s25+$0x7810]  }
0xa1: {  	v60 =	vld [tilespmem:s25+$0x7820]  }
0xa2: {  	v61 =	vld [tilespmem:s25+$0x7830]  }
0xa3: {  	v62 =	vld [tilespmem:s25+$0x7840]  }
0xa4: {  	s31 =	sor.u32 $0x6, s24;
	v63 =	vld [tilespmem:s25+$0x7850];
	v3 =	vmul.f32 v3, v2  }
0xa5: {  	v13 =	vmov s31;
	v12 =	vld [tilespmem:s25+$0x7860];
	v4 =	vmul.f32 v4, v2  }
0xa6: {  	v10 =	vand.u32 $0x76, v13;
	v14 =	vld [tilespmem:s25+$0x7870];
	[tilespmem:s25+$0x7800] =	vst v3;
	v3 =	vmul.f32 v60, v2  }
0xa7: {  	v16 =	vor.u32 v1, v10;
	v15 =	vmul.f32 v61, v2;
	[tilespmem:s25+$0x7810] =	vst v4  }
0xa8: {  	v6 =	vbroadcast v16, $0x0;
	[tilespmem:s25+$0x7820] =	vst v3;
	v3 =	vmul.f32 v62, v2  }
0xa9: {  	v17 =	vmul.f32 v63, v2;
	[tilespmem:s25+$0x7830] =	vst v15  }
0xaa: {  	[tilespmem:s25+$0x7840] =	vst v3;
	v3 =	vmul.f32 v12, v2  }
0xab: {  	[tilespmem:s25+$0x7850] =	vst v17;
	v2 =	vmul.f32 v14, v2  }
0xac: {  	[tilespmem:s25+$0x7860] =	vst v3  }
0xad: {  	s28 =	sshll.u32 s31, $0x7;
	[tilespmem:s25+$0x7870] =	vst v2  }
0xae: {  	s25 =	sand.u32 $0x3FFFFB00, s28;
	v2 =	vld.idx.msk [tilespmem:v6+s17+$0x0], $0xffff  }
0xaf: {  	v3 =	vld [tilespmem:s25+$0x7800]  }
0xb0: {  	v4 =	vld [tilespmem:s25+$0x7810]  }
0xb1: {  	v18 =	vld [tilespmem:s25+$0x7820]  }
0xb2: {  	v19 =	vld [tilespmem:s25+$0x7830]  }
0xb3: {  	v20 =	vld [tilespmem:s25+$0x7840]  }
0xb4: {  	s29 =	sor.u32 $0x7, s24;
	v21 =	vld [tilespmem:s25+$0x7850];
	v3 =	vmul.f32 v3, v2  }
0xb5: {  	v23 =	vmov s29;
	v22 =	vld [tilespmem:s25+$0x7860];
	v4 =	vmul.f32 v4, v2  }
0xb6: {  	v10 =	vand.u32 $0x77, v23;
	v24 =	vld [tilespmem:s25+$0x7870];
	[tilespmem:s25+$0x7800] =	vst v3;
	v3 =	vmul.f32 v18, v2  }
0xb7: {  	v26 =	vor.u32 v1, v10;
	v25 =	vmul.f32 v19, v2;
	[tilespmem:s25+$0x7810] =	vst v4  }
0xb8: {  	v6 =	vbroadcast v26, $0x0;
	[tilespmem:s25+$0x7820] =	vst v3;
	v3 =	vmul.f32 v20, v2  }
0xb9: {  	v27 =	vmul.f32 v21, v2;
	[tilespmem:s25+$0x7830] =	vst v25  }
0xba: {  	[tilespmem:s25+$0x7840] =	vst v3;
	v3 =	vmul.f32 v22, v2  }
0xbb: {  	[tilespmem:s25+$0x7850] =	vst v27;
	v2 =	vmul.f32 v24, v2  }
0xbc: {  	[tilespmem:s25+$0x7860] =	vst v3  }
0xbd: {  	s30 =	sshll.u32 s29, $0x7;
	[tilespmem:s25+$0x7870] =	vst v2  }
0xbe: {  	s25 =	sand.u32 $0x3FFFFB80, s30;
	v2 =	vld.idx.msk [tilespmem:v6+s17+$0x0], $0xffff  }
0xbf: {  	v3 =	vld [tilespmem:s25+$0x7800]  }
0xc0: {  	v4 =	vld [tilespmem:s25+$0x7810]  }
0xc1: {  	v28 =	vld [tilespmem:s25+$0x7820]  }
0xc2: {  	v29 =	vld [tilespmem:s25+$0x7830]  }
0xc3: {  	v30 =	vld [tilespmem:s25+$0x7840]  }
0xc4: {  	s31 =	sor.u32 $0x8, s24;
	v31 =	vld [tilespmem:s25+$0x7850];
	v3 =	vmul.f32 v3, v2  }
0xc5: {  	v33 =	vmov s31;
	v32 =	vld [tilespmem:s25+$0x7860];
	v4 =	vmul.f32 v4, v2  }
0xc6: {  	v10 =	vand.u32 $0x78, v33;
	v34 =	vld [tilespmem:s25+$0x7870];
	[tilespmem:s25+$0x7800] =	vst v3;
	v3 =	vmul.f32 v28, v2  }
0xc7: {  	v36 =	vor.u32 v1, v10;
	v35 =	vmul.f32 v29, v2;
	[tilespmem:s25+$0x7810] =	vst v4  }
0xc8: {  	v6 =	vbroadcast v36, $0x0;
	[tilespmem:s25+$0x7820] =	vst v3;
	v3 =	vmul.f32 v30, v2  }
0xc9: {  	v37 =	vmul.f32 v31, v2;
	[tilespmem:s25+$0x7830] =	vst v35  }
0xca: {  	[tilespmem:s25+$0x7840] =	vst v3;
	v3 =	vmul.f32 v32, v2  }
0xcb: {  	[tilespmem:s25+$0x7850] =	vst v37;
	v2 =	vmul.f32 v34, v2  }
0xcc: {  	[tilespmem:s25+$0x7860] =	vst v3  }
0xcd: {  	s28 =	sshll.u32 s31, $0x7;
	[tilespmem:s25+$0x7870] =	vst v2  }
0xce: {  	s25 =	sand.u32 $0x3FFFFC00, s28;
	v2 =	vld.idx.msk [tilespmem:v6+s17+$0x0], $0xffff  }
0xcf: {  	v3 =	vld [tilespmem:s25+$0x7800]  }
0xd0: {  	v4 =	vld [tilespmem:s25+$0x7810]  }
0xd1: {  	v38 =	vld [tilespmem:s25+$0x7820]  }
0xd2: {  	v39 =	vld [tilespmem:s25+$0x7830]  }
0xd3: {  	v40 =	vld [tilespmem:s25+$0x7840]  }
0xd4: {  	s29 =	sor.u32 $0x9, s24;
	v41 =	vld [tilespmem:s25+$0x7850];
	v3 =	vmul.f32 v3, v2  }
0xd5: {  	v43 =	vmov s29;
	v42 =	vld [tilespmem:s25+$0x7860];
	v4 =	vmul.f32 v4, v2  }
0xd6: {  	v10 =	vand.u32 $0x79, v43;
	v44 =	vld [tilespmem:s25+$0x7870];
	[tilespmem:s25+$0x7800] =	vst v3;
	v3 =	vmul.f32 v38, v2  }
0xd7: {  	v46 =	vor.u32 v1, v10;
	v45 =	vmul.f32 v39, v2;
	[tilespmem:s25+$0x7810] =	vst v4  }
0xd8: {  	v6 =	vbroadcast v46, $0x0;
	[tilespmem:s25+$0x7820] =	vst v3;
	v3 =	vmul.f32 v40, v2  }
0xd9: {  	v47 =	vmul.f32 v41, v2;
	[tilespmem:s25+$0x7830] =	vst v45  }
0xda: {  	[tilespmem:s25+$0x7840] =	vst v3;
	v3 =	vmul.f32 v42, v2  }
0xdb: {  	[tilespmem:s25+$0x7850] =	vst v47;
	v2 =	vmul.f32 v44, v2  }
0xdc: {  	[tilespmem:s25+$0x7860] =	vst v3  }
0xdd: {  	s30 =	sshll.u32 s29, $0x7;
	[tilespmem:s25+$0x7870] =	vst v2  }
0xde: {  	s25 =	sand.u32 $0x3FFFFC80, s30;
	v2 =	vld.idx.msk [tilespmem:v6+s17+$0x0], $0xffff  }
0xdf: {  	v3 =	vld [tilespmem:s25+$0x7800]  }
0xe0: {  	v4 =	vld [tilespmem:s25+$0x7810]  }
0xe1: {  	v48 =	vld [tilespmem:s25+$0x7820]  }
0xe2: {  	v49 =	vld [tilespmem:s25+$0x7830]  }
0xe3: {  	v50 =	vld [tilespmem:s25+$0x7840]  }
0xe4: {  	s31 =	sor.u32 $0xA, s24;
	v51 =	vld [tilespmem:s25+$0x7850];
	v3 =	vmul.f32 v3, v2  }
0xe5: {  	v53 =	vmov s31;
	v52 =	vld [tilespmem:s25+$0x7860];
	v4 =	vmul.f32 v4, v2  }
0xe6: {  	v10 =	vand.u32 $0x7A, v53;
	v54 =	vld [tilespmem:s25+$0x7870];
	[tilespmem:s25+$0x7800] =	vst v3;
	v3 =	vmul.f32 v48, v2  }
0xe7: {  	v56 =	vor.u32 v1, v10;
	v55 =	vmul.f32 v49, v2;
	[tilespmem:s25+$0x7810] =	vst v4  }
0xe8: {  	v6 =	vbroadcast v56, $0x0;
	[tilespmem:s25+$0x7820] =	vst v3;
	v3 =	vmul.f32 v50, v2  }
0xe9: {  	v57 =	vmul.f32 v51, v2;
	[tilespmem:s25+$0x7830] =	vst v55  }
0xea: {  	[tilespmem:s25+$0x7840] =	vst v3;
	v3 =	vmul.f32 v52, v2  }
0xeb: {  	[tilespmem:s25+$0x7850] =	vst v57;
	v2 =	vmul.f32 v54, v2  }
0xec: {  	[tilespmem:s25+$0x7860] =	vst v3  }
0xed: {  	s28 =	sshll.u32 s31, $0x7;
	[tilespmem:s25+$0x7870] =	vst v2  }
0xee: {  	s25 =	sand.u32 $0x3FFFFD00, s28;
	v2 =	vld.idx.msk [tilespmem:v6+s17+$0x0], $0xffff  }
0xef: {  	v3 =	vld [tilespmem:s25+$0x7800]  }
0xf0: {  	v4 =	vld [tilespmem:s25+$0x7810]  }
0xf1: {  	v58 =	vld [tilespmem:s25+$0x7820]  }
0xf2: {  	v59 =	vld [tilespmem:s25+$0x7830]  }
0xf3: {  	v60 =	vld [tilespmem:s25+$0x7840]  }
0xf4: {  	s29 =	sor.u32 $0xB, s24;
	v61 =	vld [tilespmem:s25+$0x7850];
	v3 =	vmul.f32 v3, v2  }
0xf5: {  	v63 =	vmov s29;
	v62 =	vld [tilespmem:s25+$0x7860];
	v4 =	vmul.f32 v4, v2  }
0xf6: {  	v10 =	vand.u32 $0x7B, v63;
	v12 =	vld [tilespmem:s25+$0x7870];
	[tilespmem:s25+$0x7800] =	vst v3;
	v3 =	vmul.f32 v58, v2  }
0xf7: {  	v14 =	vor.u32 v1, v10;
	v13 =	vmul.f32 v59, v2;
	[tilespmem:s25+$0x7810] =	vst v4  }
0xf8: {  	v6 =	vbroadcast v14, $0x0;
	[tilespmem:s25+$0x7820] =	vst v3;
	v3 =	vmul.f32 v60, v2  }
0xf9: {  	v15 =	vmul.f32 v61, v2;
	[tilespmem:s25+$0x7830] =	vst v13  }
0xfa: {  	[tilespmem:s25+$0x7840] =	vst v3;
	v3 =	vmul.f32 v62, v2  }
0xfb: {  	[tilespmem:s25+$0x7850] =	vst v15;
	v2 =	vmul.f32 v12, v2  }
0xfc: {  	[tilespmem:s25+$0x7860] =	vst v3  }
0xfd: {  	s30 =	sshll.u32 s29, $0x7;
	[tilespmem:s25+$0x7870] =	vst v2  }
0xfe: {  	s25 =	sand.u32 $0x3FFFFD80, s30;
	v2 =	vld.idx.msk [tilespmem:v6+s17+$0x0], $0xffff  }
0xff: {  	v3 =	vld [tilespmem:s25+$0x7800]  }
0x100: {  	v4 =	vld [tilespmem:s25+$0x7810]  }
0x101: {  	v16 =	vld [tilespmem:s25+$0x7820]  }
0x102: {  	v17 =	vld [tilespmem:s25+$0x7830]  }
0x103: {  	v18 =	vld [tilespmem:s25+$0x7840]  }
0x104: {  	s31 =	sor.u32 $0xC, s24;
	v19 =	vld [tilespmem:s25+$0x7850];
	v3 =	vmul.f32 v3, v2  }
0x105: {  	v21 =	vmov s31;
	v20 =	vld [tilespmem:s25+$0x7860];
	v4 =	vmul.f32 v4, v2  }
0x106: {  	v10 =	vand.u32 $0x7C, v21;
	v22 =	vld [tilespmem:s25+$0x7870];
	[tilespmem:s25+$0x7800] =	vst v3;
	v3 =	vmul.f32 v16, v2  }
0x107: {  	v24 =	vor.u32 v1, v10;
	v23 =	vmul.f32 v17, v2;
	[tilespmem:s25+$0x7810] =	vst v4  }
0x108: {  	v6 =	vbroadcast v24, $0x0;
	[tilespmem:s25+$0x7820] =	vst v3;
	v3 =	vmul.f32 v18, v2  }
0x109: {  	v25 =	vmul.f32 v19, v2;
	[tilespmem:s25+$0x7830] =	vst v23  }
0x10a: {  	[tilespmem:s25+$0x7840] =	vst v3;
	v3 =	vmul.f32 v20, v2  }
0x10b: {  	[tilespmem:s25+$0x7850] =	vst v25;
	v2 =	vmul.f32 v22, v2  }
0x10c: {  	[tilespmem:s25+$0x7860] =	vst v3  }
0x10d: {  	s26 =	sshll.u32 s31, $0x7;
	[tilespmem:s25+$0x7870] =	vst v2  }
0x10e: {  	s25 =	sand.u32 $0x3FFFFE00, s26;
	v2 =	vld.idx.msk [tilespmem:v6+s17+$0x0], $0xffff  }
0x10f: {  	v3 =	vld [tilespmem:s25+$0x7800]  }
0x110: {  	v4 =	vld [tilespmem:s25+$0x7810]  }
0x111: {  	v26 =	vld [tilespmem:s25+$0x7820]  }
0x112: {  	v27 =	vld [tilespmem:s25+$0x7830]  }
0x113: {  	v28 =	vld [tilespmem:s25+$0x7840]  }
0x114: {  	s28 =	sor.u32 $0xD, s24;
	v29 =	vld [tilespmem:s25+$0x7850];
	v3 =	vmul.f32 v3, v2  }
0x115: {  	v31 =	vmov s28;
	v30 =	vld [tilespmem:s25+$0x7860];
	v4 =	vmul.f32 v4, v2  }
0x116: {  	v10 =	vand.u32 $0x7D, v31;
	v32 =	vld [tilespmem:s25+$0x7870];
	[tilespmem:s25+$0x7800] =	vst v3;
	v3 =	vmul.f32 v26, v2  }
0x117: {  	v34 =	vor.u32 v1, v10;
	v33 =	vmul.f32 v27, v2;
	[tilespmem:s25+$0x7810] =	vst v4  }
0x118: {  	v6 =	vbroadcast v34, $0x0;
	[tilespmem:s25+$0x7820] =	vst v3;
	v3 =	vmul.f32 v28, v2  }
0x119: {  	v35 =	vmul.f32 v29, v2;
	[tilespmem:s25+$0x7830] =	vst v33  }
0x11a: {  	[tilespmem:s25+$0x7840] =	vst v3;
	v3 =	vmul.f32 v30, v2  }
0x11b: {  	[tilespmem:s25+$0x7850] =	vst v35;
	v2 =	vmul.f32 v32, v2  }
0x11c: {  	[tilespmem:s25+$0x7860] =	vst v3  }
0x11d: {  	s29 =	sshll.u32 s28, $0x7;
	[tilespmem:s25+$0x7870] =	vst v2  }
0x11e: {  	s25 =	sand.u32 $0x3FFFFE80, s29;
	v2 =	vld.idx.msk [tilespmem:v6+s17+$0x0], $0xffff  }
0x11f: {  	v3 =	vld [tilespmem:s25+$0x7800]  }
0x120: {  	v4 =	vld [tilespmem:s25+$0x7810]  }
0x121: {  	v36 =	vld [tilespmem:s25+$0x7820]  }
0x122: {  	v37 =	vld [tilespmem:s25+$0x7830]  }
0x123: {  	v38 =	vld [tilespmem:s25+$0x7840]  }
0x124: {  	s24 =	sor.u32 $0xE, s24;
	v39 =	vld [tilespmem:s25+$0x7850];
	v3 =	vmul.f32 v3, v2  }
0x125: {  	v41 =	vmov s24;
	v40 =	vld [tilespmem:s25+$0x7860];
	v4 =	vmul.f32 v4, v2  }
0x126: {  	v10 =	vand.u32 $0x7E, v41;
	v42 =	vld [tilespmem:s25+$0x7870];
	[tilespmem:s25+$0x7800] =	vst v3;
	v3 =	vmul.f32 v36, v2  }
0x127: {  	v44 =	vor.u32 v1, v10;
	v43 =	vmul.f32 v37, v2;
	[tilespmem:s25+$0x7810] =	vst v4  }
0x128: {  	v6 =	vbroadcast v44, $0x0;
	[tilespmem:s25+$0x7820] =	vst v3;
	v3 =	vmul.f32 v38, v2  }
0x129: {  	v45 =	vmul.f32 v39, v2;
	[tilespmem:s25+$0x7830] =	vst v43  }
0x12a: {  	[tilespmem:s25+$0x7840] =	vst v3;
	v3 =	vmul.f32 v40, v2  }
0x12b: {  	[tilespmem:s25+$0x7850] =	vst v45;
	v2 =	vmul.f32 v42, v2  }
0x12c: {  	[tilespmem:s25+$0x7860] =	vst v3  }
0x12d: {  	s24 =	sshll.u32 s24, $0x7;
	[tilespmem:s25+$0x7870] =	vst v2  }
0x12e: {  	s24 =	sand.u32 $0x3FFFFF00, s24;
	v2 =	vld.idx.msk [tilespmem:v6+s17+$0x0], $0xffff  }
0x12f: {  	v3 =	vld [tilespmem:s24+$0x7800]  }
0x130: {  	v4 =	vld [tilespmem:s24+$0x7810]  }
0x131: {  	v46 =	vld [tilespmem:s24+$0x7820]  }
0x132: {  	v47 =	vld [tilespmem:s24+$0x7830]  }
0x133: {  	v48 =	vld [tilespmem:s24+$0x7840]  }
0x134: {  	s30 =	sshllo.u32 s23, $0x4;
	v49 =	vld [tilespmem:s24+$0x7850];
	v3 =	vmul.f32 v3, v2  }
0x135: {  	v51 =	vmov s30;
	v50 =	vld [tilespmem:s24+$0x7860];
	v4 =	vmul.f32 v4, v2  }
0x136: {  	v10 =	vand.u32 $0x7F, v51;
	v52 =	vld [tilespmem:s24+$0x7870];
	[tilespmem:s24+$0x7800] =	vst v3;
	v3 =	vmul.f32 v46, v2  }
0x137: {  	v54 =	vor.u32 v1, v10;
	v53 =	vmul.f32 v47, v2;
	[tilespmem:s24+$0x7810] =	vst v4  }
0x138: {  	v6 =	vbroadcast v54, $0x0;
	[tilespmem:s24+$0x7820] =	vst v3;
	v3 =	vmul.f32 v48, v2  }
0x139: {  	v55 =	vmul.f32 v49, v2;
	[tilespmem:s24+$0x7830] =	vst v53  }
0x13a: {  	[tilespmem:s24+$0x7840] =	vst v3;
	v3 =	vmul.f32 v50, v2  }
0x13b: {  	[tilespmem:s24+$0x7850] =	vst v55;
	v2 =	vmul.f32 v52, v2  }
0x13c: {  	[tilespmem:s24+$0x7860] =	vst v3  }
0x13d: {  	s31 =	sshll.u32 s30, $0x7;
	[tilespmem:s24+$0x7870] =	vst v2  }
0x13e: {  	s24 =	sand.u32 $0x3FFFFF80, s31;
	v2 =	vld.idx.msk [tilespmem:v6+s17+$0x0], $0xffff  }
0x13f: {  	v3 =	vld [tilespmem:s24+$0x7800]  }
0x140: {  	v4 =	vld [tilespmem:s24+$0x7810]  }
0x141: {  	v56 =	vld [tilespmem:s24+$0x7820]  }
0x142: {  	v57 =	vld [tilespmem:s24+$0x7830]  }
0x143: {  	v58 =	vld [tilespmem:s24+$0x7840]  }
0x144: {  	v59 =	vld [tilespmem:s24+$0x7850];
	v3 =	vmul.f32 v3, v2  }
0x145: {  	v60 =	vld [tilespmem:s24+$0x7860];
	v4 =	vmul.f32 v4, v2  }
0x146: {  	v61 =	vld [tilespmem:s24+$0x7870];
	[tilespmem:s24+$0x7800] =	vst v3;
	v3 =	vmul.f32 v56, v2  }
0x147: {  	v62 =	vmul.f32 v57, v2;
	[tilespmem:s24+$0x7810] =	vst v4  }
0x148: {  	p0 =	sne.s32 s23, $0x7;
	[tilespmem:s24+$0x7820] =	vst v3;
	v3 =	vmul.f32 v58, v2  }
.Ltmp1:
0x149: {  	v63 =	vmul.f32 v59, v2;
	[tilespmem:s24+$0x7830] =	vst v62;
	(pc) =	sbr.rel @p0 .LBB2_5-.Ltmp1, $4  }
0x14a: {  	[tilespmem:s24+$0x7840] =	vst v3;
	v3 =	vmul.f32 v60, v2  }
0x14b: {  	[tilespmem:s24+$0x7850] =	vst v63;
	v2 =	vmul.f32 v61, v2  }
0x14c: {  	[tilespmem:s24+$0x7860] =	vst v3  }
0x14d: {  	s23 =	sadd.s32 $0x1, s23;
	[tilespmem:s24+$0x7870] =	vst v2  }
0x14e: {  	s21 =	sadd.s32 $0x1, s21  }
0x14f: {  	p0 =	sne.s32 s21, $0x50  }
.Ltmp2:
0x150: {  	s22 =	sadd.s32 $0x2800, s22;
	(pc) =	sbr.rel @p0 .LBB2_4-.Ltmp2, $4  }
0x151: {  	[spmem:s1] =	stream.indirect.scatter.add.f32 [tilespmem:s14], [sflag:$0x2], $0x80, s22, s18, $0xb8;
	[tilespmem:$0x1F800] =	vst v63  }
0x152: {  	_ =	swait.ge [sflag:s15], $0x4000  }
0x153: {  	[sflag:s15] =	ssyncset.done $0x0  }
0x154: {  	[sflag:s15] =	ssyncadd.s32 $0xFFFFC000  }
0x155: {  	s3 =	sadd.s32 $0x1, s3  }
0x156: {  	s21 =	sshll.u32 s2, $0x6;
	[bflag:$0x0] =	sbarrier.arrive $0xFFFF;
	p0 =	sne.s32 s3, s13  }
.Ltmp3:
0x157: {  	s22 =	sshrl.u32 s5, $0x3;
	s21 =	sor.u32 $0x1C02, s21;
	(pc) =	sbr.rel @p0 .LBB2_1-.Ltmp3, $4  }
0x158: {  	[hbm:s20], [sflag:s21] =	dma.local [spmem:s22], $0x2800  }
0x159: {  	_ =	swait.ge [sflag:s15], $0x2800  }
0x15a: {  	[sflag:s15] =	ssyncset.done $0x0  }
0x15b: {  	[sflag:s15] =	ssyncadd.s32 $0xFFFFD800  }
0x15c: {  	_ =	sfence.sel $0x180000  }
0x15d: {  	[bflag:$0x0] =	sbarrier.arrive $0xFFFF  }
0x15e: {  	p0 =	sne.s32 s2, $0x0;
	_ =	strace $0x9000004A  }
0x15f: {  	s0 =	sadd.s32 @!p0 $0x100000, s0;
	[bflag:$0x2] =	sbarrier.arrive $0xFFFF  }
0x160: {  	[sflag:s0] =	ssyncadd.tile.s32 @!p0 $0x1;
	_ =	shalt  }
.Lfunc_end2:
_tile_overlayer_lowered:
.L_overlay_start_2:
0x161: {  	(tag) =	ssettag $0x2  }
0x162: {  	s0 =	rddreg [dreg:$0x0];
	s2 =	stileid.u32  }
0x163: {  	s1 =	rddreg [dreg:$0x1];
	p0 =	sne.s32 s2, $0x0  }
0x164: {  	s3 =	rddreg [dreg:$0x2];
	[bflag:$0x3] =	sbarrier.arrive $0xFFFF;
	s2 =	simm.s32 @!p0 $0x1C02  }
0x165: {  	[timem:s3], [sflag:s2] =	dma.local @!p0 [hbm:s0], s1  }
0x166: {  	s0 =	simm.s32 @!p0 $0x2  }
0x167: {  	_ =	swait.ge @!p0 [sflag:s0], s1  }
0x168: {  	s1 =	ssub.s32 @!p0 $0x0, s1;
	[sflag:s0] =	ssyncset.done @!p0 $0x0  }
0x169: {  	[sflag:s0] =	ssyncadd.s32 @!p0 s1  }
0x16a: {  	[bflag:$0x3] =	sbarrier.arrive $0xFFFF  }
0x16b: {  	_ =	shalt  }

// kernel: kernel.14.cloned.1.call-start
scs
__scs_entry_jumppad:
0x0: {  	(pc) =	sbr.rel $0x88, $3  }
0x1: {  	(tag) =	ssettag $0x0;
	lr =	simm.s32 $0x1  }
0x2: {  	[smem:$0x3F98] =	sst lr;
	_ =	strace $0xD0000000  }
0x3: {  	_ = 	snop  }
0x4: {  	_ = 	snop  }
0x5: {  	_ = 	snop  }
0x6: {  	_ = 	snop  }
0x7: {  	_ = 	snop  }
__scs_overlays_trampoline_lowered:
0x8: {  	[smem:$0x3FA7] =	sst s0  }
0x9: {  	[smem:$0x3FA8] =	sst s1  }
0xa: {  	[smem:$0x3FA9] =	sst s2  }
0xb: {  	[smem:$0x3FAA] =	sst s3  }
0xc: {  	[smem:$0x3FAB] =	sst s4  }
0xd: {  	[smem:$0x3FAC] =	sst s5  }
0xe: {  	[smem:$0x3FAD] =	sst s6  }
0xf: {  	[smem:$0x3FAE] =	sst s7  }
0x10: {  	[smem:$0x3FAF] =	sst s8  }
0x11: {  	[smem:$0x3FB0] =	sst s9;
	s0 =	simm.s32 @!p0 $0x0  }
0x12: {  	s1 =	sld [smem:$0x3F96];
	s0 =	simm.s32 @p0 $0x1  }
0x13: {  	[smem:$0x3FB1] =	sst s0;
	s0 =	simm.s32 @!p1 $0x0  }
0x14: {  	s2 =	sld [smem:$0x3F95];
	s0 =	simm.s32 @p1 $0x1  }
0x15: {  	[smem:$0x3FB2] =	sst s0;
	s0 =	simm.s32 @!p2 $0x0  }
0x16: {  	s3 =	sld [smem:$0x3FDB];
	s0 =	simm.s32 @p2 $0x1  }
0x17: {  	s4 =	simm.s32 $0x1BF5;
	[smem:$0x3FB4] =	sst s0  }
0x18: {  	s0 =	sld [smem:$0x3F97];
	_ =	swait.ge [sflag:s4], $0x0  }
0x19: {  	s7 =	sld [smem:$0x3F98]  }
0x1a: {  	s8 =	sadd.s32 $0xFFFFE003, lr  }
0x1b: {  	s9 =	sadd.s32 $0xFFFFFEF7, lr;
	s5 =	simm.s32 $0xFFFFFFFF;
	p2 =	slt.u32 s8, $0xFFFFF086  }
0x1c: {  	p1 =	slt.u32 s9, $0xF7A;
	s5 =	simm.s32 @!p2 $0x0  }
0x1d: {  	s5 =	simm.s32 @p1 $0x1;
	p0 =	seq.s32 s7, s2  }
0x1e: {  	s7 =	smul.u32 @!p0 $0xF7A, s2;
	p2 =	seq.s32 @!p0 s5, $0x0  }
0x1f: {  	s9 =	smul.u32 $0xF7A, s1;
	s8 =	simm.s32 @!p0 $0x1BF5;
	p2 =	por !p2, p0  }
0x20: {  	[sflag:s8] =	ssyncset.s32 @!p0 $0xFFFFF086;
	s6 =	sadd.s32 @!p0 s3, s7;
	s7 =	simm.s32 @!p0 $0x108  }
0x21: {  	s3 =	sadd.s32 s3, s9;
	s6 =	sadd.s32 @!p0 $0x88, s6;
	s7 =	simm.s32 @p2 $0x1082  }
0x22: {  	[simem:s7], [sflag:s8] =	dma.local @!p0 [hbm:s6], $0xF7A  }
0x23: {  	s9 =	sor.u32 $0xD0000000, s2;
	s6 =	simm.s32 $0x108;
	_ =	swait.ge @!p0 [sflag:s8], $0x0  }
0x24: {  	s3 =	sadd.s32 $0x88, s3;
	s6 =	simm.s32 @!p1 $0x1082;
	[sflag:s4] =	ssyncset.s32 $0xFFFFF086  }
0x25: {  	[simem:s6], [sflag:s4] =	dma.local [hbm:s3], $0xF7A  }
0x26: {  	[smem:$0x3F98] =	sst s1;
	(tag) =	ssettag s2;
	_ =	strace s9  }
0x27: {  	s1 =	sld [smem:$0x3FA8]  }
0x28: {  	s2 =	sld [smem:$0x3FA9]  }
0x29: {  	s4 =	sld [smem:$0x3FAB]  }
0x2a: {  	p0 =	seq.s32 s5, $0x0;
	s5 =	sld [smem:$0x3FAC]  }
0x2b: {  	s6 =	sld [smem:$0x3FAD]  }
0x2c: {  	s7 =	sld [smem:$0x3FAE]  }
0x2d: {  	s3 =	simm.s32 $0x108;
	s8 =	sld [smem:$0x3FAF]  }
0x2e: {  	s3 =	simm.s32 @!p0 $0x1082;
	s9 =	sld [smem:$0x3FB0]  }
0x2f: {  	lr =	sadd.s32 s0, s3;
	s0 =	sld [smem:$0x3FA7]  }
0x30: {  	s3 =	sld [smem:$0x3FAA]  }
0x31: {  	[smem:$0x3FB3] =	sst s10  }
0x32: {  	s10 =	sld [smem:$0x3FB1];
	_ =	sdelay $0x3  }
0x33: {  	p0 =	seq.s32 s10, $0x1;
	s10 =	sld [smem:$0x3FB3];
	_ =	sdelay $0x3  }
0x34: {  	[smem:$0x3FB3] =	sst s10  }
0x35: {  	s10 =	sld [smem:$0x3FB2];
	_ =	sdelay $0x3  }
0x36: {  	p1 =	seq.s32 s10, $0x1;
	s10 =	sld [smem:$0x3FB3];
	_ =	sdelay $0x3  }
0x37: {  	[smem:$0x3FB3] =	sst s10  }
0x38: {  	s10 =	sld [smem:$0x3FB4]  }
0x39: {  	_ = 	snop;
	(pc) =	sbr.ind lr, $3  }
0x3a: {  	_ = 	snop  }
0x3b: {  	_ = 	snop  }
0x3c: {  	p2 =	seq.s32 s10, $0x1;
	s10 =	sld [smem:$0x3FB3]  }
0x3d: {  	_ =	shalt  }
0x3e: {  	_ =	shalt  }
0x3f: {  	_ =	shalt  }
0x40: {  	_ =	shalt  }
0x41: {  	_ =	shalt  }
0x42: {  	_ =	shalt  }
0x43: {  	_ =	shalt  }
0x44: {  	_ =	shalt  }
0x45: {  	_ =	shalt  }
0x46: {  	_ =	shalt  }
0x47: {  	_ =	shalt  }
0x48: {  	_ =	shalt  }
0x49: {  	_ =	shalt  }
0x4a: {  	_ =	shalt  }
0x4b: {  	_ =	shalt  }
0x4c: {  	_ =	shalt  }
0x4d: {  	_ =	shalt  }
0x4e: {  	_ =	shalt  }
0x4f: {  	_ =	shalt  }
0x50: {  	_ =	shalt  }
0x51: {  	_ =	shalt  }
0x52: {  	_ =	shalt  }
0x53: {  	_ =	shalt  }
0x54: {  	_ =	shalt  }
0x55: {  	_ =	shalt  }
0x56: {  	_ =	shalt  }
0x57: {  	_ =	shalt  }
0x58: {  	_ =	shalt  }
0x59: {  	_ =	shalt  }
0x5a: {  	_ =	shalt  }
0x5b: {  	_ =	shalt  }
0x5c: {  	_ =	shalt  }
0x5d: {  	_ =	shalt  }
0x5e: {  	_ =	shalt  }
0x5f: {  	_ =	shalt  }
0x60: {  	_ =	shalt  }
0x61: {  	_ =	shalt  }
0x62: {  	_ =	shalt  }
0x63: {  	_ =	shalt  }
0x64: {  	_ =	shalt  }
0x65: {  	_ =	shalt  }
0x66: {  	_ =	shalt  }
0x67: {  	_ =	shalt  }
0x68: {  	_ =	shalt  }
0x69: {  	_ =	shalt  }
0x6a: {  	_ =	shalt  }
0x6b: {  	_ =	shalt  }
0x6c: {  	_ =	shalt  }
0x6d: {  	_ =	shalt  }
0x6e: {  	_ =	shalt  }
0x6f: {  	_ =	shalt  }
0x70: {  	_ =	shalt  }
0x71: {  	_ =	shalt  }
0x72: {  	_ =	shalt  }
0x73: {  	_ =	shalt  }
0x74: {  	_ =	shalt  }
0x75: {  	_ =	shalt  }
0x76: {  	_ =	shalt  }
0x77: {  	_ =	shalt  }
0x78: {  	_ =	shalt  }
0x79: {  	_ =	shalt  }
0x7a: {  	_ =	shalt  }
0x7b: {  	_ =	shalt  }
0x7c: {  	_ =	shalt  }
0x7d: {  	_ =	shalt  }
0x7e: {  	_ =	shalt  }
0x7f: {  	_ =	shalt  }
0x80: {  	_ =	shalt  }
0x81: {  	_ =	shalt  }
0x82: {  	_ =	shalt  }
0x83: {  	_ =	shalt  }
0x84: {  	_ =	shalt  }
0x85: {  	_ =	shalt  }
0x86: {  	_ =	shalt  }
0x87: {  	_ =	shalt  }
.Lfunc_end0:
.L_simem_size_0:
called_computation.2_lowered:
.L_overlay_start_0:
0x88: {  	s2 =	sld [smem:$0x3FD9]  }
0x89: {  	s3 =	sld [smem:$0x3FFE];
	_ =	sdelay $0x1  }
0x8a: {  	s1 =	srdreg.scid  }
0x8b: {  	s0 =	sand.u32 $0x1, s1  }
0x8c: {  	s17 =	sshll.u32 s0, $0xA;
	s2 =	sadd.s32 s3, s2  }
0x8d: {  	s2 =	sadd.s32 s2, s17  }
0x8e: {  	[smem:$0x3FBF] =	sst s2  }
0x8f: {  	_ = 	snop  }
0x90: {  	s2 =	sld [smem:$0x3FD0];
	(tm) =	ssettm $0x1  }
0x91: {  	s18 =	sld [smem:$0x3FFB];
	_ =	sdelay $0x3  }
0x92: {  	_ =	strace s18  }
0x93: {  	s3 =	sld [smem:$0x3FFC];
	_ =	sdelay $0x3  }
0x94: {  	_ =	strace s3  }
0x95: {  	s3 =	sld [smem:$0x3FFD];
	_ =	sdelay $0x3  }
0x96: {  	_ =	strace s3  }
0x97: {  	_ =	strace $0x8FFFFFFF  }
0x98: {  	s19 =	sld [smem:$0x3FDB];
	_ =	sdelay $0x1  }
0x99: {  	s4 =	simm.s32 $_scs_section_size  }
0x9a: {  	s5 =	simm.s32 $_size__tile_overlayer_lowered;
	s6 =	simm.s32 $_tile_overlayer_lowered  }
0x9b: {  	s22 =	simm.s32 $0x1BFF;
	s21 =	sshll.u32 s6, $0x1;
	s3 =	sadd.s32 s4, s19  }
0x9c: {  	s7 =	simm.s32 $0x0;
	s20 =	sshll.u32 s5, $0x1;
	s5 =	sadd.s32 s21, s3  }
0x9d: {  	[timem:s7], [sflag:s22] =	dma.local [hbm:s5], s20  }
0x9e: {  	_ =	swait.ge [sflag:s22], s20  }
0x9f: {  	s4 =	ssub.s32 $0x0, s20;
	[sflag:s22] =	ssyncset.done $0x0  }
0xa0: {  	[sflag:s22] =	ssyncadd.s32 s4;
	_ =	sdelay $0x1  }
0xa1: {  	s23 =	simm.s32 $0x1B8B  }
0xa2: {  	_ =	swait.ge [sflag:s23], $0x1  }
0xa3: {  	[sflag:s23] =	ssyncset.done $0x0  }
0xa4: {  	s25 =	simm.s32 $0x1B8E;
	s24 =	sld [smem:$0x3FFE];
	[sflag:s23] =	ssyncadd.s32 $0xFFFFFFFF  }
0xa5: {  	s26 =	simm.s32 $execute0_lowered;
	[smem:$0x3FD2] =	sst s25  }
0xa6: {  	s5 =	sshll.u32 s26, $0x1;
	_ =	strace $0x8000004C;
	[dreg:$0x1] =	wrdreg $0xFFFFFFFF  }
0xa7: {  	s28 =	simm.s32 $_size_execute0_lowered;
	s3 =	sadd.s32 s3, s5;
	[dreg:$0x0] =	wrdreg $0x0  }
0xa8: {  	s5 =	sshll.u32 s28, $0x1;
	[dreg:$0x2] =	wrdreg s3  }
0xa9: {  	[dreg:$0x3] =	wrdreg s5  }
0xaa: {  	[dreg:$0x4] =	wrdreg $0xC0  }
0xab: {  	_ =	task [dreg:s7], $0x5FFFF  }
0xac: {  	[dreg:$0x1] =	wrdreg $0xFFFFFFFF  }
0xad: {  	[dreg:$0x0] =	wrdreg $0x60  }
0xae: {  	[dreg:$0x2] =	wrdreg s24  }
0xaf: {  	[dreg:$0x3] =	wrdreg s2  }
0xb0: {  	[dreg:$0x4] =	wrdreg $0xB8000  }
0xb1: {  	[dreg:$0x5] =	wrdreg $0x9  }
0xb2: {  	_ =	task.clear_ibuf [dreg:s7], $0x6FFFF;
	_ =	strace $0x9000004C  }
0xb3: {  	s29 =	simm.s32 $0x9;
	_ =	strace $0x8000004E  }
0xb4: {  	_ =	swait.ge [sflag:s29], $0x1  }
0xb5: {  	[sflag:s29] =	ssyncadd.s32 $0xFFFFFFFF  }
0xb6: {  	_ =	strace $0x9000004E  }
0xb7: {  	_ =	sfence  }
0xb8: {  	s30 =	sld [smem:$0x0];
	_ =	sdelay $0x2  }
0xb9: {  	s31 =	sshll.u32 s1, $0xD;
	s1 =	sshrl.u32 s1, $0x2  }
0xba: {  	s3 =	sand.u32 $0x4000, s31;
	s1 =	sadd.s32 s1, s30  }
0xbb: {  	s0 =	sor.u32 s3, s0;
	s1 =	sshll.u32 s1, $0x11  }
0xbc: {  	s0 =	sor.u32 s1, s0  }
0xbd: {  	s0 =	sadd.s32 $0x8F2B, s0  }
0xbe: {  	[sflag:s0] =	ssyncadd.remote.s32 $0x1  }
0xbf: {  	_ =	sfence.sel $0xFFFF  }
0xc0: {  	[dreg:$0x0] =	wrdreg $0xFFFFFFFF;
	(pc) =	sbr.abs _section_cstart, $3  }
0xc1: {  	[dreg:$0x1] =	wrdreg $0xFFFFFFFF  }
0xc2: {  	_ =	task.clear_ibuf [dreg:s7], $0x2FFFF;
	_ =	strace $0x9FFFFFFF  }
0xc3: {  	(tm) =	ssettm $0x7FFFFFFF  }
tec
execute0_lowered:
.L_overlay_start_1:
0x0: {  	(tag) =	ssettag $0x1  }
0x1: {  	s5 =	rddreg [dreg:$0x0]  }
0x2: {  	s13 =	rddreg [dreg:$0x1]  }
0x3: {  	s1 =	rddreg [dreg:$0x2]  }
0x4: {  	s2 =	srdreg.scid;
	s0 =	rddreg [dreg:$0x3];
	s3 =	simm.s32 $0x0  }
0x5: {  	s16 =	simm.s32 $0x2800;
	s17 =	simm.s32 $0x5000;
	s18 =	simm.s32 $0x80  }
0x6: {  	s19 =	simm.s32 $0x1;
	s8 =	sand.u32 $0x1, s2;
	s2 =	stileid.u32  }
0x7: {  	[smem:$0x7FF] =	sst s3;
	s4 =	sshll.u32 s8, $0x4;
	s6 =	smul.u32 $0x50000, s2  }
0x8: {  	_ =	strace $0x8000004D;
	s9 =	ssub.s32 $0x2, s8;
	s15 =	smul.u32 $0x28000, s8  }
0x9: {  	s21 =	smul.u32 $0x2800, s2;
	s4 =	sor.u32 s2, s4;
	s10 =	sshrl.u32 s9, $0x1  }
0xa: {  	s7 =	smul.u32 $0x500, s4;
	s4 =	sadd.s32 $0x20400, s5;
	s6 =	sshrl.u32 s6, $0x2  }
0xb: {  	s14 =	ssub.s32 s9, s10;
	s20 =	sadd.s32 s13, s15;
	s15 =	simm.s32 $0x2  }
0xc: {  	s13 =	smax.u32 s14, $0x1;
	s12 =	sadd.s32 s7, s5;
	s5 =	sadd.s32 s6, s1  }
0xd: {  	s14 =	simm.s32 $0x7800;
	s20 =	sadd.s32 s21, s20;
	s6 =	sadd.s32 $0x4000, s5  }
0xe: {  	s7 =	sadd.s32 $0x8000, s5;
	s8 =	sadd.s32 $0xC000, s5;
	s9 =	sadd.s32 $0x10000, s5  }
0xf: {  	v0 =	vimm.f32 $0.0e+00;
	s10 =	sadd.s32 $0xC400, s12;
	s11 =	sadd.s32 $0x2400, s12;
	s12 =	sadd.s32 $0x16400, s12  }
.LBB2_1:
0x10: {  	s21 =	simm.s32 $0x0;
	s22 =	simm.s32 $0x200  }
.LBB2_2:
0x11: {  	p0 =	sne.s32 s22, $0xFE00;
	[tilespmem:s21+$0x7870] =	vst v0  }
0x12: {  	[tilespmem:s21+$0x7800] =	vst v0  }
0x13: {  	[tilespmem:s21+$0x7810] =	vst v0  }
.Ltmp0:
0x14: {  	[tilespmem:s21+$0x7820] =	vst v0;
	(pc) =	sbr.rel @p0 .LBB2_2-.Ltmp0, $4  }
0x15: {  	[tilespmem:s21+$0x7830] =	vst v0  }
0x16: {  	[tilespmem:s21+$0x7840] =	vst v0  }
0x17: {  	[tilespmem:s21+$0x7850] =	vst v0  }
0x18: {  	[tilespmem:s21+$0x7860] =	vst v0;
	s21 =	sshra.s32 s22, $0x2;
	s22 =	sadd.s32 $0x200, s22  }
0x19: {  	[tilespmem:s21+$0x7870] =	vst v0  }
0x1a: {  	[tilespmem:s21+$0x7800] =	vst v0  }
0x1b: {  	[tilespmem:s21+$0x7810] =	vst v0  }
0x1c: {  	[tilespmem:s21+$0x7820] =	vst v0  }
0x1d: {  	[tilespmem:s21+$0x7830] =	vst v0  }
0x1e: {  	[tilespmem:s21+$0x7840] =	vst v0  }
0x1f: {  	[tilespmem:s21+$0x7850] =	vst v0  }
0x20: {  	[tilespmem:s21+$0x7860] =	vst v0  }
0x21: {  	[spmem:s5] =	stream.linear.scatter [tilespmem:s14], [sflag:$0x2], $0x4000, $0x38;
	[tilespmem:$0x1F800] =	vst v63  }
0x22: {  	_ =	swait.ge [sflag:s15], $0x4000  }
0x23: {  	[sflag:s15] =	ssyncset.done $0x0  }
0x24: {  	[sflag:s15] =	ssyncadd.s32 $0xFFFFC000  }
0x25: {  	[spmem:s6] =	stream.linear.scatter [tilespmem:s14], [sflag:$0x2], $0x4000, $0x38;
	[tilespmem:$0x1F800] =	vst v63  }
0x26: {  	_ =	swait.ge [sflag:s15], $0x4000  }
0x27: {  	[sflag:s15] =	ssyncset.done $0x0  }
0x28: {  	[sflag:s15] =	ssyncadd.s32 $0xFFFFC000  }
0x29: {  	[spmem:s7] =	stream.linear.scatter [tilespmem:s14], [sflag:$0x2], $0x4000, $0x38;
	[tilespmem:$0x1F800] =	vst v63  }
0x2a: {  	_ =	swait.ge [sflag:s15], $0x4000  }
0x2b: {  	[sflag:s15] =	ssyncset.done $0x0  }
0x2c: {  	[sflag:s15] =	ssyncadd.s32 $0xFFFFC000  }
0x2d: {  	[spmem:s8] =	stream.linear.scatter [tilespmem:s14], [sflag:$0x2], $0x4000, $0x38;
	[tilespmem:$0x1F800] =	vst v63  }
0x2e: {  	_ =	swait.ge [sflag:s15], $0x4000  }
0x2f: {  	[sflag:s15] =	ssyncset.done $0x0  }
0x30: {  	[sflag:s15] =	ssyncadd.s32 $0xFFFFC000  }
0x31: {  	[spmem:s9] =	stream.linear.scatter [tilespmem:s14], [sflag:$0x2], $0x4000, $0x38;
	[tilespmem:$0x1F800] =	vst v63  }
0x32: {  	_ =	swait.ge [sflag:s15], $0x4000  }
0x33: {  	[sflag:s15] =	ssyncset.done $0x0  }
0x34: {  	s21 =	simm.s32 $0x0;
	[sflag:s15] =	ssyncadd.s32 $0xFFFFC000  }
0x35: {  	[tilespmem:s21], [sflag:$0x2] =	stream.linear.gather [hbm4b:s10+s21], $0x2800, $0x38;
	[tilespmem:$0x1F800] =	vst v63  }
0x36: {  	_ =	swait.ge [sflag:s15], $0x2800  }
0x37: {  	[sflag:s15] =	ssyncset.done $0x0  }
0x38: {  	[sflag:s15] =	ssyncadd.s32 $0xFFFFD800  }
0x39: {  	[tilespmem:s16], [sflag:$0x2] =	stream.linear.gather [hbm4b:s11+s21], $0x2800, $0x38;
	[tilespmem:$0x1F800] =	vst v63  }
0x3a: {  	_ =	swait.ge [sflag:s15], $0x2800  }
0x3b: {  	[sflag:s15] =	ssyncset.done $0x0  }
0x3c: {  	[sflag:s15] =	ssyncadd.s32 $0xFFFFD800  }
0x3d: {  	[tilespmem:s17], [sflag:$0x2] =	stream.linear.gather [hbm4b:s12+s21], $0x2800, $0x38;
	[tilespmem:$0x1F800] =	vst v63  }
0x3e: {  	_ =	swait.ge [sflag:s15], $0x2800  }
0x3f: {  	[sflag:s15] =	ssyncset.done $0x0  }
0x40: {  	[sflag:s15] =	ssyncadd.s32 $0xFFFFD800  }
0x41: {  	[bflag:$0x0] =	sbarrier.arrive $0xFFFF  }
.LBB2_4:
0x42: {  	s22 =	sshll.u32 s21, $0x7  }
0x43: {  	[tilespmem:s14], [sflag:$0x1] =	stream.indirect.gather [hbm4b:s4+s18], $0x80, s22, s18, $0xb8;
	[tilespmem:$0x1F800] =	vst v63  }
0x44: {  	_ =	swait.ge [sflag:s19], $0x4000  }
0x45: {  	[sflag:s19] =	ssyncset.done $0x0  }
0x46: {  	s23 =	simm.s32 $0x0;
	v1 =	vmov s22;
	[sflag:s19] =	ssyncadd.s32 $0xFFFFC000  }
.LBB2_5:
0x47: {  	s24 =	sshll.u32 s23, $0x4  }
0x48: {  	v2 =	vmov s24  }
0x49: {  	v2 =	vand.u32 $0x70, v2  }
0x4a: {  	v2 =	vor.u32 v1, v2  }
0x4b: {  	v2 =	vbroadcast v2, $0x0;
	_ =	sdelay $0x2  }
0x4c: {  	s25 =	sshll.u32 s23, $0xB  }
0x4d: {  	s25 =	sand.u32 $0x3FFFF800, s25  }
0x4e: {  	v3 =	vld [tilespmem:s25+$0x7800]  }
0x4f: {  	v2 =	vld.idx.msk [tilespmem:v2+s17+$0x0], $0xffff  }
0x50: {  	v4 =	vld [tilespmem:s25+$0x7810]  }
0x51: {  	v5 =	vld [tilespmem:s25+$0x7820]  }
0x52: {  	v6 =	vld [tilespmem:s25+$0x7830]  }
0x53: {  	v7 =	vld [tilespmem:s25+$0x7840]  }
0x54: {  	s26 =	sor.u32 $0x1, s24;
	v8 =	vld [tilespmem:s25+$0x7850];
	v3 =	vmul.f32 v3, v2  }
0x55: {  	v9 =	vld [tilespmem:s25+$0x7860];
	v10 =	vmov s26;
	v4 =	vmul.f32 v4, v2  }
0x56: {  	v16 =	vld [tilespmem:s25+$0x7870];
	v10 =	vand.u32 $0x71, v10;
	[tilespmem:s25+$0x7800] =	vst v3;
	v3 =	vmul.f32 v5, v2  }
0x57: {  	v18 =	vor.u32 v1, v10;
	v17 =	vmul.f32 v6, v2;
	[tilespmem:s25+$0x7810] =	vst v4  }
0x58: {  	v6 =	vbroadcast v18, $0x0;
	[tilespmem:s25+$0x7820] =	vst v3;
	v3 =	vmul.f32 v7, v2  }
0x59: {  	v19 =	vmul.f32 v8, v2;
	[tilespmem:s25+$0x7830] =	vst v17  }
0x5a: {  	[tilespmem:s25+$0x7840] =	vst v3;
	v3 =	vmul.f32 v9, v2  }
0x5b: {  	[tilespmem:s25+$0x7850] =	vst v19;
	v2 =	vmul.f32 v16, v2  }
0x5c: {  	[tilespmem:s25+$0x7860] =	vst v3  }
0x5d: {  	s30 =	sshll.u32 s26, $0x7;
	[tilespmem:s25+$0x7870] =	vst v2  }
0x5e: {  	s25 =	sand.u32 $0x3FFFF880, s30;
	v2 =	vld.idx.msk [tilespmem:v6+s17+$0x0], $0xffff  }
0x5f: {  	v3 =	vld [tilespmem:s25+$0x7800]  }
0x60: {  	v4 =	vld [tilespmem:s25+$0x7810]  }
0x61: {  	v20 =	vld [tilespmem:s25+$0x7820]  }
0x62: {  	v21 =	vld [tilespmem:s25+$0x7830]  }
0x63: {  	v22 =	vld [tilespmem:s25+$0x7840]  }
0x64: {  	s31 =	sor.u32 $0x2, s24;
	v23 =	vld [tilespmem:s25+$0x7850];
	v3 =	vmul.f32 v3, v2  }
0x65: {  	v25 =	vmov s31;
	v24 =	vld [tilespmem:s25+$0x7860];
	v4 =	vmul.f32 v4, v2  }
0x66: {  	v10 =	vand.u32 $0x72, v25;
	v26 =	vld [tilespmem:s25+$0x7870];
	[tilespmem:s25+$0x7800] =	vst v3;
	v3 =	vmul.f32 v20, v2  }
0x67: {  	v28 =	vor.u32 v1, v10;
	v27 =	vmul.f32 v21, v2;
	[tilespmem:s25+$0x7810] =	vst v4  }
0x68: {  	v6 =	vbroadcast v28, $0x0;
	[tilespmem:s25+$0x7820] =	vst v3;
	v3 =	vmul.f32 v22, v2  }
0x69: {  	v29 =	vmul.f32 v23, v2;
	[tilespmem:s25+$0x7830] =	vst v27  }
0x6a: {  	[tilespmem:s25+$0x7840] =	vst v3;
	v3 =	vmul.f32 v24, v2  }
0x6b: {  	[tilespmem:s25+$0x7850] =	vst v29;
	v2 =	vmul.f32 v26, v2  }
0x6c: {  	[tilespmem:s25+$0x7860] =	vst v3  }
0x6d: {  	s28 =	sshll.u32 s31, $0x7;
	[tilespmem:s25+$0x7870] =	vst v2  }
0x6e: {  	s25 =	sand.u32 $0x3FFFF900, s28;
	v2 =	vld.idx.msk [tilespmem:v6+s17+$0x0], $0xffff  }
0x6f: {  	v3 =	vld [tilespmem:s25+$0x7800]  }
0x70: {  	v4 =	vld [tilespmem:s25+$0x7810]  }
0x71: {  	v30 =	vld [tilespmem:s25+$0x7820]  }
0x72: {  	v31 =	vld [tilespmem:s25+$0x7830]  }
0x73: {  	v32 =	vld [tilespmem:s25+$0x7840]  }
0x74: {  	s29 =	sor.u32 $0x3, s24;
	v33 =	vld [tilespmem:s25+$0x7850];
	v3 =	vmul.f32 v3, v2  }
0x75: {  	v35 =	vmov s29;
	v34 =	vld [tilespmem:s25+$0x7860];
	v4 =	vmul.f32 v4, v2  }
0x76: {  	v10 =	vand.u32 $0x73, v35;
	v36 =	vld [tilespmem:s25+$0x7870];
	[tilespmem:s25+$0x7800] =	vst v3;
	v3 =	vmul.f32 v30, v2  }
0x77: {  	v38 =	vor.u32 v1, v10;
	v37 =	vmul.f32 v31, v2;
	[tilespmem:s25+$0x7810] =	vst v4  }
0x78: {  	v6 =	vbroadcast v38, $0x0;
	[tilespmem:s25+$0x7820] =	vst v3;
	v3 =	vmul.f32 v32, v2  }
0x79: {  	v39 =	vmul.f32 v33, v2;
	[tilespmem:s25+$0x7830] =	vst v37  }
0x7a: {  	[tilespmem:s25+$0x7840] =	vst v3;
	v3 =	vmul.f32 v34, v2  }
0x7b: {  	[tilespmem:s25+$0x7850] =	vst v39;
	v2 =	vmul.f32 v36, v2  }
0x7c: {  	[tilespmem:s25+$0x7860] =	vst v3  }
0x7d: {  	s30 =	sshll.u32 s29, $0x7;
	[tilespmem:s25+$0x7870] =	vst v2  }
0x7e: {  	s25 =	sand.u32 $0x3FFFF980, s30;
	v2 =	vld.idx.msk [tilespmem:v6+s17+$0x0], $0xffff  }
0x7f: {  	v3 =	vld [tilespmem:s25+$0x7800]  }
0x80: {  	v4 =	vld [tilespmem:s25+$0x7810]  }
0x81: {  	v40 =	vld [tilespmem:s25+$0x7820]  }
0x82: {  	v41 =	vld [tilespmem:s25+$0x7830]  }
0x83: {  	v42 =	vld [tilespmem:s25+$0x7840]  }
0x84: {  	s31 =	sor.u32 $0x4, s24;
	v43 =	vld [tilespmem:s25+$0x7850];
	v3 =	vmul.f32 v3, v2  }
0x85: {  	v45 =	vmov s31;
	v44 =	vld [tilespmem:s25+$0x7860];
	v4 =	vmul.f32 v4, v2  }
0x86: {  	v10 =	vand.u32 $0x74, v45;
	v46 =	vld [tilespmem:s25+$0x7870];
	[tilespmem:s25+$0x7800] =	vst v3;
	v3 =	vmul.f32 v40, v2  }
0x87: {  	v48 =	vor.u32 v1, v10;
	v47 =	vmul.f32 v41, v2;
	[tilespmem:s25+$0x7810] =	vst v4  }
0x88: {  	v6 =	vbroadcast v48, $0x0;
	[tilespmem:s25+$0x7820] =	vst v3;
	v3 =	vmul.f32 v42, v2  }
0x89: {  	v49 =	vmul.f32 v43, v2;
	[tilespmem:s25+$0x7830] =	vst v47  }
0x8a: {  	[tilespmem:s25+$0x7840] =	vst v3;
	v3 =	vmul.f32 v44, v2  }
0x8b: {  	[tilespmem:s25+$0x7850] =	vst v49;
	v2 =	vmul.f32 v46, v2  }
0x8c: {  	[tilespmem:s25+$0x7860] =	vst v3  }
0x8d: {  	s28 =	sshll.u32 s31, $0x7;
	[tilespmem:s25+$0x7870] =	vst v2  }
0x8e: {  	s25 =	sand.u32 $0x3FFFFA00, s28;
	v2 =	vld.idx.msk [tilespmem:v6+s17+$0x0], $0xffff  }
0x8f: {  	v3 =	vld [tilespmem:s25+$0x7800]  }
0x90: {  	v4 =	vld [tilespmem:s25+$0x7810]  }
0x91: {  	v50 =	vld [tilespmem:s25+$0x7820]  }
0x92: {  	v51 =	vld [tilespmem:s25+$0x7830]  }
0x93: {  	v52 =	vld [tilespmem:s25+$0x7840]  }
0x94: {  	s29 =	sor.u32 $0x5, s24;
	v53 =	vld [tilespmem:s25+$0x7850];
	v3 =	vmul.f32 v3, v2  }
0x95: {  	v55 =	vmov s29;
	v54 =	vld [tilespmem:s25+$0x7860];
	v4 =	vmul.f32 v4, v2  }
0x96: {  	v10 =	vand.u32 $0x75, v55;
	v56 =	vld [tilespmem:s25+$0x7870];
	[tilespmem:s25+$0x7800] =	vst v3;
	v3 =	vmul.f32 v50, v2  }
0x97: {  	v58 =	vor.u32 v1, v10;
	v57 =	vmul.f32 v51, v2;
	[tilespmem:s25+$0x7810] =	vst v4  }
0x98: {  	v6 =	vbroadcast v58, $0x0;
	[tilespmem:s25+$0x7820] =	vst v3;
	v3 =	vmul.f32 v52, v2  }
0x99: {  	v59 =	vmul.f32 v53, v2;
	[tilespmem:s25+$0x7830] =	vst v57  }
0x9a: {  	[tilespmem:s25+$0x7840] =	vst v3;
	v3 =	vmul.f32 v54, v2  }
0x9b: {  	[tilespmem:s25+$0x7850] =	vst v59;
	v2 =	vmul.f32 v56, v2  }
0x9c: {  	[tilespmem:s25+$0x7860] =	vst v3  }
0x9d: {  	s30 =	sshll.u32 s29, $0x7;
	[tilespmem:s25+$0x7870] =	vst v2  }
0x9e: {  	s25 =	sand.u32 $0x3FFFFA80, s30;
	v2 =	vld.idx.msk [tilespmem:v6+s17+$0x0], $0xffff  }
0x9f: {  	v3 =	vld [tilespmem:s25+$0x7800]  }
0xa0: {  	v4 =	vld [tilespmem:s25+$0x7810]  }
0xa1: {  	v60 =	vld [tilespmem:s25+$0x7820]  }
0xa2: {  	v61 =	vld [tilespmem:s25+$0x7830]  }
0xa3: {  	v62 =	vld [tilespmem:s25+$0x7840]  }
0xa4: {  	s31 =	sor.u32 $0x6, s24;
	v63 =	vld [tilespmem:s25+$0x7850];
	v3 =	vmul.f32 v3, v2  }
0xa5: {  	v13 =	vmov s31;
	v12 =	vld [tilespmem:s25+$0x7860];
	v4 =	vmul.f32 v4, v2  }
0xa6: {  	v10 =	vand.u32 $0x76, v13;
	v14 =	vld [tilespmem:s25+$0x7870];
	[tilespmem:s25+$0x7800] =	vst v3;
	v3 =	vmul.f32 v60, v2  }
0xa7: {  	v16 =	vor.u32 v1, v10;
	v15 =	vmul.f32 v61, v2;
	[tilespmem:s25+$0x7810] =	vst v4  }
0xa8: {  	v6 =	vbroadcast v16, $0x0;
	[tilespmem:s25+$0x7820] =	vst v3;
	v3 =	vmul.f32 v62, v2  }
0xa9: {  	v17 =	vmul.f32 v63, v2;
	[tilespmem:s25+$0x7830] =	vst v15  }
0xaa: {  	[tilespmem:s25+$0x7840] =	vst v3;
	v3 =	vmul.f32 v12, v2  }
0xab: {  	[tilespmem:s25+$0x7850] =	vst v17;
	v2 =	vmul.f32 v14, v2  }
0xac: {  	[tilespmem:s25+$0x7860] =	vst v3  }
0xad: {  	s28 =	sshll.u32 s31, $0x7;
	[tilespmem:s25+$0x7870] =	vst v2  }
0xae: {  	s25 =	sand.u32 $0x3FFFFB00, s28;
	v2 =	vld.idx.msk [tilespmem:v6+s17+$0x0], $0xffff  }
0xaf: {  	v3 =	vld [tilespmem:s25+$0x7800]  }
0xb0: {  	v4 =	vld [tilespmem:s25+$0x7810]  }
0xb1: {  	v18 =	vld [tilespmem:s25+$0x7820]  }
0xb2: {  	v19 =	vld [tilespmem:s25+$0x7830]  }
0xb3: {  	v20 =	vld [tilespmem:s25+$0x7840]  }
0xb4: {  	s29 =	sor.u32 $0x7, s24;
	v21 =	vld [tilespmem:s25+$0x7850];
	v3 =	vmul.f32 v3, v2  }
0xb5: {  	v23 =	vmov s29;
	v22 =	vld [tilespmem:s25+$0x7860];
	v4 =	vmul.f32 v4, v2  }
0xb6: {  	v10 =	vand.u32 $0x77, v23;
	v24 =	vld [tilespmem:s25+$0x7870];
	[tilespmem:s25+$0x7800] =	vst v3;
	v3 =	vmul.f32 v18, v2  }
0xb7: {  	v26 =	vor.u32 v1, v10;
	v25 =	vmul.f32 v19, v2;
	[tilespmem:s25+$0x7810] =	vst v4  }
0xb8: {  	v6 =	vbroadcast v26, $0x0;
	[tilespmem:s25+$0x7820] =	vst v3;
	v3 =	vmul.f32 v20, v2  }
0xb9: {  	v27 =	vmul.f32 v21, v2;
	[tilespmem:s25+$0x7830] =	vst v25  }
0xba: {  	[tilespmem:s25+$0x7840] =	vst v3;
	v3 =	vmul.f32 v22, v2  }
0xbb: {  	[tilespmem:s25+$0x7850] =	vst v27;
	v2 =	vmul.f32 v24, v2  }
0xbc: {  	[tilespmem:s25+$0x7860] =	vst v3  }
0xbd: {  	s30 =	sshll.u32 s29, $0x7;
	[tilespmem:s25+$0x7870] =	vst v2  }
0xbe: {  	s25 =	sand.u32 $0x3FFFFB80, s30;
	v2 =	vld.idx.msk [tilespmem:v6+s17+$0x0], $0xffff  }
0xbf: {  	v3 =	vld [tilespmem:s25+$0x7800]  }
0xc0: {  	v4 =	vld [tilespmem:s25+$0x7810]  }
0xc1: {  	v28 =	vld [tilespmem:s25+$0x7820]  }
0xc2: {  	v29 =	vld [tilespmem:s25+$0x7830]  }
0xc3: {  	v30 =	vld [tilespmem:s25+$0x7840]  }
0xc4: {  	s31 =	sor.u32 $0x8, s24;
	v31 =	vld [tilespmem:s25+$0x7850];
	v3 =	vmul.f32 v3, v2  }
0xc5: {  	v33 =	vmov s31;
	v32 =	vld [tilespmem:s25+$0x7860];
	v4 =	vmul.f32 v4, v2  }
0xc6: {  	v10 =	vand.u32 $0x78, v33;
	v34 =	vld [tilespmem:s25+$0x7870];
	[tilespmem:s25+$0x7800] =	vst v3;
	v3 =	vmul.f32 v28, v2  }
0xc7: {  	v36 =	vor.u32 v1, v10;
	v35 =	vmul.f32 v29, v2;
	[tilespmem:s25+$0x7810] =	vst v4  }
0xc8: {  	v6 =	vbroadcast v36, $0x0;
	[tilespmem:s25+$0x7820] =	vst v3;
	v3 =	vmul.f32 v30, v2  }
0xc9: {  	v37 =	vmul.f32 v31, v2;
	[tilespmem:s25+$0x7830] =	vst v35  }
0xca: {  	[tilespmem:s25+$0x7840] =	vst v3;
	v3 =	vmul.f32 v32, v2  }
0xcb: {  	[tilespmem:s25+$0x7850] =	vst v37;
	v2 =	vmul.f32 v34, v2  }
0xcc: {  	[tilespmem:s25+$0x7860] =	vst v3  }
0xcd: {  	s28 =	sshll.u32 s31, $0x7;
	[tilespmem:s25+$0x7870] =	vst v2  }
0xce: {  	s25 =	sand.u32 $0x3FFFFC00, s28;
	v2 =	vld.idx.msk [tilespmem:v6+s17+$0x0], $0xffff  }
0xcf: {  	v3 =	vld [tilespmem:s25+$0x7800]  }
0xd0: {  	v4 =	vld [tilespmem:s25+$0x7810]  }
0xd1: {  	v38 =	vld [tilespmem:s25+$0x7820]  }
0xd2: {  	v39 =	vld [tilespmem:s25+$0x7830]  }
0xd3: {  	v40 =	vld [tilespmem:s25+$0x7840]  }
0xd4: {  	s29 =	sor.u32 $0x9, s24;
	v41 =	vld [tilespmem:s25+$0x7850];
	v3 =	vmul.f32 v3, v2  }
0xd5: {  	v43 =	vmov s29;
	v42 =	vld [tilespmem:s25+$0x7860];
	v4 =	vmul.f32 v4, v2  }
0xd6: {  	v10 =	vand.u32 $0x79, v43;
	v44 =	vld [tilespmem:s25+$0x7870];
	[tilespmem:s25+$0x7800] =	vst v3;
	v3 =	vmul.f32 v38, v2  }
0xd7: {  	v46 =	vor.u32 v1, v10;
	v45 =	vmul.f32 v39, v2;
	[tilespmem:s25+$0x7810] =	vst v4  }
0xd8: {  	v6 =	vbroadcast v46, $0x0;
	[tilespmem:s25+$0x7820] =	vst v3;
	v3 =	vmul.f32 v40, v2  }
0xd9: {  	v47 =	vmul.f32 v41, v2;
	[tilespmem:s25+$0x7830] =	vst v45  }
0xda: {  	[tilespmem:s25+$0x7840] =	vst v3;
	v3 =	vmul.f32 v42, v2  }
0xdb: {  	[tilespmem:s25+$0x7850] =	vst v47;
	v2 =	vmul.f32 v44, v2  }
0xdc: {  	[tilespmem:s25+$0x7860] =	vst v3  }
0xdd: {  	s30 =	sshll.u32 s29, $0x7;
	[tilespmem:s25+$0x7870] =	vst v2  }
0xde: {  	s25 =	sand.u32 $0x3FFFFC80, s30;
	v2 =	vld.idx.msk [tilespmem:v6+s17+$0x0], $0xffff  }
0xdf: {  	v3 =	vld [tilespmem:s25+$0x7800]  }
0xe0: {  	v4 =	vld [tilespmem:s25+$0x7810]  }
0xe1: {  	v48 =	vld [tilespmem:s25+$0x7820]  }
0xe2: {  	v49 =	vld [tilespmem:s25+$0x7830]  }
0xe3: {  	v50 =	vld [tilespmem:s25+$0x7840]  }
0xe4: {  	s31 =	sor.u32 $0xA, s24;
	v51 =	vld [tilespmem:s25+$0x7850];
	v3 =	vmul.f32 v3, v2  }
0xe5: {  	v53 =	vmov s31;
	v52 =	vld [tilespmem:s25+$0x7860];
	v4 =	vmul.f32 v4, v2  }
0xe6: {  	v10 =	vand.u32 $0x7A, v53;
	v54 =	vld [tilespmem:s25+$0x7870];
	[tilespmem:s25+$0x7800] =	vst v3;
	v3 =	vmul.f32 v48, v2  }
0xe7: {  	v56 =	vor.u32 v1, v10;
	v55 =	vmul.f32 v49, v2;
	[tilespmem:s25+$0x7810] =	vst v4  }
0xe8: {  	v6 =	vbroadcast v56, $0x0;
	[tilespmem:s25+$0x7820] =	vst v3;
	v3 =	vmul.f32 v50, v2  }
0xe9: {  	v57 =	vmul.f32 v51, v2;
	[tilespmem:s25+$0x7830] =	vst v55  }
0xea: {  	[tilespmem:s25+$0x7840] =	vst v3;
	v3 =	vmul.f32 v52, v2  }
0xeb: {  	[tilespmem:s25+$0x7850] =	vst v57;
	v2 =	vmul.f32 v54, v2  }
0xec: {  	[tilespmem:s25+$0x7860] =	vst v3  }
0xed: {  	s28 =	sshll.u32 s31, $0x7;
	[tilespmem:s25+$0x7870] =	vst v2  }
0xee: {  	s25 =	sand.u32 $0x3FFFFD00, s28;
	v2 =	vld.idx.msk [tilespmem:v6+s17+$0x0], $0xffff  }
0xef: {  	v3 =	vld [tilespmem:s25+$0x7800]  }
0xf0: {  	v4 =	vld [tilespmem:s25+$0x7810]  }
0xf1: {  	v58 =	vld [tilespmem:s25+$0x7820]  }
0xf2: {  	v59 =	vld [tilespmem:s25+$0x7830]  }
0xf3: {  	v60 =	vld [tilespmem:s25+$0x7840]  }
0xf4: {  	s29 =	sor.u32 $0xB, s24;
	v61 =	vld [tilespmem:s25+$0x7850];
	v3 =	vmul.f32 v3, v2  }
0xf5: {  	v63 =	vmov s29;
	v62 =	vld [tilespmem:s25+$0x7860];
	v4 =	vmul.f32 v4, v2  }
0xf6: {  	v10 =	vand.u32 $0x7B, v63;
	v12 =	vld [tilespmem:s25+$0x7870];
	[tilespmem:s25+$0x7800] =	vst v3;
	v3 =	vmul.f32 v58, v2  }
0xf7: {  	v14 =	vor.u32 v1, v10;
	v13 =	vmul.f32 v59, v2;
	[tilespmem:s25+$0x7810] =	vst v4  }
0xf8: {  	v6 =	vbroadcast v14, $0x0;
	[tilespmem:s25+$0x7820] =	vst v3;
	v3 =	vmul.f32 v60, v2  }
0xf9: {  	v15 =	vmul.f32 v61, v2;
	[tilespmem:s25+$0x7830] =	vst v13  }
0xfa: {  	[tilespmem:s25+$0x7840] =	vst v3;
	v3 =	vmul.f32 v62, v2  }
0xfb: {  	[tilespmem:s25+$0x7850] =	vst v15;
	v2 =	vmul.f32 v12, v2  }
0xfc: {  	[tilespmem:s25+$0x7860] =	vst v3  }
0xfd: {  	s30 =	sshll.u32 s29, $0x7;
	[tilespmem:s25+$0x7870] =	vst v2  }
0xfe: {  	s25 =	sand.u32 $0x3FFFFD80, s30;
	v2 =	vld.idx.msk [tilespmem:v6+s17+$0x0], $0xffff  }
0xff: {  	v3 =	vld [tilespmem:s25+$0x7800]  }
0x100: {  	v4 =	vld [tilespmem:s25+$0x7810]  }
0x101: {  	v16 =	vld [tilespmem:s25+$0x7820]  }
0x102: {  	v17 =	vld [tilespmem:s25+$0x7830]  }
0x103: {  	v18 =	vld [tilespmem:s25+$0x7840]  }
0x104: {  	s31 =	sor.u32 $0xC, s24;
	v19 =	vld [tilespmem:s25+$0x7850];
	v3 =	vmul.f32 v3, v2  }
0x105: {  	v21 =	vmov s31;
	v20 =	vld [tilespmem:s25+$0x7860];
	v4 =	vmul.f32 v4, v2  }
0x106: {  	v10 =	vand.u32 $0x7C, v21;
	v22 =	vld [tilespmem:s25+$0x7870];
	[tilespmem:s25+$0x7800] =	vst v3;
	v3 =	vmul.f32 v16, v2  }
0x107: {  	v24 =	vor.u32 v1, v10;
	v23 =	vmul.f32 v17, v2;
	[tilespmem:s25+$0x7810] =	vst v4  }
0x108: {  	v6 =	vbroadcast v24, $0x0;
	[tilespmem:s25+$0x7820] =	vst v3;
	v3 =	vmul.f32 v18, v2  }
0x109: {  	v25 =	vmul.f32 v19, v2;
	[tilespmem:s25+$0x7830] =	vst v23  }
0x10a: {  	[tilespmem:s25+$0x7840] =	vst v3;
	v3 =	vmul.f32 v20, v2  }
0x10b: {  	[tilespmem:s25+$0x7850] =	vst v25;
	v2 =	vmul.f32 v22, v2  }
0x10c: {  	[tilespmem:s25+$0x7860] =	vst v3  }
0x10d: {  	s26 =	sshll.u32 s31, $0x7;
	[tilespmem:s25+$0x7870] =	vst v2  }
0x10e: {  	s25 =	sand.u32 $0x3FFFFE00, s26;
	v2 =	vld.idx.msk [tilespmem:v6+s17+$0x0], $0xffff  }
0x10f: {  	v3 =	vld [tilespmem:s25+$0x7800]  }
0x110: {  	v4 =	vld [tilespmem:s25+$0x7810]  }
0x111: {  	v26 =	vld [tilespmem:s25+$0x7820]  }
0x112: {  	v27 =	vld [tilespmem:s25+$0x7830]  }
0x113: {  	v28 =	vld [tilespmem:s25+$0x7840]  }
0x114: {  	s28 =	sor.u32 $0xD, s24;
	v29 =	vld [tilespmem:s25+$0x7850];
	v3 =	vmul.f32 v3, v2  }
0x115: {  	v31 =	vmov s28;
	v30 =	vld [tilespmem:s25+$0x7860];
	v4 =	vmul.f32 v4, v2  }
0x116: {  	v10 =	vand.u32 $0x7D, v31;
	v32 =	vld [tilespmem:s25+$0x7870];
	[tilespmem:s25+$0x7800] =	vst v3;
	v3 =	vmul.f32 v26, v2  }
0x117: {  	v34 =	vor.u32 v1, v10;
	v33 =	vmul.f32 v27, v2;
	[tilespmem:s25+$0x7810] =	vst v4  }
0x118: {  	v6 =	vbroadcast v34, $0x0;
	[tilespmem:s25+$0x7820] =	vst v3;
	v3 =	vmul.f32 v28, v2  }
0x119: {  	v35 =	vmul.f32 v29, v2;
	[tilespmem:s25+$0x7830] =	vst v33  }
0x11a: {  	[tilespmem:s25+$0x7840] =	vst v3;
	v3 =	vmul.f32 v30, v2  }
0x11b: {  	[tilespmem:s25+$0x7850] =	vst v35;
	v2 =	vmul.f32 v32, v2  }
0x11c: {  	[tilespmem:s25+$0x7860] =	vst v3  }
0x11d: {  	s29 =	sshll.u32 s28, $0x7;
	[tilespmem:s25+$0x7870] =	vst v2  }
0x11e: {  	s25 =	sand.u32 $0x3FFFFE80, s29;
	v2 =	vld.idx.msk [tilespmem:v6+s17+$0x0], $0xffff  }
0x11f: {  	v3 =	vld [tilespmem:s25+$0x7800]  }
0x120: {  	v4 =	vld [tilespmem:s25+$0x7810]  }
0x121: {  	v36 =	vld [tilespmem:s25+$0x7820]  }
0x122: {  	v37 =	vld [tilespmem:s25+$0x7830]  }
0x123: {  	v38 =	vld [tilespmem:s25+$0x7840]  }
0x124: {  	s24 =	sor.u32 $0xE, s24;
	v39 =	vld [tilespmem:s25+$0x7850];
	v3 =	vmul.f32 v3, v2  }
0x125: {  	v41 =	vmov s24;
	v40 =	vld [tilespmem:s25+$0x7860];
	v4 =	vmul.f32 v4, v2  }
0x126: {  	v10 =	vand.u32 $0x7E, v41;
	v42 =	vld [tilespmem:s25+$0x7870];
	[tilespmem:s25+$0x7800] =	vst v3;
	v3 =	vmul.f32 v36, v2  }
0x127: {  	v44 =	vor.u32 v1, v10;
	v43 =	vmul.f32 v37, v2;
	[tilespmem:s25+$0x7810] =	vst v4  }
0x128: {  	v6 =	vbroadcast v44, $0x0;
	[tilespmem:s25+$0x7820] =	vst v3;
	v3 =	vmul.f32 v38, v2  }
0x129: {  	v45 =	vmul.f32 v39, v2;
	[tilespmem:s25+$0x7830] =	vst v43  }
0x12a: {  	[tilespmem:s25+$0x7840] =	vst v3;
	v3 =	vmul.f32 v40, v2  }
0x12b: {  	[tilespmem:s25+$0x7850] =	vst v45;
	v2 =	vmul.f32 v42, v2  }
0x12c: {  	[tilespmem:s25+$0x7860] =	vst v3  }
0x12d: {  	s24 =	sshll.u32 s24, $0x7;
	[tilespmem:s25+$0x7870] =	vst v2  }
0x12e: {  	s24 =	sand.u32 $0x3FFFFF00, s24;
	v2 =	vld.idx.msk [tilespmem:v6+s17+$0x0], $0xffff  }
0x12f: {  	v3 =	vld [tilespmem:s24+$0x7800]  }
0x130: {  	v4 =	vld [tilespmem:s24+$0x7810]  }
0x131: {  	v46 =	vld [tilespmem:s24+$0x7820]  }
0x132: {  	v47 =	vld [tilespmem:s24+$0x7830]  }
0x133: {  	v48 =	vld [tilespmem:s24+$0x7840]  }
0x134: {  	s30 =	sshllo.u32 s23, $0x4;
	v49 =	vld [tilespmem:s24+$0x7850];
	v3 =	vmul.f32 v3, v2  }
0x135: {  	v51 =	vmov s30;
	v50 =	vld [tilespmem:s24+$0x7860];
	v4 =	vmul.f32 v4, v2  }
0x136: {  	v10 =	vand.u32 $0x7F, v51;
	v52 =	vld [tilespmem:s24+$0x7870];
	[tilespmem:s24+$0x7800] =	vst v3;
	v3 =	vmul.f32 v46, v2  }
0x137: {  	v54 =	vor.u32 v1, v10;
	v53 =	vmul.f32 v47, v2;
	[tilespmem:s24+$0x7810] =	vst v4  }
0x138: {  	v6 =	vbroadcast v54, $0x0;
	[tilespmem:s24+$0x7820] =	vst v3;
	v3 =	vmul.f32 v48, v2  }
0x139: {  	v55 =	vmul.f32 v49, v2;
	[tilespmem:s24+$0x7830] =	vst v53  }
0x13a: {  	[tilespmem:s24+$0x7840] =	vst v3;
	v3 =	vmul.f32 v50, v2  }
0x13b: {  	[tilespmem:s24+$0x7850] =	vst v55;
	v2 =	vmul.f32 v52, v2  }
0x13c: {  	[tilespmem:s24+$0x7860] =	vst v3  }
0x13d: {  	s31 =	sshll.u32 s30, $0x7;
	[tilespmem:s24+$0x7870] =	vst v2  }
0x13e: {  	s24 =	sand.u32 $0x3FFFFF80, s31;
	v2 =	vld.idx.msk [tilespmem:v6+s17+$0x0], $0xffff  }
0x13f: {  	v3 =	vld [tilespmem:s24+$0x7800]  }
0x140: {  	v4 =	vld [tilespmem:s24+$0x7810]  }
0x141: {  	v56 =	vld [tilespmem:s24+$0x7820]  }
0x142: {  	v57 =	vld [tilespmem:s24+$0x7830]  }
0x143: {  	v58 =	vld [tilespmem:s24+$0x7840]  }
0x144: {  	v59 =	vld [tilespmem:s24+$0x7850];
	v3 =	vmul.f32 v3, v2  }
0x145: {  	v60 =	vld [tilespmem:s24+$0x7860];
	v4 =	vmul.f32 v4, v2  }
0x146: {  	v61 =	vld [tilespmem:s24+$0x7870];
	[tilespmem:s24+$0x7800] =	vst v3;
	v3 =	vmul.f32 v56, v2  }
0x147: {  	v62 =	vmul.f32 v57, v2;
	[tilespmem:s24+$0x7810] =	vst v4  }
0x148: {  	p0 =	sne.s32 s23, $0x7;
	[tilespmem:s24+$0x7820] =	vst v3;
	v3 =	vmul.f32 v58, v2  }
.Ltmp1:
0x149: {  	v63 =	vmul.f32 v59, v2;
	[tilespmem:s24+$0x7830] =	vst v62;
	(pc) =	sbr.rel @p0 .LBB2_5-.Ltmp1, $4  }
0x14a: {  	[tilespmem:s24+$0x7840] =	vst v3;
	v3 =	vmul.f32 v60, v2  }
0x14b: {  	[tilespmem:s24+$0x7850] =	vst v63;
	v2 =	vmul.f32 v61, v2  }
0x14c: {  	[tilespmem:s24+$0x7860] =	vst v3  }
0x14d: {  	s23 =	sadd.s32 $0x1, s23;
	[tilespmem:s24+$0x7870] =	vst v2  }
0x14e: {  	s21 =	sadd.s32 $0x1, s21  }
0x14f: {  	p0 =	sne.s32 s21, $0x50  }
.Ltmp2:
0x150: {  	s22 =	sadd.s32 $0x2800, s22;
	(pc) =	sbr.rel @p0 .LBB2_4-.Ltmp2, $4  }
0x151: {  	[spmem:s1] =	stream.indirect.scatter.add.f32 [tilespmem:s14], [sflag:$0x2], $0x80, s22, s18, $0xb8;
	[tilespmem:$0x1F800] =	vst v63  }
0x152: {  	_ =	swait.ge [sflag:s15], $0x4000  }
0x153: {  	[sflag:s15] =	ssyncset.done $0x0  }
0x154: {  	[sflag:s15] =	ssyncadd.s32 $0xFFFFC000  }
0x155: {  	s3 =	sadd.s32 $0x1, s3  }
0x156: {  	s21 =	sshll.u32 s2, $0x6;
	[bflag:$0x0] =	sbarrier.arrive $0xFFFF;
	p0 =	sne.s32 s3, s13  }
.Ltmp3:
0x157: {  	s22 =	sshrl.u32 s5, $0x3;
	s21 =	sor.u32 $0x1C02, s21;
	(pc) =	sbr.rel @p0 .LBB2_1-.Ltmp3, $4  }
0x158: {  	[hbm:s20], [sflag:s21] =	dma.local [spmem:s22], $0x2800  }
0x159: {  	_ =	swait.ge [sflag:s15], $0x2800  }
0x15a: {  	[sflag:s15] =	ssyncset.done $0x0  }
0x15b: {  	[sflag:s15] =	ssyncadd.s32 $0xFFFFD800  }
0x15c: {  	_ =	sfence.sel $0x180000  }
0x15d: {  	[bflag:$0x0] =	sbarrier.arrive $0xFFFF  }
0x15e: {  	p0 =	sne.s32 s2, $0x0;
	_ =	strace $0x9000004D  }
0x15f: {  	s0 =	sadd.s32 @!p0 $0x100000, s0;
	[bflag:$0x2] =	sbarrier.arrive $0xFFFF  }
0x160: {  	[sflag:s0] =	ssyncadd.tile.s32 @!p0 $0x1;
	_ =	shalt  }
.Lfunc_end2:
_tile_overlayer_lowered:
.L_overlay_start_2:
0x161: {  	(tag) =	ssettag $0x2  }
0x162: {  	s0 =	rddreg [dreg:$0x0];
	s2 =	stileid.u32  }
0x163: {  	s1 =	rddreg [dreg:$0x1];
	p0 =	sne.s32 s2, $0x0  }
0x164: {  	s3 =	rddreg [dreg:$0x2];
	[bflag:$0x3] =	sbarrier.arrive $0xFFFF;
	s2 =	simm.s32 @!p0 $0x1C02  }
0x165: {  	[timem:s3], [sflag:s2] =	dma.local @!p0 [hbm:s0], s1  }
0x166: {  	s0 =	simm.s32 @!p0 $0x2  }
0x167: {  	_ =	swait.ge @!p0 [sflag:s0], s1  }
0x168: {  	s1 =	ssub.s32 @!p0 $0x0, s1;
	[sflag:s0] =	ssyncset.done @!p0 $0x0  }
0x169: {  	[sflag:s0] =	ssyncadd.s32 @!p0 s1  }
0x16a: {  	[bflag:$0x3] =	sbarrier.arrive $0xFFFF  }
0x16b: {  	_ =	shalt  }

// kernel: kernel.8.cloned.1.call-start
scs
__scs_entry_jumppad:
0x0: {  	(pc) =	sbr.rel $0x88, $3  }
0x1: {  	(tag) =	ssettag $0x0;
	lr =	simm.s32 $0x1  }
0x2: {  	[smem:$0x3F98] =	sst lr;
	_ =	strace $0xD0000000  }
0x3: {  	_ = 	snop  }
0x4: {  	_ = 	snop  }
0x5: {  	_ = 	snop  }
0x6: {  	_ = 	snop  }
0x7: {  	_ = 	snop  }
__scs_overlays_trampoline_lowered:
0x8: {  	[smem:$0x3FA7] =	sst s0  }
0x9: {  	[smem:$0x3FA8] =	sst s1  }
0xa: {  	[smem:$0x3FA9] =	sst s2  }
0xb: {  	[smem:$0x3FAA] =	sst s3  }
0xc: {  	[smem:$0x3FAB] =	sst s4  }
0xd: {  	[smem:$0x3FAC] =	sst s5  }
0xe: {  	[smem:$0x3FAD] =	sst s6  }
0xf: {  	[smem:$0x3FAE] =	sst s7  }
0x10: {  	[smem:$0x3FAF] =	sst s8  }
0x11: {  	[smem:$0x3FB0] =	sst s9;
	s0 =	simm.s32 @!p0 $0x0  }
0x12: {  	s1 =	sld [smem:$0x3F96];
	s0 =	simm.s32 @p0 $0x1  }
0x13: {  	[smem:$0x3FB1] =	sst s0;
	s0 =	simm.s32 @!p1 $0x0  }
0x14: {  	s2 =	sld [smem:$0x3F95];
	s0 =	simm.s32 @p1 $0x1  }
0x15: {  	[smem:$0x3FB2] =	sst s0;
	s0 =	simm.s32 @!p2 $0x0  }
0x16: {  	s3 =	sld [smem:$0x3FDB];
	s0 =	simm.s32 @p2 $0x1  }
0x17: {  	s4 =	simm.s32 $0x1BF5;
	[smem:$0x3FB4] =	sst s0  }
0x18: {  	s0 =	sld [smem:$0x3F97];
	_ =	swait.ge [sflag:s4], $0x0  }
0x19: {  	s7 =	sld [smem:$0x3F98]  }
0x1a: {  	s8 =	sadd.s32 $0xFFFFE003, lr  }
0x1b: {  	s9 =	sadd.s32 $0xFFFFFEF7, lr;
	s5 =	simm.s32 $0xFFFFFFFF;
	p2 =	slt.u32 s8, $0xFFFFF086  }
0x1c: {  	p1 =	slt.u32 s9, $0xF7A;
	s5 =	simm.s32 @!p2 $0x0  }
0x1d: {  	s5 =	simm.s32 @p1 $0x1;
	p0 =	seq.s32 s7, s2  }
0x1e: {  	s7 =	smul.u32 @!p0 $0xF7A, s2;
	p2 =	seq.s32 @!p0 s5, $0x0  }
0x1f: {  	s9 =	smul.u32 $0xF7A, s1;
	s8 =	simm.s32 @!p0 $0x1BF5;
	p2 =	por !p2, p0  }
0x20: {  	[sflag:s8] =	ssyncset.s32 @!p0 $0xFFFFF086;
	s6 =	sadd.s32 @!p0 s3, s7;
	s7 =	simm.s32 @!p0 $0x108  }
0x21: {  	s3 =	sadd.s32 s3, s9;
	s6 =	sadd.s32 @!p0 $0x88, s6;
	s7 =	simm.s32 @p2 $0x1082  }
0x22: {  	[simem:s7], [sflag:s8] =	dma.local @!p0 [hbm:s6], $0xF7A  }
0x23: {  	s9 =	sor.u32 $0xD0000000, s2;
	s6 =	simm.s32 $0x108;
	_ =	swait.ge @!p0 [sflag:s8], $0x0  }
0x24: {  	s3 =	sadd.s32 $0x88, s3;
	s6 =	simm.s32 @!p1 $0x1082;
	[sflag:s4] =	ssyncset.s32 $0xFFFFF086  }
0x25: {  	[simem:s6], [sflag:s4] =	dma.local [hbm:s3], $0xF7A  }
0x26: {  	[smem:$0x3F98] =	sst s1;
	(tag) =	ssettag s2;
	_ =	strace s9  }
0x27: {  	s1 =	sld [smem:$0x3FA8]  }
0x28: {  	s2 =	sld [smem:$0x3FA9]  }
0x29: {  	s4 =	sld [smem:$0x3FAB]  }
0x2a: {  	p0 =	seq.s32 s5, $0x0;
	s5 =	sld [smem:$0x3FAC]  }
0x2b: {  	s6 =	sld [smem:$0x3FAD]  }
0x2c: {  	s7 =	sld [smem:$0x3FAE]  }
0x2d: {  	s3 =	simm.s32 $0x108;
	s8 =	sld [smem:$0x3FAF]  }
0x2e: {  	s3 =	simm.s32 @!p0 $0x1082;
	s9 =	sld [smem:$0x3FB0]  }
0x2f: {  	lr =	sadd.s32 s0, s3;
	s0 =	sld [smem:$0x3FA7]  }
0x30: {  	s3 =	sld [smem:$0x3FAA]  }
0x31: {  	[smem:$0x3FB3] =	sst s10  }
0x32: {  	s10 =	sld [smem:$0x3FB1];
	_ =	sdelay $0x3  }
0x33: {  	p0 =	seq.s32 s10, $0x1;
	s10 =	sld [smem:$0x3FB3];
	_ =	sdelay $0x3  }
0x34: {  	[smem:$0x3FB3] =	sst s10  }
0x35: {  	s10 =	sld [smem:$0x3FB2];
	_ =	sdelay $0x3  }
0x36: {  	p1 =	seq.s32 s10, $0x1;
	s10 =	sld [smem:$0x3FB3];
	_ =	sdelay $0x3  }
0x37: {  	[smem:$0x3FB3] =	sst s10  }
0x38: {  	s10 =	sld [smem:$0x3FB4]  }
0x39: {  	_ = 	snop;
	(pc) =	sbr.ind lr, $3  }
0x3a: {  	_ = 	snop  }
0x3b: {  	_ = 	snop  }
0x3c: {  	p2 =	seq.s32 s10, $0x1;
	s10 =	sld [smem:$0x3FB3]  }
0x3d: {  	_ =	shalt  }
0x3e: {  	_ =	shalt  }
0x3f: {  	_ =	shalt  }
0x40: {  	_ =	shalt  }
0x41: {  	_ =	shalt  }
0x42: {  	_ =	shalt  }
0x43: {  	_ =	shalt  }
0x44: {  	_ =	shalt  }
0x45: {  	_ =	shalt  }
0x46: {  	_ =	shalt  }
0x47: {  	_ =	shalt  }
0x48: {  	_ =	shalt  }
0x49: {  	_ =	shalt  }
0x4a: {  	_ =	shalt  }
0x4b: {  	_ =	shalt  }
0x4c: {  	_ =	shalt  }
0x4d: {  	_ =	shalt  }
0x4e: {  	_ =	shalt  }
0x4f: {  	_ =	shalt  }
0x50: {  	_ =	shalt  }
0x51: {  	_ =	shalt  }
0x52: {  	_ =	shalt  }
0x53: {  	_ =	shalt  }
0x54: {  	_ =	shalt  }
0x55: {  	_ =	shalt  }
0x56: {  	_ =	shalt  }
0x57: {  	_ =	shalt  }
0x58: {  	_ =	shalt  }
0x59: {  	_ =	shalt  }
0x5a: {  	_ =	shalt  }
0x5b: {  	_ =	shalt  }
0x5c: {  	_ =	shalt  }
0x5d: {  	_ =	shalt  }
0x5e: {  	_ =	shalt  }
0x5f: {  	_ =	shalt  }
0x60: {  	_ =	shalt  }
0x61: {  	_ =	shalt  }
0x62: {  	_ =	shalt  }
0x63: {  	_ =	shalt  }
0x64: {  	_ =	shalt  }
0x65: {  	_ =	shalt  }
0x66: {  	_ =	shalt  }
0x67: {  	_ =	shalt  }
0x68: {  	_ =	shalt  }
0x69: {  	_ =	shalt  }
0x6a: {  	_ =	shalt  }
0x6b: {  	_ =	shalt  }
0x6c: {  	_ =	shalt  }
0x6d: {  	_ =	shalt  }
0x6e: {  	_ =	shalt  }
0x6f: {  	_ =	shalt  }
0x70: {  	_ =	shalt  }
0x71: {  	_ =	shalt  }
0x72: {  	_ =	shalt  }
0x73: {  	_ =	shalt  }
0x74: {  	_ =	shalt  }
0x75: {  	_ =	shalt  }
0x76: {  	_ =	shalt  }
0x77: {  	_ =	shalt  }
0x78: {  	_ =	shalt  }
0x79: {  	_ =	shalt  }
0x7a: {  	_ =	shalt  }
0x7b: {  	_ =	shalt  }
0x7c: {  	_ =	shalt  }
0x7d: {  	_ =	shalt  }
0x7e: {  	_ =	shalt  }
0x7f: {  	_ =	shalt  }
0x80: {  	_ =	shalt  }
0x81: {  	_ =	shalt  }
0x82: {  	_ =	shalt  }
0x83: {  	_ =	shalt  }
0x84: {  	_ =	shalt  }
0x85: {  	_ =	shalt  }
0x86: {  	_ =	shalt  }
0x87: {  	_ =	shalt  }
.Lfunc_end0:
.L_simem_size_0:
called_computation_lowered:
.L_overlay_start_0:
0x88: {  	s2 =	sld [smem:$0x3FD9]  }
0x89: {  	s3 =	sld [smem:$0x3FFE];
	_ =	sdelay $0x1  }
0x8a: {  	s1 =	srdreg.scid  }
0x8b: {  	s0 =	sand.u32 $0x1, s1  }
0x8c: {  	s17 =	sshll.u32 s0, $0xA;
	s2 =	sadd.s32 s3, s2  }
0x8d: {  	s2 =	sadd.s32 s2, s17  }
0x8e: {  	[smem:$0x3FBF] =	sst s2  }
0x8f: {  	_ = 	snop  }
0x90: {  	s2 =	sld [smem:$0x3FD0];
	(tm) =	ssettm $0x1  }
0x91: {  	s18 =	sld [smem:$0x3FFB];
	_ =	sdelay $0x3  }
0x92: {  	_ =	strace s18  }
0x93: {  	s3 =	sld [smem:$0x3FFC];
	_ =	sdelay $0x3  }
0x94: {  	_ =	strace s3  }
0x95: {  	s3 =	sld [smem:$0x3FFD];
	_ =	sdelay $0x3  }
0x96: {  	_ =	strace s3  }
0x97: {  	_ =	strace $0x8FFFFFFF  }
0x98: {  	s19 =	sld [smem:$0x3FDB];
	_ =	sdelay $0x1  }
0x99: {  	s4 =	simm.s32 $_scs_section_size  }
0x9a: {  	s5 =	simm.s32 $_size__tile_overlayer_lowered;
	s6 =	simm.s32 $_tile_overlayer_lowered  }
0x9b: {  	s22 =	simm.s32 $0x1BFF;
	s21 =	sshll.u32 s6, $0x1;
	s3 =	sadd.s32 s4, s19  }
0x9c: {  	s7 =	simm.s32 $0x0;
	s20 =	sshll.u32 s5, $0x1;
	s5 =	sadd.s32 s21, s3  }
0x9d: {  	[timem:s7], [sflag:s22] =	dma.local [hbm:s5], s20  }
0x9e: {  	_ =	swait.ge [sflag:s22], s20  }
0x9f: {  	s4 =	ssub.s32 $0x0, s20;
	[sflag:s22] =	ssyncset.done $0x0  }
0xa0: {  	[sflag:s22] =	ssyncadd.s32 s4;
	_ =	sdelay $0x1  }
0xa1: {  	s23 =	simm.s32 $0x1B8B  }
0xa2: {  	_ =	swait.ge [sflag:s23], $0x1  }
0xa3: {  	[sflag:s23] =	ssyncset.done $0x0  }
0xa4: {  	s25 =	simm.s32 $0x1B8E;
	s24 =	sld [smem:$0x3FFE];
	[sflag:s23] =	ssyncadd.s32 $0xFFFFFFFF  }
0xa5: {  	s26 =	simm.s32 $execute0_lowered;
	[smem:$0x3FD2] =	sst s25  }
0xa6: {  	s5 =	sshll.u32 s26, $0x1;
	_ =	strace $0x80000046;
	[dreg:$0x1] =	wrdreg $0xFFFFFFFF  }
0xa7: {  	s28 =	simm.s32 $_size_execute0_lowered;
	s3 =	sadd.s32 s3, s5;
	[dreg:$0x0] =	wrdreg $0x0  }
0xa8: {  	s5 =	sshll.u32 s28, $0x1;
	[dreg:$0x2] =	wrdreg s3  }
0xa9: {  	[dreg:$0x3] =	wrdreg s5  }
0xaa: {  	[dreg:$0x4] =	wrdreg $0xC0  }
0xab: {  	_ =	task [dreg:s7], $0x5FFFF  }
0xac: {  	[dreg:$0x1] =	wrdreg $0xFFFFFFFF  }
0xad: {  	[dreg:$0x0] =	wrdreg $0x60  }
0xae: {  	[dreg:$0x2] =	wrdreg s24  }
0xaf: {  	[dreg:$0x3] =	wrdreg s2  }
0xb0: {  	[dreg:$0x4] =	wrdreg $0x195000  }
0xb1: {  	[dreg:$0x5] =	wrdreg $0x1BD000  }
0xb2: {  	[dreg:$0x6] =	wrdreg $0x9  }
0xb3: {  	_ =	task.clear_ibuf [dreg:s7], $0x7FFFF;
	_ =	strace $0x90000046  }
0xb4: {  	s29 =	simm.s32 $0x9;
	_ =	strace $0x80000048  }
0xb5: {  	_ =	swait.ge [sflag:s29], $0x1  }
0xb6: {  	[sflag:s29] =	ssyncadd.s32 $0xFFFFFFFF  }
0xb7: {  	_ =	strace $0x90000048  }
0xb8: {  	_ =	sfence  }
0xb9: {  	s30 =	sld [smem:$0x0];
	_ =	sdelay $0x2  }
0xba: {  	s31 =	sshll.u32 s1, $0xD;
	s1 =	sshrl.u32 s1, $0x2  }
0xbb: {  	s3 =	sand.u32 $0x4000, s31;
	s1 =	sadd.s32 s1, s30  }
0xbc: {  	s0 =	sor.u32 s3, s0;
	s1 =	sshll.u32 s1, $0x11  }
0xbd: {  	s0 =	sor.u32 s1, s0  }
0xbe: {  	s0 =	sadd.s32 $0x8F2B, s0  }
0xbf: {  	[sflag:s0] =	ssyncadd.remote.s32 $0x1  }
0xc0: {  	_ =	sfence.sel $0xFFFF  }
0xc1: {  	[dreg:$0x0] =	wrdreg $0xFFFFFFFF;
	(pc) =	sbr.abs _section_cstart, $3  }
0xc2: {  	[dreg:$0x1] =	wrdreg $0xFFFFFFFF  }
0xc3: {  	_ =	task.clear_ibuf [dreg:s7], $0x2FFFF;
	_ =	strace $0x9FFFFFFF  }
0xc4: {  	(tm) =	ssettm $0x7FFFFFFF  }
0xc5: {  	_ =	shalt  }
tec
execute0_lowered:
.L_overlay_start_1:
0x0: {  	(tag) =	ssettag $0x1  }
0x1: {  	s0 =	rddreg [dreg:$0x0]  }
0x2: {  	s2 =	rddreg [dreg:$0x1]  }
0x3: {  	s1 =	srdreg.scid;
	s3 =	rddreg [dreg:$0x2]  }
0x4: {  	s9 =	stileid.u32;
	s21 =	rddreg [dreg:$0x3]  }
0x5: {  	s5 =	simm.s32 $0x0;
	s30 =	simm.s32 $0x1;
	s23 =	smul.u32 $0xA00, s9  }
0x6: {  	s31 =	simm.s32 $0x0;
	s1 =	sand.u32 $0x1, s1;
	s6 =	smul.u32 $0xA000, s9  }
0x7: {  	[smem:$0x7FF] =	sst s5;
	s7 =	sadd.s32 $0x2400, s0;
	s20 =	smul.u32 $0x280, s9  }
0x8: {  	s4 =	sshll.u32 s1, $0x4;
	_ =	strace $0x80000047;
	s1 =	ssub.s32 $0x2, s1  }
0x9: {  	s4 =	sor.u32 s9, s4;
	s8 =	sshrl.u32 s1, $0x1;
	s24 =	sadd.s32 s7, s23  }
0xa: {  	s5 =	sadd.s32 s2, s23;
	s25 =	sshrl.u32 s6, $0x2;
	s6 =	sadd.s32 s20, s3  }
0xb: {  	s20 =	sadd.s32 s20, s21;
	s4 =	smul.u32 $0x500, s4;
	[dreg:$0x5] =	wrdreg s24  }
0xc: {  	s1 =	ssub.s32 s1, s8;
	[dreg:$0x6] =	wrdreg s5;
	s3 =	sadd.s32 s25, s3  }
0xd: {  	s26 =	sadd.s32 $0x2800, s6;
	s9 =	sadd.s32 $0x5000, s6;
	s10 =	sadd.s32 $0x7800, s6  }
0xe: {  	s11 =	sadd.s32 $0xA000, s6;
	s12 =	sadd.s32 $0xC800, s6;
	s13 =	sadd.s32 $0xF000, s6  }
0xf: {  	s14 =	sadd.s32 $0x11800, s6;
	s15 =	sadd.s32 $0x14000, s6;
	s16 =	sadd.s32 $0x16800, s6  }
0x10: {  	s17 =	sadd.s32 $0x19000, s6;
	s18 =	sadd.s32 $0x1B800, s6;
	s19 =	sadd.s32 $0x1E000, s6  }
0x11: {  	s28 =	sadd.s32 $0x23000, s6;
	s29 =	sadd.s32 $0x25800, s6;
	[dreg:$0x7] =	wrdreg s3  }
0x12: {  	[dreg:$0x8] =	wrdreg s26;
	s25 =	smax.u32 s1, $0x1;
	s26 =	sadd.s32 $0x20800, s6  }
0x13: {  	s1 =	simm.s32 $0xA000;
	s3 =	simm.s32 $0xCD00;
	s0 =	sadd.s32 s4, s0  }
0x14: {  	s21 =	sadd.s32 s7, s4;
	s22 =	sadd.s32 s2, s4;
	s2 =	simm.s32 $0xCA80  }
0x15: {  	v0 =	vimm.f32 $0.0e+00;
	s23 =	sadd.s32 $0xC400, s0;
	s24 =	sadd.s32 $0x16400, s0;
	s0 =	simm.s32 $0xC800  }
.LBB2_1:
0x16: {  	s4 =	simm.s32 $0x40;
	s5 =	simm.s32 $0x0  }
.LBB2_2:
0x17: {  	p0 =	sne.s32 s4, $0x9FC0;
	[tilespmem:s5+$0xA000] =	vst v0;
	s5 =	smov.u32 s4;
	s4 =	sadd.s32 $0x40, s4  }
.Ltmp0:
0x18: {  	(pc) =	sbr.rel @p0 .LBB2_2-.Ltmp0, $2  }
0x19: {  	_ =	sdelay $0x2  }
0x1a: {  	s5 =	sshra.s32 s5, $0x2  }
0x1b: {  	[tilespmem:s5+$0xA000] =	vst v0;
	s4 =	simm.s32 $0x0;
	s7 =	rddreg [dreg:$0x5]  }
0x1c: {  	[tilespmem:s4], [sflag:$0x1] =	stream.linear.gather [hbm4b:s7+s4], $0x5000, $0x38;
	[tilespmem:$0x1BF80] =	vst v63  }
0x1d: {  	_ =	swait.ge [sflag:s30], $0x5000  }
0x1e: {  	[sflag:s30] =	ssyncset.done $0x0  }
0x1f: {  	s7 =	simm.s32 $0x5000;
	s8 =	rddreg [dreg:$0x6];
	[sflag:s30] =	ssyncadd.s32 $0xFFFFB000  }
0x20: {  	[tilespmem:s7], [sflag:$0x1] =	stream.linear.gather [hbm4b:s8+s4], $0x5000, $0x38;
	[tilespmem:$0x1BF80] =	vst v63  }
0x21: {  	_ =	swait.ge [sflag:s30], $0x5000  }
0x22: {  	[sflag:s30] =	ssyncset.done $0x0  }
0x23: {  	[sflag:s30] =	ssyncadd.s32 $0xFFFFB000  }
.LBB2_4:
0x24: {  	s5 =	sshra.s32 s4, $0x2  }
0x25: {  	v1 =	vld [tilespmem:s5+$0x0];
	_ =	sdelay $0x2  }
0x26: {  	v2 =	vld [tilespmem:s5+$0x5000];
	_ =	sdelay $0x4  }
0x27: {  	[tilespmem:v1+s1+$0x0] =	vst.idx.add.f32.msk $0xffff, v2  }
0x28: {  	v1 =	vld [tilespmem:s5+$0x10];
	_ =	sdelay $0x2  }
0x29: {  	v2 =	vld [tilespmem:s5+$0x5010];
	_ =	sdelay $0x4  }
0x2a: {  	[tilespmem:v1+s1+$0x0] =	vst.idx.add.f32.msk $0xffff, v2  }
0x2b: {  	v1 =	vld [tilespmem:s5+$0x20];
	_ =	sdelay $0x2  }
0x2c: {  	v2 =	vld [tilespmem:s5+$0x5020];
	_ =	sdelay $0x4  }
0x2d: {  	[tilespmem:v1+s1+$0x0] =	vst.idx.add.f32.msk $0xffff, v2  }
0x2e: {  	v1 =	vld [tilespmem:s5+$0x30];
	_ =	sdelay $0x2  }
0x2f: {  	v2 =	vld [tilespmem:s5+$0x5030];
	_ =	sdelay $0x4  }
0x30: {  	[tilespmem:v1+s1+$0x0] =	vst.idx.add.f32.msk $0xffff, v2  }
0x31: {  	v1 =	vld [tilespmem:s5+$0x40];
	_ =	sdelay $0x2  }
0x32: {  	v2 =	vld [tilespmem:s5+$0x5040];
	_ =	sdelay $0x4  }
0x33: {  	[tilespmem:v1+s1+$0x0] =	vst.idx.add.f32.msk $0xffff, v2  }
0x34: {  	v1 =	vld [tilespmem:s5+$0x50];
	_ =	sdelay $0x2  }
0x35: {  	v2 =	vld [tilespmem:s5+$0x5050];
	_ =	sdelay $0x4  }
0x36: {  	[tilespmem:v1+s1+$0x0] =	vst.idx.add.f32.msk $0xffff, v2  }
0x37: {  	v1 =	vld [tilespmem:s5+$0x60];
	_ =	sdelay $0x2  }
0x38: {  	v2 =	vld [tilespmem:s5+$0x5060];
	_ =	sdelay $0x4  }
0x39: {  	[tilespmem:v1+s1+$0x0] =	vst.idx.add.f32.msk $0xffff, v2  }
0x3a: {  	v1 =	vld [tilespmem:s5+$0x70];
	_ =	sdelay $0x2  }
0x3b: {  	p0 =	sne.s32 s4, $0x13E00;
	v2 =	vld [tilespmem:s5+$0x5070]  }
.Ltmp1:
0x3c: {  	_ = 	snop;
	(pc) =	sbr.rel @p0 .LBB2_4-.Ltmp1, $2  }
0x3d: {  	_ =	sdelay $0x2  }
0x3e: {  	s4 =	sadd.s32 $0x200, s4;
	[tilespmem:v1+s1+$0x0] =	vst.idx.add.f32.msk $0xffff, v2  }
0x3f: {  	s4 =	rddreg [dreg:$0x7]  }
0x40: {  	[spmem:s4] =	stream.linear.scatter [tilespmem:s1], [sflag:$0x1], $0x2800, $0x38;
	[tilespmem:$0x1BF80] =	vst v63  }
0x41: {  	_ =	swait.ge [sflag:s30], $0x2800  }
0x42: {  	[sflag:s30] =	ssyncset.done $0x0  }
0x43: {  	[sflag:s30] =	ssyncadd.s32 $0xFFFFD800  }
0x44: {  	[bflag:$0x0] =	sbarrier.arrive $0xFFFF  }
0x45: {  	[tilespmem:s0], [sflag:$0x1] =	stream.linear.gather [spmem:s6], $0x280, $0x38;
	[tilespmem:$0x1BF80] =	vst v63  }
0x46: {  	_ =	swait.ge [sflag:s30], $0x280  }
0x47: {  	[sflag:s30] =	ssyncset.done $0x0  }
0x48: {  	s8 =	rddreg [dreg:$0x8];
	[sflag:s30] =	ssyncadd.s32 $0xFFFFFD80  }
0x49: {  	[tilespmem:s2], [sflag:$0x1] =	stream.linear.gather [spmem:s8], $0x280, $0x38;
	[tilespmem:$0x1BF80] =	vst v63  }
0x4a: {  	_ =	swait.ge [sflag:s30], $0x280  }
0x4b: {  	[sflag:s30] =	ssyncset.done $0x0  }
0x4c: {  	s4 =	simm.s32 $0x0;
	[sflag:s30] =	ssyncadd.s32 $0xFFFFFD80  }
0x4d: {  	s5 =	simm.s32 $0x40;
	v1 =	vld [tilespmem:s4+$0xCA80]  }
.LBB2_6:
0x4e: {  	p0 =	sne.s32 s5, $0x9C0;
	v2 =	vld [tilespmem:s4+$0xC800];
	_ =	sdelay $0x2  }
.Ltmp2:
0x4f: {  	(pc) =	sbr.rel @p0 .LBB2_6-.Ltmp2, $4  }
0x50: {  	_ = 	snop  }
0x51: {  	v2 =	vadd.f32 v1, v2  }
0x52: {  	s7 =	sshra.s32 s5, $0x2  }
0x53: {  	s5 =	sadd.s32 $0x40, s5;
	v1 =	vld [tilespmem:s7+$0xCA80];
	[tilespmem:s4+$0xC800] =	vst v2;
	s4 =	smov.u32 s7  }
0x54: {  	v2 =	vld [tilespmem:s4+$0xC800];
	_ =	sdelay $0x4  }
0x55: {  	v1 =	vadd.f32 v1, v2;
	_ =	sdelay $0x1  }
0x56: {  	[tilespmem:s4+$0xC800] =	vst v1  }
0x57: {  	[tilespmem:s2], [sflag:$0x1] =	stream.linear.gather [spmem:s9], $0x280, $0x38;
	[tilespmem:$0x1BF80] =	vst v63  }
0x58: {  	_ =	swait.ge [sflag:s30], $0x280  }
0x59: {  	[sflag:s30] =	ssyncset.done $0x0  }
0x5a: {  	s4 =	simm.s32 $0x0;
	[sflag:s30] =	ssyncadd.s32 $0xFFFFFD80  }
0x5b: {  	s5 =	simm.s32 $0x40;
	v1 =	vld [tilespmem:s4+$0xCA80]  }
.LBB2_8:
0x5c: {  	p0 =	sne.s32 s5, $0x9C0;
	v2 =	vld [tilespmem:s4+$0xC800];
	_ =	sdelay $0x2  }
.Ltmp3:
0x5d: {  	(pc) =	sbr.rel @p0 .LBB2_8-.Ltmp3, $4  }
0x5e: {  	_ = 	snop  }
0x5f: {  	v2 =	vadd.f32 v1, v2  }
0x60: {  	s7 =	sshra.s32 s5, $0x2  }
0x61: {  	s5 =	sadd.s32 $0x40, s5;
	v1 =	vld [tilespmem:s7+$0xCA80];
	[tilespmem:s4+$0xC800] =	vst v2;
	s4 =	smov.u32 s7  }
0x62: {  	v2 =	vld [tilespmem:s4+$0xC800];
	_ =	sdelay $0x4  }
0x63: {  	v1 =	vadd.f32 v1, v2;
	_ =	sdelay $0x1  }
0x64: {  	[tilespmem:s4+$0xC800] =	vst v1  }
0x65: {  	[tilespmem:s2], [sflag:$0x1] =	stream.linear.gather [spmem:s10], $0x280, $0x38;
	[tilespmem:$0x1BF80] =	vst v63  }
0x66: {  	_ =	swait.ge [sflag:s30], $0x280  }
0x67: {  	[sflag:s30] =	ssyncset.done $0x0  }
0x68: {  	s4 =	simm.s32 $0x0;
	[sflag:s30] =	ssyncadd.s32 $0xFFFFFD80  }
0x69: {  	s5 =	simm.s32 $0x40;
	v1 =	vld [tilespmem:s4+$0xCA80]  }
.LBB2_10:
0x6a: {  	p0 =	sne.s32 s5, $0x9C0;
	v2 =	vld [tilespmem:s4+$0xC800];
	_ =	sdelay $0x2  }
.Ltmp4:
0x6b: {  	(pc) =	sbr.rel @p0 .LBB2_10-.Ltmp4, $4  }
0x6c: {  	_ = 	snop  }
0x6d: {  	v2 =	vadd.f32 v1, v2  }
0x6e: {  	s7 =	sshra.s32 s5, $0x2  }
0x6f: {  	s5 =	sadd.s32 $0x40, s5;
	v1 =	vld [tilespmem:s7+$0xCA80];
	[tilespmem:s4+$0xC800] =	vst v2;
	s4 =	smov.u32 s7  }
0x70: {  	v2 =	vld [tilespmem:s4+$0xC800];
	_ =	sdelay $0x4  }
0x71: {  	v1 =	vadd.f32 v1, v2;
	_ =	sdelay $0x1  }
0x72: {  	[tilespmem:s4+$0xC800] =	vst v1  }
0x73: {  	[tilespmem:s2], [sflag:$0x1] =	stream.linear.gather [spmem:s11], $0x280, $0x38;
	[tilespmem:$0x1BF80] =	vst v63  }
0x74: {  	_ =	swait.ge [sflag:s30], $0x280  }
0x75: {  	[sflag:s30] =	ssyncset.done $0x0  }
0x76: {  	s4 =	simm.s32 $0x0;
	[sflag:s30] =	ssyncadd.s32 $0xFFFFFD80  }
0x77: {  	s5 =	simm.s32 $0x40;
	v1 =	vld [tilespmem:s4+$0xCA80]  }
.LBB2_12:
0x78: {  	p0 =	sne.s32 s5, $0x9C0;
	v2 =	vld [tilespmem:s4+$0xC800];
	_ =	sdelay $0x2  }
.Ltmp5:
0x79: {  	(pc) =	sbr.rel @p0 .LBB2_12-.Ltmp5, $4  }
0x7a: {  	_ = 	snop  }
0x7b: {  	v2 =	vadd.f32 v1, v2  }
0x7c: {  	s7 =	sshra.s32 s5, $0x2  }
0x7d: {  	s5 =	sadd.s32 $0x40, s5;
	v1 =	vld [tilespmem:s7+$0xCA80];
	[tilespmem:s4+$0xC800] =	vst v2;
	s4 =	smov.u32 s7  }
0x7e: {  	v2 =	vld [tilespmem:s4+$0xC800];
	_ =	sdelay $0x4  }
0x7f: {  	v1 =	vadd.f32 v1, v2;
	_ =	sdelay $0x1  }
0x80: {  	[tilespmem:s4+$0xC800] =	vst v1  }
0x81: {  	[tilespmem:s2], [sflag:$0x1] =	stream.linear.gather [spmem:s12], $0x280, $0x38;
	[tilespmem:$0x1BF80] =	vst v63  }
0x82: {  	_ =	swait.ge [sflag:s30], $0x280  }
0x83: {  	[sflag:s30] =	ssyncset.done $0x0  }
0x84: {  	s4 =	simm.s32 $0x0;
	[sflag:s30] =	ssyncadd.s32 $0xFFFFFD80  }
0x85: {  	s5 =	simm.s32 $0x40;
	v1 =	vld [tilespmem:s4+$0xCA80]  }
.LBB2_14:
0x86: {  	p0 =	sne.s32 s5, $0x9C0;
	v2 =	vld [tilespmem:s4+$0xC800];
	_ =	sdelay $0x2  }
.Ltmp6:
0x87: {  	(pc) =	sbr.rel @p0 .LBB2_14-.Ltmp6, $4  }
0x88: {  	_ = 	snop  }
0x89: {  	v2 =	vadd.f32 v1, v2  }
0x8a: {  	s7 =	sshra.s32 s5, $0x2  }
0x8b: {  	s5 =	sadd.s32 $0x40, s5;
	v1 =	vld [tilespmem:s7+$0xCA80];
	[tilespmem:s4+$0xC800] =	vst v2;
	s4 =	smov.u32 s7  }
0x8c: {  	v2 =	vld [tilespmem:s4+$0xC800];
	_ =	sdelay $0x4  }
0x8d: {  	v1 =	vadd.f32 v1, v2;
	_ =	sdelay $0x1  }
0x8e: {  	[tilespmem:s4+$0xC800] =	vst v1  }
0x8f: {  	[tilespmem:s2], [sflag:$0x1] =	stream.linear.gather [spmem:s13], $0x280, $0x38;
	[tilespmem:$0x1BF80] =	vst v63  }
0x90: {  	_ =	swait.ge [sflag:s30], $0x280  }
0x91: {  	[sflag:s30] =	ssyncset.done $0x0  }
0x92: {  	s4 =	simm.s32 $0x0;
	[sflag:s30] =	ssyncadd.s32 $0xFFFFFD80  }
0x93: {  	s5 =	simm.s32 $0x40;
	v1 =	vld [tilespmem:s4+$0xCA80]  }
.LBB2_16:
0x94: {  	p0 =	sne.s32 s5, $0x9C0;
	v2 =	vld [tilespmem:s4+$0xC800];
	_ =	sdelay $0x2  }
.Ltmp7:
0x95: {  	(pc) =	sbr.rel @p0 .LBB2_16-.Ltmp7, $4  }
0x96: {  	_ = 	snop  }
0x97: {  	v2 =	vadd.f32 v1, v2  }
0x98: {  	s7 =	sshra.s32 s5, $0x2  }
0x99: {  	s5 =	sadd.s32 $0x40, s5;
	v1 =	vld [tilespmem:s7+$0xCA80];
	[tilespmem:s4+$0xC800] =	vst v2;
	s4 =	smov.u32 s7  }
0x9a: {  	v2 =	vld [tilespmem:s4+$0xC800];
	_ =	sdelay $0x4  }
0x9b: {  	v1 =	vadd.f32 v1, v2;
	_ =	sdelay $0x1  }
0x9c: {  	[tilespmem:s4+$0xC800] =	vst v1  }
0x9d: {  	[tilespmem:s2], [sflag:$0x1] =	stream.linear.gather [spmem:s14], $0x280, $0x38;
	[tilespmem:$0x1BF80] =	vst v63  }
0x9e: {  	_ =	swait.ge [sflag:s30], $0x280  }
0x9f: {  	[sflag:s30] =	ssyncset.done $0x0  }
0xa0: {  	s4 =	simm.s32 $0x0;
	[sflag:s30] =	ssyncadd.s32 $0xFFFFFD80  }
0xa1: {  	s5 =	simm.s32 $0x40;
	v1 =	vld [tilespmem:s4+$0xCA80]  }
.LBB2_18:
0xa2: {  	p0 =	sne.s32 s5, $0x9C0;
	v2 =	vld [tilespmem:s4+$0xC800];
	_ =	sdelay $0x2  }
.Ltmp8:
0xa3: {  	(pc) =	sbr.rel @p0 .LBB2_18-.Ltmp8, $4  }
0xa4: {  	_ = 	snop  }
0xa5: {  	v2 =	vadd.f32 v1, v2  }
0xa6: {  	s7 =	sshra.s32 s5, $0x2  }
0xa7: {  	s5 =	sadd.s32 $0x40, s5;
	v1 =	vld [tilespmem:s7+$0xCA80];
	[tilespmem:s4+$0xC800] =	vst v2;
	s4 =	smov.u32 s7  }
0xa8: {  	v2 =	vld [tilespmem:s4+$0xC800];
	_ =	sdelay $0x4  }
0xa9: {  	v1 =	vadd.f32 v1, v2;
	_ =	sdelay $0x1  }
0xaa: {  	[tilespmem:s4+$0xC800] =	vst v1  }
0xab: {  	[tilespmem:s2], [sflag:$0x1] =	stream.linear.gather [spmem:s15], $0x280, $0x38;
	[tilespmem:$0x1BF80] =	vst v63  }
0xac: {  	_ =	swait.ge [sflag:s30], $0x280  }
0xad: {  	[sflag:s30] =	ssyncset.done $0x0  }
0xae: {  	s4 =	simm.s32 $0x0;
	[sflag:s30] =	ssyncadd.s32 $0xFFFFFD80  }
0xaf: {  	s5 =	simm.s32 $0x40;
	v1 =	vld [tilespmem:s4+$0xCA80]  }
.LBB2_20:
0xb0: {  	p0 =	sne.s32 s5, $0x9C0;
	v2 =	vld [tilespmem:s4+$0xC800];
	_ =	sdelay $0x2  }
.Ltmp9:
0xb1: {  	(pc) =	sbr.rel @p0 .LBB2_20-.Ltmp9, $4  }
0xb2: {  	_ = 	snop  }
0xb3: {  	v2 =	vadd.f32 v1, v2  }
0xb4: {  	s7 =	sshra.s32 s5, $0x2  }
0xb5: {  	s5 =	sadd.s32 $0x40, s5;
	v1 =	vld [tilespmem:s7+$0xCA80];
	[tilespmem:s4+$0xC800] =	vst v2;
	s4 =	smov.u32 s7  }
0xb6: {  	v2 =	vld [tilespmem:s4+$0xC800];
	_ =	sdelay $0x4  }
0xb7: {  	v1 =	vadd.f32 v1, v2;
	_ =	sdelay $0x1  }
0xb8: {  	[tilespmem:s4+$0xC800] =	vst v1  }
0xb9: {  	[tilespmem:s2], [sflag:$0x1] =	stream.linear.gather [spmem:s16], $0x280, $0x38;
	[tilespmem:$0x1BF80] =	vst v63  }
0xba: {  	_ =	swait.ge [sflag:s30], $0x280  }
0xbb: {  	[sflag:s30] =	ssyncset.done $0x0  }
0xbc: {  	s4 =	simm.s32 $0x0;
	[sflag:s30] =	ssyncadd.s32 $0xFFFFFD80  }
0xbd: {  	s5 =	simm.s32 $0x40;
	v1 =	vld [tilespmem:s4+$0xCA80]  }
.LBB2_22:
0xbe: {  	p0 =	sne.s32 s5, $0x9C0;
	v2 =	vld [tilespmem:s4+$0xC800];
	_ =	sdelay $0x2  }
.Ltmp10:
0xbf: {  	(pc) =	sbr.rel @p0 .LBB2_22-.Ltmp10, $4  }
0xc0: {  	_ = 	snop  }
0xc1: {  	v2 =	vadd.f32 v1, v2  }
0xc2: {  	s7 =	sshra.s32 s5, $0x2  }
0xc3: {  	s5 =	sadd.s32 $0x40, s5;
	v1 =	vld [tilespmem:s7+$0xCA80];
	[tilespmem:s4+$0xC800] =	vst v2;
	s4 =	smov.u32 s7  }
0xc4: {  	v2 =	vld [tilespmem:s4+$0xC800];
	_ =	sdelay $0x4  }
0xc5: {  	v1 =	vadd.f32 v1, v2;
	_ =	sdelay $0x1  }
0xc6: {  	[tilespmem:s4+$0xC800] =	vst v1  }
0xc7: {  	[tilespmem:s2], [sflag:$0x1] =	stream.linear.gather [spmem:s17], $0x280, $0x38;
	[tilespmem:$0x1BF80] =	vst v63  }
0xc8: {  	_ =	swait.ge [sflag:s30], $0x280  }
0xc9: {  	[sflag:s30] =	ssyncset.done $0x0  }
0xca: {  	s4 =	simm.s32 $0x0;
	[sflag:s30] =	ssyncadd.s32 $0xFFFFFD80  }
0xcb: {  	s5 =	simm.s32 $0x40;
	v1 =	vld [tilespmem:s4+$0xCA80]  }
.LBB2_24:
0xcc: {  	p0 =	sne.s32 s5, $0x9C0;
	v2 =	vld [tilespmem:s4+$0xC800];
	_ =	sdelay $0x2  }
.Ltmp11:
0xcd: {  	(pc) =	sbr.rel @p0 .LBB2_24-.Ltmp11, $4  }
0xce: {  	_ = 	snop  }
0xcf: {  	v2 =	vadd.f32 v1, v2  }
0xd0: {  	s7 =	sshra.s32 s5, $0x2  }
0xd1: {  	s5 =	sadd.s32 $0x40, s5;
	v1 =	vld [tilespmem:s7+$0xCA80];
	[tilespmem:s4+$0xC800] =	vst v2;
	s4 =	smov.u32 s7  }
0xd2: {  	v2 =	vld [tilespmem:s4+$0xC800];
	_ =	sdelay $0x4  }
0xd3: {  	v1 =	vadd.f32 v1, v2;
	_ =	sdelay $0x1  }
0xd4: {  	[tilespmem:s4+$0xC800] =	vst v1  }
0xd5: {  	[tilespmem:s2], [sflag:$0x1] =	stream.linear.gather [spmem:s18], $0x280, $0x38;
	[tilespmem:$0x1BF80] =	vst v63  }
0xd6: {  	_ =	swait.ge [sflag:s30], $0x280  }
0xd7: {  	[sflag:s30] =	ssyncset.done $0x0  }
0xd8: {  	s4 =	simm.s32 $0x0;
	[sflag:s30] =	ssyncadd.s32 $0xFFFFFD80  }
0xd9: {  	s5 =	simm.s32 $0x40;
	v1 =	vld [tilespmem:s4+$0xCA80]  }
.LBB2_26:
0xda: {  	p0 =	sne.s32 s5, $0x9C0;
	v2 =	vld [tilespmem:s4+$0xC800];
	_ =	sdelay $0x2  }
.Ltmp12:
0xdb: {  	(pc) =	sbr.rel @p0 .LBB2_26-.Ltmp12, $4  }
0xdc: {  	_ = 	snop  }
0xdd: {  	v2 =	vadd.f32 v1, v2  }
0xde: {  	s7 =	sshra.s32 s5, $0x2  }
0xdf: {  	s5 =	sadd.s32 $0x40, s5;
	v1 =	vld [tilespmem:s7+$0xCA80];
	[tilespmem:s4+$0xC800] =	vst v2;
	s4 =	smov.u32 s7  }
0xe0: {  	v2 =	vld [tilespmem:s4+$0xC800];
	_ =	sdelay $0x4  }
0xe1: {  	v1 =	vadd.f32 v1, v2;
	_ =	sdelay $0x1  }
0xe2: {  	[tilespmem:s4+$0xC800] =	vst v1  }
0xe3: {  	[tilespmem:s2], [sflag:$0x1] =	stream.linear.gather [spmem:s19], $0x280, $0x38;
	[tilespmem:$0x1BF80] =	vst v63  }
0xe4: {  	_ =	swait.ge [sflag:s30], $0x280  }
0xe5: {  	[sflag:s30] =	ssyncset.done $0x0  }
0xe6: {  	s4 =	simm.s32 $0x0;
	[sflag:s30] =	ssyncadd.s32 $0xFFFFFD80  }
0xe7: {  	s5 =	simm.s32 $0x40;
	v1 =	vld [tilespmem:s4+$0xCA80]  }
.LBB2_28:
0xe8: {  	p0 =	sne.s32 s5, $0x9C0;
	v2 =	vld [tilespmem:s4+$0xC800];
	_ =	sdelay $0x2  }
.Ltmp13:
0xe9: {  	(pc) =	sbr.rel @p0 .LBB2_28-.Ltmp13, $4  }
0xea: {  	_ = 	snop  }
0xeb: {  	v2 =	vadd.f32 v1, v2  }
0xec: {  	s7 =	sshra.s32 s5, $0x2  }
0xed: {  	s5 =	sadd.s32 $0x40, s5;
	v1 =	vld [tilespmem:s7+$0xCA80];
	[tilespmem:s4+$0xC800] =	vst v2;
	s4 =	smov.u32 s7  }
0xee: {  	v2 =	vld [tilespmem:s4+$0xC800];
	_ =	sdelay $0x4  }
0xef: {  	v1 =	vadd.f32 v1, v2;
	_ =	sdelay $0x1  }
0xf0: {  	[tilespmem:s4+$0xC800] =	vst v1  }
0xf1: {  	[tilespmem:s2], [sflag:$0x1] =	stream.linear.gather [spmem:s26], $0x280, $0x38;
	[tilespmem:$0x1BF80] =	vst v63  }
0xf2: {  	_ =	swait.ge [sflag:s30], $0x280  }
0xf3: {  	[sflag:s30] =	ssyncset.done $0x0  }
0xf4: {  	s4 =	simm.s32 $0x0;
	[sflag:s30] =	ssyncadd.s32 $0xFFFFFD80  }
0xf5: {  	s5 =	simm.s32 $0x40;
	v1 =	vld [tilespmem:s4+$0xCA80]  }
.LBB2_30:
0xf6: {  	p0 =	sne.s32 s5, $0x9C0;
	v2 =	vld [tilespmem:s4+$0xC800];
	_ =	sdelay $0x2  }
.Ltmp14:
0xf7: {  	(pc) =	sbr.rel @p0 .LBB2_30-.Ltmp14, $4  }
0xf8: {  	_ = 	snop  }
0xf9: {  	v2 =	vadd.f32 v1, v2  }
0xfa: {  	s7 =	sshra.s32 s5, $0x2  }
0xfb: {  	s5 =	sadd.s32 $0x40, s5;
	v1 =	vld [tilespmem:s7+$0xCA80];
	[tilespmem:s4+$0xC800] =	vst v2;
	s4 =	smov.u32 s7  }
0xfc: {  	v2 =	vld [tilespmem:s4+$0xC800];
	_ =	sdelay $0x4  }
0xfd: {  	v1 =	vadd.f32 v1, v2;
	_ =	sdelay $0x1  }
0xfe: {  	[tilespmem:s4+$0xC800] =	vst v1  }
0xff: {  	[tilespmem:s2], [sflag:$0x1] =	stream.linear.gather [spmem:s28], $0x280, $0x38;
	[tilespmem:$0x1BF80] =	vst v63  }
0x100: {  	_ =	swait.ge [sflag:s30], $0x280  }
0x101: {  	[sflag:s30] =	ssyncset.done $0x0  }
0x102: {  	s4 =	simm.s32 $0x0;
	[sflag:s30] =	ssyncadd.s32 $0xFFFFFD80  }
0x103: {  	s5 =	simm.s32 $0x40;
	v1 =	vld [tilespmem:s4+$0xCA80]  }
.LBB2_32:
0x104: {  	p0 =	sne.s32 s5, $0x9C0;
	v2 =	vld [tilespmem:s4+$0xC800];
	_ =	sdelay $0x2  }
.Ltmp15:
0x105: {  	(pc) =	sbr.rel @p0 .LBB2_32-.Ltmp15, $4  }
0x106: {  	_ = 	snop  }
0x107: {  	v2 =	vadd.f32 v1, v2  }
0x108: {  	s7 =	sshra.s32 s5, $0x2  }
0x109: {  	s5 =	sadd.s32 $0x40, s5;
	v1 =	vld [tilespmem:s7+$0xCA80];
	[tilespmem:s4+$0xC800] =	vst v2;
	s4 =	smov.u32 s7  }
0x10a: {  	v2 =	vld [tilespmem:s4+$0xC800];
	_ =	sdelay $0x4  }
0x10b: {  	v1 =	vadd.f32 v1, v2;
	_ =	sdelay $0x1  }
0x10c: {  	[tilespmem:s4+$0xC800] =	vst v1  }
0x10d: {  	[tilespmem:s2], [sflag:$0x1] =	stream.linear.gather [spmem:s29], $0x280, $0x38;
	[tilespmem:$0x1BF80] =	vst v63  }
0x10e: {  	_ =	swait.ge [sflag:s30], $0x280  }
0x10f: {  	[sflag:s30] =	ssyncset.done $0x0  }
0x110: {  	s4 =	simm.s32 $0x0;
	[sflag:s30] =	ssyncadd.s32 $0xFFFFFD80  }
0x111: {  	s7 =	simm.s32 $0x40;
	s5 =	simm.s32 $0x0;
	v1 =	vld [tilespmem:s4+$0xCA80]  }
.LBB2_34:
0x112: {  	p0 =	sne.s32 s7, $0x9C0;
	v2 =	vld [tilespmem:s5+$0xC800];
	_ =	sdelay $0x2  }
.Ltmp16:
0x113: {  	(pc) =	sbr.rel @p0 .LBB2_34-.Ltmp16, $4  }
0x114: {  	_ = 	snop  }
0x115: {  	v2 =	vadd.f32 v1, v2  }
0x116: {  	s8 =	sshra.s32 s7, $0x2  }
0x117: {  	s7 =	sadd.s32 $0x40, s7;
	v1 =	vld [tilespmem:s8+$0xCA80];
	[tilespmem:s5+$0xC800] =	vst v2;
	s5 =	smov.u32 s8  }
0x118: {  	v2 =	vld [tilespmem:s5+$0xC800];
	_ =	sdelay $0x4  }
0x119: {  	v1 =	vadd.f32 v1, v2;
	_ =	sdelay $0x1  }
0x11a: {  	[tilespmem:s5+$0xC800] =	vst v1;
	s5 =	simm.s32 $0x40  }
.LBB2_36:
0x11b: {  	p0 =	sne.s32 s5, $0x9C0;
	v1 =	vld [tilespmem:s4+$0xC800];
	_ =	sdelay $0x4  }
0x11c: {  	v2 =	vshra.s32 v1, $0x1;
	v3 =	vmul.f32 $5.000000000e-01, v1  }
0x11d: {  	v2 =	vsub.s32 $0x5F3759DF, v2  }
0x11e: {  	v4 =	vmul.f32 v2, v3;
	_ =	sdelay $0x1  }
0x11f: {  	v4 =	vmul.f32 v2, v4;
	_ =	sdelay $0x1  }
0x120: {  	v4 =	vsub.f32 $1.500000000e+00, v4;
	_ =	sdelay $0x1  }
0x121: {  	v2 =	vmul.f32 v2, v4;
	_ =	sdelay $0x1  }
0x122: {  	v4 =	vmul.f32 v2, v3;
	_ =	sdelay $0x1  }
0x123: {  	v4 =	vmul.f32 v4, v2;
	_ =	sdelay $0x1  }
0x124: {  	v4 =	vsub.f32 $1.500000000e+00, v4;
	_ =	sdelay $0x1  }
0x125: {  	v2 =	vmul.f32 v4, v2;
	_ =	sdelay $0x1  }
0x126: {  	v3 =	vmul.f32 v2, v3;
	_ =	sdelay $0x1  }
0x127: {  	v3 =	vmul.f32 v3, v2;
	_ =	sdelay $0x1  }
0x128: {  	v3 =	vsub.f32 $1.500000000e+00, v3  }
.Ltmp17:
0x129: {  	(pc) =	sbr.rel @p0 .LBB2_36-.Ltmp17, $4  }
0x12a: {  	v2 =	vmul.f32 v3, v2  }
0x12b: {  	vm0 =	vgt.f32 v1, $0.0e+00  }
0x12c: {  	v1 =	vnsel vm0, $0x0, v2  }
0x12d: {  	[tilespmem:s4+$0xC800] =	vst v1;
	s4 =	sshra.s32 s5, $0x2;
	s5 =	sadd.s32 $0x40, s5  }
0x12e: {  	v1 =	vld [tilespmem:s4+$0xC800];
	_ =	sdelay $0x4  }
0x12f: {  	v2 =	vshra.s32 v1, $0x1;
	v3 =	vmul.f32 $5.000000000e-01, v1  }
0x130: {  	v2 =	vsub.s32 $0x5F3759DF, v2  }
0x131: {  	v4 =	vmul.f32 v2, v3;
	_ =	sdelay $0x1  }
0x132: {  	v4 =	vmul.f32 v2, v4;
	_ =	sdelay $0x1  }
0x133: {  	v4 =	vsub.f32 $1.500000000e+00, v4;
	_ =	sdelay $0x1  }
0x134: {  	v2 =	vmul.f32 v2, v4;
	_ =	sdelay $0x1  }
0x135: {  	v4 =	vmul.f32 v2, v3;
	_ =	sdelay $0x1  }
0x136: {  	v4 =	vmul.f32 v4, v2;
	_ =	sdelay $0x1  }
0x137: {  	v4 =	vsub.f32 $1.500000000e+00, v4;
	_ =	sdelay $0x1  }
0x138: {  	v2 =	vmul.f32 v4, v2;
	_ =	sdelay $0x1  }
0x139: {  	v3 =	vmul.f32 v2, v3;
	_ =	sdelay $0x1  }
0x13a: {  	v3 =	vmul.f32 v3, v2;
	_ =	sdelay $0x1  }
0x13b: {  	v3 =	vsub.f32 $1.500000000e+00, v3;
	_ =	sdelay $0x1  }
0x13c: {  	v2 =	vmul.f32 v3, v2  }
0x13d: {  	vm0 =	vgt.f32 v1, $0.0e+00  }
0x13e: {  	v1 =	vnsel vm0, $0x0, v2  }
0x13f: {  	[tilespmem:s4+$0xC800] =	vst v1  }
0x140: {  	[spmem:s20] =	stream.linear.scatter [tilespmem:s0], [sflag:$0x1], $0x280, $0x38;
	[tilespmem:$0x1BF80] =	vst v63  }
0x141: {  	_ =	swait.ge [sflag:s30], $0x280  }
0x142: {  	[sflag:s30] =	ssyncset.done $0x0  }
0x143: {  	[sflag:s30] =	ssyncadd.s32 $0xFFFFFD80  }
0x144: {  	[bflag:$0x0] =	sbarrier.arrive $0xFFFF  }
0x145: {  	s5 =	rddreg [dreg:$0x3]  }
0x146: {  	[tilespmem:s3], [sflag:$0x1] =	stream.linear.gather [spmem:s5], $0x2800, $0x38;
	[tilespmem:$0x1BF80] =	vst v63  }
0x147: {  	_ =	swait.ge [sflag:s30], $0x2800  }
0x148: {  	[sflag:s30] =	ssyncset.done $0x0  }
0x149: {  	s4 =	simm.s32 $0x0;
	s5 =	simm.s32 $0xF500;
	[sflag:s30] =	ssyncadd.s32 $0xFFFFD800  }
0x14a: {  	[tilespmem:s5], [sflag:$0x1] =	stream.linear.gather [hbm4b:s23+s4], $0x2800, $0x38;
	[tilespmem:$0x1BF80] =	vst v63  }
0x14b: {  	_ =	swait.ge [sflag:s30], $0x2800  }
0x14c: {  	[sflag:s30] =	ssyncset.done $0x0  }
0x14d: {  	s7 =	simm.s32 $0x11D00;
	[sflag:s30] =	ssyncadd.s32 $0xFFFFD800  }
0x14e: {  	[tilespmem:s7], [sflag:$0x1] =	stream.linear.gather [hbm4b:s21+s4], $0x2800, $0x38;
	[tilespmem:$0x1BF80] =	vst v63  }
0x14f: {  	_ =	swait.ge [sflag:s30], $0x2800  }
0x150: {  	[sflag:s30] =	ssyncset.done $0x0  }
0x151: {  	s8 =	simm.s32 $0x14500;
	[sflag:s30] =	ssyncadd.s32 $0xFFFFD800  }
0x152: {  	[tilespmem:s8], [sflag:$0x1] =	stream.linear.gather [hbm4b:s22+s4], $0x2800, $0x38;
	[tilespmem:$0x1BF80] =	vst v63  }
0x153: {  	_ =	swait.ge [sflag:s30], $0x2800  }
0x154: {  	[sflag:s30] =	ssyncset.done $0x0  }
0x155: {  	s4 =	simm.s32 $0x0;
	[sflag:s30] =	ssyncadd.s32 $0xFFFFD800  }
0x156: {  	v1 =	vld [tilespmem:s4+$0xF500];
	_ =	sdelay $0x1  }
0x157: {  	v2 =	vld [tilespmem:s4+$0x11D00];
	_ =	sdelay $0x4  }
0x158: {  	v3 =	vld [tilespmem:s4+$0x14500]  }
0x159: {  	v1 =	vld.idx.msk [tilespmem:v1+s3+$0x0], $0xffff  }
0x15a: {  	v4 =	vld [tilespmem:s4+$0xF510]  }
0x15b: {  	v2 =	vld.idx.msk [tilespmem:v2+s3+$0x0], $0xffff  }
0x15c: {  	v5 =	vld [tilespmem:s4+$0x11D10];
	_ =	sdelay $0x1  }
0x15d: {  	v1 =	vmul.f32 v1, v3;
	_ =	sdelay $0x1  }
0x15e: {  	v1 =	vmul.f32 v2, v1;
	_ =	sdelay $0x1  }
0x15f: {  	v2 =	vld [tilespmem:s4+$0x14510];
	[tilespmem:s4+$0x16D00] =	vst v1  }
0x160: {  	v1 =	vld.idx.msk [tilespmem:v4+s3+$0x0], $0xffff  }
0x161: {  	v3 =	vld.idx.msk [tilespmem:v5+s3+$0x0], $0xffff  }
0x162: {  	v4 =	vld [tilespmem:s4+$0xF520]  }
0x163: {  	v5 =	vld [tilespmem:s4+$0x11D20];
	_ =	sdelay $0x1  }
0x164: {  	v1 =	vmul.f32 v1, v2;
	_ =	sdelay $0x1  }
0x165: {  	v1 =	vmul.f32 v3, v1;
	_ =	sdelay $0x1  }
0x166: {  	v2 =	vld [tilespmem:s4+$0x14520];
	[tilespmem:s4+$0x16D10] =	vst v1  }
0x167: {  	v1 =	vld.idx.msk [tilespmem:v4+s3+$0x0], $0xffff  }
0x168: {  	v3 =	vld.idx.msk [tilespmem:v5+s3+$0x0], $0xffff  }
0x169: {  	v4 =	vld [tilespmem:s4+$0xF530]  }
0x16a: {  	v5 =	vld [tilespmem:s4+$0x11D30];
	_ =	sdelay $0x1  }
0x16b: {  	v1 =	vmul.f32 v1, v2;
	_ =	sdelay $0x1  }
0x16c: {  	v1 =	vmul.f32 v3, v1;
	_ =	sdelay $0x1  }
0x16d: {  	v2 =	vld [tilespmem:s4+$0x14530];
	[tilespmem:s4+$0x16D20] =	vst v1  }
0x16e: {  	v1 =	vld.idx.msk [tilespmem:v4+s3+$0x0], $0xffff  }
0x16f: {  	v3 =	vld.idx.msk [tilespmem:v5+s3+$0x0], $0xffff  }
0x170: {  	v4 =	vld [tilespmem:s4+$0xF540]  }
0x171: {  	v5 =	vld [tilespmem:s4+$0x11D40];
	_ =	sdelay $0x1  }
0x172: {  	v1 =	vmul.f32 v1, v2;
	_ =	sdelay $0x1  }
0x173: {  	v1 =	vmul.f32 v3, v1;
	_ =	sdelay $0x1  }
0x174: {  	v2 =	vld [tilespmem:s4+$0x14540];
	[tilespmem:s4+$0x16D30] =	vst v1  }
0x175: {  	v1 =	vld.idx.msk [tilespmem:v4+s3+$0x0], $0xffff  }
0x176: {  	v3 =	vld.idx.msk [tilespmem:v5+s3+$0x0], $0xffff  }
0x177: {  	v4 =	vld [tilespmem:s4+$0xF550]  }
0x178: {  	v5 =	vld [tilespmem:s4+$0x11D50];
	_ =	sdelay $0x1  }
0x179: {  	v1 =	vmul.f32 v1, v2;
	_ =	sdelay $0x1  }
0x17a: {  	v1 =	vmul.f32 v3, v1;
	_ =	sdelay $0x1  }
0x17b: {  	[tilespmem:s4+$0x16D40] =	vst v1;
	v1 =	vld [tilespmem:s4+$0x14550]  }
0x17c: {  	v2 =	vld.idx.msk [tilespmem:v4+s3+$0x0], $0xffff  }
0x17d: {  	v3 =	vld.idx.msk [tilespmem:v5+s3+$0x0], $0xffff  }
0x17e: {  	v4 =	vld [tilespmem:s4+$0xF560]  }
0x17f: {  	v5 =	vld [tilespmem:s4+$0x11D60];
	_ =	sdelay $0x1  }
0x180: {  	v1 =	vmul.f32 v2, v1;
	_ =	sdelay $0x1  }
0x181: {  	v1 =	vmul.f32 v3, v1;
	_ =	sdelay $0x1  }
0x182: {  	[tilespmem:s4+$0x16D50] =	vst v1;
	v1 =	vld [tilespmem:s4+$0x14560]  }
0x183: {  	v2 =	vld.idx.msk [tilespmem:v4+s3+$0x0], $0xffff  }
0x184: {  	v3 =	vld.idx.msk [tilespmem:v5+s3+$0x0], $0xffff  }
0x185: {  	v4 =	vld [tilespmem:s4+$0xF570];
	_ =	sdelay $0x2  }
0x186: {  	v1 =	vmul.f32 v2, v1  }
0x187: {  	v5 =	vld [tilespmem:s4+$0x11D70]  }
0x188: {  	v1 =	vmul.f32 v3, v1;
	_ =	sdelay $0x1  }
0x189: {  	[tilespmem:s4+$0x16D60] =	vst v1;
	v1 =	vld [tilespmem:s4+$0x14570]  }
0x18a: {  	v2 =	vld.idx.msk [tilespmem:v4+s3+$0x0], $0xffff;
	_ =	sdelay $0x3  }
0x18b: {  	s8 =	simm.s32 $0x80;
	v3 =	vld.idx.msk [tilespmem:v5+s3+$0x0], $0xffff  }
0x18c: {  	v4 =	vmul.f32 v2, v1;
	v2 =	vld [tilespmem:s8+$0xF500];
	_ =	sdelay $0x1  }
0x18d: {  	v1 =	vld [tilespmem:s8+$0x11D00];
	_ =	sdelay $0x2  }
0x18e: {  	s5 =	simm.s32 $0x400;
	v3 =	vmul.f32 v3, v4  }
.LBB2_38:
0x18f: {  	_ = 	snop  }
0x190: {  	p0 =	sne.s32 s5, $0x9E00;
	s7 =	smov.u32 s5;
	s5 =	sadd.s32 $0x200, s5;
	[tilespmem:s4+$0x16D70] =	vst v3  }
0x191: {  	s4 =	smov.u32 s8;
	v2 =	vld.idx.msk [tilespmem:v2+s3+$0x0], $0xffff  }
0x192: {  	v3 =	vld [tilespmem:s4+$0x14500]  }
0x193: {  	v1 =	vld.idx.msk [tilespmem:v1+s3+$0x0], $0xffff  }
0x194: {  	v4 =	vld [tilespmem:s4+$0xF510];
	_ =	sdelay $0x1  }
0x195: {  	v5 =	vld [tilespmem:s4+$0x11D10]  }
0x196: {  	v2 =	vmul.f32 v2, v3;
	_ =	sdelay $0x1  }
0x197: {  	v1 =	vmul.f32 v1, v2;
	_ =	sdelay $0x1  }
0x198: {  	[tilespmem:s4+$0x16D00] =	vst v1  }
0x199: {  	v1 =	vld.idx.msk [tilespmem:v4+s3+$0x0], $0xffff  }
0x19a: {  	v2 =	vld [tilespmem:s4+$0x14510]  }
0x19b: {  	v3 =	vld.idx.msk [tilespmem:v5+s3+$0x0], $0xffff  }
0x19c: {  	v4 =	vld [tilespmem:s4+$0xF520];
	_ =	sdelay $0x1  }
0x19d: {  	v5 =	vld [tilespmem:s4+$0x11D20]  }
0x19e: {  	v1 =	vmul.f32 v1, v2;
	_ =	sdelay $0x1  }
0x19f: {  	v1 =	vmul.f32 v3, v1;
	_ =	sdelay $0x1  }
0x1a0: {  	[tilespmem:s4+$0x16D10] =	vst v1  }
0x1a1: {  	v1 =	vld.idx.msk [tilespmem:v4+s3+$0x0], $0xffff  }
0x1a2: {  	v2 =	vld [tilespmem:s4+$0x14520]  }
0x1a3: {  	v3 =	vld.idx.msk [tilespmem:v5+s3+$0x0], $0xffff  }
0x1a4: {  	v4 =	vld [tilespmem:s4+$0xF530];
	_ =	sdelay $0x1  }
0x1a5: {  	v5 =	vld [tilespmem:s4+$0x11D30]  }
0x1a6: {  	v1 =	vmul.f32 v1, v2;
	_ =	sdelay $0x1  }
0x1a7: {  	v1 =	vmul.f32 v3, v1;
	_ =	sdelay $0x1  }
0x1a8: {  	[tilespmem:s4+$0x16D20] =	vst v1  }
0x1a9: {  	v1 =	vld.idx.msk [tilespmem:v4+s3+$0x0], $0xffff  }
0x1aa: {  	v2 =	vld [tilespmem:s4+$0x14530]  }
0x1ab: {  	v3 =	vld.idx.msk [tilespmem:v5+s3+$0x0], $0xffff  }
0x1ac: {  	v4 =	vld [tilespmem:s4+$0xF540];
	_ =	sdelay $0x1  }
0x1ad: {  	v5 =	vld [tilespmem:s4+$0x11D40]  }
0x1ae: {  	v1 =	vmul.f32 v1, v2;
	_ =	sdelay $0x1  }
0x1af: {  	v1 =	vmul.f32 v3, v1;
	_ =	sdelay $0x1  }
0x1b0: {  	[tilespmem:s4+$0x16D30] =	vst v1  }
0x1b1: {  	v1 =	vld.idx.msk [tilespmem:v4+s3+$0x0], $0xffff  }
0x1b2: {  	v2 =	vld [tilespmem:s4+$0x14540]  }
0x1b3: {  	v3 =	vld.idx.msk [tilespmem:v5+s3+$0x0], $0xffff  }
0x1b4: {  	v4 =	vld [tilespmem:s4+$0xF550]  }
0x1b5: {  	v5 =	vld [tilespmem:s4+$0x11D50];
	_ =	sdelay $0x1  }
0x1b6: {  	v1 =	vmul.f32 v1, v2;
	_ =	sdelay $0x1  }
0x1b7: {  	v1 =	vmul.f32 v3, v1;
	_ =	sdelay $0x1  }
0x1b8: {  	[tilespmem:s4+$0x16D40] =	vst v1;
	v1 =	vld [tilespmem:s4+$0x14550]  }
0x1b9: {  	v2 =	vld.idx.msk [tilespmem:v4+s3+$0x0], $0xffff  }
0x1ba: {  	v3 =	vld.idx.msk [tilespmem:v5+s3+$0x0], $0xffff;
	_ =	sdelay $0x1  }
0x1bb: {  	v4 =	vld [tilespmem:s4+$0xF560]  }
0x1bc: {  	v5 =	vld [tilespmem:s4+$0x11D60];
	_ =	sdelay $0x1  }
0x1bd: {  	v1 =	vmul.f32 v2, v1;
	_ =	sdelay $0x1  }
0x1be: {  	v1 =	vmul.f32 v3, v1;
	_ =	sdelay $0x1  }
0x1bf: {  	[tilespmem:s4+$0x16D50] =	vst v1;
	v1 =	vld [tilespmem:s4+$0x14560]  }
0x1c0: {  	v2 =	vld.idx.msk [tilespmem:v4+s3+$0x0], $0xffff  }
0x1c1: {  	v3 =	vld.idx.msk [tilespmem:v5+s3+$0x0], $0xffff;
	_ =	sdelay $0x1  }
0x1c2: {  	v4 =	vld [tilespmem:s4+$0xF570]  }
0x1c3: {  	v5 =	vld [tilespmem:s4+$0x11D70];
	_ =	sdelay $0x1  }
0x1c4: {  	v1 =	vmul.f32 v2, v1;
	_ =	sdelay $0x1  }
0x1c5: {  	v1 =	vmul.f32 v3, v1;
	_ =	sdelay $0x1  }
0x1c6: {  	[tilespmem:s4+$0x16D60] =	vst v1;
	v3 =	vld [tilespmem:s4+$0x14570]  }
0x1c7: {  	v4 =	vld.idx.msk [tilespmem:v4+s3+$0x0], $0xffff  }
0x1c8: {  	v5 =	vld.idx.msk [tilespmem:v5+s3+$0x0], $0xffff  }
0x1c9: {  	s8 =	sshra.s32 s7, $0x2  }
0x1ca: {  	v2 =	vld [tilespmem:s8+$0xF500]  }
.Ltmp18:
0x1cb: {  	v1 =	vld [tilespmem:s8+$0x11D00];
	(pc) =	sbr.rel @p0 .LBB2_38-.Ltmp18, $3  }
0x1cc: {  	_ = 	snop  }
0x1cd: {  	v3 =	vmul.f32 v4, v3;
	_ =	sdelay $0x1  }
0x1ce: {  	v3 =	vmul.f32 v5, v3  }
0x1cf: {  	_ =	sdelay $0x2  }
0x1d0: {  	[tilespmem:s4+$0x16D70] =	vst v3  }
0x1d1: {  	v2 =	vld.idx.msk [tilespmem:v2+s3+$0x0], $0xffff  }
0x1d2: {  	v3 =	vld [tilespmem:s8+$0x14500]  }
0x1d3: {  	v1 =	vld.idx.msk [tilespmem:v1+s3+$0x0], $0xffff  }
0x1d4: {  	v4 =	vld [tilespmem:s8+$0xF510];
	_ =	sdelay $0x1  }
0x1d5: {  	v5 =	vld [tilespmem:s8+$0x11D10]  }
0x1d6: {  	v2 =	vmul.f32 v2, v3;
	_ =	sdelay $0x1  }
0x1d7: {  	v1 =	vmul.f32 v1, v2;
	_ =	sdelay $0x1  }
0x1d8: {  	v2 =	vld [tilespmem:s8+$0x14510];
	[tilespmem:s8+$0x16D00] =	vst v1  }
0x1d9: {  	v1 =	vld.idx.msk [tilespmem:v4+s3+$0x0], $0xffff  }
0x1da: {  	v52 =	vld [tilespmem:s8+$0xF520]  }
0x1db: {  	v3 =	vld.idx.msk [tilespmem:v5+s3+$0x0], $0xffff;
	_ =	sdelay $0x1  }
0x1dc: {  	v53 =	vld [tilespmem:s8+$0x11D20]  }
0x1dd: {  	v1 =	vmul.f32 v1, v2;
	_ =	sdelay $0x1  }
0x1de: {  	v1 =	vmul.f32 v3, v1;
	_ =	sdelay $0x1  }
0x1df: {  	v2 =	vld [tilespmem:s8+$0x14520];
	[tilespmem:s8+$0x16D10] =	vst v1  }
0x1e0: {  	v1 =	vld.idx.msk [tilespmem:v52+s3+$0x0], $0xffff  }
0x1e1: {  	v54 =	vld [tilespmem:s8+$0xF530]  }
0x1e2: {  	v3 =	vld.idx.msk [tilespmem:v53+s3+$0x0], $0xffff;
	_ =	sdelay $0x1  }
0x1e3: {  	v55 =	vld [tilespmem:s8+$0x11D30]  }
0x1e4: {  	v1 =	vmul.f32 v1, v2;
	_ =	sdelay $0x1  }
0x1e5: {  	v1 =	vmul.f32 v3, v1;
	_ =	sdelay $0x1  }
0x1e6: {  	v2 =	vld [tilespmem:s8+$0x14530];
	[tilespmem:s8+$0x16D20] =	vst v1  }
0x1e7: {  	v1 =	vld.idx.msk [tilespmem:v54+s3+$0x0], $0xffff  }
0x1e8: {  	v56 =	vld [tilespmem:s8+$0xF540]  }
0x1e9: {  	v3 =	vld.idx.msk [tilespmem:v55+s3+$0x0], $0xffff;
	_ =	sdelay $0x1  }
0x1ea: {  	v57 =	vld [tilespmem:s8+$0x11D40]  }
0x1eb: {  	v1 =	vmul.f32 v1, v2;
	_ =	sdelay $0x1  }
0x1ec: {  	v1 =	vmul.f32 v3, v1;
	_ =	sdelay $0x1  }
0x1ed: {  	v2 =	vld [tilespmem:s8+$0x14540];
	[tilespmem:s8+$0x16D30] =	vst v1  }
0x1ee: {  	v1 =	vld.idx.msk [tilespmem:v56+s3+$0x0], $0xffff  }
0x1ef: {  	v58 =	vld [tilespmem:s8+$0xF550]  }
0x1f0: {  	v3 =	vld.idx.msk [tilespmem:v57+s3+$0x0], $0xffff;
	_ =	sdelay $0x1  }
0x1f1: {  	v59 =	vld [tilespmem:s8+$0x11D50]  }
0x1f2: {  	v1 =	vmul.f32 v1, v2;
	_ =	sdelay $0x1  }
0x1f3: {  	v1 =	vmul.f32 v3, v1;
	_ =	sdelay $0x1  }
0x1f4: {  	[tilespmem:s8+$0x16D40] =	vst v1;
	v1 =	vld [tilespmem:s8+$0x14550]  }
0x1f5: {  	v2 =	vld.idx.msk [tilespmem:v58+s3+$0x0], $0xffff  }
0x1f6: {  	v60 =	vld [tilespmem:s8+$0xF560]  }
0x1f7: {  	v3 =	vld.idx.msk [tilespmem:v59+s3+$0x0], $0xffff;
	_ =	sdelay $0x1  }
0x1f8: {  	v61 =	vld [tilespmem:s8+$0x11D60]  }
0x1f9: {  	v1 =	vmul.f32 v2, v1;
	_ =	sdelay $0x1  }
0x1fa: {  	v1 =	vmul.f32 v3, v1;
	_ =	sdelay $0x1  }
0x1fb: {  	[tilespmem:s8+$0x16D50] =	vst v1;
	v1 =	vld [tilespmem:s8+$0x14560]  }
0x1fc: {  	v2 =	vld.idx.msk [tilespmem:v60+s3+$0x0], $0xffff  }
0x1fd: {  	v62 =	vld [tilespmem:s8+$0xF570]  }
0x1fe: {  	v3 =	vld.idx.msk [tilespmem:v61+s3+$0x0], $0xffff;
	_ =	sdelay $0x1  }
0x1ff: {  	v63 =	vld [tilespmem:s8+$0x11D70]  }
0x200: {  	v1 =	vmul.f32 v2, v1;
	_ =	sdelay $0x1  }
0x201: {  	v1 =	vmul.f32 v3, v1;
	_ =	sdelay $0x1  }
0x202: {  	[tilespmem:s8+$0x16D60] =	vst v1;
	v1 =	vld [tilespmem:s8+$0x14570]  }
0x203: {  	v2 =	vld.idx.msk [tilespmem:v62+s3+$0x0], $0xffff;
	_ =	sdelay $0x1  }
0x204: {  	v3 =	vld.idx.msk [tilespmem:v63+s3+$0x0], $0xffff;
	_ =	sdelay $0x2  }
0x205: {  	v1 =	vmul.f32 v2, v1;
	_ =	sdelay $0x1  }
0x206: {  	s31 =	sadd.s32 $0x1, s31;
	v1 =	vmul.f32 v3, v1  }
0x207: {  	p0 =	sne.s32 s31, s25  }
.Ltmp19:
0x208: {  	s5 =	simm.s32 $0x16D00;
	[tilespmem:s8+$0x16D70] =	vst v1;
	s8 =	simm.s32 $0x0;
	(pc) =	sbr.rel @p0 .LBB2_1-.Ltmp19, $4  }
0x209: {  	[hbm4b:s24+s8] =	stream.linear.scatter [tilespmem:s5], [sflag:$0x1], $0x2800, $0x38;
	[tilespmem:$0x1BF80] =	vst v63  }
0x20a: {  	_ =	swait.ge [sflag:s30], $0x2800  }
0x20b: {  	[sflag:s30] =	ssyncset.done $0x0  }
0x20c: {  	[sflag:s30] =	ssyncadd.s32 $0xFFFFD800  }
0x20d: {  	_ =	sfence.sel $0x180000  }
0x20e: {  	[bflag:$0x0] =	sbarrier.arrive $0xFFFF  }
0x20f: {  	_ =	strace $0x90000047  }
0x210: {  	s0 =	stileid.u32;
	[bflag:$0x2] =	sbarrier.arrive $0xFFFF  }
0x211: {  	p0 =	sne.s32 s0, $0x0;
	s0 =	rddreg [dreg:$0x4]  }
0x212: {  	s0 =	sadd.s32 @!p0 $0x100000, s0  }
0x213: {  	[sflag:s0] =	ssyncadd.tile.s32 @!p0 $0x1;
	_ =	shalt  }
.Lfunc_end2:
_tile_overlayer_lowered:
.L_overlay_start_2:
0x214: {  	(tag) =	ssettag $0x2  }
0x215: {  	s0 =	rddreg [dreg:$0x0];
	s2 =	stileid.u32  }
0x216: {  	s1 =	rddreg [dreg:$0x1];
	p0 =	sne.s32 s2, $0x0  }
0x217: {  	s3 =	rddreg [dreg:$0x2];
	[bflag:$0x3] =	sbarrier.arrive $0xFFFF;
	s2 =	simm.s32 @!p0 $0x1C01  }
0x218: {  	[timem:s3], [sflag:s2] =	dma.local @!p0 [hbm:s0], s1  }
0x219: {  	s0 =	simm.s32 @!p0 $0x1  }
0x21a: {  	_ =	swait.ge @!p0 [sflag:s0], s1  }
0x21b: {  	s1 =	ssub.s32 @!p0 $0x0, s1;
	[sflag:s0] =	ssyncset.done @!p0 $0x0  }
0x21c: {  	[sflag:s0] =	ssyncadd.s32 @!p0 s1  }
0x21d: {  	[bflag:$0x3] =	sbarrier.arrive $0xFFFF  }
0x21e: {  	_ =	shalt  }

</sc_bundles>
